<compile_context>
chip_gen: v7x
topology: tpu7x:2x2x1
jax: 0.10.2.dev20260603
libtpu: 0.0.44.dev20260713+nightly
codegen_flags: <defaults>
</compile_context>

<pallas_src>
import jax
import jax.numpy as jnp
from jax import lax
from jax.experimental import pallas as pl
from jax.experimental.pallas import tpu as pltpu
from jax.experimental.pallas import tpu_sc as plsc

N = 10000
NP = 10240
E = 320000
D = 128
EPS = 1e-5

NC = 2
NS = 16
NW = NC * NS
KP = 128
EPW = 79 * KP
NCH_LAST = (E - 31 * EPW) // KP
GRP = 6
CC = 2048
BN = 1024

_MESH = plsc.VectorSubcoreMesh(
    core_axis_name="c", subcore_axis_name="s", num_cores=NC, num_subcores=NS)


def _counts_body(ei_hbm, out_hbm, idx, deg, slf):
    c = lax.axis_index("c")
    s = lax.axis_index("s")
    w = s * NC + c
    zeros = jnp.zeros((16,), jnp.float32)
    ones = jnp.ones((16,), jnp.float32)

    def zloop(i, _):
        deg[pl.ds(i * 16, 16)] = zeros
        slf[pl.ds(i * 16, 16)] = zeros
        return ()
    lax.fori_loop(0, NP // 16, zloop, ())

    def scan_block(nvec):
        def inner(j, _):
            sv = idx[0, pl.ds(j * 16, 16)]
            dv = idx[1, pl.ds(j * 16, 16)]
            m = sv != dv
            plsc.addupdate_scatter(deg, [dv], ones, mask=m)
            plsc.addupdate_scatter(slf, [dv], ones, mask=jnp.logical_not(m))
            return ()
        lax.fori_loop(0, nvec, inner, ())

    def chunk(i, _):
        pltpu.sync_copy(
            ei_hbm.at[pl.ds(0, 2), pl.ds((i * NW + w) * CC, CC)], idx)
        scan_block(CC // 16)
        return ()
    lax.fori_loop(0, 4, chunk, ())

    @pl.when(w < 28)
    def _():
        pltpu.sync_copy(
            ei_hbm.at[pl.ds(0, 2), pl.ds((4 * NW + w) * CC, CC)], idx)
        scan_block(CC // 16)

    @pl.when(w == 28)
    def _():
        pltpu.sync_copy(
            ei_hbm.at[pl.ds(0, 2), pl.ds((E // CC) * CC, E - (E // CC) * CC)],
            idx.at[pl.ds(0, 2), pl.ds(0, E - (E // CC) * CC)])
        scan_block((E - (E // CC) * CC) // 16)

    pltpu.sync_copy(deg, out_hbm.at[w, 0])
    pltpu.sync_copy(slf, out_hbm.at[w, 1])


_sc_counts = pl.kernel(
    _counts_body,
    out_type=jax.ShapeDtypeStruct((NW, 2, NP), jnp.float32),
    mesh=_MESH,
    scratch_types=[
        pltpu.VMEM((2, CC), jnp.int32),
        pltpu.VMEM((NP,), jnp.float32),
        pltpu.VMEM((NP,), jnp.float32),
    ],
    compiler_params=pltpu.CompilerParams(needs_layout_passes=False),
    name="sc_edge_counts",
)


def _agg_body(h_hbm, ei_hbm, out_hbm, sidx, rows0, rows1, rows2, acc,
              isem0, isem1, isem2, gsem0, gsem1, gsem2, ssem0, ssem1, ssem2):
    c = lax.axis_index("c")
    s = lax.axis_index("s")
    w = s * NC + c
    base = w * EPW
    nch = jnp.where(w == NW - 1, NCH_LAST, EPW // KP)
    zeros = jnp.zeros((16,), jnp.float32)

    r0 = s * 624

    def zero_acc():
        def z1(i, _):
            rows0[i // 8, pl.ds((i % 8) * 16, 16)] = zeros
            return ()
        lax.fori_loop(0, KP * 8, z1, ())

        def zc(i, _):
            pltpu.sync_copy(rows0, acc.at[pl.ds(r0 + i * KP, KP)])
            return ()
        lax.fori_loop(0, 4, zc, ())

        @pl.when(s < NS - 1)
        def _():
            pltpu.sync_copy(rows0.at[pl.ds(0, 624 - 4 * KP)],
                            acc.at[pl.ds(r0 + 4 * KP, 624 - 4 * KP)])

        @pl.when(s == NS - 1)
        def _():
            pltpu.sync_copy(rows0, acc.at[pl.ds(r0 + 4 * KP, KP)])

    rows = (rows0, rows1, rows2)
    gsems = (gsem0, gsem1, gsem2)
    isems = (isem0, isem1, isem2)
    ssems = (ssem0, ssem1, ssem2)

    def fire_idx(i, slot, sem):
        pltpu.async_copy(ei_hbm.at[pl.ds(0, 2), pl.ds(base + i * KP, KP)],
                         sidx.at[slot], sem)

    def wait_idx(slot, sem):
        pltpu.make_async_copy(ei_hbm.at[pl.ds(0, 2), pl.ds(base, KP)],
                              sidx.at[slot], sem).wait()

    def fire_gather(slot6, slot3):
        pltpu.async_copy(h_hbm.at[sidx.at[slot6, 0]], rows[slot3],
                         gsems[slot3])

    def wait_gather(slot6, slot3):
        pltpu.make_async_copy(h_hbm.at[sidx.at[slot6, 0]], rows[slot3],
                              gsems[slot3]).wait()

    def fire_scatter(slot6, slot3):
        pltpu.async_copy(rows[slot3], acc.at[sidx.at[slot6, 1]], ssems[slot3],
                         add=True)

    def wait_scatter(slot3):
        pltpu.make_async_copy(rows[slot3], acc.at[sidx.at[0, 1]],
                              ssems[slot3]).wait()

    for i in range(3):
        fire_idx(i, i, isems[i])
    wait_idx(0, isems[0])
    fire_gather(0, 1)
    wait_idx(1, isems[1])
    fire_gather(1, 2)
    fire_idx(3, 3, isems[0])
    fire_idx(4, 4, isems[1])
    zero_acc()
    plsc.subcore_barrier()

    def step(ii, _):
        for b in range(GRP):
            i = GRP * ii + b
            b3 = (b + 1) % 3
            g3 = b % 3
            gi3 = (b + 2) % 3
            g6 = (b + 2) % GRP
            n6 = (b + 5) % GRP

            @pl.when(i < nch)
            def _(i=i, b=b, b3=b3, g3=g3, gi3=gi3, g6=g6, n6=n6):
                @pl.when(i >= 1)
                def _():
                    wait_scatter(g3)

                @pl.when(i + 2 < nch)
                def _():
                    wait_idx(g6, isems[gi3])
                    fire_gather(g6, g3)
                wait_gather(b, b3)
                fire_scatter(b, b3)

                @pl.when(i + 5 < nch)
                def _():
                    fire_idx(i + 5, n6, isems[(b + 5) % 3])
        return ()
    lax.fori_loop(0, (nch + GRP - 1) // GRP, step, ())
    for k in range(3):
        @pl.when(nch % 3 == k)
        def _(k=k):
            wait_scatter(k)
    plsc.subcore_barrier()

    @pl.when(s < NS - 1)
    def _():
        pltpu.sync_copy(acc.at[pl.ds(r0, 624)],
                        out_hbm.at[pl.ds(c * NP + r0, 624)])

    @pl.when(s == NS - 1)
    def _():
        pltpu.sync_copy(acc.at[pl.ds(r0, 640)],
                        out_hbm.at[pl.ds(c * NP + r0, 640)])


_sc_agg = pl.kernel(
    _agg_body,
    out_type=jax.ShapeDtypeStruct((NC * NP, D), jnp.float32),
    mesh=_MESH,
    scratch_types=[
        pltpu.VMEM((GRP, 2, KP), jnp.int32),
        pltpu.VMEM((KP, D), jnp.float32),
        pltpu.VMEM((KP, D), jnp.float32),
        pltpu.VMEM((KP, D), jnp.float32),
        pltpu.VMEM_SHARED((N, D), jnp.float32),
        pltpu.SemaphoreType.DMA,
        pltpu.SemaphoreType.DMA,
        pltpu.SemaphoreType.DMA,
        pltpu.SemaphoreType.DMA,
        pltpu.SemaphoreType.DMA,
        pltpu.SemaphoreType.DMA,
        pltpu.SemaphoreType.DMA,
        pltpu.SemaphoreType.DMA,
        pltpu.SemaphoreType.DMA,
    ],
    name="sc_segment_sum",
)


def _ln_rows(h, s_row, b_row):
    mu = jnp.mean(h, axis=-1, keepdims=True)
    var = jnp.mean((h - mu) ** 2, axis=-1, keepdims=True)
    return (h - mu) / jnp.sqrt(var + EPS) * s_row + b_row


def _in_body(x_ref, w_ref, b_ref, ls_ref, lb_ref, o_ref):
    h = jnp.dot(x_ref[...], w_ref[...], preferred_element_type=jnp.float32)
    h = jnp.maximum(h + b_ref[...], 0.0)
    o_ref[...] = _ln_rows(h, ls_ref[...], lb_ref[...])


def _tc_in(x, W_in, b_in, ln_s, ln_b):
    return pl.pallas_call(
        _in_body,
        grid=(NP // BN,),
        in_specs=[
            pl.BlockSpec((BN, D), lambda i: (i, 0)),
            pl.BlockSpec((D, D), lambda i: (0, 0)),
            pl.BlockSpec((1, D), lambda i: (0, 0)),
            pl.BlockSpec((1, D), lambda i: (0, 0)),
            pl.BlockSpec((1, D), lambda i: (0, 0)),
        ],
        out_specs=pl.BlockSpec((BN, D), lambda i: (i, 0)),
        out_shape=jax.ShapeDtypeStruct((NP, D), jnp.float32),
    )(x, W_in, b_in.reshape(1, D), ln_s.reshape(1, D), ln_b.reshape(1, D))


def _gate_common(h, p0, p1, cnt, corr, w1, w2, bt, ls, lb):
    ssum = p0 + p1 + corr * h
    m = ssum / cnt
    z = (jnp.dot(h, w1, preferred_element_type=jnp.float32)
         + jnp.dot(m, w2, preferred_element_type=jnp.float32) + bt)
    tm = jax.nn.sigmoid(z)
    return _ln_rows(h * tm + m * (1.0 - tm), ls, lb)


def _gate1_body(h_ref, p0_ref, p1_ref, cntp_ref, w1_ref, w2_ref, bt_ref,
                ls_ref, lb_ref, o_ref, c2_ref):
    colsum = jnp.sum(cntp_ref[...], axis=0)
    cnt_l = colsum[0] + 1.0
    corr_l = 1.0 - colsum[1]
    c2_ref[...] = jnp.stack([cnt_l, corr_l])
    o_ref[...] = _gate_common(h_ref[...], p0_ref[...], p1_ref[...],
                              cnt_l[:, None], corr_l[:, None], w1_ref[...],
                              w2_ref[...], bt_ref[...], ls_ref[...],
                              lb_ref[...])


def _gate2_body(h_ref, p0_ref, p1_ref, c2_ref, w1_ref, w2_ref, bt_ref,
                ls_ref, lb_ref, wo_ref, bo_ref, o_ref):
    hn = _gate_common(h_ref[...], p0_ref[...], p1_ref[...],
                      c2_ref[0][:, None], c2_ref[1][:, None], w1_ref[...],
                      w2_ref[...], bt_ref[...], ls_ref[...], lb_ref[...])
    o_ref[...] = (jnp.dot(hn, wo_ref[...], preferred_element_type=jnp.float32)
                  + bo_ref[...])


def _row_map(i):
    return (i, 0)


def _fix_map(i):
    return (0, 0)


def _tc_gate1(h, p, cntp, W1, W2, bt, ln_s, ln_b):
    return pl.pallas_call(
        _gate1_body,
        grid=(NP // BN,),
        in_specs=[
            pl.BlockSpec((BN, D), _row_map),
            pl.BlockSpec((BN, D), _row_map),
            pl.BlockSpec((BN, D), lambda i: (NP // BN + i, 0)),
            pl.BlockSpec((NW, 2, BN), lambda i: (0, 0, i)),
            pl.BlockSpec((D, D), _fix_map),
            pl.BlockSpec((D, D), _fix_map),
            pl.BlockSpec((1, D), _fix_map),
            pl.BlockSpec((1, D), _fix_map),
            pl.BlockSpec((1, D), _fix_map),
        ],
        out_specs=(pl.BlockSpec((BN, D), _row_map),
                   pl.BlockSpec((2, BN), lambda i: (0, i))),
        out_shape=(jax.ShapeDtypeStruct((NP, D), jnp.float32),
                   jax.ShapeDtypeStruct((2, NP), jnp.float32)),
    )(h, p, p, cntp, W1, W2, bt.reshape(1, D), ln_s.reshape(1, D),
      ln_b.reshape(1, D))


def _tc_gate2(h, p, c2, W1, W2, bt, ln_s, ln_b, W_out, b_out):
    return pl.pallas_call(
        _gate2_body,
        grid=(NP // BN,),
        in_specs=[
            pl.BlockSpec((BN, D), _row_map),
            pl.BlockSpec((BN, D), _row_map),
            pl.BlockSpec((BN, D), lambda i: (NP // BN + i, 0)),
            pl.BlockSpec((2, BN), lambda i: (0, i)),
            pl.BlockSpec((D, D), _fix_map),
            pl.BlockSpec((D, D), _fix_map),
            pl.BlockSpec((1, D), _fix_map),
            pl.BlockSpec((1, D), _fix_map),
            pl.BlockSpec((1, D), _fix_map),
            pl.BlockSpec((D, D), _fix_map),
            pl.BlockSpec((1, D), _fix_map),
        ],
        out_specs=pl.BlockSpec((BN, D), _row_map),
        out_shape=jax.ShapeDtypeStruct((N, D), jnp.float32),
    )(h, p, p, c2, W1, W2, bt.reshape(1, D), ln_s.reshape(1, D),
      ln_b.reshape(1, D), W_out, b_out.reshape(1, D))


def kernel(x, edge_index, W_in, b_in, ln_in_s, ln_in_b, W_tm, b_tm,
           ln1_s, ln1_b, ln2_s, ln2_b, W_out, b_out):
    rep = D // W_tm.shape[1]
    W_exp = jnp.repeat(W_tm, rep, axis=1)
    W1 = W_exp[:D]
    W2 = W_exp[D:]
    bt = jnp.repeat(b_tm, rep)

    h0 = _tc_in(x, W_in, b_in, ln_in_s, ln_in_b)
    cntp = _sc_counts(edge_index)
    h0, cntp = lax.optimization_barrier((h0, cntp))

    p = _sc_agg(h0, edge_index)
    h1, c2 = _tc_gate1(h0, p, cntp, W1, W2, bt, ln1_s, ln1_b)
    p2 = _sc_agg(h1, edge_index)
    return _tc_gate2(h1, p2, c2, W1, W2, bt, ln2_s, ln2_b, W_out, b_out)

# --- scband reference (transcript-rebuilt; emitter-appended) ---
"""Pipeline reference for scband-dgnn-sgs-conv-6914897347185 (READ-ONLY COPY).

The authoritative reference and input builder live on the scoring server;
editing this copy changes nothing except your own understanding.
"""

import jax, jax.numpy as jnp
import numpy as np

N = 10000
E = 320000
DIN = 128
HID = 128
DOUT = 128
CHUNK = 8
EPS = 1e-5


def _ln(x, s, b):
    mu = jnp.mean(x, axis=-1, keepdims=True)
    var = jnp.mean((x - mu) ** 2, axis=-1, keepdims=True)
    return (x - mu) / jnp.sqrt(var + EPS) * s + b


def setup_inputs(seed: int = 0) -> dict:
    key = jax.random.key(seed)
    ks = jax.random.split(key, 8)
    inp = {}
    inp["x"] = jax.random.normal(ks[0], (N, DIN), dtype=jnp.float32)
    inp["edge_index"] = jax.random.randint(ks[1], (2, E), 0, N, dtype=jnp.int32)
    inp["W_in"] = jax.random.normal(ks[2], (DIN, HID), dtype=jnp.float32) * (1.0 / np.sqrt(DIN))
    inp["b_in"] = jnp.zeros((HID,), dtype=jnp.float32)
    inp["ln_in_s"] = jnp.ones((HID,), dtype=jnp.float32)
    inp["ln_in_b"] = jnp.zeros((HID,), dtype=jnp.float32)
    inp["W_tm"] = jax.random.normal(ks[3], (2 * HID, CHUNK), dtype=jnp.float32) * (1.0 / np.sqrt(2 * HID))
    inp["b_tm"] = jnp.zeros((CHUNK,), dtype=jnp.float32)
    inp["ln1_s"] = jnp.ones((HID,), dtype=jnp.float32)
    inp["ln1_b"] = jnp.zeros((HID,), dtype=jnp.float32)
    inp["ln2_s"] = jnp.ones((HID,), dtype=jnp.float32)
    inp["ln2_b"] = jnp.zeros((HID,), dtype=jnp.float32)
    inp["W_out"] = jax.random.normal(ks[4], (HID, DOUT), dtype=jnp.float32) * (1.0 / np.sqrt(HID))
    inp["b_out"] = jnp.zeros((DOUT,), dtype=jnp.float32)
    return inp


def reference(x, edge_index, W_in, b_in, ln_in_s, ln_in_b, W_tm, b_tm, ln1_s, ln1_b, ln2_s, ln2_b, W_out, b_out):
    # remove self loops, then add self loops (add_self_loops=True)
    mask = edge_index[0] != edge_index[1]
    loops = jnp.arange(N, dtype=edge_index.dtype)
    src = jnp.concatenate([edge_index[0], loops])
    dst = jnp.concatenate([edge_index[1], loops])
    ew = jnp.concatenate([mask.astype(x.dtype), jnp.ones((N,), dtype=x.dtype)])

    # input transform (eval mode: dropout is identity)
    h = jnp.maximum(x @ W_in + b_in, 0.0)
    h = _ln(h, ln_in_s, ln_in_b)

    rep = HID // CHUNK
    for (ls, lb) in ((ln1_s, ln1_b), (ln2_s, ln2_b)):
        # mean aggregation over incoming edges (message = x_src, aggregated at dst)
        msg = h[src] * ew[:, None]
        ssum = jax.ops.segment_sum(msg, dst, num_segments=N)
        cnt = jax.ops.segment_sum(ew, dst, num_segments=N)
        m = ssum / jnp.maximum(cnt, 1.0)[:, None]
        # simple gating: shared tm_net across layers (global_gating=True)
        raw = jax.nn.sigmoid(jnp.concatenate([h, m], axis=1) @ W_tm + b_tm)
        tm = jnp.repeat(raw, rep, axis=1)
        h = h * tm + m * (1.0 - tm)
        h = _ln(h, ls, lb)

    return h @ W_out + b_out

if __name__ == "__main__":
    import jax
    _d = setup_inputs()
    print(jax.jit(kernel)(*tuple(_d.values())))

</pallas_src>

<mosaic_0001>
#map = affine_map<(d0, d1) -> (0, 0)>
module attributes {stable_mosaic.version = 14 : i64} {
  func.func @sc_segment_sum(%arg0: i32, %arg1: i32, %arg2: memref<10240x128xf32, #tpu.memory_space<hbm>>, %arg3: memref<2x320000xi32, #tpu.memory_space<hbm>>, %arg4: memref<20480x128xf32, #tpu.memory_space<hbm>>, %arg5: memref<6x2x128xi32, #tpu.memory_space<vmem>>, %arg6: memref<128x128xf32, #tpu.memory_space<vmem>>, %arg7: memref<128x128xf32, #tpu.memory_space<vmem>>, %arg8: memref<128x128xf32, #tpu.memory_space<vmem>>, %arg9: memref<10000x128xf32, #tpu.memory_space<vmem_shared>>, %arg10: memref<!tpu.dma_semaphore, #tpu.memory_space<semaphore_mem>>, %arg11: memref<!tpu.dma_semaphore, #tpu.memory_space<semaphore_mem>>, %arg12: memref<!tpu.dma_semaphore, #tpu.memory_space<semaphore_mem>>, %arg13: memref<!tpu.dma_semaphore, #tpu.memory_space<semaphore_mem>>, %arg14: memref<!tpu.dma_semaphore, #tpu.memory_space<semaphore_mem>>, %arg15: memref<!tpu.dma_semaphore, #tpu.memory_space<semaphore_mem>>, %arg16: memref<!tpu.dma_semaphore, #tpu.memory_space<semaphore_mem>>, %arg17: memref<!tpu.dma_semaphore, #tpu.memory_space<semaphore_mem>>, %arg18: memref<!tpu.dma_semaphore, #tpu.memory_space<semaphore_mem>>) attributes {dimension_semantics = [#tpu.dimension_semantics<core_parallel>, #tpu.dimension_semantics<subcore_parallel>], iteration_bounds = array<i64: 2, 16>, scalar_prefetch = 0 : i64, scratch_operands = 14 : i64, tpu.core_type = #tpu.core_type<sc_vector_subcore>, window_params = [{transform_indices = #map}, {transform_indices = #map}, {transform_indices = #map}]} {
    %mul3A = arith.constant 2 : i32
    %mul3A_0 = arith.muli %arg1, %mul3A : i32
    %add3A = arith.addi %mul3A_0, %arg0 : i32
    %mul3A_1 = arith.constant 10112 : i32
    %mul3A_2 = arith.muli %add3A, %mul3A_1 : i32
    %eq3A = arith.constant 31 : i32
    %eq3A_3 = arith.cmpi eq, %add3A, %eq3A : i32
    %jit3A = arith.constant 51 : i32
    %jit3A_4 = arith.constant 79 : i32
    %select_n3A = arith.select %eq3A_3, %jit3A, %jit3A_4 : i32
    %broadcast_in_dim3A = arith.constant 0.000000e+00 : f32
    %broadcast_in_dim3A_5 = vector.broadcast %broadcast_in_dim3A : f32 to vector<16xf32>
    %mul3A_6 = arith.constant 624 : i32
    %mul3A_7 = arith.muli %arg1, %mul3A_6 : i32
    %add3A_8 = arith.constant 0 : i32
    %add3A_9 = arith.addi %mul3A_2, %add3A_8 : i32
    %dma_start3A = arith.constant 0 : i32
    %dma_start3A_10 = arith.constant 0 : i32
    %dma_start3A_11 = arith.constant 0 : i32
    %dma_start3A_12 = tpu.memref_slice %arg5[%dma_start3A, %dma_start3A_10, %dma_start3A_11] : memref<6x2x128xi32, #tpu.memory_space<vmem>> -> memref<1x2x128xi32, #tpu.memory_space<vmem>>
    %dma_start3A_13 = tpu.memref_squeeze %dma_start3A_12 : memref<1x2x128xi32, #tpu.memory_space<vmem>> -> memref<2x128xi32, #tpu.memory_space<vmem>>
    %dma_start3A_14 = arith.constant 0 : i32
    %dma_start3A_15 = tpu.memref_slice %arg3[%dma_start3A_14, %add3A_9] : memref<2x320000xi32, #tpu.memory_space<hbm>> -> memref<2x128xi32, #tpu.memory_space<hbm>>
    %dma_start3A_16 = arith.constant 0 : i32
    %dma_start3A_17 = arith.constant 0 : i32
    %dma_start3A_18 = tpu.memref_slice %arg5[%dma_start3A, %dma_start3A_16, %dma_start3A_17] : memref<6x2x128xi32, #tpu.memory_space<vmem>> -> memref<1x2x128xi32, #tpu.memory_space<vmem>>
    %dma_start3A_19 = tpu.memref_squeeze %dma_start3A_18 : memref<1x2x128xi32, #tpu.memory_space<vmem>> -> memref<2x128xi32, #tpu.memory_space<vmem>>
    %dma_start3A_20 = arith.constant 0 : i32
    %dma_start3A_21 = tpu.memref_slice %arg3[%dma_start3A_20, %add3A_9] : memref<2x320000xi32, #tpu.memory_space<hbm>> -> memref<2x128xi32, #tpu.memory_space<hbm>>
    tpu.enqueue_dma source(%dma_start3A_21 : memref<2x128xi32, #tpu.memory_space<hbm>>) target(%dma_start3A_19 : memref<2x128xi32, #tpu.memory_space<vmem>>) target_semaphore(%arg10 : memref<!tpu.dma_semaphore, #tpu.memory_space<semaphore_mem>>)
    %add3A_22 = arith.constant 128 : i32
    %add3A_23 = arith.addi %mul3A_2, %add3A_22 : i32
    %dma_start3A_24 = arith.constant 1 : i32
    %dma_start3A_25 = arith.constant 0 : i32
    %dma_start3A_26 = arith.constant 0 : i32
    %dma_start3A_27 = tpu.memref_slice %arg5[%dma_start3A_24, %dma_start3A_25, %dma_start3A_26] : memref<6x2x128xi32, #tpu.memory_space<vmem>> -> memref<1x2x128xi32, #tpu.memory_space<vmem>>
    %dma_start3A_28 = tpu.memref_squeeze %dma_start3A_27 : memref<1x2x128xi32, #tpu.memory_space<vmem>> -> memref<2x128xi32, #tpu.memory_space<vmem>>
    %dma_start3A_29 = arith.constant 0 : i32
    %dma_start3A_30 = tpu.memref_slice %arg3[%dma_start3A_29, %add3A_23] : memref<2x320000xi32, #tpu.memory_space<hbm>> -> memref<2x128xi32, #tpu.memory_space<hbm>>
    %dma_start3A_31 = arith.constant 0 : i32
    %dma_start3A_32 = arith.constant 0 : i32
    %dma_start3A_33 = tpu.memref_slice %arg5[%dma_start3A_24, %dma_start3A_31, %dma_start3A_32] : memref<6x2x128xi32, #tpu.memory_space<vmem>> -> memref<1x2x128xi32, #tpu.memory_space<vmem>>
    %dma_start3A_34 = tpu.memref_squeeze %dma_start3A_33 : memref<1x2x128xi32, #tpu.memory_space<vmem>> -> memref<2x128xi32, #tpu.memory_space<vmem>>
    %dma_start3A_35 = arith.constant 0 : i32
    %dma_start3A_36 = tpu.memref_slice %arg3[%dma_start3A_35, %add3A_23] : memref<2x320000xi32, #tpu.memory_space<hbm>> -> memref<2x128xi32, #tpu.memory_space<hbm>>
    tpu.enqueue_dma source(%dma_start3A_36 : memref<2x128xi32, #tpu.memory_space<hbm>>) target(%dma_start3A_34 : memref<2x128xi32, #tpu.memory_space<vmem>>) target_semaphore(%arg11 : memref<!tpu.dma_semaphore, #tpu.memory_space<semaphore_mem>>)
    %add3A_37 = arith.constant 256 : i32
    %add3A_38 = arith.addi %mul3A_2, %add3A_37 : i32
    %dma_start3A_39 = arith.constant 2 : i32
    %dma_start3A_40 = arith.constant 0 : i32
    %dma_start3A_41 = arith.constant 0 : i32
    %dma_start3A_42 = tpu.memref_slice %arg5[%dma_start3A_39, %dma_start3A_40, %dma_start3A_41] : memref<6x2x128xi32, #tpu.memory_space<vmem>> -> memref<1x2x128xi32, #tpu.memory_space<vmem>>
    %dma_start3A_43 = tpu.memref_squeeze %dma_start3A_42 : memref<1x2x128xi32, #tpu.memory_space<vmem>> -> memref<2x128xi32, #tpu.memory_space<vmem>>
    %dma_start3A_44 = arith.constant 0 : i32
    %dma_start3A_45 = tpu.memref_slice %arg3[%dma_start3A_44, %add3A_38] : memref<2x320000xi32, #tpu.memory_space<hbm>> -> memref<2x128xi32, #tpu.memory_space<hbm>>
    %dma_start3A_46 = arith.constant 0 : i32
    %dma_start3A_47 = arith.constant 0 : i32
    %dma_start3A_48 = tpu.memref_slice %arg5[%dma_start3A_39, %dma_start3A_46, %dma_start3A_47] : memref<6x2x128xi32, #tpu.memory_space<vmem>> -> memref<1x2x128xi32, #tpu.memory_space<vmem>>
    %dma_start3A_49 = tpu.memref_squeeze %dma_start3A_48 : memref<1x2x128xi32, #tpu.memory_space<vmem>> -> memref<2x128xi32, #tpu.memory_space<vmem>>
    %dma_start3A_50 = arith.constant 0 : i32
    %dma_start3A_51 = tpu.memref_slice %arg3[%dma_start3A_50, %add3A_38] : memref<2x320000xi32, #tpu.memory_space<hbm>> -> memref<2x128xi32, #tpu.memory_space<hbm>>
    tpu.enqueue_dma source(%dma_start3A_51 : memref<2x128xi32, #tpu.memory_space<hbm>>) target(%dma_start3A_49 : memref<2x128xi32, #tpu.memory_space<vmem>>) target_semaphore(%arg12 : memref<!tpu.dma_semaphore, #tpu.memory_space<semaphore_mem>>)
    %dma_wait3A = arith.constant 0 : i32
    %dma_wait3A_52 = arith.constant 0 : i32
    %dma_wait3A_53 = arith.constant 0 : i32
    %dma_wait3A_54 = tpu.memref_slice %arg5[%dma_wait3A, %dma_wait3A_52, %dma_wait3A_53] : memref<6x2x128xi32, #tpu.memory_space<vmem>> -> memref<1x2x128xi32, #tpu.memory_space<vmem>>
    %dma_wait3A_55 = tpu.memref_squeeze %dma_wait3A_54 : memref<1x2x128xi32, #tpu.memory_space<vmem>> -> memref<2x128xi32, #tpu.memory_space<vmem>>
    %dma_wait3A_56 = arith.constant 0 : i32
    %dma_wait3A_57 = tpu.memref_slice %arg3[%dma_wait3A_56, %mul3A_2] : memref<2x320000xi32, #tpu.memory_space<hbm>> -> memref<2x128xi32, #tpu.memory_space<hbm>>
    %dma_wait3A_58 = arith.constant 0 : i32
    %dma_wait3A_59 = arith.constant 0 : i32
    %dma_wait3A_60 = tpu.memref_slice %arg5[%dma_wait3A, %dma_wait3A_58, %dma_wait3A_59] : memref<6x2x128xi32, #tpu.memory_space<vmem>> -> memref<1x2x128xi32, #tpu.memory_space<vmem>>
    %dma_wait3A_61 = tpu.memref_squeeze %dma_wait3A_60 : memref<1x2x128xi32, #tpu.memory_space<vmem>> -> memref<2x128xi32, #tpu.memory_space<vmem>>
    %dma_wait3A_62 = arith.constant 0 : i32
    %dma_wait3A_63 = tpu.memref_slice %arg3[%dma_wait3A_62, %mul3A_2] : memref<2x320000xi32, #tpu.memory_space<hbm>> -> memref<2x128xi32, #tpu.memory_space<hbm>>
    tpu.wait_dma2 semaphore(%arg10 : memref<!tpu.dma_semaphore, #tpu.memory_space<semaphore_mem>>) src(%dma_wait3A_63 : memref<2x128xi32, #tpu.memory_space<hbm>>) dst(%dma_wait3A_61 : memref<2x128xi32, #tpu.memory_space<vmem>>)
    %dma_start3A_64 = arith.constant 0 : i32
    %dma_start3A_65 = arith.constant 0 : i32
    %dma_start3A_66 = arith.constant 0 : i32
    %dma_start3A_67 = tpu.memref_slice %arg5[%dma_start3A_64, %dma_start3A_65, %dma_start3A_66] : memref<6x2x128xi32, #tpu.memory_space<vmem>> -> memref<1x1x128xi32, #tpu.memory_space<vmem>>
    %dma_start3A_68 = tpu.memref_squeeze %dma_start3A_67 : memref<1x1x128xi32, #tpu.memory_space<vmem>> -> memref<128xi32, #tpu.memory_space<vmem>>
    %dma_start3A_69 = arith.constant 0 : i32
    %dma_start3A_70 = arith.constant 0 : i32
    %dma_start3A_71 = tpu.memref_slice %arg2[%dma_start3A_69, %dma_start3A_70] : memref<10240x128xf32, #tpu.memory_space<hbm>> -> memref<10240x128xf32, #tpu.memory_space<hbm>>
    tpu.enqueue_indirect_dma source(%dma_start3A_71 : memref<10240x128xf32, #tpu.memory_space<hbm>>) target(%arg7 : memref<128x128xf32, #tpu.memory_space<vmem>>) offsets(%dma_start3A_68 : memref<128xi32, #tpu.memory_space<vmem>>) semaphore(%arg14 : memref<!tpu.dma_semaphore, #tpu.memory_space<semaphore_mem>>)
    %dma_wait3A_72 = arith.constant 1 : i32
    %dma_wait3A_73 = arith.constant 0 : i32
    %dma_wait3A_74 = arith.constant 0 : i32
    %dma_wait3A_75 = tpu.memref_slice %arg5[%dma_wait3A_72, %dma_wait3A_73, %dma_wait3A_74] : memref<6x2x128xi32, #tpu.memory_space<vmem>> -> memref<1x2x128xi32, #tpu.memory_space<vmem>>
    %dma_wait3A_76 = tpu.memref_squeeze %dma_wait3A_75 : memref<1x2x128xi32, #tpu.memory_space<vmem>> -> memref<2x128xi32, #tpu.memory_space<vmem>>
    %dma_wait3A_77 = arith.constant 0 : i32
    %dma_wait3A_78 = tpu.memref_slice %arg3[%dma_wait3A_77, %mul3A_2] : memref<2x320000xi32, #tpu.memory_space<hbm>> -> memref<2x128xi32, #tpu.memory_space<hbm>>
    %dma_wait3A_79 = arith.constant 0 : i32
    %dma_wait3A_80 = arith.constant 0 : i32
    %dma_wait3A_81 = tpu.memref_slice %arg5[%dma_wait3A_72, %dma_wait3A_79, %dma_wait3A_80] : memref<6x2x128xi32, #tpu.memory_space<vmem>> -> memref<1x2x128xi32, #tpu.memory_space<vmem>>
    %dma_wait3A_82 = tpu.memref_squeeze %dma_wait3A_81 : memref<1x2x128xi32, #tpu.memory_space<vmem>> -> memref<2x128xi32, #tpu.memory_space<vmem>>
    %dma_wait3A_83 = arith.constant 0 : i32
    %dma_wait3A_84 = tpu.memref_slice %arg3[%dma_wait3A_83, %mul3A_2] : memref<2x320000xi32, #tpu.memory_space<hbm>> -> memref<2x128xi32, #tpu.memory_space<hbm>>
    tpu.wait_dma2 semaphore(%arg11 : memref<!tpu.dma_semaphore, #tpu.memory_space<semaphore_mem>>) src(%dma_wait3A_84 : memref<2x128xi32, #tpu.memory_space<hbm>>) dst(%dma_wait3A_82 : memref<2x128xi32, #tpu.memory_space<vmem>>)
    %dma_start3A_85 = arith.constant 1 : i32
    %dma_start3A_86 = arith.constant 0 : i32
    %dma_start3A_87 = arith.constant 0 : i32
    %dma_start3A_88 = tpu.memref_slice %arg5[%dma_start3A_85, %dma_start3A_86, %dma_start3A_87] : memref<6x2x128xi32, #tpu.memory_space<vmem>> -> memref<1x1x128xi32, #tpu.memory_space<vmem>>
    %dma_start3A_89 = tpu.memref_squeeze %dma_start3A_88 : memref<1x1x128xi32, #tpu.memory_space<vmem>> -> memref<128xi32, #tpu.memory_space<vmem>>
    %dma_start3A_90 = arith.constant 0 : i32
    %dma_start3A_91 = arith.constant 0 : i32
    %dma_start3A_92 = tpu.memref_slice %arg2[%dma_start3A_90, %dma_start3A_91] : memref<10240x128xf32, #tpu.memory_space<hbm>> -> memref<10240x128xf32, #tpu.memory_space<hbm>>
    tpu.enqueue_indirect_dma source(%dma_start3A_92 : memref<10240x128xf32, #tpu.memory_space<hbm>>) target(%arg8 : memref<128x128xf32, #tpu.memory_space<vmem>>) offsets(%dma_start3A_89 : memref<128xi32, #tpu.memory_space<vmem>>) semaphore(%arg15 : memref<!tpu.dma_semaphore, #tpu.memory_space<semaphore_mem>>)
    %add3A_93 = arith.constant 384 : i32
    %add3A_94 = arith.addi %mul3A_2, %add3A_93 : i32
    %dma_start3A_95 = arith.constant 3 : i32
    %dma_start3A_96 = arith.constant 0 : i32
    %dma_start3A_97 = arith.constant 0 : i32
    %dma_start3A_98 = tpu.memref_slice %arg5[%dma_start3A_95, %dma_start3A_96, %dma_start3A_97] : memref<6x2x128xi32, #tpu.memory_space<vmem>> -> memref<1x2x128xi32, #tpu.memory_space<vmem>>
    %dma_start3A_99 = tpu.memref_squeeze %dma_start3A_98 : memref<1x2x128xi32, #tpu.memory_space<vmem>> -> memref<2x128xi32, #tpu.memory_space<vmem>>
    %dma_start3A_100 = arith.constant 0 : i32
    %dma_start3A_101 = tpu.memref_slice %arg3[%dma_start3A_100, %add3A_94] : memref<2x320000xi32, #tpu.memory_space<hbm>> -> memref<2x128xi32, #tpu.memory_space<hbm>>
    %dma_start3A_102 = arith.constant 0 : i32
    %dma_start3A_103 = arith.constant 0 : i32
    %dma_start3A_104 = tpu.memref_slice %arg5[%dma_start3A_95, %dma_start3A_102, %dma_start3A_103] : memref<6x2x128xi32, #tpu.memory_space<vmem>> -> memref<1x2x128xi32, #tpu.memory_space<vmem>>
    %dma_start3A_105 = tpu.memref_squeeze %dma_start3A_104 : memref<1x2x128xi32, #tpu.memory_space<vmem>> -> memref<2x128xi32, #tpu.memory_space<vmem>>
    %dma_start3A_106 = arith.constant 0 : i32
    %dma_start3A_107 = tpu.memref_slice %arg3[%dma_start3A_106, %add3A_94] : memref<2x320000xi32, #tpu.memory_space<hbm>> -> memref<2x128xi32, #tpu.memory_space<hbm>>
    tpu.enqueue_dma source(%dma_start3A_107 : memref<2x128xi32, #tpu.memory_space<hbm>>) target(%dma_start3A_105 : memref<2x128xi32, #tpu.memory_space<vmem>>) target_semaphore(%arg10 : memref<!tpu.dma_semaphore, #tpu.memory_space<semaphore_mem>>)
    %add3A_108 = arith.constant 512 : i32
    %add3A_109 = arith.addi %mul3A_2, %add3A_108 : i32
    %dma_start3A_110 = arith.constant 4 : i32
    %dma_start3A_111 = arith.constant 0 : i32
    %dma_start3A_112 = arith.constant 0 : i32
    %dma_start3A_113 = tpu.memref_slice %arg5[%dma_start3A_110, %dma_start3A_111, %dma_start3A_112] : memref<6x2x128xi32, #tpu.memory_space<vmem>> -> memref<1x2x128xi32, #tpu.memory_space<vmem>>
    %dma_start3A_114 = tpu.memref_squeeze %dma_start3A_113 : memref<1x2x128xi32, #tpu.memory_space<vmem>> -> memref<2x128xi32, #tpu.memory_space<vmem>>
    %dma_start3A_115 = arith.constant 0 : i32
    %dma_start3A_116 = tpu.memref_slice %arg3[%dma_start3A_115, %add3A_109] : memref<2x320000xi32, #tpu.memory_space<hbm>> -> memref<2x128xi32, #tpu.memory_space<hbm>>
    %dma_start3A_117 = arith.constant 0 : i32
    %dma_start3A_118 = arith.constant 0 : i32
    %dma_start3A_119 = tpu.memref_slice %arg5[%dma_start3A_110, %dma_start3A_117, %dma_start3A_118] : memref<6x2x128xi32, #tpu.memory_space<vmem>> -> memref<1x2x128xi32, #tpu.memory_space<vmem>>
    %dma_start3A_120 = tpu.memref_squeeze %dma_start3A_119 : memref<1x2x128xi32, #tpu.memory_space<vmem>> -> memref<2x128xi32, #tpu.memory_space<vmem>>
    %dma_start3A_121 = arith.constant 0 : i32
    %dma_start3A_122 = tpu.memref_slice %arg3[%dma_start3A_121, %add3A_109] : memref<2x320000xi32, #tpu.memory_space<hbm>> -> memref<2x128xi32, #tpu.memory_space<hbm>>
    tpu.enqueue_dma source(%dma_start3A_122 : memref<2x128xi32, #tpu.memory_space<hbm>>) target(%dma_start3A_120 : memref<2x128xi32, #tpu.memory_space<vmem>>) target_semaphore(%arg11 : memref<!tpu.dma_semaphore, #tpu.memory_space<semaphore_mem>>)
    %scan3A = arith.constant 0 : i32
    %scan3A_123 = arith.constant 1024 : i32
    %scan3A_124 = arith.addi %scan3A, %scan3A_123 : i32
    %scan3A_125 = arith.constant 1 : i32
    scf.for %scan3A_243 = %scan3A to %scan3A_124 step %scan3A_125  : i32 {
      %jit3A_244 = arith.constant 8 : i32
      %div3A_245 = arith.divsi %scan3A_243, %jit3A_244 : i32
      %sign3A_246 = arith.constant 0 : i32
      %sign3A_247 = arith.cmpi sgt, %scan3A_243, %sign3A_246 : i32
      %sign3A_248 = arith.extui %sign3A_247 : i1 to i32
      %sign3A_249 = arith.constant 0 : i32
      %sign3A_250 = arith.cmpi slt, %scan3A_243, %sign3A_249 : i32
      %sign3A_251 = arith.extui %sign3A_250 : i1 to i32
      %sign3A_252 = arith.subi %sign3A_248, %sign3A_251 : i32
      %sign3A_253 = arith.constant 0 : i32
      %sign3A_254 = arith.cmpi sgt, %jit3A_244, %sign3A_253 : i32
      %sign3A_255 = arith.extui %sign3A_254 : i1 to i32
      %sign3A_256 = arith.constant 0 : i32
      %sign3A_257 = arith.cmpi slt, %jit3A_244, %sign3A_256 : i32
      %sign3A_258 = arith.extui %sign3A_257 : i1 to i32
      %sign3A_259 = arith.subi %sign3A_255, %sign3A_258 : i32
      %ne3A_260 = arith.cmpi ne, %sign3A_252, %sign3A_259 : i32
      %rem3A_261 = arith.remsi %scan3A_243, %jit3A_244 : i32
      %ne3A_262 = arith.constant 0 : i32
      %ne3A_263 = arith.cmpi ne, %rem3A_261, %ne3A_262 : i32
      %and3A_264 = arith.andi %ne3A_260, %ne3A_263 : i1
      %sub3A_265 = arith.constant 1 : i32
      %sub3A_266 = arith.subi %div3A_245, %sub3A_265 : i32
      %select_n3A_267 = arith.select %and3A_264, %sub3A_266, %div3A_245 : i32
      %jit3A_268 = arith.constant 8 : i32
      %eq3A_269 = arith.constant 0 : i32
      %eq3A_270 = arith.cmpi eq, %jit3A_268, %eq3A_269 : i32
      %jit3A_271 = arith.constant 1 : i32
      %select_n3A_272 = arith.select %eq3A_270, %jit3A_271, %jit3A_268 : i32
      %rem3A_273 = arith.remsi %scan3A_243, %select_n3A_272 : i32
      %ne3A_274 = arith.constant 0 : i32
      %ne3A_275 = arith.cmpi ne, %rem3A_273, %ne3A_274 : i32
      %lt3A_276 = arith.constant 0 : i32
      %lt3A_277 = arith.cmpi slt, %rem3A_273, %lt3A_276 : i32
      %lt3A_278 = arith.constant 0 : i32
      %lt3A_279 = arith.cmpi slt, %select_n3A_272, %lt3A_278 : i32
      %ne3A_280 = arith.xori %lt3A_277, %lt3A_279 : i1
      %and3A_281 = arith.andi %ne3A_280, %ne3A_275 : i1
      %add3A_282 = arith.addi %rem3A_273, %select_n3A_272 : i32
      %select_n3A_283 = arith.select %and3A_281, %add3A_282, %rem3A_273 : i32
      %mul3A_284 = arith.constant 16 : i32
      %mul3A_285 = arith.muli %select_n3A_283, %mul3A_284 : i32
      %swap3A = arith.index_cast %select_n3A_267 : i32 to index
      %swap3A_286 = arith.index_cast %mul3A_285 : i32 to index
      %swap3A_287 = tpu.vector_load %arg6[%swap3A, %swap3A_286] {strides = array<i32>} : memref<128x128xf32, #tpu.memory_space<vmem>>, vector<1x16xf32>,
      %swap3A_288 = vector.shape_cast %swap3A_287 : vector<1x16xf32> to vector<16xf32>
      %swap3A_289 = vector.shape_cast %broadcast_in_dim3A_5 : vector<16xf32> to vector<1x16xf32>
      tpu.vector_store %arg6[%swap3A, %swap3A_286], %swap3A_289 {strides = array<i32>} : memref<128x128xf32, #tpu.memory_space<vmem>>, vector<1x16xf32>,
    }
    %scan3A_126 = arith.constant 1024 : i32
    %scan3A_127 = arith.constant 0 : i32
    %scan3A_128 = arith.constant 4 : i32
    %scan3A_129 = arith.addi %scan3A_127, %scan3A_128 : i32
    %scan3A_130 = arith.constant 1 : i32
    scf.for %scan3A_243 = %scan3A_127 to %scan3A_129 step %scan3A_130  : i32 {
      %mul3A_244 = arith.constant 128 : i32
      %mul3A_245 = arith.muli %scan3A_243, %mul3A_244 : i32
      %add3A_246 = arith.addi %mul3A_7, %mul3A_245 : i32
      "tpu.region"() ({
        %run_scoped3A = tpu.sem_alloc : memref<!tpu.dma_semaphore, #tpu.memory_space<semaphore_mem>>
        %dma_start3A_247 = arith.constant 0 : i32
        %dma_start3A_248 = tpu.memref_slice %arg9[%add3A_246, %dma_start3A_247] : memref<10000x128xf32, #tpu.memory_space<vmem_shared>> -> memref<128x128xf32, #tpu.memory_space<vmem_shared>>
        %dma_start3A_249 = arith.constant 0 : i32
        %dma_start3A_250 = tpu.memref_slice %arg9[%add3A_246, %dma_start3A_249] : memref<10000x128xf32, #tpu.memory_space<vmem_shared>> -> memref<128x128xf32, #tpu.memory_space<vmem_shared>>
        tpu.enqueue_dma source(%arg6 : memref<128x128xf32, #tpu.memory_space<vmem>>) target(%dma_start3A_250 : memref<128x128xf32, #tpu.memory_space<vmem_shared>>) target_semaphore(%run_scoped3A : memref<!tpu.dma_semaphore, #tpu.memory_space<semaphore_mem>>)
        %dma_wait3A_251 = arith.constant 0 : i32
        %dma_wait3A_252 = tpu.memref_slice %arg9[%add3A_246, %dma_wait3A_251] : memref<10000x128xf32, #tpu.memory_space<vmem_shared>> -> memref<128x128xf32, #tpu.memory_space<vmem_shared>>
        %dma_wait3A_253 = arith.constant 0 : i32
        %dma_wait3A_254 = tpu.memref_slice %arg9[%add3A_246, %dma_wait3A_253] : memref<10000x128xf32, #tpu.memory_space<vmem_shared>> -> memref<128x128xf32, #tpu.memory_space<vmem_shared>>
        tpu.wait_dma2 semaphore(%run_scoped3A : memref<!tpu.dma_semaphore, #tpu.memory_space<semaphore_mem>>) src(%arg6 : memref<128x128xf32, #tpu.memory_space<vmem>>) dst(%dma_wait3A_254 : memref<128x128xf32, #tpu.memory_space<vmem_shared>>)
        tpu.yield
      }) : () -> ()
    }
    %scan3A_131 = arith.constant 4 : i32
    %lt3A = arith.constant 15 : i32
    %lt3A_132 = arith.cmpi slt, %arg1, %lt3A : i32
    %convert_element_type3A = arith.extui %lt3A_132 : i1 to i32
    %cond3A = arith.constant 0 : i32
    %cond3A_133 = arith.cmpi ne, %convert_element_type3A, %cond3A : i32
    scf.if %cond3A_133 {
      %add3A_243 = arith.constant 512 : i32
      %add3A_244 = arith.addi %mul3A_7, %add3A_243 : i32
      "tpu.region"() ({
        %run_scoped3A = tpu.sem_alloc : memref<!tpu.dma_semaphore, #tpu.memory_space<semaphore_mem>>
        %dma_start3A_245 = arith.constant 0 : i32
        %dma_start3A_246 = arith.constant 0 : i32
        %dma_start3A_247 = tpu.memref_slice %arg6[%dma_start3A_245, %dma_start3A_246] : memref<128x128xf32, #tpu.memory_space<vmem>> -> memref<112x128xf32, #tpu.memory_space<vmem>>
        %dma_start3A_248 = arith.constant 0 : i32
        %dma_start3A_249 = tpu.memref_slice %arg9[%add3A_244, %dma_start3A_248] : memref<10000x128xf32, #tpu.memory_space<vmem_shared>> -> memref<112x128xf32, #tpu.memory_space<vmem_shared>>
        %dma_start3A_250 = arith.constant 0 : i32
        %dma_start3A_251 = tpu.memref_slice %arg9[%add3A_244, %dma_start3A_250] : memref<10000x128xf32, #tpu.memory_space<vmem_shared>> -> memref<112x128xf32, #tpu.memory_space<vmem_shared>>
        %dma_start3A_252 = arith.constant 0 : i32
        %dma_start3A_253 = arith.constant 0 : i32
        %dma_start3A_254 = tpu.memref_slice %arg6[%dma_start3A_252, %dma_start3A_253] : memref<128x128xf32, #tpu.memory_space<vmem>> -> memref<112x128xf32, #tpu.memory_space<vmem>>
        tpu.enqueue_dma source(%dma_start3A_254 : memref<112x128xf32, #tpu.memory_space<vmem>>) target(%dma_start3A_251 : memref<112x128xf32, #tpu.memory_space<vmem_shared>>) target_semaphore(%run_scoped3A : memref<!tpu.dma_semaphore, #tpu.memory_space<semaphore_mem>>)
        %dma_wait3A_255 = arith.constant 0 : i32
        %dma_wait3A_256 = arith.constant 0 : i32
        %dma_wait3A_257 = tpu.memref_slice %arg6[%dma_wait3A_255, %dma_wait3A_256] : memref<128x128xf32, #tpu.memory_space<vmem>> -> memref<112x128xf32, #tpu.memory_space<vmem>>
        %dma_wait3A_258 = arith.constant 0 : i32
        %dma_wait3A_259 = tpu.memref_slice %arg9[%add3A_244, %dma_wait3A_258] : memref<10000x128xf32, #tpu.memory_space<vmem_shared>> -> memref<112x128xf32, #tpu.memory_space<vmem_shared>>
        %dma_wait3A_260 = arith.constant 0 : i32
        %dma_wait3A_261 = tpu.memref_slice %arg9[%add3A_244, %dma_wait3A_260] : memref<10000x128xf32, #tpu.memory_space<vmem_shared>> -> memref<112x128xf32, #tpu.memory_space<vmem_shared>>
        %dma_wait3A_262 = arith.constant 0 : i32
        %dma_wait3A_263 = arith.constant 0 : i32
        %dma_wait3A_264 = tpu.memref_slice %arg6[%dma_wait3A_262, %dma_wait3A_263] : memref<128x128xf32, #tpu.memory_space<vmem>> -> memref<112x128xf32, #tpu.memory_space<vmem>>
        tpu.wait_dma2 semaphore(%run_scoped3A : memref<!tpu.dma_semaphore, #tpu.memory_space<semaphore_mem>>) src(%dma_wait3A_264 : memref<112x128xf32, #tpu.memory_space<vmem>>) dst(%dma_wait3A_261 : memref<112x128xf32, #tpu.memory_space<vmem_shared>>)
        tpu.yield
      }) : () -> ()
    } else {
    }
    %eq3A_134 = arith.constant 15 : i32
    %eq3A_135 = arith.cmpi eq, %arg1, %eq3A_134 : i32
    %convert_element_type3A_136 = arith.extui %eq3A_135 : i1 to i32
    %cond3A_137 = arith.constant 0 : i32
    %cond3A_138 = arith.cmpi ne, %convert_element_type3A_136, %cond3A_137 : i32
    scf.if %cond3A_138 {
      %add3A_243 = arith.constant 512 : i32
      %add3A_244 = arith.addi %mul3A_7, %add3A_243 : i32
      "tpu.region"() ({
        %run_scoped3A = tpu.sem_alloc : memref<!tpu.dma_semaphore, #tpu.memory_space<semaphore_mem>>
        %dma_start3A_245 = arith.constant 0 : i32
        %dma_start3A_246 = tpu.memref_slice %arg9[%add3A_244, %dma_start3A_245] : memref<10000x128xf32, #tpu.memory_space<vmem_shared>> -> memref<128x128xf32, #tpu.memory_space<vmem_shared>>
        %dma_start3A_247 = arith.constant 0 : i32
        %dma_start3A_248 = tpu.memref_slice %arg9[%add3A_244, %dma_start3A_247] : memref<10000x128xf32, #tpu.memory_space<vmem_shared>> -> memref<128x128xf32, #tpu.memory_space<vmem_shared>>
        tpu.enqueue_dma source(%arg6 : memref<128x128xf32, #tpu.memory_space<vmem>>) target(%dma_start3A_248 : memref<128x128xf32, #tpu.memory_space<vmem_shared>>) target_semaphore(%run_scoped3A : memref<!tpu.dma_semaphore, #tpu.memory_space<semaphore_mem>>)
        %dma_wait3A_249 = arith.constant 0 : i32
        %dma_wait3A_250 = tpu.memref_slice %arg9[%add3A_244, %dma_wait3A_249] : memref<10000x128xf32, #tpu.memory_space<vmem_shared>> -> memref<128x128xf32, #tpu.memory_space<vmem_shared>>
        %dma_wait3A_251 = arith.constant 0 : i32
        %dma_wait3A_252 = tpu.memref_slice %arg9[%add3A_244, %dma_wait3A_251] : memref<10000x128xf32, #tpu.memory_space<vmem_shared>> -> memref<128x128xf32, #tpu.memory_space<vmem_shared>>
        tpu.wait_dma2 semaphore(%run_scoped3A : memref<!tpu.dma_semaphore, #tpu.memory_space<semaphore_mem>>) src(%arg6 : memref<128x128xf32, #tpu.memory_space<vmem>>) dst(%dma_wait3A_252 : memref<128x128xf32, #tpu.memory_space<vmem_shared>>)
        tpu.yield
      }) : () -> ()
    } else {
    }
    %barrier3A = arith.constant 0 : index
    tpu.barrier barrier_id(%barrier3A)
    %add3A_139 = arith.constant 6 : i32
    %add3A_140 = arith.addi %select_n3A, %add3A_139 : i32
    %sub3A = arith.constant 1 : i32
    %sub3A_141 = arith.subi %add3A_140, %sub3A : i32
    %jit3A_142 = arith.constant 6 : i32
    %div3A = arith.divsi %sub3A_141, %jit3A_142 : i32
    %sign3A = arith.constant 0 : i32
    %sign3A_143 = arith.cmpi sgt, %sub3A_141, %sign3A : i32
    %sign3A_144 = arith.extui %sign3A_143 : i1 to i32
    %sign3A_145 = arith.constant 0 : i32
    %sign3A_146 = arith.cmpi slt, %sub3A_141, %sign3A_145 : i32
    %sign3A_147 = arith.extui %sign3A_146 : i1 to i32
    %sign3A_148 = arith.subi %sign3A_144, %sign3A_147 : i32
    %sign3A_149 = arith.constant 0 : i32
    %sign3A_150 = arith.cmpi sgt, %jit3A_142, %sign3A_149 : i32
    %sign3A_151 = arith.extui %sign3A_150 : i1 to i32
    %sign3A_152 = arith.constant 0 : i32
    %sign3A_153 = arith.cmpi slt, %jit3A_142, %sign3A_152 : i32
    %sign3A_154 = arith.extui %sign3A_153 : i1 to i32
    %sign3A_155 = arith.subi %sign3A_151, %sign3A_154 : i32
    %ne3A = arith.cmpi ne, %sign3A_148, %sign3A_155 : i32
    %rem3A = arith.remsi %sub3A_141, %jit3A_142 : i32
    %ne3A_156 = arith.constant 0 : i32
    %ne3A_157 = arith.cmpi ne, %rem3A, %ne3A_156 : i32
    %and3A = arith.andi %ne3A, %ne3A_157 : i1
    %sub3A_158 = arith.constant 1 : i32
    %sub3A_159 = arith.subi %div3A, %sub3A_158 : i32
    %select_n3A_160 = arith.select %and3A, %sub3A_159, %div3A : i32
    %while3A = arith.constant 0 : i32
    %while3A_161 = arith.subi %select_n3A_160, %while3A : i32
    %while3A_162 = arith.addi %while3A, %while3A_161 : i32
    %while3A_163 = arith.constant 1 : i32
    %while3A_164 = arith.divsi %while3A_161, %while3A_163 : i32
    %while3A_165 = arith.muli %while3A_164, %while3A_163 : i32
    %while3A_166 = arith.addi %while3A, %while3A_165 : i32
    %while3A_167 = arith.constant 1 : i32
    scf.for %while3A_243 = %while3A to %while3A_166 step %while3A_167  : i32 {
      %mul3A_244 = arith.constant 6 : i32
      %mul3A_245 = arith.muli %mul3A_244, %while3A_243 : i32
      %add3A_246 = arith.constant 0 : i32
      %add3A_247 = arith.addi %mul3A_245, %add3A_246 : i32
      %lt3A_248 = arith.cmpi slt, %add3A_247, %select_n3A : i32
      %convert_element_type3A_249 = arith.extui %lt3A_248 : i1 to i32
      %cond3A_250 = arith.constant 0 : i32
      %cond3A_251 = arith.cmpi ne, %convert_element_type3A_249, %cond3A_250 : i32
      scf.if %cond3A_251 {
        %ge3A = arith.constant 1 : i32
        %ge3A_292 = arith.cmpi sge, %add3A_247, %ge3A : i32
        %convert_element_type3A_293 = arith.extui %ge3A_292 : i1 to i32
        %cond3A_294 = arith.constant 0 : i32
        %cond3A_295 = arith.cmpi ne, %convert_element_type3A_293, %cond3A_294 : i32
        scf.if %cond3A_295 {
          %dma_wait3A_324 = arith.constant 0 : i32
          %dma_wait3A_325 = arith.constant 1 : i32
          %dma_wait3A_326 = arith.constant 0 : i32
          %dma_wait3A_327 = tpu.memref_slice %arg5[%dma_wait3A_324, %dma_wait3A_325, %dma_wait3A_326] : memref<6x2x128xi32, #tpu.memory_space<vmem>> -> memref<1x1x128xi32, #tpu.memory_space<vmem>>
          %dma_wait3A_328 = tpu.memref_squeeze %dma_wait3A_327 : memref<1x1x128xi32, #tpu.memory_space<vmem>> -> memref<128xi32, #tpu.memory_space<vmem>>
          %dma_wait3A_329 = arith.constant 0 : i32
          %dma_wait3A_330 = arith.constant 0 : i32
          %dma_wait3A_331 = tpu.memref_slice %arg9[%dma_wait3A_329, %dma_wait3A_330] : memref<10000x128xf32, #tpu.memory_space<vmem_shared>> -> memref<10000x128xf32, #tpu.memory_space<vmem_shared>>
          tpu.wait_indirect_dma semaphore(%arg16 : memref<!tpu.dma_semaphore, #tpu.memory_space<semaphore_mem>>) src(%arg6 : memref<128x128xf32, #tpu.memory_space<vmem>>) dst(%dma_wait3A_331 : memref<10000x128xf32, #tpu.memory_space<vmem_shared>>)
        } else {
        }
        %add3A_296 = arith.constant 2 : i32
        %add3A_297 = arith.addi %add3A_247, %add3A_296 : i32
        %lt3A_298 = arith.cmpi slt, %add3A_297, %select_n3A : i32
        %convert_element_type3A_299 = arith.extui %lt3A_298 : i1 to i32
        %cond3A_300 = arith.constant 0 : i32
        %cond3A_301 = arith.cmpi ne, %convert_element_type3A_299, %cond3A_300 : i32
        scf.if %cond3A_301 {
          %dma_wait3A_324 = arith.constant 2 : i32
          %dma_wait3A_325 = arith.constant 0 : i32
          %dma_wait3A_326 = arith.constant 0 : i32
          %dma_wait3A_327 = tpu.memref_slice %arg5[%dma_wait3A_324, %dma_wait3A_325, %dma_wait3A_326] : memref<6x2x128xi32, #tpu.memory_space<vmem>> -> memref<1x2x128xi32, #tpu.memory_space<vmem>>
          %dma_wait3A_328 = tpu.memref_squeeze %dma_wait3A_327 : memref<1x2x128xi32, #tpu.memory_space<vmem>> -> memref<2x128xi32, #tpu.memory_space<vmem>>
          %dma_wait3A_329 = arith.constant 0 : i32
          %dma_wait3A_330 = tpu.memref_slice %arg3[%dma_wait3A_329, %mul3A_2] : memref<2x320000xi32, #tpu.memory_space<hbm>> -> memref<2x128xi32, #tpu.memory_space<hbm>>
          %dma_wait3A_331 = arith.constant 0 : i32
          %dma_wait3A_332 = arith.constant 0 : i32
          %dma_wait3A_333 = tpu.memref_slice %arg5[%dma_wait3A_324, %dma_wait3A_331, %dma_wait3A_332] : memref<6x2x128xi32, #tpu.memory_space<vmem>> -> memref<1x2x128xi32, #tpu.memory_space<vmem>>
          %dma_wait3A_334 = tpu.memref_squeeze %dma_wait3A_333 : memref<1x2x128xi32, #tpu.memory_space<vmem>> -> memref<2x128xi32, #tpu.memory_space<vmem>>
          %dma_wait3A_335 = arith.constant 0 : i32
          %dma_wait3A_336 = tpu.memref_slice %arg3[%dma_wait3A_335, %mul3A_2] : memref<2x320000xi32, #tpu.memory_space<hbm>> -> memref<2x128xi32, #tpu.memory_space<hbm>>
          tpu.wait_dma2 semaphore(%arg12 : memref<!tpu.dma_semaphore, #tpu.memory_space<semaphore_mem>>) src(%dma_wait3A_336 : memref<2x128xi32, #tpu.memory_space<hbm>>) dst(%dma_wait3A_334 : memref<2x128xi32, #tpu.memory_space<vmem>>)
          %dma_start3A_337 = arith.constant 2 : i32
          %dma_start3A_338 = arith.constant 0 : i32
          %dma_start3A_339 = arith.constant 0 : i32
          %dma_start3A_340 = tpu.memref_slice %arg5[%dma_start3A_337, %dma_start3A_338, %dma_start3A_339] : memref<6x2x128xi32, #tpu.memory_space<vmem>> -> memref<1x1x128xi32, #tpu.memory_space<vmem>>
          %dma_start3A_341 = tpu.memref_squeeze %dma_start3A_340 : memref<1x1x128xi32, #tpu.memory_space<vmem>> -> memref<128xi32, #tpu.memory_space<vmem>>
          %dma_start3A_342 = arith.constant 0 : i32
          %dma_start3A_343 = arith.constant 0 : i32
          %dma_start3A_344 = tpu.memref_slice %arg2[%dma_start3A_342, %dma_start3A_343] : memref<10240x128xf32, #tpu.memory_space<hbm>> -> memref<10240x128xf32, #tpu.memory_space<hbm>>
          tpu.enqueue_indirect_dma source(%dma_start3A_344 : memref<10240x128xf32, #tpu.memory_space<hbm>>) target(%arg6 : memref<128x128xf32, #tpu.memory_space<vmem>>) offsets(%dma_start3A_341 : memref<128xi32, #tpu.memory_space<vmem>>) semaphore(%arg13 : memref<!tpu.dma_semaphore, #tpu.memory_space<semaphore_mem>>)
        } else {
        }
        %dma_wait3A_302 = arith.constant 0 : i32
        %dma_wait3A_303 = arith.constant 0 : i32
        %dma_wait3A_304 = arith.constant 0 : i32
        %dma_wait3A_305 = tpu.memref_slice %arg5[%dma_wait3A_302, %dma_wait3A_303, %dma_wait3A_304] : memref<6x2x128xi32, #tpu.memory_space<vmem>> -> memref<1x1x128xi32, #tpu.memory_space<vmem>>
        %dma_wait3A_306 = tpu.memref_squeeze %dma_wait3A_305 : memref<1x1x128xi32, #tpu.memory_space<vmem>> -> memref<128xi32, #tpu.memory_space<vmem>>
        %dma_wait3A_307 = arith.constant 0 : i32
        %dma_wait3A_308 = arith.constant 0 : i32
        %dma_wait3A_309 = tpu.memref_slice %arg2[%dma_wait3A_307, %dma_wait3A_308] : memref<10240x128xf32, #tpu.memory_space<hbm>> -> memref<10240x128xf32, #tpu.memory_space<hbm>>
        tpu.wait_indirect_dma semaphore(%arg14 : memref<!tpu.dma_semaphore, #tpu.memory_space<semaphore_mem>>) src(%dma_wait3A_309 : memref<10240x128xf32, #tpu.memory_space<hbm>>) dst(%arg7 : memref<128x128xf32, #tpu.memory_space<vmem>>)
        %dma_start3A_310 = arith.constant 0 : i32
        %dma_start3A_311 = arith.constant 1 : i32
        %dma_start3A_312 = arith.constant 0 : i32
        %dma_start3A_313 = tpu.memref_slice %arg5[%dma_start3A_310, %dma_start3A_311, %dma_start3A_312] : memref<6x2x128xi32, #tpu.memory_space<vmem>> -> memref<1x1x128xi32, #tpu.memory_space<vmem>>
        %dma_start3A_314 = tpu.memref_squeeze %dma_start3A_313 : memref<1x1x128xi32, #tpu.memory_space<vmem>> -> memref<128xi32, #tpu.memory_space<vmem>>
        %dma_start3A_315 = arith.constant 0 : i32
        %dma_start3A_316 = arith.constant 0 : i32
        %dma_start3A_317 = tpu.memref_slice %arg9[%dma_start3A_315, %dma_start3A_316] : memref<10000x128xf32, #tpu.memory_space<vmem_shared>> -> memref<10000x128xf32, #tpu.memory_space<vmem_shared>>
        tpu.enqueue_indirect_dma source(%arg7 : memref<128x128xf32, #tpu.memory_space<vmem>>) target(%dma_start3A_317 : memref<10000x128xf32, #tpu.memory_space<vmem_shared>>) offsets(%dma_start3A_314 : memref<128xi32, #tpu.memory_space<vmem>>) semaphore(%arg17 : memref<!tpu.dma_semaphore, #tpu.memory_space<semaphore_mem>>) {add = true}
        %add3A_318 = arith.constant 5 : i32
        %add3A_319 = arith.addi %add3A_247, %add3A_318 : i32
        %lt3A_320 = arith.cmpi slt, %add3A_319, %select_n3A : i32
        %convert_element_type3A_321 = arith.extui %lt3A_320 : i1 to i32
        %cond3A_322 = arith.constant 0 : i32
        %cond3A_323 = arith.cmpi ne, %convert_element_type3A_321, %cond3A_322 : i32
        scf.if %cond3A_323 {
          %add3A_324 = arith.constant 5 : i32
          %add3A_325 = arith.addi %add3A_247, %add3A_324 : i32
          %mul3A_326 = arith.constant 128 : i32
          %mul3A_327 = arith.muli %add3A_325, %mul3A_326 : i32
          %add3A_328 = arith.addi %mul3A_2, %mul3A_327 : i32
          %dma_start3A_329 = arith.constant 5 : i32
          %dma_start3A_330 = arith.constant 0 : i32
          %dma_start3A_331 = arith.constant 0 : i32
          %dma_start3A_332 = tpu.memref_slice %arg5[%dma_start3A_329, %dma_start3A_330, %dma_start3A_331] : memref<6x2x128xi32, #tpu.memory_space<vmem>> -> memref<1x2x128xi32, #tpu.memory_space<vmem>>
          %dma_start3A_333 = tpu.memref_squeeze %dma_start3A_332 : memref<1x2x128xi32, #tpu.memory_space<vmem>> -> memref<2x128xi32, #tpu.memory_space<vmem>>
          %dma_start3A_334 = arith.constant 0 : i32
          %dma_start3A_335 = tpu.memref_slice %arg3[%dma_start3A_334, %add3A_328] : memref<2x320000xi32, #tpu.memory_space<hbm>> -> memref<2x128xi32, #tpu.memory_space<hbm>>
          %dma_start3A_336 = arith.constant 0 : i32
          %dma_start3A_337 = arith.constant 0 : i32
          %dma_start3A_338 = tpu.memref_slice %arg5[%dma_start3A_329, %dma_start3A_336, %dma_start3A_337] : memref<6x2x128xi32, #tpu.memory_space<vmem>> -> memref<1x2x128xi32, #tpu.memory_space<vmem>>
          %dma_start3A_339 = tpu.memref_squeeze %dma_start3A_338 : memref<1x2x128xi32, #tpu.memory_space<vmem>> -> memref<2x128xi32, #tpu.memory_space<vmem>>
          %dma_start3A_340 = arith.constant 0 : i32
          %dma_start3A_341 = tpu.memref_slice %arg3[%dma_start3A_340, %add3A_328] : memref<2x320000xi32, #tpu.memory_space<hbm>> -> memref<2x128xi32, #tpu.memory_space<hbm>>
          tpu.enqueue_dma source(%dma_start3A_341 : memref<2x128xi32, #tpu.memory_space<hbm>>) target(%dma_start3A_339 : memref<2x128xi32, #tpu.memory_space<vmem>>) target_semaphore(%arg12 : memref<!tpu.dma_semaphore, #tpu.memory_space<semaphore_mem>>)
        } else {
        }
      } else {
      }
      %mul3A_252 = arith.constant 6 : i32
      %mul3A_253 = arith.muli %mul3A_252, %while3A_243 : i32
      %add3A_254 = arith.constant 1 : i32
      %add3A_255 = arith.addi %mul3A_253, %add3A_254 : i32
      %lt3A_256 = arith.cmpi slt, %add3A_255, %select_n3A : i32
      %convert_element_type3A_257 = arith.extui %lt3A_256 : i1 to i32
      %cond3A_258 = arith.constant 0 : i32
      %cond3A_259 = arith.cmpi ne, %convert_element_type3A_257, %cond3A_258 : i32
      scf.if %cond3A_259 {
        %ge3A = arith.constant 1 : i32
        %ge3A_292 = arith.cmpi sge, %add3A_255, %ge3A : i32
        %convert_element_type3A_293 = arith.extui %ge3A_292 : i1 to i32
        %cond3A_294 = arith.constant 0 : i32
        %cond3A_295 = arith.cmpi ne, %convert_element_type3A_293, %cond3A_294 : i32
        scf.if %cond3A_295 {
          %dma_wait3A_324 = arith.constant 0 : i32
          %dma_wait3A_325 = arith.constant 1 : i32
          %dma_wait3A_326 = arith.constant 0 : i32
          %dma_wait3A_327 = tpu.memref_slice %arg5[%dma_wait3A_324, %dma_wait3A_325, %dma_wait3A_326] : memref<6x2x128xi32, #tpu.memory_space<vmem>> -> memref<1x1x128xi32, #tpu.memory_space<vmem>>
          %dma_wait3A_328 = tpu.memref_squeeze %dma_wait3A_327 : memref<1x1x128xi32, #tpu.memory_space<vmem>> -> memref<128xi32, #tpu.memory_space<vmem>>
          %dma_wait3A_329 = arith.constant 0 : i32
          %dma_wait3A_330 = arith.constant 0 : i32
          %dma_wait3A_331 = tpu.memref_slice %arg9[%dma_wait3A_329, %dma_wait3A_330] : memref<10000x128xf32, #tpu.memory_space<vmem_shared>> -> memref<10000x128xf32, #tpu.memory_space<vmem_shared>>
          tpu.wait_indirect_dma semaphore(%arg17 : memref<!tpu.dma_semaphore, #tpu.memory_space<semaphore_mem>>) src(%arg7 : memref<128x128xf32, #tpu.memory_space<vmem>>) dst(%dma_wait3A_331 : memref<10000x128xf32, #tpu.memory_space<vmem_shared>>)
        } else {
        }
        %add3A_296 = arith.constant 2 : i32
        %add3A_297 = arith.addi %add3A_255, %add3A_296 : i32
        %lt3A_298 = arith.cmpi slt, %add3A_297, %select_n3A : i32
        %convert_element_type3A_299 = arith.extui %lt3A_298 : i1 to i32
        %cond3A_300 = arith.constant 0 : i32
        %cond3A_301 = arith.cmpi ne, %convert_element_type3A_299, %cond3A_300 : i32
        scf.if %cond3A_301 {
          %dma_wait3A_324 = arith.constant 3 : i32
          %dma_wait3A_325 = arith.constant 0 : i32
          %dma_wait3A_326 = arith.constant 0 : i32
          %dma_wait3A_327 = tpu.memref_slice %arg5[%dma_wait3A_324, %dma_wait3A_325, %dma_wait3A_326] : memref<6x2x128xi32, #tpu.memory_space<vmem>> -> memref<1x2x128xi32, #tpu.memory_space<vmem>>
          %dma_wait3A_328 = tpu.memref_squeeze %dma_wait3A_327 : memref<1x2x128xi32, #tpu.memory_space<vmem>> -> memref<2x128xi32, #tpu.memory_space<vmem>>
          %dma_wait3A_329 = arith.constant 0 : i32
          %dma_wait3A_330 = tpu.memref_slice %arg3[%dma_wait3A_329, %mul3A_2] : memref<2x320000xi32, #tpu.memory_space<hbm>> -> memref<2x128xi32, #tpu.memory_space<hbm>>
          %dma_wait3A_331 = arith.constant 0 : i32
          %dma_wait3A_332 = arith.constant 0 : i32
          %dma_wait3A_333 = tpu.memref_slice %arg5[%dma_wait3A_324, %dma_wait3A_331, %dma_wait3A_332] : memref<6x2x128xi32, #tpu.memory_space<vmem>> -> memref<1x2x128xi32, #tpu.memory_space<vmem>>
          %dma_wait3A_334 = tpu.memref_squeeze %dma_wait3A_333 : memref<1x2x128xi32, #tpu.memory_space<vmem>> -> memref<2x128xi32, #tpu.memory_space<vmem>>
          %dma_wait3A_335 = arith.constant 0 : i32
          %dma_wait3A_336 = tpu.memref_slice %arg3[%dma_wait3A_335, %mul3A_2] : memref<2x320000xi32, #tpu.memory_space<hbm>> -> memref<2x128xi32, #tpu.memory_space<hbm>>
          tpu.wait_dma2 semaphore(%arg10 : memref<!tpu.dma_semaphore, #tpu.memory_space<semaphore_mem>>) src(%dma_wait3A_336 : memref<2x128xi32, #tpu.memory_space<hbm>>) dst(%dma_wait3A_334 : memref<2x128xi32, #tpu.memory_space<vmem>>)
          %dma_start3A_337 = arith.constant 3 : i32
          %dma_start3A_338 = arith.constant 0 : i32
          %dma_start3A_339 = arith.constant 0 : i32
          %dma_start3A_340 = tpu.memref_slice %arg5[%dma_start3A_337, %dma_start3A_338, %dma_start3A_339] : memref<6x2x128xi32, #tpu.memory_space<vmem>> -> memref<1x1x128xi32, #tpu.memory_space<vmem>>
          %dma_start3A_341 = tpu.memref_squeeze %dma_start3A_340 : memref<1x1x128xi32, #tpu.memory_space<vmem>> -> memref<128xi32, #tpu.memory_space<vmem>>
          %dma_start3A_342 = arith.constant 0 : i32
          %dma_start3A_343 = arith.constant 0 : i32
          %dma_start3A_344 = tpu.memref_slice %arg2[%dma_start3A_342, %dma_start3A_343] : memref<10240x128xf32, #tpu.memory_space<hbm>> -> memref<10240x128xf32, #tpu.memory_space<hbm>>
          tpu.enqueue_indirect_dma source(%dma_start3A_344 : memref<10240x128xf32, #tpu.memory_space<hbm>>) target(%arg7 : memref<128x128xf32, #tpu.memory_space<vmem>>) offsets(%dma_start3A_341 : memref<128xi32, #tpu.memory_space<vmem>>) semaphore(%arg14 : memref<!tpu.dma_semaphore, #tpu.memory_space<semaphore_mem>>)
        } else {
        }
        %dma_wait3A_302 = arith.constant 1 : i32
        %dma_wait3A_303 = arith.constant 0 : i32
        %dma_wait3A_304 = arith.constant 0 : i32
        %dma_wait3A_305 = tpu.memref_slice %arg5[%dma_wait3A_302, %dma_wait3A_303, %dma_wait3A_304] : memref<6x2x128xi32, #tpu.memory_space<vmem>> -> memref<1x1x128xi32, #tpu.memory_space<vmem>>
        %dma_wait3A_306 = tpu.memref_squeeze %dma_wait3A_305 : memref<1x1x128xi32, #tpu.memory_space<vmem>> -> memref<128xi32, #tpu.memory_space<vmem>>
        %dma_wait3A_307 = arith.constant 0 : i32
        %dma_wait3A_308 = arith.constant 0 : i32
        %dma_wait3A_309 = tpu.memref_slice %arg2[%dma_wait3A_307, %dma_wait3A_308] : memref<10240x128xf32, #tpu.memory_space<hbm>> -> memref<10240x128xf32, #tpu.memory_space<hbm>>
        tpu.wait_indirect_dma semaphore(%arg15 : memref<!tpu.dma_semaphore, #tpu.memory_space<semaphore_mem>>) src(%dma_wait3A_309 : memref<10240x128xf32, #tpu.memory_space<hbm>>) dst(%arg8 : memref<128x128xf32, #tpu.memory_space<vmem>>)
        %dma_start3A_310 = arith.constant 1 : i32
        %dma_start3A_311 = arith.constant 1 : i32
        %dma_start3A_312 = arith.constant 0 : i32
        %dma_start3A_313 = tpu.memref_slice %arg5[%dma_start3A_310, %dma_start3A_311, %dma_start3A_312] : memref<6x2x128xi32, #tpu.memory_space<vmem>> -> memref<1x1x128xi32, #tpu.memory_space<vmem>>
        %dma_start3A_314 = tpu.memref_squeeze %dma_start3A_313 : memref<1x1x128xi32, #tpu.memory_space<vmem>> -> memref<128xi32, #tpu.memory_space<vmem>>
        %dma_start3A_315 = arith.constant 0 : i32
        %dma_start3A_316 = arith.constant 0 : i32
        %dma_start3A_317 = tpu.memref_slice %arg9[%dma_start3A_315, %dma_start3A_316] : memref<10000x128xf32, #tpu.memory_space<vmem_shared>> -> memref<10000x128xf32, #tpu.memory_space<vmem_shared>>
        tpu.enqueue_indirect_dma source(%arg8 : memref<128x128xf32, #tpu.memory_space<vmem>>) target(%dma_start3A_317 : memref<10000x128xf32, #tpu.memory_space<vmem_shared>>) offsets(%dma_start3A_314 : memref<128xi32, #tpu.memory_space<vmem>>) semaphore(%arg18 : memref<!tpu.dma_semaphore, #tpu.memory_space<semaphore_mem>>) {add = true}
        %add3A_318 = arith.constant 5 : i32
        %add3A_319 = arith.addi %add3A_255, %add3A_318 : i32
        %lt3A_320 = arith.cmpi slt, %add3A_319, %select_n3A : i32
        %convert_element_type3A_321 = arith.extui %lt3A_320 : i1 to i32
        %cond3A_322 = arith.constant 0 : i32
        %cond3A_323 = arith.cmpi ne, %convert_element_type3A_321, %cond3A_322 : i32
        scf.if %cond3A_323 {
          %add3A_324 = arith.constant 5 : i32
          %add3A_325 = arith.addi %add3A_255, %add3A_324 : i32
          %mul3A_326 = arith.constant 128 : i32
          %mul3A_327 = arith.muli %add3A_325, %mul3A_326 : i32
          %add3A_328 = arith.addi %mul3A_2, %mul3A_327 : i32
          %dma_start3A_329 = arith.constant 0 : i32
          %dma_start3A_330 = arith.constant 0 : i32
          %dma_start3A_331 = arith.constant 0 : i32
          %dma_start3A_332 = tpu.memref_slice %arg5[%dma_start3A_329, %dma_start3A_330, %dma_start3A_331] : memref<6x2x128xi32, #tpu.memory_space<vmem>> -> memref<1x2x128xi32, #tpu.memory_space<vmem>>
          %dma_start3A_333 = tpu.memref_squeeze %dma_start3A_332 : memref<1x2x128xi32, #tpu.memory_space<vmem>> -> memref<2x128xi32, #tpu.memory_space<vmem>>
          %dma_start3A_334 = arith.constant 0 : i32
          %dma_start3A_335 = tpu.memref_slice %arg3[%dma_start3A_334, %add3A_328] : memref<2x320000xi32, #tpu.memory_space<hbm>> -> memref<2x128xi32, #tpu.memory_space<hbm>>
          %dma_start3A_336 = arith.constant 0 : i32
          %dma_start3A_337 = arith.constant 0 : i32
          %dma_start3A_338 = tpu.memref_slice %arg5[%dma_start3A_329, %dma_start3A_336, %dma_start3A_337] : memref<6x2x128xi32, #tpu.memory_space<vmem>> -> memref<1x2x128xi32, #tpu.memory_space<vmem>>
          %dma_start3A_339 = tpu.memref_squeeze %dma_start3A_338 : memref<1x2x128xi32, #tpu.memory_space<vmem>> -> memref<2x128xi32, #tpu.memory_space<vmem>>
          %dma_start3A_340 = arith.constant 0 : i32
          %dma_start3A_341 = tpu.memref_slice %arg3[%dma_start3A_340, %add3A_328] : memref<2x320000xi32, #tpu.memory_space<hbm>> -> memref<2x128xi32, #tpu.memory_space<hbm>>
          tpu.enqueue_dma source(%dma_start3A_341 : memref<2x128xi32, #tpu.memory_space<hbm>>) target(%dma_start3A_339 : memref<2x128xi32, #tpu.memory_space<vmem>>) target_semaphore(%arg10 : memref<!tpu.dma_semaphore, #tpu.memory_space<semaphore_mem>>)
        } else {
        }
      } else {
      }
      %mul3A_260 = arith.constant 6 : i32
      %mul3A_261 = arith.muli %mul3A_260, %while3A_243 : i32
      %add3A_262 = arith.constant 2 : i32
      %add3A_263 = arith.addi %mul3A_261, %add3A_262 : i32
      %lt3A_264 = arith.cmpi slt, %add3A_263, %select_n3A : i32
      %convert_element_type3A_265 = arith.extui %lt3A_264 : i1 to i32
      %cond3A_266 = arith.constant 0 : i32
      %cond3A_267 = arith.cmpi ne, %convert_element_type3A_265, %cond3A_266 : i32
      scf.if %cond3A_267 {
        %ge3A = arith.constant 1 : i32
        %ge3A_292 = arith.cmpi sge, %add3A_263, %ge3A : i32
        %convert_element_type3A_293 = arith.extui %ge3A_292 : i1 to i32
        %cond3A_294 = arith.constant 0 : i32
        %cond3A_295 = arith.cmpi ne, %convert_element_type3A_293, %cond3A_294 : i32
        scf.if %cond3A_295 {
          %dma_wait3A_324 = arith.constant 0 : i32
          %dma_wait3A_325 = arith.constant 1 : i32
          %dma_wait3A_326 = arith.constant 0 : i32
          %dma_wait3A_327 = tpu.memref_slice %arg5[%dma_wait3A_324, %dma_wait3A_325, %dma_wait3A_326] : memref<6x2x128xi32, #tpu.memory_space<vmem>> -> memref<1x1x128xi32, #tpu.memory_space<vmem>>
          %dma_wait3A_328 = tpu.memref_squeeze %dma_wait3A_327 : memref<1x1x128xi32, #tpu.memory_space<vmem>> -> memref<128xi32, #tpu.memory_space<vmem>>
          %dma_wait3A_329 = arith.constant 0 : i32
          %dma_wait3A_330 = arith.constant 0 : i32
          %dma_wait3A_331 = tpu.memref_slice %arg9[%dma_wait3A_329, %dma_wait3A_330] : memref<10000x128xf32, #tpu.memory_space<vmem_shared>> -> memref<10000x128xf32, #tpu.memory_space<vmem_shared>>
          tpu.wait_indirect_dma semaphore(%arg18 : memref<!tpu.dma_semaphore, #tpu.memory_space<semaphore_mem>>) src(%arg8 : memref<128x128xf32, #tpu.memory_space<vmem>>) dst(%dma_wait3A_331 : memref<10000x128xf32, #tpu.memory_space<vmem_shared>>)
        } else {
        }
        %add3A_296 = arith.constant 2 : i32
        %add3A_297 = arith.addi %add3A_263, %add3A_296 : i32
        %lt3A_298 = arith.cmpi slt, %add3A_297, %select_n3A : i32
        %convert_element_type3A_299 = arith.extui %lt3A_298 : i1 to i32
        %cond3A_300 = arith.constant 0 : i32
        %cond3A_301 = arith.cmpi ne, %convert_element_type3A_299, %cond3A_300 : i32
        scf.if %cond3A_301 {
          %dma_wait3A_324 = arith.constant 4 : i32
          %dma_wait3A_325 = arith.constant 0 : i32
          %dma_wait3A_326 = arith.constant 0 : i32
          %dma_wait3A_327 = tpu.memref_slice %arg5[%dma_wait3A_324, %dma_wait3A_325, %dma_wait3A_326] : memref<6x2x128xi32, #tpu.memory_space<vmem>> -> memref<1x2x128xi32, #tpu.memory_space<vmem>>
          %dma_wait3A_328 = tpu.memref_squeeze %dma_wait3A_327 : memref<1x2x128xi32, #tpu.memory_space<vmem>> -> memref<2x128xi32, #tpu.memory_space<vmem>>
          %dma_wait3A_329 = arith.constant 0 : i32
          %dma_wait3A_330 = tpu.memref_slice %arg3[%dma_wait3A_329, %mul3A_2] : memref<2x320000xi32, #tpu.memory_space<hbm>> -> memref<2x128xi32, #tpu.memory_space<hbm>>
          %dma_wait3A_331 = arith.constant 0 : i32
          %dma_wait3A_332 = arith.constant 0 : i32
          %dma_wait3A_333 = tpu.memref_slice %arg5[%dma_wait3A_324, %dma_wait3A_331, %dma_wait3A_332] : memref<6x2x128xi32, #tpu.memory_space<vmem>> -> memref<1x2x128xi32, #tpu.memory_space<vmem>>
          %dma_wait3A_334 = tpu.memref_squeeze %dma_wait3A_333 : memref<1x2x128xi32, #tpu.memory_space<vmem>> -> memref<2x128xi32, #tpu.memory_space<vmem>>
          %dma_wait3A_335 = arith.constant 0 : i32
          %dma_wait3A_336 = tpu.memref_slice %arg3[%dma_wait3A_335, %mul3A_2] : memref<2x320000xi32, #tpu.memory_space<hbm>> -> memref<2x128xi32, #tpu.memory_space<hbm>>
          tpu.wait_dma2 semaphore(%arg11 : memref<!tpu.dma_semaphore, #tpu.memory_space<semaphore_mem>>) src(%dma_wait3A_336 : memref<2x128xi32, #tpu.memory_space<hbm>>) dst(%dma_wait3A_334 : memref<2x128xi32, #tpu.memory_space<vmem>>)
          %dma_start3A_337 = arith.constant 4 : i32
          %dma_start3A_338 = arith.constant 0 : i32
          %dma_start3A_339 = arith.constant 0 : i32
          %dma_start3A_340 = tpu.memref_slice %arg5[%dma_start3A_337, %dma_start3A_338, %dma_start3A_339] : memref<6x2x128xi32, #tpu.memory_space<vmem>> -> memref<1x1x128xi32, #tpu.memory_space<vmem>>
          %dma_start3A_341 = tpu.memref_squeeze %dma_start3A_340 : memref<1x1x128xi32, #tpu.memory_space<vmem>> -> memref<128xi32, #tpu.memory_space<vmem>>
          %dma_start3A_342 = arith.constant 0 : i32
          %dma_start3A_343 = arith.constant 0 : i32
          %dma_start3A_344 = tpu.memref_slice %arg2[%dma_start3A_342, %dma_start3A_343] : memref<10240x128xf32, #tpu.memory_space<hbm>> -> memref<10240x128xf32, #tpu.memory_space<hbm>>
          tpu.enqueue_indirect_dma source(%dma_start3A_344 : memref<10240x128xf32, #tpu.memory_space<hbm>>) target(%arg8 : memref<128x128xf32, #tpu.memory_space<vmem>>) offsets(%dma_start3A_341 : memref<128xi32, #tpu.memory_space<vmem>>) semaphore(%arg15 : memref<!tpu.dma_semaphore, #tpu.memory_space<semaphore_mem>>)
        } else {
        }
        %dma_wait3A_302 = arith.constant 2 : i32
        %dma_wait3A_303 = arith.constant 0 : i32
        %dma_wait3A_304 = arith.constant 0 : i32
        %dma_wait3A_305 = tpu.memref_slice %arg5[%dma_wait3A_302, %dma_wait3A_303, %dma_wait3A_304] : memref<6x2x128xi32, #tpu.memory_space<vmem>> -> memref<1x1x128xi32, #tpu.memory_space<vmem>>
        %dma_wait3A_306 = tpu.memref_squeeze %dma_wait3A_305 : memref<1x1x128xi32, #tpu.memory_space<vmem>> -> memref<128xi32, #tpu.memory_space<vmem>>
        %dma_wait3A_307 = arith.constant 0 : i32
        %dma_wait3A_308 = arith.constant 0 : i32
        %dma_wait3A_309 = tpu.memref_slice %arg2[%dma_wait3A_307, %dma_wait3A_308] : memref<10240x128xf32, #tpu.memory_space<hbm>> -> memref<10240x128xf32, #tpu.memory_space<hbm>>
        tpu.wait_indirect_dma semaphore(%arg13 : memref<!tpu.dma_semaphore, #tpu.memory_space<semaphore_mem>>) src(%dma_wait3A_309 : memref<10240x128xf32, #tpu.memory_space<hbm>>) dst(%arg6 : memref<128x128xf32, #tpu.memory_space<vmem>>)
        %dma_start3A_310 = arith.constant 2 : i32
        %dma_start3A_311 = arith.constant 1 : i32
        %dma_start3A_312 = arith.constant 0 : i32
        %dma_start3A_313 = tpu.memref_slice %arg5[%dma_start3A_310, %dma_start3A_311, %dma_start3A_312] : memref<6x2x128xi32, #tpu.memory_space<vmem>> -> memref<1x1x128xi32, #tpu.memory_space<vmem>>
        %dma_start3A_314 = tpu.memref_squeeze %dma_start3A_313 : memref<1x1x128xi32, #tpu.memory_space<vmem>> -> memref<128xi32, #tpu.memory_space<vmem>>
        %dma_start3A_315 = arith.constant 0 : i32
        %dma_start3A_316 = arith.constant 0 : i32
        %dma_start3A_317 = tpu.memref_slice %arg9[%dma_start3A_315, %dma_start3A_316] : memref<10000x128xf32, #tpu.memory_space<vmem_shared>> -> memref<10000x128xf32, #tpu.memory_space<vmem_shared>>
        tpu.enqueue_indirect_dma source(%arg6 : memref<128x128xf32, #tpu.memory_space<vmem>>) target(%dma_start3A_317 : memref<10000x128xf32, #tpu.memory_space<vmem_shared>>) offsets(%dma_start3A_314 : memref<128xi32, #tpu.memory_space<vmem>>) semaphore(%arg16 : memref<!tpu.dma_semaphore, #tpu.memory_space<semaphore_mem>>) {add = true}
        %add3A_318 = arith.constant 5 : i32
        %add3A_319 = arith.addi %add3A_263, %add3A_318 : i32
        %lt3A_320 = arith.cmpi slt, %add3A_319, %select_n3A : i32
        %convert_element_type3A_321 = arith.extui %lt3A_320 : i1 to i32
        %cond3A_322 = arith.constant 0 : i32
        %cond3A_323 = arith.cmpi ne, %convert_element_type3A_321, %cond3A_322 : i32
        scf.if %cond3A_323 {
          %add3A_324 = arith.constant 5 : i32
          %add3A_325 = arith.addi %add3A_263, %add3A_324 : i32
          %mul3A_326 = arith.constant 128 : i32
          %mul3A_327 = arith.muli %add3A_325, %mul3A_326 : i32
          %add3A_328 = arith.addi %mul3A_2, %mul3A_327 : i32
          %dma_start3A_329 = arith.constant 1 : i32
          %dma_start3A_330 = arith.constant 0 : i32
          %dma_start3A_331 = arith.constant 0 : i32
          %dma_start3A_332 = tpu.memref_slice %arg5[%dma_start3A_329, %dma_start3A_330, %dma_start3A_331] : memref<6x2x128xi32, #tpu.memory_space<vmem>> -> memref<1x2x128xi32, #tpu.memory_space<vmem>>
          %dma_start3A_333 = tpu.memref_squeeze %dma_start3A_332 : memref<1x2x128xi32, #tpu.memory_space<vmem>> -> memref<2x128xi32, #tpu.memory_space<vmem>>
          %dma_start3A_334 = arith.constant 0 : i32
          %dma_start3A_335 = tpu.memref_slice %arg3[%dma_start3A_334, %add3A_328] : memref<2x320000xi32, #tpu.memory_space<hbm>> -> memref<2x128xi32, #tpu.memory_space<hbm>>
          %dma_start3A_336 = arith.constant 0 : i32
          %dma_start3A_337 = arith.constant 0 : i32
          %dma_start3A_338 = tpu.memref_slice %arg5[%dma_start3A_329, %dma_start3A_336, %dma_start3A_337] : memref<6x2x128xi32, #tpu.memory_space<vmem>> -> memref<1x2x128xi32, #tpu.memory_space<vmem>>
          %dma_start3A_339 = tpu.memref_squeeze %dma_start3A_338 : memref<1x2x128xi32, #tpu.memory_space<vmem>> -> memref<2x128xi32, #tpu.memory_space<vmem>>
          %dma_start3A_340 = arith.constant 0 : i32
          %dma_start3A_341 = tpu.memref_slice %arg3[%dma_start3A_340, %add3A_328] : memref<2x320000xi32, #tpu.memory_space<hbm>> -> memref<2x128xi32, #tpu.memory_space<hbm>>
          tpu.enqueue_dma source(%dma_start3A_341 : memref<2x128xi32, #tpu.memory_space<hbm>>) target(%dma_start3A_339 : memref<2x128xi32, #tpu.memory_space<vmem>>) target_semaphore(%arg11 : memref<!tpu.dma_semaphore, #tpu.memory_space<semaphore_mem>>)
        } else {
        }
      } else {
      }
      %mul3A_268 = arith.constant 6 : i32
      %mul3A_269 = arith.muli %mul3A_268, %while3A_243 : i32
      %add3A_270 = arith.constant 3 : i32
      %add3A_271 = arith.addi %mul3A_269, %add3A_270 : i32
      %lt3A_272 = arith.cmpi slt, %add3A_271, %select_n3A : i32
      %convert_element_type3A_273 = arith.extui %lt3A_272 : i1 to i32
      %cond3A_274 = arith.constant 0 : i32
      %cond3A_275 = arith.cmpi ne, %convert_element_type3A_273, %cond3A_274 : i32
      scf.if %cond3A_275 {
        %ge3A = arith.constant 1 : i32
        %ge3A_292 = arith.cmpi sge, %add3A_271, %ge3A : i32
        %convert_element_type3A_293 = arith.extui %ge3A_292 : i1 to i32
        %cond3A_294 = arith.constant 0 : i32
        %cond3A_295 = arith.cmpi ne, %convert_element_type3A_293, %cond3A_294 : i32
        scf.if %cond3A_295 {
          %dma_wait3A_324 = arith.constant 0 : i32
          %dma_wait3A_325 = arith.constant 1 : i32
          %dma_wait3A_326 = arith.constant 0 : i32
          %dma_wait3A_327 = tpu.memref_slice %arg5[%dma_wait3A_324, %dma_wait3A_325, %dma_wait3A_326] : memref<6x2x128xi32, #tpu.memory_space<vmem>> -> memref<1x1x128xi32, #tpu.memory_space<vmem>>
          %dma_wait3A_328 = tpu.memref_squeeze %dma_wait3A_327 : memref<1x1x128xi32, #tpu.memory_space<vmem>> -> memref<128xi32, #tpu.memory_space<vmem>>
          %dma_wait3A_329 = arith.constant 0 : i32
          %dma_wait3A_330 = arith.constant 0 : i32
          %dma_wait3A_331 = tpu.memref_slice %arg9[%dma_wait3A_329, %dma_wait3A_330] : memref<10000x128xf32, #tpu.memory_space<vmem_shared>> -> memref<10000x128xf32, #tpu.memory_space<vmem_shared>>
          tpu.wait_indirect_dma semaphore(%arg16 : memref<!tpu.dma_semaphore, #tpu.memory_space<semaphore_mem>>) src(%arg6 : memref<128x128xf32, #tpu.memory_space<vmem>>) dst(%dma_wait3A_331 : memref<10000x128xf32, #tpu.memory_space<vmem_shared>>)
        } else {
        }
        %add3A_296 = arith.constant 2 : i32
        %add3A_297 = arith.addi %add3A_271, %add3A_296 : i32
        %lt3A_298 = arith.cmpi slt, %add3A_297, %select_n3A : i32
        %convert_element_type3A_299 = arith.extui %lt3A_298 : i1 to i32
        %cond3A_300 = arith.constant 0 : i32
        %cond3A_301 = arith.cmpi ne, %convert_element_type3A_299, %cond3A_300 : i32
        scf.if %cond3A_301 {
          %dma_wait3A_324 = arith.constant 5 : i32
          %dma_wait3A_325 = arith.constant 0 : i32
          %dma_wait3A_326 = arith.constant 0 : i32
          %dma_wait3A_327 = tpu.memref_slice %arg5[%dma_wait3A_324, %dma_wait3A_325, %dma_wait3A_326] : memref<6x2x128xi32, #tpu.memory_space<vmem>> -> memref<1x2x128xi32, #tpu.memory_space<vmem>>
          %dma_wait3A_328 = tpu.memref_squeeze %dma_wait3A_327 : memref<1x2x128xi32, #tpu.memory_space<vmem>> -> memref<2x128xi32, #tpu.memory_space<vmem>>
          %dma_wait3A_329 = arith.constant 0 : i32
          %dma_wait3A_330 = tpu.memref_slice %arg3[%dma_wait3A_329, %mul3A_2] : memref<2x320000xi32, #tpu.memory_space<hbm>> -> memref<2x128xi32, #tpu.memory_space<hbm>>
          %dma_wait3A_331 = arith.constant 0 : i32
          %dma_wait3A_332 = arith.constant 0 : i32
          %dma_wait3A_333 = tpu.memref_slice %arg5[%dma_wait3A_324, %dma_wait3A_331, %dma_wait3A_332] : memref<6x2x128xi32, #tpu.memory_space<vmem>> -> memref<1x2x128xi32, #tpu.memory_space<vmem>>
          %dma_wait3A_334 = tpu.memref_squeeze %dma_wait3A_333 : memref<1x2x128xi32, #tpu.memory_space<vmem>> -> memref<2x128xi32, #tpu.memory_space<vmem>>
          %dma_wait3A_335 = arith.constant 0 : i32
          %dma_wait3A_336 = tpu.memref_slice %arg3[%dma_wait3A_335, %mul3A_2] : memref<2x320000xi32, #tpu.memory_space<hbm>> -> memref<2x128xi32, #tpu.memory_space<hbm>>
          tpu.wait_dma2 semaphore(%arg12 : memref<!tpu.dma_semaphore, #tpu.memory_space<semaphore_mem>>) src(%dma_wait3A_336 : memref<2x128xi32, #tpu.memory_space<hbm>>) dst(%dma_wait3A_334 : memref<2x128xi32, #tpu.memory_space<vmem>>)
          %dma_start3A_337 = arith.constant 5 : i32
          %dma_start3A_338 = arith.constant 0 : i32
          %dma_start3A_339 = arith.constant 0 : i32
          %dma_start3A_340 = tpu.memref_slice %arg5[%dma_start3A_337, %dma_start3A_338, %dma_start3A_339] : memref<6x2x128xi32, #tpu.memory_space<vmem>> -> memref<1x1x128xi32, #tpu.memory_space<vmem>>
          %dma_start3A_341 = tpu.memref_squeeze %dma_start3A_340 : memref<1x1x128xi32, #tpu.memory_space<vmem>> -> memref<128xi32, #tpu.memory_space<vmem>>
          %dma_start3A_342 = arith.constant 0 : i32
          %dma_start3A_343 = arith.constant 0 : i32
          %dma_start3A_344 = tpu.memref_slice %arg2[%dma_start3A_342, %dma_start3A_343] : memref<10240x128xf32, #tpu.memory_space<hbm>> -> memref<10240x128xf32, #tpu.memory_space<hbm>>
          tpu.enqueue_indirect_dma source(%dma_start3A_344 : memref<10240x128xf32, #tpu.memory_space<hbm>>) target(%arg6 : memref<128x128xf32, #tpu.memory_space<vmem>>) offsets(%dma_start3A_341 : memref<128xi32, #tpu.memory_space<vmem>>) semaphore(%arg13 : memref<!tpu.dma_semaphore, #tpu.memory_space<semaphore_mem>>)
        } else {
        }
        %dma_wait3A_302 = arith.constant 3 : i32
        %dma_wait3A_303 = arith.constant 0 : i32
        %dma_wait3A_304 = arith.constant 0 : i32
        %dma_wait3A_305 = tpu.memref_slice %arg5[%dma_wait3A_302, %dma_wait3A_303, %dma_wait3A_304] : memref<6x2x128xi32, #tpu.memory_space<vmem>> -> memref<1x1x128xi32, #tpu.memory_space<vmem>>
        %dma_wait3A_306 = tpu.memref_squeeze %dma_wait3A_305 : memref<1x1x128xi32, #tpu.memory_space<vmem>> -> memref<128xi32, #tpu.memory_space<vmem>>
        %dma_wait3A_307 = arith.constant 0 : i32
        %dma_wait3A_308 = arith.constant 0 : i32
        %dma_wait3A_309 = tpu.memref_slice %arg2[%dma_wait3A_307, %dma_wait3A_308] : memref<10240x128xf32, #tpu.memory_space<hbm>> -> memref<10240x128xf32, #tpu.memory_space<hbm>>
        tpu.wait_indirect_dma semaphore(%arg14 : memref<!tpu.dma_semaphore, #tpu.memory_space<semaphore_mem>>) src(%dma_wait3A_309 : memref<10240x128xf32, #tpu.memory_space<hbm>>) dst(%arg7 : memref<128x128xf32, #tpu.memory_space<vmem>>)
        %dma_start3A_310 = arith.constant 3 : i32
        %dma_start3A_311 = arith.constant 1 : i32
        %dma_start3A_312 = arith.constant 0 : i32
        %dma_start3A_313 = tpu.memref_slice %arg5[%dma_start3A_310, %dma_start3A_311, %dma_start3A_312] : memref<6x2x128xi32, #tpu.memory_space<vmem>> -> memref<1x1x128xi32, #tpu.memory_space<vmem>>
        %dma_start3A_314 = tpu.memref_squeeze %dma_start3A_313 : memref<1x1x128xi32, #tpu.memory_space<vmem>> -> memref<128xi32, #tpu.memory_space<vmem>>
        %dma_start3A_315 = arith.constant 0 : i32
        %dma_start3A_316 = arith.constant 0 : i32
        %dma_start3A_317 = tpu.memref_slice %arg9[%dma_start3A_315, %dma_start3A_316] : memref<10000x128xf32, #tpu.memory_space<vmem_shared>> -> memref<10000x128xf32, #tpu.memory_space<vmem_shared>>
        tpu.enqueue_indirect_dma source(%arg7 : memref<128x128xf32, #tpu.memory_space<vmem>>) target(%dma_start3A_317 : memref<10000x128xf32, #tpu.memory_space<vmem_shared>>) offsets(%dma_start3A_314 : memref<128xi32, #tpu.memory_space<vmem>>) semaphore(%arg17 : memref<!tpu.dma_semaphore, #tpu.memory_space<semaphore_mem>>) {add = true}
        %add3A_318 = arith.constant 5 : i32
        %add3A_319 = arith.addi %add3A_271, %add3A_318 : i32
        %lt3A_320 = arith.cmpi slt, %add3A_319, %select_n3A : i32
        %convert_element_type3A_321 = arith.extui %lt3A_320 : i1 to i32
        %cond3A_322 = arith.constant 0 : i32
        %cond3A_323 = arith.cmpi ne, %convert_element_type3A_321, %cond3A_322 : i32
        scf.if %cond3A_323 {
          %add3A_324 = arith.constant 5 : i32
          %add3A_325 = arith.addi %add3A_271, %add3A_324 : i32
          %mul3A_326 = arith.constant 128 : i32
          %mul3A_327 = arith.muli %add3A_325, %mul3A_326 : i32
          %add3A_328 = arith.addi %mul3A_2, %mul3A_327 : i32
          %dma_start3A_329 = arith.constant 2 : i32
          %dma_start3A_330 = arith.constant 0 : i32
          %dma_start3A_331 = arith.constant 0 : i32
          %dma_start3A_332 = tpu.memref_slice %arg5[%dma_start3A_329, %dma_start3A_330, %dma_start3A_331] : memref<6x2x128xi32, #tpu.memory_space<vmem>> -> memref<1x2x128xi32, #tpu.memory_space<vmem>>
          %dma_start3A_333 = tpu.memref_squeeze %dma_start3A_332 : memref<1x2x128xi32, #tpu.memory_space<vmem>> -> memref<2x128xi32, #tpu.memory_space<vmem>>
          %dma_start3A_334 = arith.constant 0 : i32
          %dma_start3A_335 = tpu.memref_slice %arg3[%dma_start3A_334, %add3A_328] : memref<2x320000xi32, #tpu.memory_space<hbm>> -> memref<2x128xi32, #tpu.memory_space<hbm>>
          %dma_start3A_336 = arith.constant 0 : i32
          %dma_start3A_337 = arith.constant 0 : i32
          %dma_start3A_338 = tpu.memref_slice %arg5[%dma_start3A_329, %dma_start3A_336, %dma_start3A_337] : memref<6x2x128xi32, #tpu.memory_space<vmem>> -> memref<1x2x128xi32, #tpu.memory_space<vmem>>
          %dma_start3A_339 = tpu.memref_squeeze %dma_start3A_338 : memref<1x2x128xi32, #tpu.memory_space<vmem>> -> memref<2x128xi32, #tpu.memory_space<vmem>>
          %dma_start3A_340 = arith.constant 0 : i32
          %dma_start3A_341 = tpu.memref_slice %arg3[%dma_start3A_340, %add3A_328] : memref<2x320000xi32, #tpu.memory_space<hbm>> -> memref<2x128xi32, #tpu.memory_space<hbm>>
          tpu.enqueue_dma source(%dma_start3A_341 : memref<2x128xi32, #tpu.memory_space<hbm>>) target(%dma_start3A_339 : memref<2x128xi32, #tpu.memory_space<vmem>>) target_semaphore(%arg12 : memref<!tpu.dma_semaphore, #tpu.memory_space<semaphore_mem>>)
        } else {
        }
      } else {
      }
      %mul3A_276 = arith.constant 6 : i32
      %mul3A_277 = arith.muli %mul3A_276, %while3A_243 : i32
      %add3A_278 = arith.constant 4 : i32
      %add3A_279 = arith.addi %mul3A_277, %add3A_278 : i32
      %lt3A_280 = arith.cmpi slt, %add3A_279, %select_n3A : i32
      %convert_element_type3A_281 = arith.extui %lt3A_280 : i1 to i32
      %cond3A_282 = arith.constant 0 : i32
      %cond3A_283 = arith.cmpi ne, %convert_element_type3A_281, %cond3A_282 : i32
      scf.if %cond3A_283 {
        %ge3A = arith.constant 1 : i32
        %ge3A_292 = arith.cmpi sge, %add3A_279, %ge3A : i32
        %convert_element_type3A_293 = arith.extui %ge3A_292 : i1 to i32
        %cond3A_294 = arith.constant 0 : i32
        %cond3A_295 = arith.cmpi ne, %convert_element_type3A_293, %cond3A_294 : i32
        scf.if %cond3A_295 {
          %dma_wait3A_324 = arith.constant 0 : i32
          %dma_wait3A_325 = arith.constant 1 : i32
          %dma_wait3A_326 = arith.constant 0 : i32
          %dma_wait3A_327 = tpu.memref_slice %arg5[%dma_wait3A_324, %dma_wait3A_325, %dma_wait3A_326] : memref<6x2x128xi32, #tpu.memory_space<vmem>> -> memref<1x1x128xi32, #tpu.memory_space<vmem>>
          %dma_wait3A_328 = tpu.memref_squeeze %dma_wait3A_327 : memref<1x1x128xi32, #tpu.memory_space<vmem>> -> memref<128xi32, #tpu.memory_space<vmem>>
          %dma_wait3A_329 = arith.constant 0 : i32
          %dma_wait3A_330 = arith.constant 0 : i32
          %dma_wait3A_331 = tpu.memref_slice %arg9[%dma_wait3A_329, %dma_wait3A_330] : memref<10000x128xf32, #tpu.memory_space<vmem_shared>> -> memref<10000x128xf32, #tpu.memory_space<vmem_shared>>
          tpu.wait_indirect_dma semaphore(%arg17 : memref<!tpu.dma_semaphore, #tpu.memory_space<semaphore_mem>>) src(%arg7 : memref<128x128xf32, #tpu.memory_space<vmem>>) dst(%dma_wait3A_331 : memref<10000x128xf32, #tpu.memory_space<vmem_shared>>)
        } else {
        }
        %add3A_296 = arith.constant 2 : i32
        %add3A_297 = arith.addi %add3A_279, %add3A_296 : i32
        %lt3A_298 = arith.cmpi slt, %add3A_297, %select_n3A : i32
        %convert_element_type3A_299 = arith.extui %lt3A_298 : i1 to i32
        %cond3A_300 = arith.constant 0 : i32
        %cond3A_301 = arith.cmpi ne, %convert_element_type3A_299, %cond3A_300 : i32
        scf.if %cond3A_301 {
          %dma_wait3A_324 = arith.constant 0 : i32
          %dma_wait3A_325 = arith.constant 0 : i32
          %dma_wait3A_326 = arith.constant 0 : i32
          %dma_wait3A_327 = tpu.memref_slice %arg5[%dma_wait3A_324, %dma_wait3A_325, %dma_wait3A_326] : memref<6x2x128xi32, #tpu.memory_space<vmem>> -> memref<1x2x128xi32, #tpu.memory_space<vmem>>
          %dma_wait3A_328 = tpu.memref_squeeze %dma_wait3A_327 : memref<1x2x128xi32, #tpu.memory_space<vmem>> -> memref<2x128xi32, #tpu.memory_space<vmem>>
          %dma_wait3A_329 = arith.constant 0 : i32
          %dma_wait3A_330 = tpu.memref_slice %arg3[%dma_wait3A_329, %mul3A_2] : memref<2x320000xi32, #tpu.memory_space<hbm>> -> memref<2x128xi32, #tpu.memory_space<hbm>>
          %dma_wait3A_331 = arith.constant 0 : i32
          %dma_wait3A_332 = arith.constant 0 : i32
          %dma_wait3A_333 = tpu.memref_slice %arg5[%dma_wait3A_324, %dma_wait3A_331, %dma_wait3A_332] : memref<6x2x128xi32, #tpu.memory_space<vmem>> -> memref<1x2x128xi32, #tpu.memory_space<vmem>>
          %dma_wait3A_334 = tpu.memref_squeeze %dma_wait3A_333 : memref<1x2x128xi32, #tpu.memory_space<vmem>> -> memref<2x128xi32, #tpu.memory_space<vmem>>
          %dma_wait3A_335 = arith.constant 0 : i32
          %dma_wait3A_336 = tpu.memref_slice %arg3[%dma_wait3A_335, %mul3A_2] : memref<2x320000xi32, #tpu.memory_space<hbm>> -> memref<2x128xi32, #tpu.memory_space<hbm>>
          tpu.wait_dma2 semaphore(%arg10 : memref<!tpu.dma_semaphore, #tpu.memory_space<semaphore_mem>>) src(%dma_wait3A_336 : memref<2x128xi32, #tpu.memory_space<hbm>>) dst(%dma_wait3A_334 : memref<2x128xi32, #tpu.memory_space<vmem>>)
          %dma_start3A_337 = arith.constant 0 : i32
          %dma_start3A_338 = arith.constant 0 : i32
          %dma_start3A_339 = arith.constant 0 : i32
          %dma_start3A_340 = tpu.memref_slice %arg5[%dma_start3A_337, %dma_start3A_338, %dma_start3A_339] : memref<6x2x128xi32, #tpu.memory_space<vmem>> -> memref<1x1x128xi32, #tpu.memory_space<vmem>>
          %dma_start3A_341 = tpu.memref_squeeze %dma_start3A_340 : memref<1x1x128xi32, #tpu.memory_space<vmem>> -> memref<128xi32, #tpu.memory_space<vmem>>
          %dma_start3A_342 = arith.constant 0 : i32
          %dma_start3A_343 = arith.constant 0 : i32
          %dma_start3A_344 = tpu.memref_slice %arg2[%dma_start3A_342, %dma_start3A_343] : memref<10240x128xf32, #tpu.memory_space<hbm>> -> memref<10240x128xf32, #tpu.memory_space<hbm>>
          tpu.enqueue_indirect_dma source(%dma_start3A_344 : memref<10240x128xf32, #tpu.memory_space<hbm>>) target(%arg7 : memref<128x128xf32, #tpu.memory_space<vmem>>) offsets(%dma_start3A_341 : memref<128xi32, #tpu.memory_space<vmem>>) semaphore(%arg14 : memref<!tpu.dma_semaphore, #tpu.memory_space<semaphore_mem>>)
        } else {
        }
        %dma_wait3A_302 = arith.constant 4 : i32
        %dma_wait3A_303 = arith.constant 0 : i32
        %dma_wait3A_304 = arith.constant 0 : i32
        %dma_wait3A_305 = tpu.memref_slice %arg5[%dma_wait3A_302, %dma_wait3A_303, %dma_wait3A_304] : memref<6x2x128xi32, #tpu.memory_space<vmem>> -> memref<1x1x128xi32, #tpu.memory_space<vmem>>
        %dma_wait3A_306 = tpu.memref_squeeze %dma_wait3A_305 : memref<1x1x128xi32, #tpu.memory_space<vmem>> -> memref<128xi32, #tpu.memory_space<vmem>>
        %dma_wait3A_307 = arith.constant 0 : i32
        %dma_wait3A_308 = arith.constant 0 : i32
        %dma_wait3A_309 = tpu.memref_slice %arg2[%dma_wait3A_307, %dma_wait3A_308] : memref<10240x128xf32, #tpu.memory_space<hbm>> -> memref<10240x128xf32, #tpu.memory_space<hbm>>
        tpu.wait_indirect_dma semaphore(%arg15 : memref<!tpu.dma_semaphore, #tpu.memory_space<semaphore_mem>>) src(%dma_wait3A_309 : memref<10240x128xf32, #tpu.memory_space<hbm>>) dst(%arg8 : memref<128x128xf32, #tpu.memory_space<vmem>>)
        %dma_start3A_310 = arith.constant 4 : i32
        %dma_start3A_311 = arith.constant 1 : i32
        %dma_start3A_312 = arith.constant 0 : i32
        %dma_start3A_313 = tpu.memref_slice %arg5[%dma_start3A_310, %dma_start3A_311, %dma_start3A_312] : memref<6x2x128xi32, #tpu.memory_space<vmem>> -> memref<1x1x128xi32, #tpu.memory_space<vmem>>
        %dma_start3A_314 = tpu.memref_squeeze %dma_start3A_313 : memref<1x1x128xi32, #tpu.memory_space<vmem>> -> memref<128xi32, #tpu.memory_space<vmem>>
        %dma_start3A_315 = arith.constant 0 : i32
        %dma_start3A_316 = arith.constant 0 : i32
        %dma_start3A_317 = tpu.memref_slice %arg9[%dma_start3A_315, %dma_start3A_316] : memref<10000x128xf32, #tpu.memory_space<vmem_shared>> -> memref<10000x128xf32, #tpu.memory_space<vmem_shared>>
        tpu.enqueue_indirect_dma source(%arg8 : memref<128x128xf32, #tpu.memory_space<vmem>>) target(%dma_start3A_317 : memref<10000x128xf32, #tpu.memory_space<vmem_shared>>) offsets(%dma_start3A_314 : memref<128xi32, #tpu.memory_space<vmem>>) semaphore(%arg18 : memref<!tpu.dma_semaphore, #tpu.memory_space<semaphore_mem>>) {add = true}
        %add3A_318 = arith.constant 5 : i32
        %add3A_319 = arith.addi %add3A_279, %add3A_318 : i32
        %lt3A_320 = arith.cmpi slt, %add3A_319, %select_n3A : i32
        %convert_element_type3A_321 = arith.extui %lt3A_320 : i1 to i32
        %cond3A_322 = arith.constant 0 : i32
        %cond3A_323 = arith.cmpi ne, %convert_element_type3A_321, %cond3A_322 : i32
        scf.if %cond3A_323 {
          %add3A_324 = arith.constant 5 : i32
          %add3A_325 = arith.addi %add3A_279, %add3A_324 : i32
          %mul3A_326 = arith.constant 128 : i32
          %mul3A_327 = arith.muli %add3A_325, %mul3A_326 : i32
          %add3A_328 = arith.addi %mul3A_2, %mul3A_327 : i32
          %dma_start3A_329 = arith.constant 3 : i32
          %dma_start3A_330 = arith.constant 0 : i32
          %dma_start3A_331 = arith.constant 0 : i32
          %dma_start3A_332 = tpu.memref_slice %arg5[%dma_start3A_329, %dma_start3A_330, %dma_start3A_331] : memref<6x2x128xi32, #tpu.memory_space<vmem>> -> memref<1x2x128xi32, #tpu.memory_space<vmem>>
          %dma_start3A_333 = tpu.memref_squeeze %dma_start3A_332 : memref<1x2x128xi32, #tpu.memory_space<vmem>> -> memref<2x128xi32, #tpu.memory_space<vmem>>
          %dma_start3A_334 = arith.constant 0 : i32
          %dma_start3A_335 = tpu.memref_slice %arg3[%dma_start3A_334, %add3A_328] : memref<2x320000xi32, #tpu.memory_space<hbm>> -> memref<2x128xi32, #tpu.memory_space<hbm>>
          %dma_start3A_336 = arith.constant 0 : i32
          %dma_start3A_337 = arith.constant 0 : i32
          %dma_start3A_338 = tpu.memref_slice %arg5[%dma_start3A_329, %dma_start3A_336, %dma_start3A_337] : memref<6x2x128xi32, #tpu.memory_space<vmem>> -> memref<1x2x128xi32, #tpu.memory_space<vmem>>
          %dma_start3A_339 = tpu.memref_squeeze %dma_start3A_338 : memref<1x2x128xi32, #tpu.memory_space<vmem>> -> memref<2x128xi32, #tpu.memory_space<vmem>>
          %dma_start3A_340 = arith.constant 0 : i32
          %dma_start3A_341 = tpu.memref_slice %arg3[%dma_start3A_340, %add3A_328] : memref<2x320000xi32, #tpu.memory_space<hbm>> -> memref<2x128xi32, #tpu.memory_space<hbm>>
          tpu.enqueue_dma source(%dma_start3A_341 : memref<2x128xi32, #tpu.memory_space<hbm>>) target(%dma_start3A_339 : memref<2x128xi32, #tpu.memory_space<vmem>>) target_semaphore(%arg10 : memref<!tpu.dma_semaphore, #tpu.memory_space<semaphore_mem>>)
        } else {
        }
      } else {
      }
      %mul3A_284 = arith.constant 6 : i32
      %mul3A_285 = arith.muli %mul3A_284, %while3A_243 : i32
      %add3A_286 = arith.constant 5 : i32
      %add3A_287 = arith.addi %mul3A_285, %add3A_286 : i32
      %lt3A_288 = arith.cmpi slt, %add3A_287, %select_n3A : i32
      %convert_element_type3A_289 = arith.extui %lt3A_288 : i1 to i32
      %cond3A_290 = arith.constant 0 : i32
      %cond3A_291 = arith.cmpi ne, %convert_element_type3A_289, %cond3A_290 : i32
      scf.if %cond3A_291 {
        %ge3A = arith.constant 1 : i32
        %ge3A_292 = arith.cmpi sge, %add3A_287, %ge3A : i32
        %convert_element_type3A_293 = arith.extui %ge3A_292 : i1 to i32
        %cond3A_294 = arith.constant 0 : i32
        %cond3A_295 = arith.cmpi ne, %convert_element_type3A_293, %cond3A_294 : i32
        scf.if %cond3A_295 {
          %dma_wait3A_324 = arith.constant 0 : i32
          %dma_wait3A_325 = arith.constant 1 : i32
          %dma_wait3A_326 = arith.constant 0 : i32
          %dma_wait3A_327 = tpu.memref_slice %arg5[%dma_wait3A_324, %dma_wait3A_325, %dma_wait3A_326] : memref<6x2x128xi32, #tpu.memory_space<vmem>> -> memref<1x1x128xi32, #tpu.memory_space<vmem>>
          %dma_wait3A_328 = tpu.memref_squeeze %dma_wait3A_327 : memref<1x1x128xi32, #tpu.memory_space<vmem>> -> memref<128xi32, #tpu.memory_space<vmem>>
          %dma_wait3A_329 = arith.constant 0 : i32
          %dma_wait3A_330 = arith.constant 0 : i32
          %dma_wait3A_331 = tpu.memref_slice %arg9[%dma_wait3A_329, %dma_wait3A_330] : memref<10000x128xf32, #tpu.memory_space<vmem_shared>> -> memref<10000x128xf32, #tpu.memory_space<vmem_shared>>
          tpu.wait_indirect_dma semaphore(%arg18 : memref<!tpu.dma_semaphore, #tpu.memory_space<semaphore_mem>>) src(%arg8 : memref<128x128xf32, #tpu.memory_space<vmem>>) dst(%dma_wait3A_331 : memref<10000x128xf32, #tpu.memory_space<vmem_shared>>)
        } else {
        }
        %add3A_296 = arith.constant 2 : i32
        %add3A_297 = arith.addi %add3A_287, %add3A_296 : i32
        %lt3A_298 = arith.cmpi slt, %add3A_297, %select_n3A : i32
        %convert_element_type3A_299 = arith.extui %lt3A_298 : i1 to i32
        %cond3A_300 = arith.constant 0 : i32
        %cond3A_301 = arith.cmpi ne, %convert_element_type3A_299, %cond3A_300 : i32
        scf.if %cond3A_301 {
          %dma_wait3A_324 = arith.constant 1 : i32
          %dma_wait3A_325 = arith.constant 0 : i32
          %dma_wait3A_326 = arith.constant 0 : i32
          %dma_wait3A_327 = tpu.memref_slice %arg5[%dma_wait3A_324, %dma_wait3A_325, %dma_wait3A_326] : memref<6x2x128xi32, #tpu.memory_space<vmem>> -> memref<1x2x128xi32, #tpu.memory_space<vmem>>
          %dma_wait3A_328 = tpu.memref_squeeze %dma_wait3A_327 : memref<1x2x128xi32, #tpu.memory_space<vmem>> -> memref<2x128xi32, #tpu.memory_space<vmem>>
          %dma_wait3A_329 = arith.constant 0 : i32
          %dma_wait3A_330 = tpu.memref_slice %arg3[%dma_wait3A_329, %mul3A_2] : memref<2x320000xi32, #tpu.memory_space<hbm>> -> memref<2x128xi32, #tpu.memory_space<hbm>>
          %dma_wait3A_331 = arith.constant 0 : i32
          %dma_wait3A_332 = arith.constant 0 : i32
          %dma_wait3A_333 = tpu.memref_slice %arg5[%dma_wait3A_324, %dma_wait3A_331, %dma_wait3A_332] : memref<6x2x128xi32, #tpu.memory_space<vmem>> -> memref<1x2x128xi32, #tpu.memory_space<vmem>>
          %dma_wait3A_334 = tpu.memref_squeeze %dma_wait3A_333 : memref<1x2x128xi32, #tpu.memory_space<vmem>> -> memref<2x128xi32, #tpu.memory_space<vmem>>
          %dma_wait3A_335 = arith.constant 0 : i32
          %dma_wait3A_336 = tpu.memref_slice %arg3[%dma_wait3A_335, %mul3A_2] : memref<2x320000xi32, #tpu.memory_space<hbm>> -> memref<2x128xi32, #tpu.memory_space<hbm>>
          tpu.wait_dma2 semaphore(%arg11 : memref<!tpu.dma_semaphore, #tpu.memory_space<semaphore_mem>>) src(%dma_wait3A_336 : memref<2x128xi32, #tpu.memory_space<hbm>>) dst(%dma_wait3A_334 : memref<2x128xi32, #tpu.memory_space<vmem>>)
          %dma_start3A_337 = arith.constant 1 : i32
          %dma_start3A_338 = arith.constant 0 : i32
          %dma_start3A_339 = arith.constant 0 : i32
          %dma_start3A_340 = tpu.memref_slice %arg5[%dma_start3A_337, %dma_start3A_338, %dma_start3A_339] : memref<6x2x128xi32, #tpu.memory_space<vmem>> -> memref<1x1x128xi32, #tpu.memory_space<vmem>>
          %dma_start3A_341 = tpu.memref_squeeze %dma_start3A_340 : memref<1x1x128xi32, #tpu.memory_space<vmem>> -> memref<128xi32, #tpu.memory_space<vmem>>
          %dma_start3A_342 = arith.constant 0 : i32
          %dma_start3A_343 = arith.constant 0 : i32
          %dma_start3A_344 = tpu.memref_slice %arg2[%dma_start3A_342, %dma_start3A_343] : memref<10240x128xf32, #tpu.memory_space<hbm>> -> memref<10240x128xf32, #tpu.memory_space<hbm>>
          tpu.enqueue_indirect_dma source(%dma_start3A_344 : memref<10240x128xf32, #tpu.memory_space<hbm>>) target(%arg8 : memref<128x128xf32, #tpu.memory_space<vmem>>) offsets(%dma_start3A_341 : memref<128xi32, #tpu.memory_space<vmem>>) semaphore(%arg15 : memref<!tpu.dma_semaphore, #tpu.memory_space<semaphore_mem>>)
        } else {
        }
        %dma_wait3A_302 = arith.constant 5 : i32
        %dma_wait3A_303 = arith.constant 0 : i32
        %dma_wait3A_304 = arith.constant 0 : i32
        %dma_wait3A_305 = tpu.memref_slice %arg5[%dma_wait3A_302, %dma_wait3A_303, %dma_wait3A_304] : memref<6x2x128xi32, #tpu.memory_space<vmem>> -> memref<1x1x128xi32, #tpu.memory_space<vmem>>
        %dma_wait3A_306 = tpu.memref_squeeze %dma_wait3A_305 : memref<1x1x128xi32, #tpu.memory_space<vmem>> -> memref<128xi32, #tpu.memory_space<vmem>>
        %dma_wait3A_307 = arith.constant 0 : i32
        %dma_wait3A_308 = arith.constant 0 : i32
        %dma_wait3A_309 = tpu.memref_slice %arg2[%dma_wait3A_307, %dma_wait3A_308] : memref<10240x128xf32, #tpu.memory_space<hbm>> -> memref<10240x128xf32, #tpu.memory_space<hbm>>
        tpu.wait_indirect_dma semaphore(%arg13 : memref<!tpu.dma_semaphore, #tpu.memory_space<semaphore_mem>>) src(%dma_wait3A_309 : memref<10240x128xf32, #tpu.memory_space<hbm>>) dst(%arg6 : memref<128x128xf32, #tpu.memory_space<vmem>>)
        %dma_start3A_310 = arith.constant 5 : i32
        %dma_start3A_311 = arith.constant 1 : i32
        %dma_start3A_312 = arith.constant 0 : i32
        %dma_start3A_313 = tpu.memref_slice %arg5[%dma_start3A_310, %dma_start3A_311, %dma_start3A_312] : memref<6x2x128xi32, #tpu.memory_space<vmem>> -> memref<1x1x128xi32, #tpu.memory_space<vmem>>
        %dma_start3A_314 = tpu.memref_squeeze %dma_start3A_313 : memref<1x1x128xi32, #tpu.memory_space<vmem>> -> memref<128xi32, #tpu.memory_space<vmem>>
        %dma_start3A_315 = arith.constant 0 : i32
        %dma_start3A_316 = arith.constant 0 : i32
        %dma_start3A_317 = tpu.memref_slice %arg9[%dma_start3A_315, %dma_start3A_316] : memref<10000x128xf32, #tpu.memory_space<vmem_shared>> -> memref<10000x128xf32, #tpu.memory_space<vmem_shared>>
        tpu.enqueue_indirect_dma source(%arg6 : memref<128x128xf32, #tpu.memory_space<vmem>>) target(%dma_start3A_317 : memref<10000x128xf32, #tpu.memory_space<vmem_shared>>) offsets(%dma_start3A_314 : memref<128xi32, #tpu.memory_space<vmem>>) semaphore(%arg16 : memref<!tpu.dma_semaphore, #tpu.memory_space<semaphore_mem>>) {add = true}
        %add3A_318 = arith.constant 5 : i32
        %add3A_319 = arith.addi %add3A_287, %add3A_318 : i32
        %lt3A_320 = arith.cmpi slt, %add3A_319, %select_n3A : i32
        %convert_element_type3A_321 = arith.extui %lt3A_320 : i1 to i32
        %cond3A_322 = arith.constant 0 : i32
        %cond3A_323 = arith.cmpi ne, %convert_element_type3A_321, %cond3A_322 : i32
        scf.if %cond3A_323 {
          %add3A_324 = arith.constant 5 : i32
          %add3A_325 = arith.addi %add3A_287, %add3A_324 : i32
          %mul3A_326 = arith.constant 128 : i32
          %mul3A_327 = arith.muli %add3A_325, %mul3A_326 : i32
          %add3A_328 = arith.addi %mul3A_2, %mul3A_327 : i32
          %dma_start3A_329 = arith.constant 4 : i32
          %dma_start3A_330 = arith.constant 0 : i32
          %dma_start3A_331 = arith.constant 0 : i32
          %dma_start3A_332 = tpu.memref_slice %arg5[%dma_start3A_329, %dma_start3A_330, %dma_start3A_331] : memref<6x2x128xi32, #tpu.memory_space<vmem>> -> memref<1x2x128xi32, #tpu.memory_space<vmem>>
          %dma_start3A_333 = tpu.memref_squeeze %dma_start3A_332 : memref<1x2x128xi32, #tpu.memory_space<vmem>> -> memref<2x128xi32, #tpu.memory_space<vmem>>
          %dma_start3A_334 = arith.constant 0 : i32
          %dma_start3A_335 = tpu.memref_slice %arg3[%dma_start3A_334, %add3A_328] : memref<2x320000xi32, #tpu.memory_space<hbm>> -> memref<2x128xi32, #tpu.memory_space<hbm>>
          %dma_start3A_336 = arith.constant 0 : i32
          %dma_start3A_337 = arith.constant 0 : i32
          %dma_start3A_338 = tpu.memref_slice %arg5[%dma_start3A_329, %dma_start3A_336, %dma_start3A_337] : memref<6x2x128xi32, #tpu.memory_space<vmem>> -> memref<1x2x128xi32, #tpu.memory_space<vmem>>
          %dma_start3A_339 = tpu.memref_squeeze %dma_start3A_338 : memref<1x2x128xi32, #tpu.memory_space<vmem>> -> memref<2x128xi32, #tpu.memory_space<vmem>>
          %dma_start3A_340 = arith.constant 0 : i32
          %dma_start3A_341 = tpu.memref_slice %arg3[%dma_start3A_340, %add3A_328] : memref<2x320000xi32, #tpu.memory_space<hbm>> -> memref<2x128xi32, #tpu.memory_space<hbm>>
          tpu.enqueue_dma source(%dma_start3A_341 : memref<2x128xi32, #tpu.memory_space<hbm>>) target(%dma_start3A_339 : memref<2x128xi32, #tpu.memory_space<vmem>>) target_semaphore(%arg11 : memref<!tpu.dma_semaphore, #tpu.memory_space<semaphore_mem>>)
        } else {
        }
      } else {
      }
    }
    %while3A_168 = arith.constant 1 : i32
    scf.for %while3A_243 = %while3A_166 to %while3A_162 step %while3A_168  : i32 {
      %mul3A_244 = arith.constant 6 : i32
      %mul3A_245 = arith.muli %mul3A_244, %while3A_243 : i32
      %add3A_246 = arith.constant 0 : i32
      %add3A_247 = arith.addi %mul3A_245, %add3A_246 : i32
      %lt3A_248 = arith.cmpi slt, %add3A_247, %select_n3A : i32
      %convert_element_type3A_249 = arith.extui %lt3A_248 : i1 to i32
      %cond3A_250 = arith.constant 0 : i32
      %cond3A_251 = arith.cmpi ne, %convert_element_type3A_249, %cond3A_250 : i32
      scf.if %cond3A_251 {
        %ge3A = arith.constant 1 : i32
        %ge3A_292 = arith.cmpi sge, %add3A_247, %ge3A : i32
        %convert_element_type3A_293 = arith.extui %ge3A_292 : i1 to i32
        %cond3A_294 = arith.constant 0 : i32
        %cond3A_295 = arith.cmpi ne, %convert_element_type3A_293, %cond3A_294 : i32
        scf.if %cond3A_295 {
          %dma_wait3A_324 = arith.constant 0 : i32
          %dma_wait3A_325 = arith.constant 1 : i32
          %dma_wait3A_326 = arith.constant 0 : i32
          %dma_wait3A_327 = tpu.memref_slice %arg5[%dma_wait3A_324, %dma_wait3A_325, %dma_wait3A_326] : memref<6x2x128xi32, #tpu.memory_space<vmem>> -> memref<1x1x128xi32, #tpu.memory_space<vmem>>
          %dma_wait3A_328 = tpu.memref_squeeze %dma_wait3A_327 : memref<1x1x128xi32, #tpu.memory_space<vmem>> -> memref<128xi32, #tpu.memory_space<vmem>>
          %dma_wait3A_329 = arith.constant 0 : i32
          %dma_wait3A_330 = arith.constant 0 : i32
          %dma_wait3A_331 = tpu.memref_slice %arg9[%dma_wait3A_329, %dma_wait3A_330] : memref<10000x128xf32, #tpu.memory_space<vmem_shared>> -> memref<10000x128xf32, #tpu.memory_space<vmem_shared>>
          tpu.wait_indirect_dma semaphore(%arg16 : memref<!tpu.dma_semaphore, #tpu.memory_space<semaphore_mem>>) src(%arg6 : memref<128x128xf32, #tpu.memory_space<vmem>>) dst(%dma_wait3A_331 : memref<10000x128xf32, #tpu.memory_space<vmem_shared>>)
        } else {
        }
        %add3A_296 = arith.constant 2 : i32
        %add3A_297 = arith.addi %add3A_247, %add3A_296 : i32
        %lt3A_298 = arith.cmpi slt, %add3A_297, %select_n3A : i32
        %convert_element_type3A_299 = arith.extui %lt3A_298 : i1 to i32
        %cond3A_300 = arith.constant 0 : i32
        %cond3A_301 = arith.cmpi ne, %convert_element_type3A_299, %cond3A_300 : i32
        scf.if %cond3A_301 {
          %dma_wait3A_324 = arith.constant 2 : i32
          %dma_wait3A_325 = arith.constant 0 : i32
          %dma_wait3A_326 = arith.constant 0 : i32
          %dma_wait3A_327 = tpu.memref_slice %arg5[%dma_wait3A_324, %dma_wait3A_325, %dma_wait3A_326] : memref<6x2x128xi32, #tpu.memory_space<vmem>> -> memref<1x2x128xi32, #tpu.memory_space<vmem>>
          %dma_wait3A_328 = tpu.memref_squeeze %dma_wait3A_327 : memref<1x2x128xi32, #tpu.memory_space<vmem>> -> memref<2x128xi32, #tpu.memory_space<vmem>>
          %dma_wait3A_329 = arith.constant 0 : i32
          %dma_wait3A_330 = tpu.memref_slice %arg3[%dma_wait3A_329, %mul3A_2] : memref<2x320000xi32, #tpu.memory_space<hbm>> -> memref<2x128xi32, #tpu.memory_space<hbm>>
          %dma_wait3A_331 = arith.constant 0 : i32
          %dma_wait3A_332 = arith.constant 0 : i32
          %dma_wait3A_333 = tpu.memref_slice %arg5[%dma_wait3A_324, %dma_wait3A_331, %dma_wait3A_332] : memref<6x2x128xi32, #tpu.memory_space<vmem>> -> memref<1x2x128xi32, #tpu.memory_space<vmem>>
          %dma_wait3A_334 = tpu.memref_squeeze %dma_wait3A_333 : memref<1x2x128xi32, #tpu.memory_space<vmem>> -> memref<2x128xi32, #tpu.memory_space<vmem>>
          %dma_wait3A_335 = arith.constant 0 : i32
          %dma_wait3A_336 = tpu.memref_slice %arg3[%dma_wait3A_335, %mul3A_2] : memref<2x320000xi32, #tpu.memory_space<hbm>> -> memref<2x128xi32, #tpu.memory_space<hbm>>
          tpu.wait_dma2 semaphore(%arg12 : memref<!tpu.dma_semaphore, #tpu.memory_space<semaphore_mem>>) src(%dma_wait3A_336 : memref<2x128xi32, #tpu.memory_space<hbm>>) dst(%dma_wait3A_334 : memref<2x128xi32, #tpu.memory_space<vmem>>)
          %dma_start3A_337 = arith.constant 2 : i32
          %dma_start3A_338 = arith.constant 0 : i32
          %dma_start3A_339 = arith.constant 0 : i32
          %dma_start3A_340 = tpu.memref_slice %arg5[%dma_start3A_337, %dma_start3A_338, %dma_start3A_339] : memref<6x2x128xi32, #tpu.memory_space<vmem>> -> memref<1x1x128xi32, #tpu.memory_space<vmem>>
          %dma_start3A_341 = tpu.memref_squeeze %dma_start3A_340 : memref<1x1x128xi32, #tpu.memory_space<vmem>> -> memref<128xi32, #tpu.memory_space<vmem>>
          %dma_start3A_342 = arith.constant 0 : i32
          %dma_start3A_343 = arith.constant 0 : i32
          %dma_start3A_344 = tpu.memref_slice %arg2[%dma_start3A_342, %dma_start3A_343] : memref<10240x128xf32, #tpu.memory_space<hbm>> -> memref<10240x128xf32, #tpu.memory_space<hbm>>
          tpu.enqueue_indirect_dma source(%dma_start3A_344 : memref<10240x128xf32, #tpu.memory_space<hbm>>) target(%arg6 : memref<128x128xf32, #tpu.memory_space<vmem>>) offsets(%dma_start3A_341 : memref<128xi32, #tpu.memory_space<vmem>>) semaphore(%arg13 : memref<!tpu.dma_semaphore, #tpu.memory_space<semaphore_mem>>)
        } else {
        }
        %dma_wait3A_302 = arith.constant 0 : i32
        %dma_wait3A_303 = arith.constant 0 : i32
        %dma_wait3A_304 = arith.constant 0 : i32
        %dma_wait3A_305 = tpu.memref_slice %arg5[%dma_wait3A_302, %dma_wait3A_303, %dma_wait3A_304] : memref<6x2x128xi32, #tpu.memory_space<vmem>> -> memref<1x1x128xi32, #tpu.memory_space<vmem>>
        %dma_wait3A_306 = tpu.memref_squeeze %dma_wait3A_305 : memref<1x1x128xi32, #tpu.memory_space<vmem>> -> memref<128xi32, #tpu.memory_space<vmem>>
        %dma_wait3A_307 = arith.constant 0 : i32
        %dma_wait3A_308 = arith.constant 0 : i32
        %dma_wait3A_309 = tpu.memref_slice %arg2[%dma_wait3A_307, %dma_wait3A_308] : memref<10240x128xf32, #tpu.memory_space<hbm>> -> memref<10240x128xf32, #tpu.memory_space<hbm>>
        tpu.wait_indirect_dma semaphore(%arg14 : memref<!tpu.dma_semaphore, #tpu.memory_space<semaphore_mem>>) src(%dma_wait3A_309 : memref<10240x128xf32, #tpu.memory_space<hbm>>) dst(%arg7 : memref<128x128xf32, #tpu.memory_space<vmem>>)
        %dma_start3A_310 = arith.constant 0 : i32
        %dma_start3A_311 = arith.constant 1 : i32
        %dma_start3A_312 = arith.constant 0 : i32
        %dma_start3A_313 = tpu.memref_slice %arg5[%dma_start3A_310, %dma_start3A_311, %dma_start3A_312] : memref<6x2x128xi32, #tpu.memory_space<vmem>> -> memref<1x1x128xi32, #tpu.memory_space<vmem>>
        %dma_start3A_314 = tpu.memref_squeeze %dma_start3A_313 : memref<1x1x128xi32, #tpu.memory_space<vmem>> -> memref<128xi32, #tpu.memory_space<vmem>>
        %dma_start3A_315 = arith.constant 0 : i32
        %dma_start3A_316 = arith.constant 0 : i32
        %dma_start3A_317 = tpu.memref_slice %arg9[%dma_start3A_315, %dma_start3A_316] : memref<10000x128xf32, #tpu.memory_space<vmem_shared>> -> memref<10000x128xf32, #tpu.memory_space<vmem_shared>>
        tpu.enqueue_indirect_dma source(%arg7 : memref<128x128xf32, #tpu.memory_space<vmem>>) target(%dma_start3A_317 : memref<10000x128xf32, #tpu.memory_space<vmem_shared>>) offsets(%dma_start3A_314 : memref<128xi32, #tpu.memory_space<vmem>>) semaphore(%arg17 : memref<!tpu.dma_semaphore, #tpu.memory_space<semaphore_mem>>) {add = true}
        %add3A_318 = arith.constant 5 : i32
        %add3A_319 = arith.addi %add3A_247, %add3A_318 : i32
        %lt3A_320 = arith.cmpi slt, %add3A_319, %select_n3A : i32
        %convert_element_type3A_321 = arith.extui %lt3A_320 : i1 to i32
        %cond3A_322 = arith.constant 0 : i32
        %cond3A_323 = arith.cmpi ne, %convert_element_type3A_321, %cond3A_322 : i32
        scf.if %cond3A_323 {
          %add3A_324 = arith.constant 5 : i32
          %add3A_325 = arith.addi %add3A_247, %add3A_324 : i32
          %mul3A_326 = arith.constant 128 : i32
          %mul3A_327 = arith.muli %add3A_325, %mul3A_326 : i32
          %add3A_328 = arith.addi %mul3A_2, %mul3A_327 : i32
          %dma_start3A_329 = arith.constant 5 : i32
          %dma_start3A_330 = arith.constant 0 : i32
          %dma_start3A_331 = arith.constant 0 : i32
          %dma_start3A_332 = tpu.memref_slice %arg5[%dma_start3A_329, %dma_start3A_330, %dma_start3A_331] : memref<6x2x128xi32, #tpu.memory_space<vmem>> -> memref<1x2x128xi32, #tpu.memory_space<vmem>>
          %dma_start3A_333 = tpu.memref_squeeze %dma_start3A_332 : memref<1x2x128xi32, #tpu.memory_space<vmem>> -> memref<2x128xi32, #tpu.memory_space<vmem>>
          %dma_start3A_334 = arith.constant 0 : i32
          %dma_start3A_335 = tpu.memref_slice %arg3[%dma_start3A_334, %add3A_328] : memref<2x320000xi32, #tpu.memory_space<hbm>> -> memref<2x128xi32, #tpu.memory_space<hbm>>
          %dma_start3A_336 = arith.constant 0 : i32
          %dma_start3A_337 = arith.constant 0 : i32
          %dma_start3A_338 = tpu.memref_slice %arg5[%dma_start3A_329, %dma_start3A_336, %dma_start3A_337] : memref<6x2x128xi32, #tpu.memory_space<vmem>> -> memref<1x2x128xi32, #tpu.memory_space<vmem>>
          %dma_start3A_339 = tpu.memref_squeeze %dma_start3A_338 : memref<1x2x128xi32, #tpu.memory_space<vmem>> -> memref<2x128xi32, #tpu.memory_space<vmem>>
          %dma_start3A_340 = arith.constant 0 : i32
          %dma_start3A_341 = tpu.memref_slice %arg3[%dma_start3A_340, %add3A_328] : memref<2x320000xi32, #tpu.memory_space<hbm>> -> memref<2x128xi32, #tpu.memory_space<hbm>>
          tpu.enqueue_dma source(%dma_start3A_341 : memref<2x128xi32, #tpu.memory_space<hbm>>) target(%dma_start3A_339 : memref<2x128xi32, #tpu.memory_space<vmem>>) target_semaphore(%arg12 : memref<!tpu.dma_semaphore, #tpu.memory_space<semaphore_mem>>)
        } else {
        }
      } else {
      }
      %mul3A_252 = arith.constant 6 : i32
      %mul3A_253 = arith.muli %mul3A_252, %while3A_243 : i32
      %add3A_254 = arith.constant 1 : i32
      %add3A_255 = arith.addi %mul3A_253, %add3A_254 : i32
      %lt3A_256 = arith.cmpi slt, %add3A_255, %select_n3A : i32
      %convert_element_type3A_257 = arith.extui %lt3A_256 : i1 to i32
      %cond3A_258 = arith.constant 0 : i32
      %cond3A_259 = arith.cmpi ne, %convert_element_type3A_257, %cond3A_258 : i32
      scf.if %cond3A_259 {
        %ge3A = arith.constant 1 : i32
        %ge3A_292 = arith.cmpi sge, %add3A_255, %ge3A : i32
        %convert_element_type3A_293 = arith.extui %ge3A_292 : i1 to i32
        %cond3A_294 = arith.constant 0 : i32
        %cond3A_295 = arith.cmpi ne, %convert_element_type3A_293, %cond3A_294 : i32
        scf.if %cond3A_295 {
          %dma_wait3A_324 = arith.constant 0 : i32
          %dma_wait3A_325 = arith.constant 1 : i32
          %dma_wait3A_326 = arith.constant 0 : i32
          %dma_wait3A_327 = tpu.memref_slice %arg5[%dma_wait3A_324, %dma_wait3A_325, %dma_wait3A_326] : memref<6x2x128xi32, #tpu.memory_space<vmem>> -> memref<1x1x128xi32, #tpu.memory_space<vmem>>
          %dma_wait3A_328 = tpu.memref_squeeze %dma_wait3A_327 : memref<1x1x128xi32, #tpu.memory_space<vmem>> -> memref<128xi32, #tpu.memory_space<vmem>>
          %dma_wait3A_329 = arith.constant 0 : i32
          %dma_wait3A_330 = arith.constant 0 : i32
          %dma_wait3A_331 = tpu.memref_slice %arg9[%dma_wait3A_329, %dma_wait3A_330] : memref<10000x128xf32, #tpu.memory_space<vmem_shared>> -> memref<10000x128xf32, #tpu.memory_space<vmem_shared>>
          tpu.wait_indirect_dma semaphore(%arg17 : memref<!tpu.dma_semaphore, #tpu.memory_space<semaphore_mem>>) src(%arg7 : memref<128x128xf32, #tpu.memory_space<vmem>>) dst(%dma_wait3A_331 : memref<10000x128xf32, #tpu.memory_space<vmem_shared>>)
        } else {
        }
        %add3A_296 = arith.constant 2 : i32
        %add3A_297 = arith.addi %add3A_255, %add3A_296 : i32
        %lt3A_298 = arith.cmpi slt, %add3A_297, %select_n3A : i32
        %convert_element_type3A_299 = arith.extui %lt3A_298 : i1 to i32
        %cond3A_300 = arith.constant 0 : i32
        %cond3A_301 = arith.cmpi ne, %convert_element_type3A_299, %cond3A_300 : i32
        scf.if %cond3A_301 {
          %dma_wait3A_324 = arith.constant 3 : i32
          %dma_wait3A_325 = arith.constant 0 : i32
          %dma_wait3A_326 = arith.constant 0 : i32
          %dma_wait3A_327 = tpu.memref_slice %arg5[%dma_wait3A_324, %dma_wait3A_325, %dma_wait3A_326] : memref<6x2x128xi32, #tpu.memory_space<vmem>> -> memref<1x2x128xi32, #tpu.memory_space<vmem>>
          %dma_wait3A_328 = tpu.memref_squeeze %dma_wait3A_327 : memref<1x2x128xi32, #tpu.memory_space<vmem>> -> memref<2x128xi32, #tpu.memory_space<vmem>>
          %dma_wait3A_329 = arith.constant 0 : i32
          %dma_wait3A_330 = tpu.memref_slice %arg3[%dma_wait3A_329, %mul3A_2] : memref<2x320000xi32, #tpu.memory_space<hbm>> -> memref<2x128xi32, #tpu.memory_space<hbm>>
          %dma_wait3A_331 = arith.constant 0 : i32
          %dma_wait3A_332 = arith.constant 0 : i32
          %dma_wait3A_333 = tpu.memref_slice %arg5[%dma_wait3A_324, %dma_wait3A_331, %dma_wait3A_332] : memref<6x2x128xi32, #tpu.memory_space<vmem>> -> memref<1x2x128xi32, #tpu.memory_space<vmem>>
          %dma_wait3A_334 = tpu.memref_squeeze %dma_wait3A_333 : memref<1x2x128xi32, #tpu.memory_space<vmem>> -> memref<2x128xi32, #tpu.memory_space<vmem>>
          %dma_wait3A_335 = arith.constant 0 : i32
          %dma_wait3A_336 = tpu.memref_slice %arg3[%dma_wait3A_335, %mul3A_2] : memref<2x320000xi32, #tpu.memory_space<hbm>> -> memref<2x128xi32, #tpu.memory_space<hbm>>
          tpu.wait_dma2 semaphore(%arg10 : memref<!tpu.dma_semaphore, #tpu.memory_space<semaphore_mem>>) src(%dma_wait3A_336 : memref<2x128xi32, #tpu.memory_space<hbm>>) dst(%dma_wait3A_334 : memref<2x128xi32, #tpu.memory_space<vmem>>)
          %dma_start3A_337 = arith.constant 3 : i32
          %dma_start3A_338 = arith.constant 0 : i32
          %dma_start3A_339 = arith.constant 0 : i32
          %dma_start3A_340 = tpu.memref_slice %arg5[%dma_start3A_337, %dma_start3A_338, %dma_start3A_339] : memref<6x2x128xi32, #tpu.memory_space<vmem>> -> memref<1x1x128xi32, #tpu.memory_space<vmem>>
          %dma_start3A_341 = tpu.memref_squeeze %dma_start3A_340 : memref<1x1x128xi32, #tpu.memory_space<vmem>> -> memref<128xi32, #tpu.memory_space<vmem>>
          %dma_start3A_342 = arith.constant 0 : i32
          %dma_start3A_343 = arith.constant 0 : i32
          %dma_start3A_344 = tpu.memref_slice %arg2[%dma_start3A_342, %dma_start3A_343] : memref<10240x128xf32, #tpu.memory_space<hbm>> -> memref<10240x128xf32, #tpu.memory_space<hbm>>
          tpu.enqueue_indirect_dma source(%dma_start3A_344 : memref<10240x128xf32, #tpu.memory_space<hbm>>) target(%arg7 : memref<128x128xf32, #tpu.memory_space<vmem>>) offsets(%dma_start3A_341 : memref<128xi32, #tpu.memory_space<vmem>>) semaphore(%arg14 : memref<!tpu.dma_semaphore, #tpu.memory_space<semaphore_mem>>)
        } else {
        }
        %dma_wait3A_302 = arith.constant 1 : i32
        %dma_wait3A_303 = arith.constant 0 : i32
        %dma_wait3A_304 = arith.constant 0 : i32
        %dma_wait3A_305 = tpu.memref_slice %arg5[%dma_wait3A_302, %dma_wait3A_303, %dma_wait3A_304] : memref<6x2x128xi32, #tpu.memory_space<vmem>> -> memref<1x1x128xi32, #tpu.memory_space<vmem>>
        %dma_wait3A_306 = tpu.memref_squeeze %dma_wait3A_305 : memref<1x1x128xi32, #tpu.memory_space<vmem>> -> memref<128xi32, #tpu.memory_space<vmem>>
        %dma_wait3A_307 = arith.constant 0 : i32
        %dma_wait3A_308 = arith.constant 0 : i32
        %dma_wait3A_309 = tpu.memref_slice %arg2[%dma_wait3A_307, %dma_wait3A_308] : memref<10240x128xf32, #tpu.memory_space<hbm>> -> memref<10240x128xf32, #tpu.memory_space<hbm>>
        tpu.wait_indirect_dma semaphore(%arg15 : memref<!tpu.dma_semaphore, #tpu.memory_space<semaphore_mem>>) src(%dma_wait3A_309 : memref<10240x128xf32, #tpu.memory_space<hbm>>) dst(%arg8 : memref<128x128xf32, #tpu.memory_space<vmem>>)
        %dma_start3A_310 = arith.constant 1 : i32
        %dma_start3A_311 = arith.constant 1 : i32
        %dma_start3A_312 = arith.constant 0 : i32
        %dma_start3A_313 = tpu.memref_slice %arg5[%dma_start3A_310, %dma_start3A_311, %dma_start3A_312] : memref<6x2x128xi32, #tpu.memory_space<vmem>> -> memref<1x1x128xi32, #tpu.memory_space<vmem>>
        %dma_start3A_314 = tpu.memref_squeeze %dma_start3A_313 : memref<1x1x128xi32, #tpu.memory_space<vmem>> -> memref<128xi32, #tpu.memory_space<vmem>>
        %dma_start3A_315 = arith.constant 0 : i32
        %dma_start3A_316 = arith.constant 0 : i32
        %dma_start3A_317 = tpu.memref_slice %arg9[%dma_start3A_315, %dma_start3A_316] : memref<10000x128xf32, #tpu.memory_space<vmem_shared>> -> memref<10000x128xf32, #tpu.memory_space<vmem_shared>>
        tpu.enqueue_indirect_dma source(%arg8 : memref<128x128xf32, #tpu.memory_space<vmem>>) target(%dma_start3A_317 : memref<10000x128xf32, #tpu.memory_space<vmem_shared>>) offsets(%dma_start3A_314 : memref<128xi32, #tpu.memory_space<vmem>>) semaphore(%arg18 : memref<!tpu.dma_semaphore, #tpu.memory_space<semaphore_mem>>) {add = true}
        %add3A_318 = arith.constant 5 : i32
        %add3A_319 = arith.addi %add3A_255, %add3A_318 : i32
        %lt3A_320 = arith.cmpi slt, %add3A_319, %select_n3A : i32
        %convert_element_type3A_321 = arith.extui %lt3A_320 : i1 to i32
        %cond3A_322 = arith.constant 0 : i32
        %cond3A_323 = arith.cmpi ne, %convert_element_type3A_321, %cond3A_322 : i32
        scf.if %cond3A_323 {
          %add3A_324 = arith.constant 5 : i32
          %add3A_325 = arith.addi %add3A_255, %add3A_324 : i32
          %mul3A_326 = arith.constant 128 : i32
          %mul3A_327 = arith.muli %add3A_325, %mul3A_326 : i32
          %add3A_328 = arith.addi %mul3A_2, %mul3A_327 : i32
          %dma_start3A_329 = arith.constant 0 : i32
          %dma_start3A_330 = arith.constant 0 : i32
          %dma_start3A_331 = arith.constant 0 : i32
          %dma_start3A_332 = tpu.memref_slice %arg5[%dma_start3A_329, %dma_start3A_330, %dma_start3A_331] : memref<6x2x128xi32, #tpu.memory_space<vmem>> -> memref<1x2x128xi32, #tpu.memory_space<vmem>>
          %dma_start3A_333 = tpu.memref_squeeze %dma_start3A_332 : memref<1x2x128xi32, #tpu.memory_space<vmem>> -> memref<2x128xi32, #tpu.memory_space<vmem>>
          %dma_start3A_334 = arith.constant 0 : i32
          %dma_start3A_335 = tpu.memref_slice %arg3[%dma_start3A_334, %add3A_328] : memref<2x320000xi32, #tpu.memory_space<hbm>> -> memref<2x128xi32, #tpu.memory_space<hbm>>
          %dma_start3A_336 = arith.constant 0 : i32
          %dma_start3A_337 = arith.constant 0 : i32
          %dma_start3A_338 = tpu.memref_slice %arg5[%dma_start3A_329, %dma_start3A_336, %dma_start3A_337] : memref<6x2x128xi32, #tpu.memory_space<vmem>> -> memref<1x2x128xi32, #tpu.memory_space<vmem>>
          %dma_start3A_339 = tpu.memref_squeeze %dma_start3A_338 : memref<1x2x128xi32, #tpu.memory_space<vmem>> -> memref<2x128xi32, #tpu.memory_space<vmem>>
          %dma_start3A_340 = arith.constant 0 : i32
          %dma_start3A_341 = tpu.memref_slice %arg3[%dma_start3A_340, %add3A_328] : memref<2x320000xi32, #tpu.memory_space<hbm>> -> memref<2x128xi32, #tpu.memory_space<hbm>>
          tpu.enqueue_dma source(%dma_start3A_341 : memref<2x128xi32, #tpu.memory_space<hbm>>) target(%dma_start3A_339 : memref<2x128xi32, #tpu.memory_space<vmem>>) target_semaphore(%arg10 : memref<!tpu.dma_semaphore, #tpu.memory_space<semaphore_mem>>)
        } else {
        }
      } else {
      }
      %mul3A_260 = arith.constant 6 : i32
      %mul3A_261 = arith.muli %mul3A_260, %while3A_243 : i32
      %add3A_262 = arith.constant 2 : i32
      %add3A_263 = arith.addi %mul3A_261, %add3A_262 : i32
      %lt3A_264 = arith.cmpi slt, %add3A_263, %select_n3A : i32
      %convert_element_type3A_265 = arith.extui %lt3A_264 : i1 to i32
      %cond3A_266 = arith.constant 0 : i32
      %cond3A_267 = arith.cmpi ne, %convert_element_type3A_265, %cond3A_266 : i32
      scf.if %cond3A_267 {
        %ge3A = arith.constant 1 : i32
        %ge3A_292 = arith.cmpi sge, %add3A_263, %ge3A : i32
        %convert_element_type3A_293 = arith.extui %ge3A_292 : i1 to i32
        %cond3A_294 = arith.constant 0 : i32
        %cond3A_295 = arith.cmpi ne, %convert_element_type3A_293, %cond3A_294 : i32
        scf.if %cond3A_295 {
          %dma_wait3A_324 = arith.constant 0 : i32
          %dma_wait3A_325 = arith.constant 1 : i32
          %dma_wait3A_326 = arith.constant 0 : i32
          %dma_wait3A_327 = tpu.memref_slice %arg5[%dma_wait3A_324, %dma_wait3A_325, %dma_wait3A_326] : memref<6x2x128xi32, #tpu.memory_space<vmem>> -> memref<1x1x128xi32, #tpu.memory_space<vmem>>
          %dma_wait3A_328 = tpu.memref_squeeze %dma_wait3A_327 : memref<1x1x128xi32, #tpu.memory_space<vmem>> -> memref<128xi32, #tpu.memory_space<vmem>>
          %dma_wait3A_329 = arith.constant 0 : i32
          %dma_wait3A_330 = arith.constant 0 : i32
          %dma_wait3A_331 = tpu.memref_slice %arg9[%dma_wait3A_329, %dma_wait3A_330] : memref<10000x128xf32, #tpu.memory_space<vmem_shared>> -> memref<10000x128xf32, #tpu.memory_space<vmem_shared>>
          tpu.wait_indirect_dma semaphore(%arg18 : memref<!tpu.dma_semaphore, #tpu.memory_space<semaphore_mem>>) src(%arg8 : memref<128x128xf32, #tpu.memory_space<vmem>>) dst(%dma_wait3A_331 : memref<10000x128xf32, #tpu.memory_space<vmem_shared>>)
        } else {
        }
        %add3A_296 = arith.constant 2 : i32
        %add3A_297 = arith.addi %add3A_263, %add3A_296 : i32
        %lt3A_298 = arith.cmpi slt, %add3A_297, %select_n3A : i32
        %convert_element_type3A_299 = arith.extui %lt3A_298 : i1 to i32
        %cond3A_300 = arith.constant 0 : i32
        %cond3A_301 = arith.cmpi ne, %convert_element_type3A_299, %cond3A_300 : i32
        scf.if %cond3A_301 {
          %dma_wait3A_324 = arith.constant 4 : i32
          %dma_wait3A_325 = arith.constant 0 : i32
          %dma_wait3A_326 = arith.constant 0 : i32
          %dma_wait3A_327 = tpu.memref_slice %arg5[%dma_wait3A_324, %dma_wait3A_325, %dma_wait3A_326] : memref<6x2x128xi32, #tpu.memory_space<vmem>> -> memref<1x2x128xi32, #tpu.memory_space<vmem>>
          %dma_wait3A_328 = tpu.memref_squeeze %dma_wait3A_327 : memref<1x2x128xi32, #tpu.memory_space<vmem>> -> memref<2x128xi32, #tpu.memory_space<vmem>>
          %dma_wait3A_329 = arith.constant 0 : i32
          %dma_wait3A_330 = tpu.memref_slice %arg3[%dma_wait3A_329, %mul3A_2] : memref<2x320000xi32, #tpu.memory_space<hbm>> -> memref<2x128xi32, #tpu.memory_space<hbm>>
          %dma_wait3A_331 = arith.constant 0 : i32
          %dma_wait3A_332 = arith.constant 0 : i32
          %dma_wait3A_333 = tpu.memref_slice %arg5[%dma_wait3A_324, %dma_wait3A_331, %dma_wait3A_332] : memref<6x2x128xi32, #tpu.memory_space<vmem>> -> memref<1x2x128xi32, #tpu.memory_space<vmem>>
          %dma_wait3A_334 = tpu.memref_squeeze %dma_wait3A_333 : memref<1x2x128xi32, #tpu.memory_space<vmem>> -> memref<2x128xi32, #tpu.memory_space<vmem>>
          %dma_wait3A_335 = arith.constant 0 : i32
          %dma_wait3A_336 = tpu.memref_slice %arg3[%dma_wait3A_335, %mul3A_2] : memref<2x320000xi32, #tpu.memory_space<hbm>> -> memref<2x128xi32, #tpu.memory_space<hbm>>
          tpu.wait_dma2 semaphore(%arg11 : memref<!tpu.dma_semaphore, #tpu.memory_space<semaphore_mem>>) src(%dma_wait3A_336 : memref<2x128xi32, #tpu.memory_space<hbm>>) dst(%dma_wait3A_334 : memref<2x128xi32, #tpu.memory_space<vmem>>)
          %dma_start3A_337 = arith.constant 4 : i32
          %dma_start3A_338 = arith.constant 0 : i32
          %dma_start3A_339 = arith.constant 0 : i32
          %dma_start3A_340 = tpu.memref_slice %arg5[%dma_start3A_337, %dma_start3A_338, %dma_start3A_339] : memref<6x2x128xi32, #tpu.memory_space<vmem>> -> memref<1x1x128xi32, #tpu.memory_space<vmem>>
          %dma_start3A_341 = tpu.memref_squeeze %dma_start3A_340 : memref<1x1x128xi32, #tpu.memory_space<vmem>> -> memref<128xi32, #tpu.memory_space<vmem>>
          %dma_start3A_342 = arith.constant 0 : i32
          %dma_start3A_343 = arith.constant 0 : i32
          %dma_start3A_344 = tpu.memref_slice %arg2[%dma_start3A_342, %dma_start3A_343] : memref<10240x128xf32, #tpu.memory_space<hbm>> -> memref<10240x128xf32, #tpu.memory_space<hbm>>
          tpu.enqueue_indirect_dma source(%dma_start3A_344 : memref<10240x128xf32, #tpu.memory_space<hbm>>) target(%arg8 : memref<128x128xf32, #tpu.memory_space<vmem>>) offsets(%dma_start3A_341 : memref<128xi32, #tpu.memory_space<vmem>>) semaphore(%arg15 : memref<!tpu.dma_semaphore, #tpu.memory_space<semaphore_mem>>)
        } else {
        }
        %dma_wait3A_302 = arith.constant 2 : i32
        %dma_wait3A_303 = arith.constant 0 : i32
        %dma_wait3A_304 = arith.constant 0 : i32
        %dma_wait3A_305 = tpu.memref_slice %arg5[%dma_wait3A_302, %dma_wait3A_303, %dma_wait3A_304] : memref<6x2x128xi32, #tpu.memory_space<vmem>> -> memref<1x1x128xi32, #tpu.memory_space<vmem>>
        %dma_wait3A_306 = tpu.memref_squeeze %dma_wait3A_305 : memref<1x1x128xi32, #tpu.memory_space<vmem>> -> memref<128xi32, #tpu.memory_space<vmem>>
        %dma_wait3A_307 = arith.constant 0 : i32
        %dma_wait3A_308 = arith.constant 0 : i32
        %dma_wait3A_309 = tpu.memref_slice %arg2[%dma_wait3A_307, %dma_wait3A_308] : memref<10240x128xf32, #tpu.memory_space<hbm>> -> memref<10240x128xf32, #tpu.memory_space<hbm>>
        tpu.wait_indirect_dma semaphore(%arg13 : memref<!tpu.dma_semaphore, #tpu.memory_space<semaphore_mem>>) src(%dma_wait3A_309 : memref<10240x128xf32, #tpu.memory_space<hbm>>) dst(%arg6 : memref<128x128xf32, #tpu.memory_space<vmem>>)
        %dma_start3A_310 = arith.constant 2 : i32
        %dma_start3A_311 = arith.constant 1 : i32
        %dma_start3A_312 = arith.constant 0 : i32
        %dma_start3A_313 = tpu.memref_slice %arg5[%dma_start3A_310, %dma_start3A_311, %dma_start3A_312] : memref<6x2x128xi32, #tpu.memory_space<vmem>> -> memref<1x1x128xi32, #tpu.memory_space<vmem>>
        %dma_start3A_314 = tpu.memref_squeeze %dma_start3A_313 : memref<1x1x128xi32, #tpu.memory_space<vmem>> -> memref<128xi32, #tpu.memory_space<vmem>>
        %dma_start3A_315 = arith.constant 0 : i32
        %dma_start3A_316 = arith.constant 0 : i32
        %dma_start3A_317 = tpu.memref_slice %arg9[%dma_start3A_315, %dma_start3A_316] : memref<10000x128xf32, #tpu.memory_space<vmem_shared>> -> memref<10000x128xf32, #tpu.memory_space<vmem_shared>>
        tpu.enqueue_indirect_dma source(%arg6 : memref<128x128xf32, #tpu.memory_space<vmem>>) target(%dma_start3A_317 : memref<10000x128xf32, #tpu.memory_space<vmem_shared>>) offsets(%dma_start3A_314 : memref<128xi32, #tpu.memory_space<vmem>>) semaphore(%arg16 : memref<!tpu.dma_semaphore, #tpu.memory_space<semaphore_mem>>) {add = true}
        %add3A_318 = arith.constant 5 : i32
        %add3A_319 = arith.addi %add3A_263, %add3A_318 : i32
        %lt3A_320 = arith.cmpi slt, %add3A_319, %select_n3A : i32
        %convert_element_type3A_321 = arith.extui %lt3A_320 : i1 to i32
        %cond3A_322 = arith.constant 0 : i32
        %cond3A_323 = arith.cmpi ne, %convert_element_type3A_321, %cond3A_322 : i32
        scf.if %cond3A_323 {
          %add3A_324 = arith.constant 5 : i32
          %add3A_325 = arith.addi %add3A_263, %add3A_324 : i32
          %mul3A_326 = arith.constant 128 : i32
          %mul3A_327 = arith.muli %add3A_325, %mul3A_326 : i32
          %add3A_328 = arith.addi %mul3A_2, %mul3A_327 : i32
          %dma_start3A_329 = arith.constant 1 : i32
          %dma_start3A_330 = arith.constant 0 : i32
          %dma_start3A_331 = arith.constant 0 : i32
          %dma_start3A_332 = tpu.memref_slice %arg5[%dma_start3A_329, %dma_start3A_330, %dma_start3A_331] : memref<6x2x128xi32, #tpu.memory_space<vmem>> -> memref<1x2x128xi32, #tpu.memory_space<vmem>>
          %dma_start3A_333 = tpu.memref_squeeze %dma_start3A_332 : memref<1x2x128xi32, #tpu.memory_space<vmem>> -> memref<2x128xi32, #tpu.memory_space<vmem>>
          %dma_start3A_334 = arith.constant 0 : i32
          %dma_start3A_335 = tpu.memref_slice %arg3[%dma_start3A_334, %add3A_328] : memref<2x320000xi32, #tpu.memory_space<hbm>> -> memref<2x128xi32, #tpu.memory_space<hbm>>
          %dma_start3A_336 = arith.constant 0 : i32
          %dma_start3A_337 = arith.constant 0 : i32
          %dma_start3A_338 = tpu.memref_slice %arg5[%dma_start3A_329, %dma_start3A_336, %dma_start3A_337] : memref<6x2x128xi32, #tpu.memory_space<vmem>> -> memref<1x2x128xi32, #tpu.memory_space<vmem>>
          %dma_start3A_339 = tpu.memref_squeeze %dma_start3A_338 : memref<1x2x128xi32, #tpu.memory_space<vmem>> -> memref<2x128xi32, #tpu.memory_space<vmem>>
          %dma_start3A_340 = arith.constant 0 : i32
          %dma_start3A_341 = tpu.memref_slice %arg3[%dma_start3A_340, %add3A_328] : memref<2x320000xi32, #tpu.memory_space<hbm>> -> memref<2x128xi32, #tpu.memory_space<hbm>>
          tpu.enqueue_dma source(%dma_start3A_341 : memref<2x128xi32, #tpu.memory_space<hbm>>) target(%dma_start3A_339 : memref<2x128xi32, #tpu.memory_space<vmem>>) target_semaphore(%arg11 : memref<!tpu.dma_semaphore, #tpu.memory_space<semaphore_mem>>)
        } else {
        }
      } else {
      }
      %mul3A_268 = arith.constant 6 : i32
      %mul3A_269 = arith.muli %mul3A_268, %while3A_243 : i32
      %add3A_270 = arith.constant 3 : i32
      %add3A_271 = arith.addi %mul3A_269, %add3A_270 : i32
      %lt3A_272 = arith.cmpi slt, %add3A_271, %select_n3A : i32
      %convert_element_type3A_273 = arith.extui %lt3A_272 : i1 to i32
      %cond3A_274 = arith.constant 0 : i32
      %cond3A_275 = arith.cmpi ne, %convert_element_type3A_273, %cond3A_274 : i32
      scf.if %cond3A_275 {
        %ge3A = arith.constant 1 : i32
        %ge3A_292 = arith.cmpi sge, %add3A_271, %ge3A : i32
        %convert_element_type3A_293 = arith.extui %ge3A_292 : i1 to i32
        %cond3A_294 = arith.constant 0 : i32
        %cond3A_295 = arith.cmpi ne, %convert_element_type3A_293, %cond3A_294 : i32
        scf.if %cond3A_295 {
          %dma_wait3A_324 = arith.constant 0 : i32
          %dma_wait3A_325 = arith.constant 1 : i32
          %dma_wait3A_326 = arith.constant 0 : i32
          %dma_wait3A_327 = tpu.memref_slice %arg5[%dma_wait3A_324, %dma_wait3A_325, %dma_wait3A_326] : memref<6x2x128xi32, #tpu.memory_space<vmem>> -> memref<1x1x128xi32, #tpu.memory_space<vmem>>
          %dma_wait3A_328 = tpu.memref_squeeze %dma_wait3A_327 : memref<1x1x128xi32, #tpu.memory_space<vmem>> -> memref<128xi32, #tpu.memory_space<vmem>>
          %dma_wait3A_329 = arith.constant 0 : i32
          %dma_wait3A_330 = arith.constant 0 : i32
          %dma_wait3A_331 = tpu.memref_slice %arg9[%dma_wait3A_329, %dma_wait3A_330] : memref<10000x128xf32, #tpu.memory_space<vmem_shared>> -> memref<10000x128xf32, #tpu.memory_space<vmem_shared>>
          tpu.wait_indirect_dma semaphore(%arg16 : memref<!tpu.dma_semaphore, #tpu.memory_space<semaphore_mem>>) src(%arg6 : memref<128x128xf32, #tpu.memory_space<vmem>>) dst(%dma_wait3A_331 : memref<10000x128xf32, #tpu.memory_space<vmem_shared>>)
        } else {
        }
        %add3A_296 = arith.constant 2 : i32
        %add3A_297 = arith.addi %add3A_271, %add3A_296 : i32
        %lt3A_298 = arith.cmpi slt, %add3A_297, %select_n3A : i32
        %convert_element_type3A_299 = arith.extui %lt3A_298 : i1 to i32
        %cond3A_300 = arith.constant 0 : i32
        %cond3A_301 = arith.cmpi ne, %convert_element_type3A_299, %cond3A_300 : i32
        scf.if %cond3A_301 {
          %dma_wait3A_324 = arith.constant 5 : i32
          %dma_wait3A_325 = arith.constant 0 : i32
          %dma_wait3A_326 = arith.constant 0 : i32
          %dma_wait3A_327 = tpu.memref_slice %arg5[%dma_wait3A_324, %dma_wait3A_325, %dma_wait3A_326] : memref<6x2x128xi32, #tpu.memory_space<vmem>> -> memref<1x2x128xi32, #tpu.memory_space<vmem>>
          %dma_wait3A_328 = tpu.memref_squeeze %dma_wait3A_327 : memref<1x2x128xi32, #tpu.memory_space<vmem>> -> memref<2x128xi32, #tpu.memory_space<vmem>>
          %dma_wait3A_329 = arith.constant 0 : i32
          %dma_wait3A_330 = tpu.memref_slice %arg3[%dma_wait3A_329, %mul3A_2] : memref<2x320000xi32, #tpu.memory_space<hbm>> -> memref<2x128xi32, #tpu.memory_space<hbm>>
          %dma_wait3A_331 = arith.constant 0 : i32
          %dma_wait3A_332 = arith.constant 0 : i32
          %dma_wait3A_333 = tpu.memref_slice %arg5[%dma_wait3A_324, %dma_wait3A_331, %dma_wait3A_332] : memref<6x2x128xi32, #tpu.memory_space<vmem>> -> memref<1x2x128xi32, #tpu.memory_space<vmem>>
          %dma_wait3A_334 = tpu.memref_squeeze %dma_wait3A_333 : memref<1x2x128xi32, #tpu.memory_space<vmem>> -> memref<2x128xi32, #tpu.memory_space<vmem>>
          %dma_wait3A_335 = arith.constant 0 : i32
          %dma_wait3A_336 = tpu.memref_slice %arg3[%dma_wait3A_335, %mul3A_2] : memref<2x320000xi32, #tpu.memory_space<hbm>> -> memref<2x128xi32, #tpu.memory_space<hbm>>
          tpu.wait_dma2 semaphore(%arg12 : memref<!tpu.dma_semaphore, #tpu.memory_space<semaphore_mem>>) src(%dma_wait3A_336 : memref<2x128xi32, #tpu.memory_space<hbm>>) dst(%dma_wait3A_334 : memref<2x128xi32, #tpu.memory_space<vmem>>)
          %dma_start3A_337 = arith.constant 5 : i32
          %dma_start3A_338 = arith.constant 0 : i32
          %dma_start3A_339 = arith.constant 0 : i32
          %dma_start3A_340 = tpu.memref_slice %arg5[%dma_start3A_337, %dma_start3A_338, %dma_start3A_339] : memref<6x2x128xi32, #tpu.memory_space<vmem>> -> memref<1x1x128xi32, #tpu.memory_space<vmem>>
          %dma_start3A_341 = tpu.memref_squeeze %dma_start3A_340 : memref<1x1x128xi32, #tpu.memory_space<vmem>> -> memref<128xi32, #tpu.memory_space<vmem>>
          %dma_start3A_342 = arith.constant 0 : i32
          %dma_start3A_343 = arith.constant 0 : i32
          %dma_start3A_344 = tpu.memref_slice %arg2[%dma_start3A_342, %dma_start3A_343] : memref<10240x128xf32, #tpu.memory_space<hbm>> -> memref<10240x128xf32, #tpu.memory_space<hbm>>
          tpu.enqueue_indirect_dma source(%dma_start3A_344 : memref<10240x128xf32, #tpu.memory_space<hbm>>) target(%arg6 : memref<128x128xf32, #tpu.memory_space<vmem>>) offsets(%dma_start3A_341 : memref<128xi32, #tpu.memory_space<vmem>>) semaphore(%arg13 : memref<!tpu.dma_semaphore, #tpu.memory_space<semaphore_mem>>)
        } else {
        }
        %dma_wait3A_302 = arith.constant 3 : i32
        %dma_wait3A_303 = arith.constant 0 : i32
        %dma_wait3A_304 = arith.constant 0 : i32
        %dma_wait3A_305 = tpu.memref_slice %arg5[%dma_wait3A_302, %dma_wait3A_303, %dma_wait3A_304] : memref<6x2x128xi32, #tpu.memory_space<vmem>> -> memref<1x1x128xi32, #tpu.memory_space<vmem>>
        %dma_wait3A_306 = tpu.memref_squeeze %dma_wait3A_305 : memref<1x1x128xi32, #tpu.memory_space<vmem>> -> memref<128xi32, #tpu.memory_space<vmem>>
        %dma_wait3A_307 = arith.constant 0 : i32
        %dma_wait3A_308 = arith.constant 0 : i32
        %dma_wait3A_309 = tpu.memref_slice %arg2[%dma_wait3A_307, %dma_wait3A_308] : memref<10240x128xf32, #tpu.memory_space<hbm>> -> memref<10240x128xf32, #tpu.memory_space<hbm>>
        tpu.wait_indirect_dma semaphore(%arg14 : memref<!tpu.dma_semaphore, #tpu.memory_space<semaphore_mem>>) src(%dma_wait3A_309 : memref<10240x128xf32, #tpu.memory_space<hbm>>) dst(%arg7 : memref<128x128xf32, #tpu.memory_space<vmem>>)
        %dma_start3A_310 = arith.constant 3 : i32
        %dma_start3A_311 = arith.constant 1 : i32
        %dma_start3A_312 = arith.constant 0 : i32
        %dma_start3A_313 = tpu.memref_slice %arg5[%dma_start3A_310, %dma_start3A_311, %dma_start3A_312] : memref<6x2x128xi32, #tpu.memory_space<vmem>> -> memref<1x1x128xi32, #tpu.memory_space<vmem>>
        %dma_start3A_314 = tpu.memref_squeeze %dma_start3A_313 : memref<1x1x128xi32, #tpu.memory_space<vmem>> -> memref<128xi32, #tpu.memory_space<vmem>>
        %dma_start3A_315 = arith.constant 0 : i32
        %dma_start3A_316 = arith.constant 0 : i32
        %dma_start3A_317 = tpu.memref_slice %arg9[%dma_start3A_315, %dma_start3A_316] : memref<10000x128xf32, #tpu.memory_space<vmem_shared>> -> memref<10000x128xf32, #tpu.memory_space<vmem_shared>>
        tpu.enqueue_indirect_dma source(%arg7 : memref<128x128xf32, #tpu.memory_space<vmem>>) target(%dma_start3A_317 : memref<10000x128xf32, #tpu.memory_space<vmem_shared>>) offsets(%dma_start3A_314 : memref<128xi32, #tpu.memory_space<vmem>>) semaphore(%arg17 : memref<!tpu.dma_semaphore, #tpu.memory_space<semaphore_mem>>) {add = true}
        %add3A_318 = arith.constant 5 : i32
        %add3A_319 = arith.addi %add3A_271, %add3A_318 : i32
        %lt3A_320 = arith.cmpi slt, %add3A_319, %select_n3A : i32
        %convert_element_type3A_321 = arith.extui %lt3A_320 : i1 to i32
        %cond3A_322 = arith.constant 0 : i32
        %cond3A_323 = arith.cmpi ne, %convert_element_type3A_321, %cond3A_322 : i32
        scf.if %cond3A_323 {
          %add3A_324 = arith.constant 5 : i32
          %add3A_325 = arith.addi %add3A_271, %add3A_324 : i32
          %mul3A_326 = arith.constant 128 : i32
          %mul3A_327 = arith.muli %add3A_325, %mul3A_326 : i32
          %add3A_328 = arith.addi %mul3A_2, %mul3A_327 : i32
          %dma_start3A_329 = arith.constant 2 : i32
          %dma_start3A_330 = arith.constant 0 : i32
          %dma_start3A_331 = arith.constant 0 : i32
          %dma_start3A_332 = tpu.memref_slice %arg5[%dma_start3A_329, %dma_start3A_330, %dma_start3A_331] : memref<6x2x128xi32, #tpu.memory_space<vmem>> -> memref<1x2x128xi32, #tpu.memory_space<vmem>>
          %dma_start3A_333 = tpu.memref_squeeze %dma_start3A_332 : memref<1x2x128xi32, #tpu.memory_space<vmem>> -> memref<2x128xi32, #tpu.memory_space<vmem>>
          %dma_start3A_334 = arith.constant 0 : i32
          %dma_start3A_335 = tpu.memref_slice %arg3[%dma_start3A_334, %add3A_328] : memref<2x320000xi32, #tpu.memory_space<hbm>> -> memref<2x128xi32, #tpu.memory_space<hbm>>
          %dma_start3A_336 = arith.constant 0 : i32
          %dma_start3A_337 = arith.constant 0 : i32
          %dma_start3A_338 = tpu.memref_slice %arg5[%dma_start3A_329, %dma_start3A_336, %dma_start3A_337] : memref<6x2x128xi32, #tpu.memory_space<vmem>> -> memref<1x2x128xi32, #tpu.memory_space<vmem>>
          %dma_start3A_339 = tpu.memref_squeeze %dma_start3A_338 : memref<1x2x128xi32, #tpu.memory_space<vmem>> -> memref<2x128xi32, #tpu.memory_space<vmem>>
          %dma_start3A_340 = arith.constant 0 : i32
          %dma_start3A_341 = tpu.memref_slice %arg3[%dma_start3A_340, %add3A_328] : memref<2x320000xi32, #tpu.memory_space<hbm>> -> memref<2x128xi32, #tpu.memory_space<hbm>>
          tpu.enqueue_dma source(%dma_start3A_341 : memref<2x128xi32, #tpu.memory_space<hbm>>) target(%dma_start3A_339 : memref<2x128xi32, #tpu.memory_space<vmem>>) target_semaphore(%arg12 : memref<!tpu.dma_semaphore, #tpu.memory_space<semaphore_mem>>)
        } else {
        }
      } else {
      }
      %mul3A_276 = arith.constant 6 : i32
      %mul3A_277 = arith.muli %mul3A_276, %while3A_243 : i32
      %add3A_278 = arith.constant 4 : i32
      %add3A_279 = arith.addi %mul3A_277, %add3A_278 : i32
      %lt3A_280 = arith.cmpi slt, %add3A_279, %select_n3A : i32
      %convert_element_type3A_281 = arith.extui %lt3A_280 : i1 to i32
      %cond3A_282 = arith.constant 0 : i32
      %cond3A_283 = arith.cmpi ne, %convert_element_type3A_281, %cond3A_282 : i32
      scf.if %cond3A_283 {
        %ge3A = arith.constant 1 : i32
        %ge3A_292 = arith.cmpi sge, %add3A_279, %ge3A : i32
        %convert_element_type3A_293 = arith.extui %ge3A_292 : i1 to i32
        %cond3A_294 = arith.constant 0 : i32
        %cond3A_295 = arith.cmpi ne, %convert_element_type3A_293, %cond3A_294 : i32
        scf.if %cond3A_295 {
          %dma_wait3A_324 = arith.constant 0 : i32
          %dma_wait3A_325 = arith.constant 1 : i32
          %dma_wait3A_326 = arith.constant 0 : i32
          %dma_wait3A_327 = tpu.memref_slice %arg5[%dma_wait3A_324, %dma_wait3A_325, %dma_wait3A_326] : memref<6x2x128xi32, #tpu.memory_space<vmem>> -> memref<1x1x128xi32, #tpu.memory_space<vmem>>
          %dma_wait3A_328 = tpu.memref_squeeze %dma_wait3A_327 : memref<1x1x128xi32, #tpu.memory_space<vmem>> -> memref<128xi32, #tpu.memory_space<vmem>>
          %dma_wait3A_329 = arith.constant 0 : i32
          %dma_wait3A_330 = arith.constant 0 : i32
          %dma_wait3A_331 = tpu.memref_slice %arg9[%dma_wait3A_329, %dma_wait3A_330] : memref<10000x128xf32, #tpu.memory_space<vmem_shared>> -> memref<10000x128xf32, #tpu.memory_space<vmem_shared>>
          tpu.wait_indirect_dma semaphore(%arg17 : memref<!tpu.dma_semaphore, #tpu.memory_space<semaphore_mem>>) src(%arg7 : memref<128x128xf32, #tpu.memory_space<vmem>>) dst(%dma_wait3A_331 : memref<10000x128xf32, #tpu.memory_space<vmem_shared>>)
        } else {
        }
        %add3A_296 = arith.constant 2 : i32
        %add3A_297 = arith.addi %add3A_279, %add3A_296 : i32
        %lt3A_298 = arith.cmpi slt, %add3A_297, %select_n3A : i32
        %convert_element_type3A_299 = arith.extui %lt3A_298 : i1 to i32
        %cond3A_300 = arith.constant 0 : i32
        %cond3A_301 = arith.cmpi ne, %convert_element_type3A_299, %cond3A_300 : i32
        scf.if %cond3A_301 {
          %dma_wait3A_324 = arith.constant 0 : i32
          %dma_wait3A_325 = arith.constant 0 : i32
          %dma_wait3A_326 = arith.constant 0 : i32
          %dma_wait3A_327 = tpu.memref_slice %arg5[%dma_wait3A_324, %dma_wait3A_325, %dma_wait3A_326] : memref<6x2x128xi32, #tpu.memory_space<vmem>> -> memref<1x2x128xi32, #tpu.memory_space<vmem>>
          %dma_wait3A_328 = tpu.memref_squeeze %dma_wait3A_327 : memref<1x2x128xi32, #tpu.memory_space<vmem>> -> memref<2x128xi32, #tpu.memory_space<vmem>>
          %dma_wait3A_329 = arith.constant 0 : i32
          %dma_wait3A_330 = tpu.memref_slice %arg3[%dma_wait3A_329, %mul3A_2] : memref<2x320000xi32, #tpu.memory_space<hbm>> -> memref<2x128xi32, #tpu.memory_space<hbm>>
          %dma_wait3A_331 = arith.constant 0 : i32
          %dma_wait3A_332 = arith.constant 0 : i32
          %dma_wait3A_333 = tpu.memref_slice %arg5[%dma_wait3A_324, %dma_wait3A_331, %dma_wait3A_332] : memref<6x2x128xi32, #tpu.memory_space<vmem>> -> memref<1x2x128xi32, #tpu.memory_space<vmem>>
          %dma_wait3A_334 = tpu.memref_squeeze %dma_wait3A_333 : memref<1x2x128xi32, #tpu.memory_space<vmem>> -> memref<2x128xi32, #tpu.memory_space<vmem>>
          %dma_wait3A_335 = arith.constant 0 : i32
          %dma_wait3A_336 = tpu.memref_slice %arg3[%dma_wait3A_335, %mul3A_2] : memref<2x320000xi32, #tpu.memory_space<hbm>> -> memref<2x128xi32, #tpu.memory_space<hbm>>
          tpu.wait_dma2 semaphore(%arg10 : memref<!tpu.dma_semaphore, #tpu.memory_space<semaphore_mem>>) src(%dma_wait3A_336 : memref<2x128xi32, #tpu.memory_space<hbm>>) dst(%dma_wait3A_334 : memref<2x128xi32, #tpu.memory_space<vmem>>)
          %dma_start3A_337 = arith.constant 0 : i32
          %dma_start3A_338 = arith.constant 0 : i32
          %dma_start3A_339 = arith.constant 0 : i32
          %dma_start3A_340 = tpu.memref_slice %arg5[%dma_start3A_337, %dma_start3A_338, %dma_start3A_339] : memref<6x2x128xi32, #tpu.memory_space<vmem>> -> memref<1x1x128xi32, #tpu.memory_space<vmem>>
          %dma_start3A_341 = tpu.memref_squeeze %dma_start3A_340 : memref<1x1x128xi32, #tpu.memory_space<vmem>> -> memref<128xi32, #tpu.memory_space<vmem>>
          %dma_start3A_342 = arith.constant 0 : i32
          %dma_start3A_343 = arith.constant 0 : i32
          %dma_start3A_344 = tpu.memref_slice %arg2[%dma_start3A_342, %dma_start3A_343] : memref<10240x128xf32, #tpu.memory_space<hbm>> -> memref<10240x128xf32, #tpu.memory_space<hbm>>
          tpu.enqueue_indirect_dma source(%dma_start3A_344 : memref<10240x128xf32, #tpu.memory_space<hbm>>) target(%arg7 : memref<128x128xf32, #tpu.memory_space<vmem>>) offsets(%dma_start3A_341 : memref<128xi32, #tpu.memory_space<vmem>>) semaphore(%arg14 : memref<!tpu.dma_semaphore, #tpu.memory_space<semaphore_mem>>)
        } else {
        }
        %dma_wait3A_302 = arith.constant 4 : i32
        %dma_wait3A_303 = arith.constant 0 : i32
        %dma_wait3A_304 = arith.constant 0 : i32
        %dma_wait3A_305 = tpu.memref_slice %arg5[%dma_wait3A_302, %dma_wait3A_303, %dma_wait3A_304] : memref<6x2x128xi32, #tpu.memory_space<vmem>> -> memref<1x1x128xi32, #tpu.memory_space<vmem>>
        %dma_wait3A_306 = tpu.memref_squeeze %dma_wait3A_305 : memref<1x1x128xi32, #tpu.memory_space<vmem>> -> memref<128xi32, #tpu.memory_space<vmem>>
        %dma_wait3A_307 = arith.constant 0 : i32
        %dma_wait3A_308 = arith.constant 0 : i32
        %dma_wait3A_309 = tpu.memref_slice %arg2[%dma_wait3A_307, %dma_wait3A_308] : memref<10240x128xf32, #tpu.memory_space<hbm>> -> memref<10240x128xf32, #tpu.memory_space<hbm>>
        tpu.wait_indirect_dma semaphore(%arg15 : memref<!tpu.dma_semaphore, #tpu.memory_space<semaphore_mem>>) src(%dma_wait3A_309 : memref<10240x128xf32, #tpu.memory_space<hbm>>) dst(%arg8 : memref<128x128xf32, #tpu.memory_space<vmem>>)
        %dma_start3A_310 = arith.constant 4 : i32
        %dma_start3A_311 = arith.constant 1 : i32
        %dma_start3A_312 = arith.constant 0 : i32
        %dma_start3A_313 = tpu.memref_slice %arg5[%dma_start3A_310, %dma_start3A_311, %dma_start3A_312] : memref<6x2x128xi32, #tpu.memory_space<vmem>> -> memref<1x1x128xi32, #tpu.memory_space<vmem>>
        %dma_start3A_314 = tpu.memref_squeeze %dma_start3A_313 : memref<1x1x128xi32, #tpu.memory_space<vmem>> -> memref<128xi32, #tpu.memory_space<vmem>>
        %dma_start3A_315 = arith.constant 0 : i32
        %dma_start3A_316 = arith.constant 0 : i32
        %dma_start3A_317 = tpu.memref_slice %arg9[%dma_start3A_315, %dma_start3A_316] : memref<10000x128xf32, #tpu.memory_space<vmem_shared>> -> memref<10000x128xf32, #tpu.memory_space<vmem_shared>>
        tpu.enqueue_indirect_dma source(%arg8 : memref<128x128xf32, #tpu.memory_space<vmem>>) target(%dma_start3A_317 : memref<10000x128xf32, #tpu.memory_space<vmem_shared>>) offsets(%dma_start3A_314 : memref<128xi32, #tpu.memory_space<vmem>>) semaphore(%arg18 : memref<!tpu.dma_semaphore, #tpu.memory_space<semaphore_mem>>) {add = true}
        %add3A_318 = arith.constant 5 : i32
        %add3A_319 = arith.addi %add3A_279, %add3A_318 : i32
        %lt3A_320 = arith.cmpi slt, %add3A_319, %select_n3A : i32
        %convert_element_type3A_321 = arith.extui %lt3A_320 : i1 to i32
        %cond3A_322 = arith.constant 0 : i32
        %cond3A_323 = arith.cmpi ne, %convert_element_type3A_321, %cond3A_322 : i32
        scf.if %cond3A_323 {
          %add3A_324 = arith.constant 5 : i32
          %add3A_325 = arith.addi %add3A_279, %add3A_324 : i32
          %mul3A_326 = arith.constant 128 : i32
          %mul3A_327 = arith.muli %add3A_325, %mul3A_326 : i32
          %add3A_328 = arith.addi %mul3A_2, %mul3A_327 : i32
          %dma_start3A_329 = arith.constant 3 : i32
          %dma_start3A_330 = arith.constant 0 : i32
          %dma_start3A_331 = arith.constant 0 : i32
          %dma_start3A_332 = tpu.memref_slice %arg5[%dma_start3A_329, %dma_start3A_330, %dma_start3A_331] : memref<6x2x128xi32, #tpu.memory_space<vmem>> -> memref<1x2x128xi32, #tpu.memory_space<vmem>>
          %dma_start3A_333 = tpu.memref_squeeze %dma_start3A_332 : memref<1x2x128xi32, #tpu.memory_space<vmem>> -> memref<2x128xi32, #tpu.memory_space<vmem>>
          %dma_start3A_334 = arith.constant 0 : i32
          %dma_start3A_335 = tpu.memref_slice %arg3[%dma_start3A_334, %add3A_328] : memref<2x320000xi32, #tpu.memory_space<hbm>> -> memref<2x128xi32, #tpu.memory_space<hbm>>
          %dma_start3A_336 = arith.constant 0 : i32
          %dma_start3A_337 = arith.constant 0 : i32
          %dma_start3A_338 = tpu.memref_slice %arg5[%dma_start3A_329, %dma_start3A_336, %dma_start3A_337] : memref<6x2x128xi32, #tpu.memory_space<vmem>> -> memref<1x2x128xi32, #tpu.memory_space<vmem>>
          %dma_start3A_339 = tpu.memref_squeeze %dma_start3A_338 : memref<1x2x128xi32, #tpu.memory_space<vmem>> -> memref<2x128xi32, #tpu.memory_space<vmem>>
          %dma_start3A_340 = arith.constant 0 : i32
          %dma_start3A_341 = tpu.memref_slice %arg3[%dma_start3A_340, %add3A_328] : memref<2x320000xi32, #tpu.memory_space<hbm>> -> memref<2x128xi32, #tpu.memory_space<hbm>>
          tpu.enqueue_dma source(%dma_start3A_341 : memref<2x128xi32, #tpu.memory_space<hbm>>) target(%dma_start3A_339 : memref<2x128xi32, #tpu.memory_space<vmem>>) target_semaphore(%arg10 : memref<!tpu.dma_semaphore, #tpu.memory_space<semaphore_mem>>)
        } else {
        }
      } else {
      }
      %mul3A_284 = arith.constant 6 : i32
      %mul3A_285 = arith.muli %mul3A_284, %while3A_243 : i32
      %add3A_286 = arith.constant 5 : i32
      %add3A_287 = arith.addi %mul3A_285, %add3A_286 : i32
      %lt3A_288 = arith.cmpi slt, %add3A_287, %select_n3A : i32
      %convert_element_type3A_289 = arith.extui %lt3A_288 : i1 to i32
      %cond3A_290 = arith.constant 0 : i32
      %cond3A_291 = arith.cmpi ne, %convert_element_type3A_289, %cond3A_290 : i32
      scf.if %cond3A_291 {
        %ge3A = arith.constant 1 : i32
        %ge3A_292 = arith.cmpi sge, %add3A_287, %ge3A : i32
        %convert_element_type3A_293 = arith.extui %ge3A_292 : i1 to i32
        %cond3A_294 = arith.constant 0 : i32
        %cond3A_295 = arith.cmpi ne, %convert_element_type3A_293, %cond3A_294 : i32
        scf.if %cond3A_295 {
          %dma_wait3A_324 = arith.constant 0 : i32
          %dma_wait3A_325 = arith.constant 1 : i32
          %dma_wait3A_326 = arith.constant 0 : i32
          %dma_wait3A_327 = tpu.memref_slice %arg5[%dma_wait3A_324, %dma_wait3A_325, %dma_wait3A_326] : memref<6x2x128xi32, #tpu.memory_space<vmem>> -> memref<1x1x128xi32, #tpu.memory_space<vmem>>
          %dma_wait3A_328 = tpu.memref_squeeze %dma_wait3A_327 : memref<1x1x128xi32, #tpu.memory_space<vmem>> -> memref<128xi32, #tpu.memory_space<vmem>>
          %dma_wait3A_329 = arith.constant 0 : i32
          %dma_wait3A_330 = arith.constant 0 : i32
          %dma_wait3A_331 = tpu.memref_slice %arg9[%dma_wait3A_329, %dma_wait3A_330] : memref<10000x128xf32, #tpu.memory_space<vmem_shared>> -> memref<10000x128xf32, #tpu.memory_space<vmem_shared>>
          tpu.wait_indirect_dma semaphore(%arg18 : memref<!tpu.dma_semaphore, #tpu.memory_space<semaphore_mem>>) src(%arg8 : memref<128x128xf32, #tpu.memory_space<vmem>>) dst(%dma_wait3A_331 : memref<10000x128xf32, #tpu.memory_space<vmem_shared>>)
        } else {
        }
        %add3A_296 = arith.constant 2 : i32
        %add3A_297 = arith.addi %add3A_287, %add3A_296 : i32
        %lt3A_298 = arith.cmpi slt, %add3A_297, %select_n3A : i32
        %convert_element_type3A_299 = arith.extui %lt3A_298 : i1 to i32
        %cond3A_300 = arith.constant 0 : i32
        %cond3A_301 = arith.cmpi ne, %convert_element_type3A_299, %cond3A_300 : i32
        scf.if %cond3A_301 {
          %dma_wait3A_324 = arith.constant 1 : i32
          %dma_wait3A_325 = arith.constant 0 : i32
          %dma_wait3A_326 = arith.constant 0 : i32
          %dma_wait3A_327 = tpu.memref_slice %arg5[%dma_wait3A_324, %dma_wait3A_325, %dma_wait3A_326] : memref<6x2x128xi32, #tpu.memory_space<vmem>> -> memref<1x2x128xi32, #tpu.memory_space<vmem>>
          %dma_wait3A_328 = tpu.memref_squeeze %dma_wait3A_327 : memref<1x2x128xi32, #tpu.memory_space<vmem>> -> memref<2x128xi32, #tpu.memory_space<vmem>>
          %dma_wait3A_329 = arith.constant 0 : i32
          %dma_wait3A_330 = tpu.memref_slice %arg3[%dma_wait3A_329, %mul3A_2] : memref<2x320000xi32, #tpu.memory_space<hbm>> -> memref<2x128xi32, #tpu.memory_space<hbm>>
          %dma_wait3A_331 = arith.constant 0 : i32
          %dma_wait3A_332 = arith.constant 0 : i32
          %dma_wait3A_333 = tpu.memref_slice %arg5[%dma_wait3A_324, %dma_wait3A_331, %dma_wait3A_332] : memref<6x2x128xi32, #tpu.memory_space<vmem>> -> memref<1x2x128xi32, #tpu.memory_space<vmem>>
          %dma_wait3A_334 = tpu.memref_squeeze %dma_wait3A_333 : memref<1x2x128xi32, #tpu.memory_space<vmem>> -> memref<2x128xi32, #tpu.memory_space<vmem>>
          %dma_wait3A_335 = arith.constant 0 : i32
          %dma_wait3A_336 = tpu.memref_slice %arg3[%dma_wait3A_335, %mul3A_2] : memref<2x320000xi32, #tpu.memory_space<hbm>> -> memref<2x128xi32, #tpu.memory_space<hbm>>
          tpu.wait_dma2 semaphore(%arg11 : memref<!tpu.dma_semaphore, #tpu.memory_space<semaphore_mem>>) src(%dma_wait3A_336 : memref<2x128xi32, #tpu.memory_space<hbm>>) dst(%dma_wait3A_334 : memref<2x128xi32, #tpu.memory_space<vmem>>)
          %dma_start3A_337 = arith.constant 1 : i32
          %dma_start3A_338 = arith.constant 0 : i32
          %dma_start3A_339 = arith.constant 0 : i32
          %dma_start3A_340 = tpu.memref_slice %arg5[%dma_start3A_337, %dma_start3A_338, %dma_start3A_339] : memref<6x2x128xi32, #tpu.memory_space<vmem>> -> memref<1x1x128xi32, #tpu.memory_space<vmem>>
          %dma_start3A_341 = tpu.memref_squeeze %dma_start3A_340 : memref<1x1x128xi32, #tpu.memory_space<vmem>> -> memref<128xi32, #tpu.memory_space<vmem>>
          %dma_start3A_342 = arith.constant 0 : i32
          %dma_start3A_343 = arith.constant 0 : i32
          %dma_start3A_344 = tpu.memref_slice %arg2[%dma_start3A_342, %dma_start3A_343] : memref<10240x128xf32, #tpu.memory_space<hbm>> -> memref<10240x128xf32, #tpu.memory_space<hbm>>
          tpu.enqueue_indirect_dma source(%dma_start3A_344 : memref<10240x128xf32, #tpu.memory_space<hbm>>) target(%arg8 : memref<128x128xf32, #tpu.memory_space<vmem>>) offsets(%dma_start3A_341 : memref<128xi32, #tpu.memory_space<vmem>>) semaphore(%arg15 : memref<!tpu.dma_semaphore, #tpu.memory_space<semaphore_mem>>)
        } else {
        }
        %dma_wait3A_302 = arith.constant 5 : i32
        %dma_wait3A_303 = arith.constant 0 : i32
        %dma_wait3A_304 = arith.constant 0 : i32
        %dma_wait3A_305 = tpu.memref_slice %arg5[%dma_wait3A_302, %dma_wait3A_303, %dma_wait3A_304] : memref<6x2x128xi32, #tpu.memory_space<vmem>> -> memref<1x1x128xi32, #tpu.memory_space<vmem>>
        %dma_wait3A_306 = tpu.memref_squeeze %dma_wait3A_305 : memref<1x1x128xi32, #tpu.memory_space<vmem>> -> memref<128xi32, #tpu.memory_space<vmem>>
        %dma_wait3A_307 = arith.constant 0 : i32
        %dma_wait3A_308 = arith.constant 0 : i32
        %dma_wait3A_309 = tpu.memref_slice %arg2[%dma_wait3A_307, %dma_wait3A_308] : memref<10240x128xf32, #tpu.memory_space<hbm>> -> memref<10240x128xf32, #tpu.memory_space<hbm>>
        tpu.wait_indirect_dma semaphore(%arg13 : memref<!tpu.dma_semaphore, #tpu.memory_space<semaphore_mem>>) src(%dma_wait3A_309 : memref<10240x128xf32, #tpu.memory_space<hbm>>) dst(%arg6 : memref<128x128xf32, #tpu.memory_space<vmem>>)
        %dma_start3A_310 = arith.constant 5 : i32
        %dma_start3A_311 = arith.constant 1 : i32
        %dma_start3A_312 = arith.constant 0 : i32
        %dma_start3A_313 = tpu.memref_slice %arg5[%dma_start3A_310, %dma_start3A_311, %dma_start3A_312] : memref<6x2x128xi32, #tpu.memory_space<vmem>> -> memref<1x1x128xi32, #tpu.memory_space<vmem>>
        %dma_start3A_314 = tpu.memref_squeeze %dma_start3A_313 : memref<1x1x128xi32, #tpu.memory_space<vmem>> -> memref<128xi32, #tpu.memory_space<vmem>>
        %dma_start3A_315 = arith.constant 0 : i32
        %dma_start3A_316 = arith.constant 0 : i32
        %dma_start3A_317 = tpu.memref_slice %arg9[%dma_start3A_315, %dma_start3A_316] : memref<10000x128xf32, #tpu.memory_space<vmem_shared>> -> memref<10000x128xf32, #tpu.memory_space<vmem_shared>>
        tpu.enqueue_indirect_dma source(%arg6 : memref<128x128xf32, #tpu.memory_space<vmem>>) target(%dma_start3A_317 : memref<10000x128xf32, #tpu.memory_space<vmem_shared>>) offsets(%dma_start3A_314 : memref<128xi32, #tpu.memory_space<vmem>>) semaphore(%arg16 : memref<!tpu.dma_semaphore, #tpu.memory_space<semaphore_mem>>) {add = true}
        %add3A_318 = arith.constant 5 : i32
        %add3A_319 = arith.addi %add3A_287, %add3A_318 : i32
        %lt3A_320 = arith.cmpi slt, %add3A_319, %select_n3A : i32
        %convert_element_type3A_321 = arith.extui %lt3A_320 : i1 to i32
        %cond3A_322 = arith.constant 0 : i32
        %cond3A_323 = arith.cmpi ne, %convert_element_type3A_321, %cond3A_322 : i32
        scf.if %cond3A_323 {
          %add3A_324 = arith.constant 5 : i32
          %add3A_325 = arith.addi %add3A_287, %add3A_324 : i32
          %mul3A_326 = arith.constant 128 : i32
          %mul3A_327 = arith.muli %add3A_325, %mul3A_326 : i32
          %add3A_328 = arith.addi %mul3A_2, %mul3A_327 : i32
          %dma_start3A_329 = arith.constant 4 : i32
          %dma_start3A_330 = arith.constant 0 : i32
          %dma_start3A_331 = arith.constant 0 : i32
          %dma_start3A_332 = tpu.memref_slice %arg5[%dma_start3A_329, %dma_start3A_330, %dma_start3A_331] : memref<6x2x128xi32, #tpu.memory_space<vmem>> -> memref<1x2x128xi32, #tpu.memory_space<vmem>>
          %dma_start3A_333 = tpu.memref_squeeze %dma_start3A_332 : memref<1x2x128xi32, #tpu.memory_space<vmem>> -> memref<2x128xi32, #tpu.memory_space<vmem>>
          %dma_start3A_334 = arith.constant 0 : i32
          %dma_start3A_335 = tpu.memref_slice %arg3[%dma_start3A_334, %add3A_328] : memref<2x320000xi32, #tpu.memory_space<hbm>> -> memref<2x128xi32, #tpu.memory_space<hbm>>
          %dma_start3A_336 = arith.constant 0 : i32
          %dma_start3A_337 = arith.constant 0 : i32
          %dma_start3A_338 = tpu.memref_slice %arg5[%dma_start3A_329, %dma_start3A_336, %dma_start3A_337] : memref<6x2x128xi32, #tpu.memory_space<vmem>> -> memref<1x2x128xi32, #tpu.memory_space<vmem>>
          %dma_start3A_339 = tpu.memref_squeeze %dma_start3A_338 : memref<1x2x128xi32, #tpu.memory_space<vmem>> -> memref<2x128xi32, #tpu.memory_space<vmem>>
          %dma_start3A_340 = arith.constant 0 : i32
          %dma_start3A_341 = tpu.memref_slice %arg3[%dma_start3A_340, %add3A_328] : memref<2x320000xi32, #tpu.memory_space<hbm>> -> memref<2x128xi32, #tpu.memory_space<hbm>>
          tpu.enqueue_dma source(%dma_start3A_341 : memref<2x128xi32, #tpu.memory_space<hbm>>) target(%dma_start3A_339 : memref<2x128xi32, #tpu.memory_space<vmem>>) target_semaphore(%arg11 : memref<!tpu.dma_semaphore, #tpu.memory_space<semaphore_mem>>)
        } else {
        }
      } else {
      }
    }
    %jit3A_169 = arith.constant 3 : i32
    %eq3A_170 = arith.constant 0 : i32
    %eq3A_171 = arith.cmpi eq, %jit3A_169, %eq3A_170 : i32
    %jit3A_172 = arith.constant 1 : i32
    %select_n3A_173 = arith.select %eq3A_171, %jit3A_172, %jit3A_169 : i32
    %rem3A_174 = arith.remsi %select_n3A, %select_n3A_173 : i32
    %ne3A_175 = arith.constant 0 : i32
    %ne3A_176 = arith.cmpi ne, %rem3A_174, %ne3A_175 : i32
    %lt3A_177 = arith.constant 0 : i32
    %lt3A_178 = arith.cmpi slt, %rem3A_174, %lt3A_177 : i32
    %lt3A_179 = arith.constant 0 : i32
    %lt3A_180 = arith.cmpi slt, %select_n3A_173, %lt3A_179 : i32
    %ne3A_181 = arith.xori %lt3A_178, %lt3A_180 : i1
    %and3A_182 = arith.andi %ne3A_181, %ne3A_176 : i1
    %add3A_183 = arith.addi %rem3A_174, %select_n3A_173 : i32
    %select_n3A_184 = arith.select %and3A_182, %add3A_183, %rem3A_174 : i32
    %eq3A_185 = arith.constant 0 : i32
    %eq3A_186 = arith.cmpi eq, %select_n3A_184, %eq3A_185 : i32
    %convert_element_type3A_187 = arith.extui %eq3A_186 : i1 to i32
    %cond3A_188 = arith.constant 0 : i32
    %cond3A_189 = arith.cmpi ne, %convert_element_type3A_187, %cond3A_188 : i32
    scf.if %cond3A_189 {
      %dma_wait3A_243 = arith.constant 0 : i32
      %dma_wait3A_244 = arith.constant 1 : i32
      %dma_wait3A_245 = arith.constant 0 : i32
      %dma_wait3A_246 = tpu.memref_slice %arg5[%dma_wait3A_243, %dma_wait3A_244, %dma_wait3A_245] : memref<6x2x128xi32, #tpu.memory_space<vmem>> -> memref<1x1x128xi32, #tpu.memory_space<vmem>>
      %dma_wait3A_247 = tpu.memref_squeeze %dma_wait3A_246 : memref<1x1x128xi32, #tpu.memory_space<vmem>> -> memref<128xi32, #tpu.memory_space<vmem>>
      %dma_wait3A_248 = arith.constant 0 : i32
      %dma_wait3A_249 = arith.constant 0 : i32
      %dma_wait3A_250 = tpu.memref_slice %arg9[%dma_wait3A_248, %dma_wait3A_249] : memref<10000x128xf32, #tpu.memory_space<vmem_shared>> -> memref<10000x128xf32, #tpu.memory_space<vmem_shared>>
      tpu.wait_indirect_dma semaphore(%arg16 : memref<!tpu.dma_semaphore, #tpu.memory_space<semaphore_mem>>) src(%arg6 : memref<128x128xf32, #tpu.memory_space<vmem>>) dst(%dma_wait3A_250 : memref<10000x128xf32, #tpu.memory_space<vmem_shared>>)
    } else {
    }
    %jit3A_190 = arith.constant 3 : i32
    %eq3A_191 = arith.constant 0 : i32
    %eq3A_192 = arith.cmpi eq, %jit3A_190, %eq3A_191 : i32
    %jit3A_193 = arith.constant 1 : i32
    %select_n3A_194 = arith.select %eq3A_192, %jit3A_193, %jit3A_190 : i32
    %rem3A_195 = arith.remsi %select_n3A, %select_n3A_194 : i32
    %ne3A_196 = arith.constant 0 : i32
    %ne3A_197 = arith.cmpi ne, %rem3A_195, %ne3A_196 : i32
    %lt3A_198 = arith.constant 0 : i32
    %lt3A_199 = arith.cmpi slt, %rem3A_195, %lt3A_198 : i32
    %lt3A_200 = arith.constant 0 : i32
    %lt3A_201 = arith.cmpi slt, %select_n3A_194, %lt3A_200 : i32
    %ne3A_202 = arith.xori %lt3A_199, %lt3A_201 : i1
    %and3A_203 = arith.andi %ne3A_202, %ne3A_197 : i1
    %add3A_204 = arith.addi %rem3A_195, %select_n3A_194 : i32
    %select_n3A_205 = arith.select %and3A_203, %add3A_204, %rem3A_195 : i32
    %eq3A_206 = arith.constant 1 : i32
    %eq3A_207 = arith.cmpi eq, %select_n3A_205, %eq3A_206 : i32
    %convert_element_type3A_208 = arith.extui %eq3A_207 : i1 to i32
    %cond3A_209 = arith.constant 0 : i32
    %cond3A_210 = arith.cmpi ne, %convert_element_type3A_208, %cond3A_209 : i32
    scf.if %cond3A_210 {
      %dma_wait3A_243 = arith.constant 0 : i32
      %dma_wait3A_244 = arith.constant 1 : i32
      %dma_wait3A_245 = arith.constant 0 : i32
      %dma_wait3A_246 = tpu.memref_slice %arg5[%dma_wait3A_243, %dma_wait3A_244, %dma_wait3A_245] : memref<6x2x128xi32, #tpu.memory_space<vmem>> -> memref<1x1x128xi32, #tpu.memory_space<vmem>>
      %dma_wait3A_247 = tpu.memref_squeeze %dma_wait3A_246 : memref<1x1x128xi32, #tpu.memory_space<vmem>> -> memref<128xi32, #tpu.memory_space<vmem>>
      %dma_wait3A_248 = arith.constant 0 : i32
      %dma_wait3A_249 = arith.constant 0 : i32
      %dma_wait3A_250 = tpu.memref_slice %arg9[%dma_wait3A_248, %dma_wait3A_249] : memref<10000x128xf32, #tpu.memory_space<vmem_shared>> -> memref<10000x128xf32, #tpu.memory_space<vmem_shared>>
      tpu.wait_indirect_dma semaphore(%arg17 : memref<!tpu.dma_semaphore, #tpu.memory_space<semaphore_mem>>) src(%arg7 : memref<128x128xf32, #tpu.memory_space<vmem>>) dst(%dma_wait3A_250 : memref<10000x128xf32, #tpu.memory_space<vmem_shared>>)
    } else {
    }
    %jit3A_211 = arith.constant 3 : i32
    %eq3A_212 = arith.constant 0 : i32
    %eq3A_213 = arith.cmpi eq, %jit3A_211, %eq3A_212 : i32
    %jit3A_214 = arith.constant 1 : i32
    %select_n3A_215 = arith.select %eq3A_213, %jit3A_214, %jit3A_211 : i32
    %rem3A_216 = arith.remsi %select_n3A, %select_n3A_215 : i32
    %ne3A_217 = arith.constant 0 : i32
    %ne3A_218 = arith.cmpi ne, %rem3A_216, %ne3A_217 : i32
    %lt3A_219 = arith.constant 0 : i32
    %lt3A_220 = arith.cmpi slt, %rem3A_216, %lt3A_219 : i32
    %lt3A_221 = arith.constant 0 : i32
    %lt3A_222 = arith.cmpi slt, %select_n3A_215, %lt3A_221 : i32
    %ne3A_223 = arith.xori %lt3A_220, %lt3A_222 : i1
    %and3A_224 = arith.andi %ne3A_223, %ne3A_218 : i1
    %add3A_225 = arith.addi %rem3A_216, %select_n3A_215 : i32
    %select_n3A_226 = arith.select %and3A_224, %add3A_225, %rem3A_216 : i32
    %eq3A_227 = arith.constant 2 : i32
    %eq3A_228 = arith.cmpi eq, %select_n3A_226, %eq3A_227 : i32
    %convert_element_type3A_229 = arith.extui %eq3A_228 : i1 to i32
    %cond3A_230 = arith.constant 0 : i32
    %cond3A_231 = arith.cmpi ne, %convert_element_type3A_229, %cond3A_230 : i32
    scf.if %cond3A_231 {
      %dma_wait3A_243 = arith.constant 0 : i32
      %dma_wait3A_244 = arith.constant 1 : i32
      %dma_wait3A_245 = arith.constant 0 : i32
      %dma_wait3A_246 = tpu.memref_slice %arg5[%dma_wait3A_243, %dma_wait3A_244, %dma_wait3A_245] : memref<6x2x128xi32, #tpu.memory_space<vmem>> -> memref<1x1x128xi32, #tpu.memory_space<vmem>>
      %dma_wait3A_247 = tpu.memref_squeeze %dma_wait3A_246 : memref<1x1x128xi32, #tpu.memory_space<vmem>> -> memref<128xi32, #tpu.memory_space<vmem>>
      %dma_wait3A_248 = arith.constant 0 : i32
      %dma_wait3A_249 = arith.constant 0 : i32
      %dma_wait3A_250 = tpu.memref_slice %arg9[%dma_wait3A_248, %dma_wait3A_249] : memref<10000x128xf32, #tpu.memory_space<vmem_shared>> -> memref<10000x128xf32, #tpu.memory_space<vmem_shared>>
      tpu.wait_indirect_dma semaphore(%arg18 : memref<!tpu.dma_semaphore, #tpu.memory_space<semaphore_mem>>) src(%arg8 : memref<128x128xf32, #tpu.memory_space<vmem>>) dst(%dma_wait3A_250 : memref<10000x128xf32, #tpu.memory_space<vmem_shared>>)
    } else {
    }
    %barrier3A_232 = arith.constant 0 : index
    tpu.barrier barrier_id(%barrier3A_232)
    %lt3A_233 = arith.constant 15 : i32
    %lt3A_234 = arith.cmpi slt, %arg1, %lt3A_233 : i32
    %convert_element_type3A_235 = arith.extui %lt3A_234 : i1 to i32
    %cond3A_236 = arith.constant 0 : i32
    %cond3A_237 = arith.cmpi ne, %convert_element_type3A_235, %cond3A_236 : i32
    scf.if %cond3A_237 {
      %mul3A_243 = arith.constant 10240 : i32
      %mul3A_244 = arith.muli %arg0, %mul3A_243 : i32
      %add3A_245 = arith.addi %mul3A_244, %mul3A_7 : i32
      "tpu.region"() ({
        %run_scoped3A = tpu.sem_alloc : memref<!tpu.dma_semaphore, #tpu.memory_space<semaphore_mem>>
        %dma_start3A_246 = arith.constant 0 : i32
        %dma_start3A_247 = tpu.memref_slice %arg4[%add3A_245, %dma_start3A_246] : memref<20480x128xf32, #tpu.memory_space<hbm>> -> memref<624x128xf32, #tpu.memory_space<hbm>>
        %dma_start3A_248 = arith.constant 0 : i32
        %dma_start3A_249 = tpu.memref_slice %arg9[%mul3A_7, %dma_start3A_248] : memref<10000x128xf32, #tpu.memory_space<vmem_shared>> -> memref<624x128xf32, #tpu.memory_space<vmem_shared>>
        tpu.enqueue_dma source(%dma_start3A_249 : memref<624x128xf32, #tpu.memory_space<vmem_shared>>) target(%dma_start3A_247 : memref<624x128xf32, #tpu.memory_space<hbm>>) target_semaphore(%run_scoped3A : memref<!tpu.dma_semaphore, #tpu.memory_space<semaphore_mem>>)
        %dma_wait3A_250 = arith.constant 0 : i32
        %dma_wait3A_251 = tpu.memref_slice %arg4[%add3A_245, %dma_wait3A_250] : memref<20480x128xf32, #tpu.memory_space<hbm>> -> memref<624x128xf32, #tpu.memory_space<hbm>>
        %dma_wait3A_252 = arith.constant 0 : i32
        %dma_wait3A_253 = tpu.memref_slice %arg9[%mul3A_7, %dma_wait3A_252] : memref<10000x128xf32, #tpu.memory_space<vmem_shared>> -> memref<624x128xf32, #tpu.memory_space<vmem_shared>>
        tpu.wait_dma2 semaphore(%run_scoped3A : memref<!tpu.dma_semaphore, #tpu.memory_space<semaphore_mem>>) src(%dma_wait3A_253 : memref<624x128xf32, #tpu.memory_space<vmem_shared>>) dst(%dma_wait3A_251 : memref<624x128xf32, #tpu.memory_space<hbm>>)
        tpu.yield
      }) : () -> ()
    } else {
    }
    %eq3A_238 = arith.constant 15 : i32
    %eq3A_239 = arith.cmpi eq, %arg1, %eq3A_238 : i32
    %convert_element_type3A_240 = arith.extui %eq3A_239 : i1 to i32
    %cond3A_241 = arith.constant 0 : i32
    %cond3A_242 = arith.cmpi ne, %convert_element_type3A_240, %cond3A_241 : i32
    scf.if %cond3A_242 {
      %mul3A_243 = arith.constant 10240 : i32
      %mul3A_244 = arith.muli %arg0, %mul3A_243 : i32
      %add3A_245 = arith.addi %mul3A_244, %mul3A_7 : i32
      "tpu.region"() ({
        %run_scoped3A = tpu.sem_alloc : memref<!tpu.dma_semaphore, #tpu.memory_space<semaphore_mem>>
        %dma_start3A_246 = arith.constant 0 : i32
        %dma_start3A_247 = tpu.memref_slice %arg4[%add3A_245, %dma_start3A_246] : memref<20480x128xf32, #tpu.memory_space<hbm>> -> memref<640x128xf32, #tpu.memory_space<hbm>>
        %dma_start3A_248 = arith.constant 0 : i32
        %dma_start3A_249 = tpu.memref_slice %arg9[%mul3A_7, %dma_start3A_248] : memref<10000x128xf32, #tpu.memory_space<vmem_shared>> -> memref<640x128xf32, #tpu.memory_space<vmem_shared>>
        tpu.enqueue_dma source(%dma_start3A_249 : memref<640x128xf32, #tpu.memory_space<vmem_shared>>) target(%dma_start3A_247 : memref<640x128xf32, #tpu.memory_space<hbm>>) target_semaphore(%run_scoped3A : memref<!tpu.dma_semaphore, #tpu.memory_space<semaphore_mem>>)
        %dma_wait3A_250 = arith.constant 0 : i32
        %dma_wait3A_251 = tpu.memref_slice %arg4[%add3A_245, %dma_wait3A_250] : memref<20480x128xf32, #tpu.memory_space<hbm>> -> memref<640x128xf32, #tpu.memory_space<hbm>>
        %dma_wait3A_252 = arith.constant 0 : i32
        %dma_wait3A_253 = tpu.memref_slice %arg9[%mul3A_7, %dma_wait3A_252] : memref<10000x128xf32, #tpu.memory_space<vmem_shared>> -> memref<640x128xf32, #tpu.memory_space<vmem_shared>>
        tpu.wait_dma2 semaphore(%run_scoped3A : memref<!tpu.dma_semaphore, #tpu.memory_space<semaphore_mem>>) src(%dma_wait3A_253 : memref<640x128xf32, #tpu.memory_space<vmem_shared>>) dst(%dma_wait3A_251 : memref<640x128xf32, #tpu.memory_space<hbm>>)
        tpu.yield
      }) : () -> ()
    } else {
    }
    return
  }
}

#map = affine_map<(d0, d1) -> (0, 0)>
module attributes {stable_mosaic.version = 14 : i64} {
  func.func @sc_segment_sum(%arg0: i32, %arg1: i32, %arg2: memref<10240x128xf32, #tpu.memory_space<hbm>>, %arg3: memref<2x320000xi32, #tpu.memory_space<hbm>>, %arg4: memref<20480x128xf32, #tpu.memory_space<hbm>>, %arg5: memref<6x2x128xi32, #tpu.memory_space<vmem>>, %arg6: memref<128x128xf32, #tpu.memory_space<vmem>>, %arg7: memref<128x128xf32, #tpu.memory_space<vmem>>, %arg8: memref<128x128xf32, #tpu.memory_space<vmem>>, %arg9: memref<10000x128xf32, #tpu.memory_space<vmem_shared>>, %arg10: memref<!tpu.dma_semaphore, #tpu.memory_space<semaphore_mem>>, %arg11: memref<!tpu.dma_semaphore, #tpu.memory_space<semaphore_mem>>, %arg12: memref<!tpu.dma_semaphore, #tpu.memory_space<semaphore_mem>>, %arg13: memref<!tpu.dma_semaphore, #tpu.memory_space<semaphore_mem>>, %arg14: memref<!tpu.dma_semaphore, #tpu.memory_space<semaphore_mem>>, %arg15: memref<!tpu.dma_semaphore, #tpu.memory_space<semaphore_mem>>, %arg16: memref<!tpu.dma_semaphore, #tpu.memory_space<semaphore_mem>>, %arg17: memref<!tpu.dma_semaphore, #tpu.memory_space<semaphore_mem>>, %arg18: memref<!tpu.dma_semaphore, #tpu.memory_space<semaphore_mem>>) attributes {dimension_semantics = [#tpu.dimension_semantics<core_parallel>, #tpu.dimension_semantics<subcore_parallel>], iteration_bounds = array<i64: 2, 16>, scalar_prefetch = 0 : i64, scratch_operands = 14 : i64, tpu.core_type = #tpu.core_type<sc_vector_subcore>, window_params = [{transform_indices = #map}, {transform_indices = #map}, {transform_indices = #map}]} {
    %mul3A = arith.constant 2 : i32
    %mul3A_0 = arith.muli %arg1, %mul3A : i32
    %add3A = arith.addi %mul3A_0, %arg0 : i32
    %mul3A_1 = arith.constant 10112 : i32
    %mul3A_2 = arith.muli %add3A, %mul3A_1 : i32
    %eq3A = arith.constant 31 : i32
    %eq3A_3 = arith.cmpi eq, %add3A, %eq3A : i32
    %jit3A = arith.constant 51 : i32
    %jit3A_4 = arith.constant 79 : i32
    %select_n3A = arith.select %eq3A_3, %jit3A, %jit3A_4 : i32
    %broadcast_in_dim3A = arith.constant 0.000000e+00 : f32
    %broadcast_in_dim3A_5 = vector.broadcast %broadcast_in_dim3A : f32 to vector<16xf32>
    %mul3A_6 = arith.constant 624 : i32
    %mul3A_7 = arith.muli %arg1, %mul3A_6 : i32
    %add3A_8 = arith.constant 0 : i32
    %add3A_9 = arith.addi %mul3A_2, %add3A_8 : i32
    %dma_start3A = arith.constant 0 : i32
    %dma_start3A_10 = arith.constant 0 : i32
    %dma_start3A_11 = arith.constant 0 : i32
    %dma_start3A_12 = tpu.memref_slice %arg5[%dma_start3A, %dma_start3A_10, %dma_start3A_11] : memref<6x2x128xi32, #tpu.memory_space<vmem>> -> memref<1x2x128xi32, #tpu.memory_space<vmem>>
    %dma_start3A_13 = tpu.memref_squeeze %dma_start3A_12 : memref<1x2x128xi32, #tpu.memory_space<vmem>> -> memref<2x128xi32, #tpu.memory_space<vmem>>
    %dma_start3A_14 = arith.constant 0 : i32
    %dma_start3A_15 = tpu.memref_slice %arg3[%dma_start3A_14, %add3A_9] : memref<2x320000xi32, #tpu.memory_space<hbm>> -> memref<2x128xi32, #tpu.memory_space<hbm>>
    %dma_start3A_16 = arith.constant 0 : i32
    %dma_start3A_17 = arith.constant 0 : i32
    %dma_start3A_18 = tpu.memref_slice %arg5[%dma_start3A, %dma_start3A_16, %dma_start3A_17] : memref<6x2x128xi32, #tpu.memory_space<vmem>> -> memref<1x2x128xi32, #tpu.memory_space<vmem>>
    %dma_start3A_19 = tpu.memref_squeeze %dma_start3A_18 : memref<1x2x128xi32, #tpu.memory_space<vmem>> -> memref<2x128xi32, #tpu.memory_space<vmem>>
    %dma_start3A_20 = arith.constant 0 : i32
    %dma_start3A_21 = tpu.memref_slice %arg3[%dma_start3A_20, %add3A_9] : memref<2x320000xi32, #tpu.memory_space<hbm>> -> memref<2x128xi32, #tpu.memory_space<hbm>>
    tpu.enqueue_dma source(%dma_start3A_21 : memref<2x128xi32, #tpu.memory_space<hbm>>) target(%dma_start3A_19 : memref<2x128xi32, #tpu.memory_space<vmem>>) target_semaphore(%arg10 : memref<!tpu.dma_semaphore, #tpu.memory_space<semaphore_mem>>)
    %add3A_22 = arith.constant 128 : i32
    %add3A_23 = arith.addi %mul3A_2, %add3A_22 : i32
    %dma_start3A_24 = arith.constant 1 : i32
    %dma_start3A_25 = arith.constant 0 : i32
    %dma_start3A_26 = arith.constant 0 : i32
    %dma_start3A_27 = tpu.memref_slice %arg5[%dma_start3A_24, %dma_start3A_25, %dma_start3A_26] : memref<6x2x128xi32, #tpu.memory_space<vmem>> -> memref<1x2x128xi32, #tpu.memory_space<vmem>>
    %dma_start3A_28 = tpu.memref_squeeze %dma_start3A_27 : memref<1x2x128xi32, #tpu.memory_space<vmem>> -> memref<2x128xi32, #tpu.memory_space<vmem>>
    %dma_start3A_29 = arith.constant 0 : i32
    %dma_start3A_30 = tpu.memref_slice %arg3[%dma_start3A_29, %add3A_23] : memref<2x320000xi32, #tpu.memory_space<hbm>> -> memref<2x128xi32, #tpu.memory_space<hbm>>
    %dma_start3A_31 = arith.constant 0 : i32
    %dma_start3A_32 = arith.constant 0 : i32
    %dma_start3A_33 = tpu.memref_slice %arg5[%dma_start3A_24, %dma_start3A_31, %dma_start3A_32] : memref<6x2x128xi32, #tpu.memory_space<vmem>> -> memref<1x2x128xi32, #tpu.memory_space<vmem>>
    %dma_start3A_34 = tpu.memref_squeeze %dma_start3A_33 : memref<1x2x128xi32, #tpu.memory_space<vmem>> -> memref<2x128xi32, #tpu.memory_space<vmem>>
    %dma_start3A_35 = arith.constant 0 : i32
    %dma_start3A_36 = tpu.memref_slice %arg3[%dma_start3A_35, %add3A_23] : memref<2x320000xi32, #tpu.memory_space<hbm>> -> memref<2x128xi32, #tpu.memory_space<hbm>>
    tpu.enqueue_dma source(%dma_start3A_36 : memref<2x128xi32, #tpu.memory_space<hbm>>) target(%dma_start3A_34 : memref<2x128xi32, #tpu.memory_space<vmem>>) target_semaphore(%arg11 : memref<!tpu.dma_semaphore, #tpu.memory_space<semaphore_mem>>)
    %add3A_37 = arith.constant 256 : i32
    %add3A_38 = arith.addi %mul3A_2, %add3A_37 : i32
    %dma_start3A_39 = arith.constant 2 : i32
    %dma_start3A_40 = arith.constant 0 : i32
    %dma_start3A_41 = arith.constant 0 : i32
    %dma_start3A_42 = tpu.memref_slice %arg5[%dma_start3A_39, %dma_start3A_40, %dma_start3A_41] : memref<6x2x128xi32, #tpu.memory_space<vmem>> -> memref<1x2x128xi32, #tpu.memory_space<vmem>>
    %dma_start3A_43 = tpu.memref_squeeze %dma_start3A_42 : memref<1x2x128xi32, #tpu.memory_space<vmem>> -> memref<2x128xi32, #tpu.memory_space<vmem>>
    %dma_start3A_44 = arith.constant 0 : i32
    %dma_start3A_45 = tpu.memref_slice %arg3[%dma_start3A_44, %add3A_38] : memref<2x320000xi32, #tpu.memory_space<hbm>> -> memref<2x128xi32, #tpu.memory_space<hbm>>
    %dma_start3A_46 = arith.constant 0 : i32
    %dma_start3A_47 = arith.constant 0 : i32
    %dma_start3A_48 = tpu.memref_slice %arg5[%dma_start3A_39, %dma_start3A_46, %dma_start3A_47] : memref<6x2x128xi32, #tpu.memory_space<vmem>> -> memref<1x2x128xi32, #tpu.memory_space<vmem>>
    %dma_start3A_49 = tpu.memref_squeeze %dma_start3A_48 : memref<1x2x128xi32, #tpu.memory_space<vmem>> -> memref<2x128xi32, #tpu.memory_space<vmem>>
    %dma_start3A_50 = arith.constant 0 : i32
    %dma_start3A_51 = tpu.memref_slice %arg3[%dma_start3A_50, %add3A_38] : memref<2x320000xi32, #tpu.memory_space<hbm>> -> memref<2x128xi32, #tpu.memory_space<hbm>>
    tpu.enqueue_dma source(%dma_start3A_51 : memref<2x128xi32, #tpu.memory_space<hbm>>) target(%dma_start3A_49 : memref<2x128xi32, #tpu.memory_space<vmem>>) target_semaphore(%arg12 : memref<!tpu.dma_semaphore, #tpu.memory_space<semaphore_mem>>)
    %dma_wait3A = arith.constant 0 : i32
    %dma_wait3A_52 = arith.constant 0 : i32
    %dma_wait3A_53 = arith.constant 0 : i32
    %dma_wait3A_54 = tpu.memref_slice %arg5[%dma_wait3A, %dma_wait3A_52, %dma_wait3A_53] : memref<6x2x128xi32, #tpu.memory_space<vmem>> -> memref<1x2x128xi32, #tpu.memory_space<vmem>>
    %dma_wait3A_55 = tpu.memref_squeeze %dma_wait3A_54 : memref<1x2x128xi32, #tpu.memory_space<vmem>> -> memref<2x128xi32, #tpu.memory_space<vmem>>
    %dma_wait3A_56 = arith.constant 0 : i32
    %dma_wait3A_57 = tpu.memref_slice %arg3[%dma_wait3A_56, %mul3A_2] : memref<2x320000xi32, #tpu.memory_space<hbm>> -> memref<2x128xi32, #tpu.memory_space<hbm>>
    %dma_wait3A_58 = arith.constant 0 : i32
    %dma_wait3A_59 = arith.constant 0 : i32
    %dma_wait3A_60 = tpu.memref_slice %arg5[%dma_wait3A, %dma_wait3A_58, %dma_wait3A_59] : memref<6x2x128xi32, #tpu.memory_space<vmem>> -> memref<1x2x128xi32, #tpu.memory_space<vmem>>
    %dma_wait3A_61 = tpu.memref_squeeze %dma_wait3A_60 : memref<1x2x128xi32, #tpu.memory_space<vmem>> -> memref<2x128xi32, #tpu.memory_space<vmem>>
    %dma_wait3A_62 = arith.constant 0 : i32
    %dma_wait3A_63 = tpu.memref_slice %arg3[%dma_wait3A_62, %mul3A_2] : memref<2x320000xi32, #tpu.memory_space<hbm>> -> memref<2x128xi32, #tpu.memory_space<hbm>>
    tpu.wait_dma2 semaphore(%arg10 : memref<!tpu.dma_semaphore, #tpu.memory_space<semaphore_mem>>) src(%dma_wait3A_63 : memref<2x128xi32, #tpu.memory_space<hbm>>) dst(%dma_wait3A_61 : memref<2x128xi32, #tpu.memory_space<vmem>>)
    %dma_start3A_64 = arith.constant 0 : i32
    %dma_start3A_65 = arith.constant 0 : i32
    %dma_start3A_66 = arith.constant 0 : i32
    %dma_start3A_67 = tpu.memref_slice %arg5[%dma_start3A_64, %dma_start3A_65, %dma_start3A_66] : memref<6x2x128xi32, #tpu.memory_space<vmem>> -> memref<1x1x128xi32, #tpu.memory_space<vmem>>
    %dma_start3A_68 = tpu.memref_squeeze %dma_start3A_67 : memref<1x1x128xi32, #tpu.memory_space<vmem>> -> memref<128xi32, #tpu.memory_space<vmem>>
    %dma_start3A_69 = arith.constant 0 : i32
    %dma_start3A_70 = arith.constant 0 : i32
    %dma_start3A_71 = tpu.memref_slice %arg2[%dma_start3A_69, %dma_start3A_70] : memref<10240x128xf32, #tpu.memory_space<hbm>> -> memref<10240x128xf32, #tpu.memory_space<hbm>>
    tpu.enqueue_indirect_dma source(%dma_start3A_71 : memref<10240x128xf32, #tpu.memory_space<hbm>>) target(%arg7 : memref<128x128xf32, #tpu.memory_space<vmem>>) offsets(%dma_start3A_68 : memref<128xi32, #tpu.memory_space<vmem>>) semaphore(%arg14 : memref<!tpu.dma_semaphore, #tpu.memory_space<semaphore_mem>>)
    %dma_wait3A_72 = arith.constant 1 : i32
    %dma_wait3A_73 = arith.constant 0 : i32
    %dma_wait3A_74 = arith.constant 0 : i32
    %dma_wait3A_75 = tpu.memref_slice %arg5[%dma_wait3A_72, %dma_wait3A_73, %dma_wait3A_74] : memref<6x2x128xi32, #tpu.memory_space<vmem>> -> memref<1x2x128xi32, #tpu.memory_space<vmem>>
    %dma_wait3A_76 = tpu.memref_squeeze %dma_wait3A_75 : memref<1x2x128xi32, #tpu.memory_space<vmem>> -> memref<2x128xi32, #tpu.memory_space<vmem>>
    %dma_wait3A_77 = arith.constant 0 : i32
    %dma_wait3A_78 = tpu.memref_slice %arg3[%dma_wait3A_77, %mul3A_2] : memref<2x320000xi32, #tpu.memory_space<hbm>> -> memref<2x128xi32, #tpu.memory_space<hbm>>
    %dma_wait3A_79 = arith.constant 0 : i32
    %dma_wait3A_80 = arith.constant 0 : i32
    %dma_wait3A_81 = tpu.memref_slice %arg5[%dma_wait3A_72, %dma_wait3A_79, %dma_wait3A_80] : memref<6x2x128xi32, #tpu.memory_space<vmem>> -> memref<1x2x128xi32, #tpu.memory_space<vmem>>
    %dma_wait3A_82 = tpu.memref_squeeze %dma_wait3A_81 : memref<1x2x128xi32, #tpu.memory_space<vmem>> -> memref<2x128xi32, #tpu.memory_space<vmem>>
    %dma_wait3A_83 = arith.constant 0 : i32
    %dma_wait3A_84 = tpu.memref_slice %arg3[%dma_wait3A_83, %mul3A_2] : memref<2x320000xi32, #tpu.memory_space<hbm>> -> memref<2x128xi32, #tpu.memory_space<hbm>>
    tpu.wait_dma2 semaphore(%arg11 : memref<!tpu.dma_semaphore, #tpu.memory_space<semaphore_mem>>) src(%dma_wait3A_84 : memref<2x128xi32, #tpu.memory_space<hbm>>) dst(%dma_wait3A_82 : memref<2x128xi32, #tpu.memory_space<vmem>>)
    %dma_start3A_85 = arith.constant 1 : i32
    %dma_start3A_86 = arith.constant 0 : i32
    %dma_start3A_87 = arith.constant 0 : i32
    %dma_start3A_88 = tpu.memref_slice %arg5[%dma_start3A_85, %dma_start3A_86, %dma_start3A_87] : memref<6x2x128xi32, #tpu.memory_space<vmem>> -> memref<1x1x128xi32, #tpu.memory_space<vmem>>
    %dma_start3A_89 = tpu.memref_squeeze %dma_start3A_88 : memref<1x1x128xi32, #tpu.memory_space<vmem>> -> memref<128xi32, #tpu.memory_space<vmem>>
    %dma_start3A_90 = arith.constant 0 : i32
    %dma_start3A_91 = arith.constant 0 : i32
    %dma_start3A_92 = tpu.memref_slice %arg2[%dma_start3A_90, %dma_start3A_91] : memref<10240x128xf32, #tpu.memory_space<hbm>> -> memref<10240x128xf32, #tpu.memory_space<hbm>>
    tpu.enqueue_indirect_dma source(%dma_start3A_92 : memref<10240x128xf32, #tpu.memory_space<hbm>>) target(%arg8 : memref<128x128xf32, #tpu.memory_space<vmem>>) offsets(%dma_start3A_89 : memref<128xi32, #tpu.memory_space<vmem>>) semaphore(%arg15 : memref<!tpu.dma_semaphore, #tpu.memory_space<semaphore_mem>>)
    %add3A_93 = arith.constant 384 : i32
    %add3A_94 = arith.addi %mul3A_2, %add3A_93 : i32
    %dma_start3A_95 = arith.constant 3 : i32
    %dma_start3A_96 = arith.constant 0 : i32
    %dma_start3A_97 = arith.constant 0 : i32
    %dma_start3A_98 = tpu.memref_slice %arg5[%dma_start3A_95, %dma_start3A_96, %dma_start3A_97] : memref<6x2x128xi32, #tpu.memory_space<vmem>> -> memref<1x2x128xi32, #tpu.memory_space<vmem>>
    %dma_start3A_99 = tpu.memref_squeeze %dma_start3A_98 : memref<1x2x128xi32, #tpu.memory_space<vmem>> -> memref<2x128xi32, #tpu.memory_space<vmem>>
    %dma_start3A_100 = arith.constant 0 : i32
    %dma_start3A_101 = tpu.memref_slice %arg3[%dma_start3A_100, %add3A_94] : memref<2x320000xi32, #tpu.memory_space<hbm>> -> memref<2x128xi32, #tpu.memory_space<hbm>>
    %dma_start3A_102 = arith.constant 0 : i32
    %dma_start3A_103 = arith.constant 0 : i32
    %dma_start3A_104 = tpu.memref_slice %arg5[%dma_start3A_95, %dma_start3A_102, %dma_start3A_103] : memref<6x2x128xi32, #tpu.memory_space<vmem>> -> memref<1x2x128xi32, #tpu.memory_space<vmem>>
    %dma_start3A_105 = tpu.memref_squeeze %dma_start3A_104 : memref<1x2x128xi32, #tpu.memory_space<vmem>> -> memref<2x128xi32, #tpu.memory_space<vmem>>
    %dma_start3A_106 = arith.constant 0 : i32
    %dma_start3A_107 = tpu.memref_slice %arg3[%dma_start3A_106, %add3A_94] : memref<2x320000xi32, #tpu.memory_space<hbm>> -> memref<2x128xi32, #tpu.memory_space<hbm>>
    tpu.enqueue_dma source(%dma_start3A_107 : memref<2x128xi32, #tpu.memory_space<hbm>>) target(%dma_start3A_105 : memref<2x128xi32, #tpu.memory_space<vmem>>) target_semaphore(%arg10 : memref<!tpu.dma_semaphore, #tpu.memory_space<semaphore_mem>>)
    %add3A_108 = arith.constant 512 : i32
    %add3A_109 = arith.addi %mul3A_2, %add3A_108 : i32
    %dma_start3A_110 = arith.constant 4 : i32
    %dma_start3A_111 = arith.constant 0 : i32
    %dma_start3A_112 = arith.constant 0 : i32
    %dma_start3A_113 = tpu.memref_slice %arg5[%dma_start3A_110, %dma_start3A_111, %dma_start3A_112] : memref<6x2x128xi32, #tpu.memory_space<vmem>> -> memref<1x2x128xi32, #tpu.memory_space<vmem>>
    %dma_start3A_114 = tpu.memref_squeeze %dma_start3A_113 : memref<1x2x128xi32, #tpu.memory_space<vmem>> -> memref<2x128xi32, #tpu.memory_space<vmem>>
    %dma_start3A_115 = arith.constant 0 : i32
    %dma_start3A_116 = tpu.memref_slice %arg3[%dma_start3A_115, %add3A_109] : memref<2x320000xi32, #tpu.memory_space<hbm>> -> memref<2x128xi32, #tpu.memory_space<hbm>>
    %dma_start3A_117 = arith.constant 0 : i32
    %dma_start3A_118 = arith.constant 0 : i32
    %dma_start3A_119 = tpu.memref_slice %arg5[%dma_start3A_110, %dma_start3A_117, %dma_start3A_118] : memref<6x2x128xi32, #tpu.memory_space<vmem>> -> memref<1x2x128xi32, #tpu.memory_space<vmem>>
    %dma_start3A_120 = tpu.memref_squeeze %dma_start3A_119 : memref<1x2x128xi32, #tpu.memory_space<vmem>> -> memref<2x128xi32, #tpu.memory_space<vmem>>
    %dma_start3A_121 = arith.constant 0 : i32
    %dma_start3A_122 = tpu.memref_slice %arg3[%dma_start3A_121, %add3A_109] : memref<2x320000xi32, #tpu.memory_space<hbm>> -> memref<2x128xi32, #tpu.memory_space<hbm>>
    tpu.enqueue_dma source(%dma_start3A_122 : memref<2x128xi32, #tpu.memory_space<hbm>>) target(%dma_start3A_120 : memref<2x128xi32, #tpu.memory_space<vmem>>) target_semaphore(%arg11 : memref<!tpu.dma_semaphore, #tpu.memory_space<semaphore_mem>>)
    %scan3A = arith.constant 0 : i32
    %scan3A_123 = arith.constant 1024 : i32
    %scan3A_124 = arith.addi %scan3A, %scan3A_123 : i32
    %scan3A_125 = arith.constant 1 : i32
    scf.for %scan3A_243 = %scan3A to %scan3A_124 step %scan3A_125  : i32 {
      %jit3A_244 = arith.constant 8 : i32
      %div3A_245 = arith.divsi %scan3A_243, %jit3A_244 : i32
      %sign3A_246 = arith.constant 0 : i32
      %sign3A_247 = arith.cmpi sgt, %scan3A_243, %sign3A_246 : i32
      %sign3A_248 = arith.extui %sign3A_247 : i1 to i32
      %sign3A_249 = arith.constant 0 : i32
      %sign3A_250 = arith.cmpi slt, %scan3A_243, %sign3A_249 : i32
      %sign3A_251 = arith.extui %sign3A_250 : i1 to i32
      %sign3A_252 = arith.subi %sign3A_248, %sign3A_251 : i32
      %sign3A_253 = arith.constant 0 : i32
      %sign3A_254 = arith.cmpi sgt, %jit3A_244, %sign3A_253 : i32
      %sign3A_255 = arith.extui %sign3A_254 : i1 to i32
      %sign3A_256 = arith.constant 0 : i32
      %sign3A_257 = arith.cmpi slt, %jit3A_244, %sign3A_256 : i32
      %sign3A_258 = arith.extui %sign3A_257 : i1 to i32
      %sign3A_259 = arith.subi %sign3A_255, %sign3A_258 : i32
      %ne3A_260 = arith.cmpi ne, %sign3A_252, %sign3A_259 : i32
      %rem3A_261 = arith.remsi %scan3A_243, %jit3A_244 : i32
      %ne3A_262 = arith.constant 0 : i32
      %ne3A_263 = arith.cmpi ne, %rem3A_261, %ne3A_262 : i32
      %and3A_264 = arith.andi %ne3A_260, %ne3A_263 : i1
      %sub3A_265 = arith.constant 1 : i32
      %sub3A_266 = arith.subi %div3A_245, %sub3A_265 : i32
      %select_n3A_267 = arith.select %and3A_264, %sub3A_266, %div3A_245 : i32
      %jit3A_268 = arith.constant 8 : i32
      %eq3A_269 = arith.constant 0 : i32
      %eq3A_270 = arith.cmpi eq, %jit3A_268, %eq3A_269 : i32
      %jit3A_271 = arith.constant 1 : i32
      %select_n3A_272 = arith.select %eq3A_270, %jit3A_271, %jit3A_268 : i32
      %rem3A_273 = arith.remsi %scan3A_243, %select_n3A_272 : i32
      %ne3A_274 = arith.constant 0 : i32
      %ne3A_275 = arith.cmpi ne, %rem3A_273, %ne3A_274 : i32
      %lt3A_276 = arith.constant 0 : i32
      %lt3A_277 = arith.cmpi slt, %rem3A_273, %lt3A_276 : i32
      %lt3A_278 = arith.constant 0 : i32
      %lt3A_279 = arith.cmpi slt, %select_n3A_272, %lt3A_278 : i32
      %ne3A_280 = arith.xori %lt3A_277, %lt3A_279 : i1
      %and3A_281 = arith.andi %ne3A_280, %ne3A_275 : i1
      %add3A_282 = arith.addi %rem3A_273, %select_n3A_272 : i32
      %select_n3A_283 = arith.select %and3A_281, %add3A_282, %rem3A_273 : i32
      %mul3A_284 = arith.constant 16 : i32
      %mul3A_285 = arith.muli %select_n3A_283, %mul3A_284 : i32
      %swap3A = arith.index_cast %select_n3A_267 : i32 to index
      %swap3A_286 = arith.index_cast %mul3A_285 : i32 to index
      %swap3A_287 = tpu.vector_load %arg6[%swap3A, %swap3A_286] {strides = array<i32>} : memref<128x128xf32, #tpu.memory_space<vmem>>, vector<1x16xf32>,
      %swap3A_288 = vector.shape_cast %swap3A_287 : vector<1x16xf32> to vector<16xf32>
      %swap3A_289 = vector.shape_cast %broadcast_in_dim3A_5 : vector<16xf32> to vector<1x16xf32>
      tpu.vector_store %arg6[%swap3A, %swap3A_286], %swap3A_289 {strides = array<i32>} : memref<128x128xf32, #tpu.memory_space<vmem>>, vector<1x16xf32>,
    }
    %scan3A_126 = arith.constant 1024 : i32
    %scan3A_127 = arith.constant 0 : i32
    %scan3A_128 = arith.constant 4 : i32
    %scan3A_129 = arith.addi %scan3A_127, %scan3A_128 : i32
    %scan3A_130 = arith.constant 1 : i32
    scf.for %scan3A_243 = %scan3A_127 to %scan3A_129 step %scan3A_130  : i32 {
      %mul3A_244 = arith.constant 128 : i32
      %mul3A_245 = arith.muli %scan3A_243, %mul3A_244 : i32
      %add3A_246 = arith.addi %mul3A_7, %mul3A_245 : i32
      "tpu.region"() ({
        %run_scoped3A = tpu.sem_alloc : memref<!tpu.dma_semaphore, #tpu.memory_space<semaphore_mem>>
        %dma_start3A_247 = arith.constant 0 : i32
        %dma_start3A_248 = tpu.memref_slice %arg9[%add3A_246, %dma_start3A_247] : memref<10000x128xf32, #tpu.memory_space<vmem_shared>> -> memref<128x128xf32, #tpu.memory_space<vmem_shared>>
        %dma_start3A_249 = arith.constant 0 : i32
        %dma_start3A_250 = tpu.memref_slice %arg9[%add3A_246, %dma_start3A_249] : memref<10000x128xf32, #tpu.memory_space<vmem_shared>> -> memref<128x128xf32, #tpu.memory_space<vmem_shared>>
        tpu.enqueue_dma source(%arg6 : memref<128x128xf32, #tpu.memory_space<vmem>>) target(%dma_start3A_250 : memref<128x128xf32, #tpu.memory_space<vmem_shared>>) target_semaphore(%run_scoped3A : memref<!tpu.dma_semaphore, #tpu.memory_space<semaphore_mem>>)
        %dma_wait3A_251 = arith.constant 0 : i32
        %dma_wait3A_252 = tpu.memref_slice %arg9[%add3A_246, %dma_wait3A_251] : memref<10000x128xf32, #tpu.memory_space<vmem_shared>> -> memref<128x128xf32, #tpu.memory_space<vmem_shared>>
        %dma_wait3A_253 = arith.constant 0 : i32
        %dma_wait3A_254 = tpu.memref_slice %arg9[%add3A_246, %dma_wait3A_253] : memref<10000x128xf32, #tpu.memory_space<vmem_shared>> -> memref<128x128xf32, #tpu.memory_space<vmem_shared>>
        tpu.wait_dma2 semaphore(%run_scoped3A : memref<!tpu.dma_semaphore, #tpu.memory_space<semaphore_mem>>) src(%arg6 : memref<128x128xf32, #tpu.memory_space<vmem>>) dst(%dma_wait3A_254 : memref<128x128xf32, #tpu.memory_space<vmem_shared>>)
        tpu.yield
      }) : () -> ()
    }
    %scan3A_131 = arith.constant 4 : i32
    %lt3A = arith.constant 15 : i32
    %lt3A_132 = arith.cmpi slt, %arg1, %lt3A : i32
    %convert_element_type3A = arith.extui %lt3A_132 : i1 to i32
    %cond3A = arith.constant 0 : i32
    %cond3A_133 = arith.cmpi ne, %convert_element_type3A, %cond3A : i32
    scf.if %cond3A_133 {
      %add3A_243 = arith.constant 512 : i32
      %add3A_244 = arith.addi %mul3A_7, %add3A_243 : i32
      "tpu.region"() ({
        %run_scoped3A = tpu.sem_alloc : memref<!tpu.dma_semaphore, #tpu.memory_space<semaphore_mem>>
        %dma_start3A_245 = arith.constant 0 : i32
        %dma_start3A_246 = arith.constant 0 : i32
        %dma_start3A_247 = tpu.memref_slice %arg6[%dma_start3A_245, %dma_start3A_246] : memref<128x128xf32, #tpu.memory_space<vmem>> -> memref<112x128xf32, #tpu.memory_space<vmem>>
        %dma_start3A_248 = arith.constant 0 : i32
        %dma_start3A_249 = tpu.memref_slice %arg9[%add3A_244, %dma_start3A_248] : memref<10000x128xf32, #tpu.memory_space<vmem_shared>> -> memref<112x128xf32, #tpu.memory_space<vmem_shared>>
        %dma_start3A_250 = arith.constant 0 : i32
        %dma_start3A_251 = tpu.memref_slice %arg9[%add3A_244, %dma_start3A_250] : memref<10000x128xf32, #tpu.memory_space<vmem_shared>> -> memref<112x128xf32, #tpu.memory_space<vmem_shared>>
        %dma_start3A_252 = arith.constant 0 : i32
        %dma_start3A_253 = arith.constant 0 : i32
        %dma_start3A_254 = tpu.memref_slice %arg6[%dma_start3A_252, %dma_start3A_253] : memref<128x128xf32, #tpu.memory_space<vmem>> -> memref<112x128xf32, #tpu.memory_space<vmem>>
        tpu.enqueue_dma source(%dma_start3A_254 : memref<112x128xf32, #tpu.memory_space<vmem>>) target(%dma_start3A_251 : memref<112x128xf32, #tpu.memory_space<vmem_shared>>) target_semaphore(%run_scoped3A : memref<!tpu.dma_semaphore, #tpu.memory_space<semaphore_mem>>)
        %dma_wait3A_255 = arith.constant 0 : i32
        %dma_wait3A_256 = arith.constant 0 : i32
        %dma_wait3A_257 = tpu.memref_slice %arg6[%dma_wait3A_255, %dma_wait3A_256] : memref<128x128xf32, #tpu.memory_space<vmem>> -> memref<112x128xf32, #tpu.memory_space<vmem>>
        %dma_wait3A_258 = arith.constant 0 : i32
        %dma_wait3A_259 = tpu.memref_slice %arg9[%add3A_244, %dma_wait3A_258] : memref<10000x128xf32, #tpu.memory_space<vmem_shared>> -> memref<112x128xf32, #tpu.memory_space<vmem_shared>>
        %dma_wait3A_260 = arith.constant 0 : i32
        %dma_wait3A_261 = tpu.memref_slice %arg9[%add3A_244, %dma_wait3A_260] : memref<10000x128xf32, #tpu.memory_space<vmem_shared>> -> memref<112x128xf32, #tpu.memory_space<vmem_shared>>
        %dma_wait3A_262 = arith.constant 0 : i32
        %dma_wait3A_263 = arith.constant 0 : i32
        %dma_wait3A_264 = tpu.memref_slice %arg6[%dma_wait3A_262, %dma_wait3A_263] : memref<128x128xf32, #tpu.memory_space<vmem>> -> memref<112x128xf32, #tpu.memory_space<vmem>>
        tpu.wait_dma2 semaphore(%run_scoped3A : memref<!tpu.dma_semaphore, #tpu.memory_space<semaphore_mem>>) src(%dma_wait3A_264 : memref<112x128xf32, #tpu.memory_space<vmem>>) dst(%dma_wait3A_261 : memref<112x128xf32, #tpu.memory_space<vmem_shared>>)
        tpu.yield
      }) : () -> ()
    } else {
    }
    %eq3A_134 = arith.constant 15 : i32
    %eq3A_135 = arith.cmpi eq, %arg1, %eq3A_134 : i32
    %convert_element_type3A_136 = arith.extui %eq3A_135 : i1 to i32
    %cond3A_137 = arith.constant 0 : i32
    %cond3A_138 = arith.cmpi ne, %convert_element_type3A_136, %cond3A_137 : i32
    scf.if %cond3A_138 {
      %add3A_243 = arith.constant 512 : i32
      %add3A_244 = arith.addi %mul3A_7, %add3A_243 : i32
      "tpu.region"() ({
        %run_scoped3A = tpu.sem_alloc : memref<!tpu.dma_semaphore, #tpu.memory_space<semaphore_mem>>
        %dma_start3A_245 = arith.constant 0 : i32
        %dma_start3A_246 = tpu.memref_slice %arg9[%add3A_244, %dma_start3A_245] : memref<10000x128xf32, #tpu.memory_space<vmem_shared>> -> memref<128x128xf32, #tpu.memory_space<vmem_shared>>
        %dma_start3A_247 = arith.constant 0 : i32
        %dma_start3A_248 = tpu.memref_slice %arg9[%add3A_244, %dma_start3A_247] : memref<10000x128xf32, #tpu.memory_space<vmem_shared>> -> memref<128x128xf32, #tpu.memory_space<vmem_shared>>
        tpu.enqueue_dma source(%arg6 : memref<128x128xf32, #tpu.memory_space<vmem>>) target(%dma_start3A_248 : memref<128x128xf32, #tpu.memory_space<vmem_shared>>) target_semaphore(%run_scoped3A : memref<!tpu.dma_semaphore, #tpu.memory_space<semaphore_mem>>)
        %dma_wait3A_249 = arith.constant 0 : i32
        %dma_wait3A_250 = tpu.memref_slice %arg9[%add3A_244, %dma_wait3A_249] : memref<10000x128xf32, #tpu.memory_space<vmem_shared>> -> memref<128x128xf32, #tpu.memory_space<vmem_shared>>
        %dma_wait3A_251 = arith.constant 0 : i32
        %dma_wait3A_252 = tpu.memref_slice %arg9[%add3A_244, %dma_wait3A_251] : memref<10000x128xf32, #tpu.memory_space<vmem_shared>> -> memref<128x128xf32, #tpu.memory_space<vmem_shared>>
        tpu.wait_dma2 semaphore(%run_scoped3A : memref<!tpu.dma_semaphore, #tpu.memory_space<semaphore_mem>>) src(%arg6 : memref<128x128xf32, #tpu.memory_space<vmem>>) dst(%dma_wait3A_252 : memref<128x128xf32, #tpu.memory_space<vmem_shared>>)
        tpu.yield
      }) : () -> ()
    } else {
    }
    %barrier3A = arith.constant 0 : index
    tpu.barrier barrier_id(%barrier3A)
    %add3A_139 = arith.constant 6 : i32
    %add3A_140 = arith.addi %select_n3A, %add3A_139 : i32
    %sub3A = arith.constant 1 : i32
    %sub3A_141 = arith.subi %add3A_140, %sub3A : i32
    %jit3A_142 = arith.constant 6 : i32
    %div3A = arith.divsi %sub3A_141, %jit3A_142 : i32
    %sign3A = arith.constant 0 : i32
    %sign3A_143 = arith.cmpi sgt, %sub3A_141, %sign3A : i32
    %sign3A_144 = arith.extui %sign3A_143 : i1 to i32
    %sign3A_145 = arith.constant 0 : i32
    %sign3A_146 = arith.cmpi slt, %sub3A_141, %sign3A_145 : i32
    %sign3A_147 = arith.extui %sign3A_146 : i1 to i32
    %sign3A_148 = arith.subi %sign3A_144, %sign3A_147 : i32
    %sign3A_149 = arith.constant 0 : i32
    %sign3A_150 = arith.cmpi sgt, %jit3A_142, %sign3A_149 : i32
    %sign3A_151 = arith.extui %sign3A_150 : i1 to i32
    %sign3A_152 = arith.constant 0 : i32
    %sign3A_153 = arith.cmpi slt, %jit3A_142, %sign3A_152 : i32
    %sign3A_154 = arith.extui %sign3A_153 : i1 to i32
    %sign3A_155 = arith.subi %sign3A_151, %sign3A_154 : i32
    %ne3A = arith.cmpi ne, %sign3A_148, %sign3A_155 : i32
    %rem3A = arith.remsi %sub3A_141, %jit3A_142 : i32
    %ne3A_156 = arith.constant 0 : i32
    %ne3A_157 = arith.cmpi ne, %rem3A, %ne3A_156 : i32
    %and3A = arith.andi %ne3A, %ne3A_157 : i1
    %sub3A_158 = arith.constant 1 : i32
    %sub3A_159 = arith.subi %div3A, %sub3A_158 : i32
    %select_n3A_160 = arith.select %and3A, %sub3A_159, %div3A : i32
    %while3A = arith.constant 0 : i32
    %while3A_161 = arith.subi %select_n3A_160, %while3A : i32
    %while3A_162 = arith.addi %while3A, %while3A_161 : i32
    %while3A_163 = arith.constant 1 : i32
    %while3A_164 = arith.divsi %while3A_161, %while3A_163 : i32
    %while3A_165 = arith.muli %while3A_164, %while3A_163 : i32
    %while3A_166 = arith.addi %while3A, %while3A_165 : i32
    %while3A_167 = arith.constant 1 : i32
    scf.for %while3A_243 = %while3A to %while3A_166 step %while3A_167  : i32 {
      %mul3A_244 = arith.constant 6 : i32
      %mul3A_245 = arith.muli %mul3A_244, %while3A_243 : i32
      %add3A_246 = arith.constant 0 : i32
      %add3A_247 = arith.addi %mul3A_245, %add3A_246 : i32
      %lt3A_248 = arith.cmpi slt, %add3A_247, %select_n3A : i32
      %convert_element_type3A_249 = arith.extui %lt3A_248 : i1 to i32
      %cond3A_250 = arith.constant 0 : i32
      %cond3A_251 = arith.cmpi ne, %convert_element_type3A_249, %cond3A_250 : i32
      scf.if %cond3A_251 {
        %ge3A = arith.constant 1 : i32
        %ge3A_292 = arith.cmpi sge, %add3A_247, %ge3A : i32
        %convert_element_type3A_293 = arith.extui %ge3A_292 : i1 to i32
        %cond3A_294 = arith.constant 0 : i32
        %cond3A_295 = arith.cmpi ne, %convert_element_type3A_293, %cond3A_294 : i32
        scf.if %cond3A_295 {
          %dma_wait3A_324 = arith.constant 0 : i32
          %dma_wait3A_325 = arith.constant 1 : i32
          %dma_wait3A_326 = arith.constant 0 : i32
          %dma_wait3A_327 = tpu.memref_slice %arg5[%dma_wait3A_324, %dma_wait3A_325, %dma_wait3A_326] : memref<6x2x128xi32, #tpu.memory_space<vmem>> -> memref<1x1x128xi32, #tpu.memory_space<vmem>>
          %dma_wait3A_328 = tpu.memref_squeeze %dma_wait3A_327 : memref<1x1x128xi32, #tpu.memory_space<vmem>> -> memref<128xi32, #tpu.memory_space<vmem>>
          %dma_wait3A_329 = arith.constant 0 : i32
          %dma_wait3A_330 = arith.constant 0 : i32
          %dma_wait3A_331 = tpu.memref_slice %arg9[%dma_wait3A_329, %dma_wait3A_330] : memref<10000x128xf32, #tpu.memory_space<vmem_shared>> -> memref<10000x128xf32, #tpu.memory_space<vmem_shared>>
          tpu.wait_indirect_dma semaphore(%arg16 : memref<!tpu.dma_semaphore, #tpu.memory_space<semaphore_mem>>) src(%arg6 : memref<128x128xf32, #tpu.memory_space<vmem>>) dst(%dma_wait3A_331 : memref<10000x128xf32, #tpu.memory_space<vmem_shared>>)
        } else {
        }
        %add3A_296 = arith.constant 2 : i32
        %add3A_297 = arith.addi %add3A_247, %add3A_296 : i32
        %lt3A_298 = arith.cmpi slt, %add3A_297, %select_n3A : i32
        %convert_element_type3A_299 = arith.extui %lt3A_298 : i1 to i32
        %cond3A_300 = arith.constant 0 : i32
        %cond3A_301 = arith.cmpi ne, %convert_element_type3A_299, %cond3A_300 : i32
        scf.if %cond3A_301 {
          %dma_wait3A_324 = arith.constant 2 : i32
          %dma_wait3A_325 = arith.constant 0 : i32
          %dma_wait3A_326 = arith.constant 0 : i32
          %dma_wait3A_327 = tpu.memref_slice %arg5[%dma_wait3A_324, %dma_wait3A_325, %dma_wait3A_326] : memref<6x2x128xi32, #tpu.memory_space<vmem>> -> memref<1x2x128xi32, #tpu.memory_space<vmem>>
          %dma_wait3A_328 = tpu.memref_squeeze %dma_wait3A_327 : memref<1x2x128xi32, #tpu.memory_space<vmem>> -> memref<2x128xi32, #tpu.memory_space<vmem>>
          %dma_wait3A_329 = arith.constant 0 : i32
          %dma_wait3A_330 = tpu.memref_slice %arg3[%dma_wait3A_329, %mul3A_2] : memref<2x320000xi32, #tpu.memory_space<hbm>> -> memref<2x128xi32, #tpu.memory_space<hbm>>
          %dma_wait3A_331 = arith.constant 0 : i32
          %dma_wait3A_332 = arith.constant 0 : i32
          %dma_wait3A_333 = tpu.memref_slice %arg5[%dma_wait3A_324, %dma_wait3A_331, %dma_wait3A_332] : memref<6x2x128xi32, #tpu.memory_space<vmem>> -> memref<1x2x128xi32, #tpu.memory_space<vmem>>
          %dma_wait3A_334 = tpu.memref_squeeze %dma_wait3A_333 : memref<1x2x128xi32, #tpu.memory_space<vmem>> -> memref<2x128xi32, #tpu.memory_space<vmem>>
          %dma_wait3A_335 = arith.constant 0 : i32
          %dma_wait3A_336 = tpu.memref_slice %arg3[%dma_wait3A_335, %mul3A_2] : memref<2x320000xi32, #tpu.memory_space<hbm>> -> memref<2x128xi32, #tpu.memory_space<hbm>>
          tpu.wait_dma2 semaphore(%arg12 : memref<!tpu.dma_semaphore, #tpu.memory_space<semaphore_mem>>) src(%dma_wait3A_336 : memref<2x128xi32, #tpu.memory_space<hbm>>) dst(%dma_wait3A_334 : memref<2x128xi32, #tpu.memory_space<vmem>>)
          %dma_start3A_337 = arith.constant 2 : i32
          %dma_start3A_338 = arith.constant 0 : i32
          %dma_start3A_339 = arith.constant 0 : i32
          %dma_start3A_340 = tpu.memref_slice %arg5[%dma_start3A_337, %dma_start3A_338, %dma_start3A_339] : memref<6x2x128xi32, #tpu.memory_space<vmem>> -> memref<1x1x128xi32, #tpu.memory_space<vmem>>
          %dma_start3A_341 = tpu.memref_squeeze %dma_start3A_340 : memref<1x1x128xi32, #tpu.memory_space<vmem>> -> memref<128xi32, #tpu.memory_space<vmem>>
          %dma_start3A_342 = arith.constant 0 : i32
          %dma_start3A_343 = arith.constant 0 : i32
          %dma_start3A_344 = tpu.memref_slice %arg2[%dma_start3A_342, %dma_start3A_343] : memref<10240x128xf32, #tpu.memory_space<hbm>> -> memref<10240x128xf32, #tpu.memory_space<hbm>>
          tpu.enqueue_indirect_dma source(%dma_start3A_344 : memref<10240x128xf32, #tpu.memory_space<hbm>>) target(%arg6 : memref<128x128xf32, #tpu.memory_space<vmem>>) offsets(%dma_start3A_341 : memref<128xi32, #tpu.memory_space<vmem>>) semaphore(%arg13 : memref<!tpu.dma_semaphore, #tpu.memory_space<semaphore_mem>>)
        } else {
        }
        %dma_wait3A_302 = arith.constant 0 : i32
        %dma_wait3A_303 = arith.constant 0 : i32
        %dma_wait3A_304 = arith.constant 0 : i32
        %dma_wait3A_305 = tpu.memref_slice %arg5[%dma_wait3A_302, %dma_wait3A_303, %dma_wait3A_304] : memref<6x2x128xi32, #tpu.memory_space<vmem>> -> memref<1x1x128xi32, #tpu.memory_space<vmem>>
        %dma_wait3A_306 = tpu.memref_squeeze %dma_wait3A_305 : memref<1x1x128xi32, #tpu.memory_space<vmem>> -> memref<128xi32, #tpu.memory_space<vmem>>
        %dma_wait3A_307 = arith.constant 0 : i32
        %dma_wait3A_308 = arith.constant 0 : i32
        %dma_wait3A_309 = tpu.memref_slice %arg2[%dma_wait3A_307, %dma_wait3A_308] : memref<10240x128xf32, #tpu.memory_space<hbm>> -> memref<10240x128xf32, #tpu.memory_space<hbm>>
        tpu.wait_indirect_dma semaphore(%arg14 : memref<!tpu.dma_semaphore, #tpu.memory_space<semaphore_mem>>) src(%dma_wait3A_309 : memref<10240x128xf32, #tpu.memory_space<hbm>>) dst(%arg7 : memref<128x128xf32, #tpu.memory_space<vmem>>)
        %dma_start3A_310 = arith.constant 0 : i32
        %dma_start3A_311 = arith.constant 1 : i32
        %dma_start3A_312 = arith.constant 0 : i32
        %dma_start3A_313 = tpu.memref_slice %arg5[%dma_start3A_310, %dma_start3A_311, %dma_start3A_312] : memref<6x2x128xi32, #tpu.memory_space<vmem>> -> memref<1x1x128xi32, #tpu.memory_space<vmem>>
        %dma_start3A_314 = tpu.memref_squeeze %dma_start3A_313 : memref<1x1x128xi32, #tpu.memory_space<vmem>> -> memref<128xi32, #tpu.memory_space<vmem>>
        %dma_start3A_315 = arith.constant 0 : i32
        %dma_start3A_316 = arith.constant 0 : i32
        %dma_start3A_317 = tpu.memref_slice %arg9[%dma_start3A_315, %dma_start3A_316] : memref<10000x128xf32, #tpu.memory_space<vmem_shared>> -> memref<10000x128xf32, #tpu.memory_space<vmem_shared>>
        tpu.enqueue_indirect_dma source(%arg7 : memref<128x128xf32, #tpu.memory_space<vmem>>) target(%dma_start3A_317 : memref<10000x128xf32, #tpu.memory_space<vmem_shared>>) offsets(%dma_start3A_314 : memref<128xi32, #tpu.memory_space<vmem>>) semaphore(%arg17 : memref<!tpu.dma_semaphore, #tpu.memory_space<semaphore_mem>>) {add = true}
        %add3A_318 = arith.constant 5 : i32
        %add3A_319 = arith.addi %add3A_247, %add3A_318 : i32
        %lt3A_320 = arith.cmpi slt, %add3A_319, %select_n3A : i32
        %convert_element_type3A_321 = arith.extui %lt3A_320 : i1 to i32
        %cond3A_322 = arith.constant 0 : i32
        %cond3A_323 = arith.cmpi ne, %convert_element_type3A_321, %cond3A_322 : i32
        scf.if %cond3A_323 {
          %add3A_324 = arith.constant 5 : i32
          %add3A_325 = arith.addi %add3A_247, %add3A_324 : i32
          %mul3A_326 = arith.constant 128 : i32
          %mul3A_327 = arith.muli %add3A_325, %mul3A_326 : i32
          %add3A_328 = arith.addi %mul3A_2, %mul3A_327 : i32
          %dma_start3A_329 = arith.constant 5 : i32
          %dma_start3A_330 = arith.constant 0 : i32
          %dma_start3A_331 = arith.constant 0 : i32
          %dma_start3A_332 = tpu.memref_slice %arg5[%dma_start3A_329, %dma_start3A_330, %dma_start3A_331] : memref<6x2x128xi32, #tpu.memory_space<vmem>> -> memref<1x2x128xi32, #tpu.memory_space<vmem>>
          %dma_start3A_333 = tpu.memref_squeeze %dma_start3A_332 : memref<1x2x128xi32, #tpu.memory_space<vmem>> -> memref<2x128xi32, #tpu.memory_space<vmem>>
          %dma_start3A_334 = arith.constant 0 : i32
          %dma_start3A_335 = tpu.memref_slice %arg3[%dma_start3A_334, %add3A_328] : memref<2x320000xi32, #tpu.memory_space<hbm>> -> memref<2x128xi32, #tpu.memory_space<hbm>>
          %dma_start3A_336 = arith.constant 0 : i32
          %dma_start3A_337 = arith.constant 0 : i32
          %dma_start3A_338 = tpu.memref_slice %arg5[%dma_start3A_329, %dma_start3A_336, %dma_start3A_337] : memref<6x2x128xi32, #tpu.memory_space<vmem>> -> memref<1x2x128xi32, #tpu.memory_space<vmem>>
          %dma_start3A_339 = tpu.memref_squeeze %dma_start3A_338 : memref<1x2x128xi32, #tpu.memory_space<vmem>> -> memref<2x128xi32, #tpu.memory_space<vmem>>
          %dma_start3A_340 = arith.constant 0 : i32
          %dma_start3A_341 = tpu.memref_slice %arg3[%dma_start3A_340, %add3A_328] : memref<2x320000xi32, #tpu.memory_space<hbm>> -> memref<2x128xi32, #tpu.memory_space<hbm>>
          tpu.enqueue_dma source(%dma_start3A_341 : memref<2x128xi32, #tpu.memory_space<hbm>>) target(%dma_start3A_339 : memref<2x128xi32, #tpu.memory_space<vmem>>) target_semaphore(%arg12 : memref<!tpu.dma_semaphore, #tpu.memory_space<semaphore_mem>>)
        } else {
        }
      } else {
      }
      %mul3A_252 = arith.constant 6 : i32
      %mul3A_253 = arith.muli %mul3A_252, %while3A_243 : i32
      %add3A_254 = arith.constant 1 : i32
      %add3A_255 = arith.addi %mul3A_253, %add3A_254 : i32
      %lt3A_256 = arith.cmpi slt, %add3A_255, %select_n3A : i32
      %convert_element_type3A_257 = arith.extui %lt3A_256 : i1 to i32
      %cond3A_258 = arith.constant 0 : i32
      %cond3A_259 = arith.cmpi ne, %convert_element_type3A_257, %cond3A_258 : i32
      scf.if %cond3A_259 {
        %ge3A = arith.constant 1 : i32
        %ge3A_292 = arith.cmpi sge, %add3A_255, %ge3A : i32
        %convert_element_type3A_293 = arith.extui %ge3A_292 : i1 to i32
        %cond3A_294 = arith.constant 0 : i32
        %cond3A_295 = arith.cmpi ne, %convert_element_type3A_293, %cond3A_294 : i32
        scf.if %cond3A_295 {
          %dma_wait3A_324 = arith.constant 0 : i32
          %dma_wait3A_325 = arith.constant 1 : i32
          %dma_wait3A_326 = arith.constant 0 : i32
          %dma_wait3A_327 = tpu.memref_slice %arg5[%dma_wait3A_324, %dma_wait3A_325, %dma_wait3A_326] : memref<6x2x128xi32, #tpu.memory_space<vmem>> -> memref<1x1x128xi32, #tpu.memory_space<vmem>>
          %dma_wait3A_328 = tpu.memref_squeeze %dma_wait3A_327 : memref<1x1x128xi32, #tpu.memory_space<vmem>> -> memref<128xi32, #tpu.memory_space<vmem>>
          %dma_wait3A_329 = arith.constant 0 : i32
          %dma_wait3A_330 = arith.constant 0 : i32
          %dma_wait3A_331 = tpu.memref_slice %arg9[%dma_wait3A_329, %dma_wait3A_330] : memref<10000x128xf32, #tpu.memory_space<vmem_shared>> -> memref<10000x128xf32, #tpu.memory_space<vmem_shared>>
          tpu.wait_indirect_dma semaphore(%arg17 : memref<!tpu.dma_semaphore, #tpu.memory_space<semaphore_mem>>) src(%arg7 : memref<128x128xf32, #tpu.memory_space<vmem>>) dst(%dma_wait3A_331 : memref<10000x128xf32, #tpu.memory_space<vmem_shared>>)
        } else {
        }
        %add3A_296 = arith.constant 2 : i32
        %add3A_297 = arith.addi %add3A_255, %add3A_296 : i32
        %lt3A_298 = arith.cmpi slt, %add3A_297, %select_n3A : i32
        %convert_element_type3A_299 = arith.extui %lt3A_298 : i1 to i32
        %cond3A_300 = arith.constant 0 : i32
        %cond3A_301 = arith.cmpi ne, %convert_element_type3A_299, %cond3A_300 : i32
        scf.if %cond3A_301 {
          %dma_wait3A_324 = arith.constant 3 : i32
          %dma_wait3A_325 = arith.constant 0 : i32
          %dma_wait3A_326 = arith.constant 0 : i32
          %dma_wait3A_327 = tpu.memref_slice %arg5[%dma_wait3A_324, %dma_wait3A_325, %dma_wait3A_326] : memref<6x2x128xi32, #tpu.memory_space<vmem>> -> memref<1x2x128xi32, #tpu.memory_space<vmem>>
          %dma_wait3A_328 = tpu.memref_squeeze %dma_wait3A_327 : memref<1x2x128xi32, #tpu.memory_space<vmem>> -> memref<2x128xi32, #tpu.memory_space<vmem>>
          %dma_wait3A_329 = arith.constant 0 : i32
          %dma_wait3A_330 = tpu.memref_slice %arg3[%dma_wait3A_329, %mul3A_2] : memref<2x320000xi32, #tpu.memory_space<hbm>> -> memref<2x128xi32, #tpu.memory_space<hbm>>
          %dma_wait3A_331 = arith.constant 0 : i32
          %dma_wait3A_332 = arith.constant 0 : i32
          %dma_wait3A_333 = tpu.memref_slice %arg5[%dma_wait3A_324, %dma_wait3A_331, %dma_wait3A_332] : memref<6x2x128xi32, #tpu.memory_space<vmem>> -> memref<1x2x128xi32, #tpu.memory_space<vmem>>
          %dma_wait3A_334 = tpu.memref_squeeze %dma_wait3A_333 : memref<1x2x128xi32, #tpu.memory_space<vmem>> -> memref<2x128xi32, #tpu.memory_space<vmem>>
          %dma_wait3A_335 = arith.constant 0 : i32
          %dma_wait3A_336 = tpu.memref_slice %arg3[%dma_wait3A_335, %mul3A_2] : memref<2x320000xi32, #tpu.memory_space<hbm>> -> memref<2x128xi32, #tpu.memory_space<hbm>>
          tpu.wait_dma2 semaphore(%arg10 : memref<!tpu.dma_semaphore, #tpu.memory_space<semaphore_mem>>) src(%dma_wait3A_336 : memref<2x128xi32, #tpu.memory_space<hbm>>) dst(%dma_wait3A_334 : memref<2x128xi32, #tpu.memory_space<vmem>>)
          %dma_start3A_337 = arith.constant 3 : i32
          %dma_start3A_338 = arith.constant 0 : i32
          %dma_start3A_339 = arith.constant 0 : i32
          %dma_start3A_340 = tpu.memref_slice %arg5[%dma_start3A_337, %dma_start3A_338, %dma_start3A_339] : memref<6x2x128xi32, #tpu.memory_space<vmem>> -> memref<1x1x128xi32, #tpu.memory_space<vmem>>
          %dma_start3A_341 = tpu.memref_squeeze %dma_start3A_340 : memref<1x1x128xi32, #tpu.memory_space<vmem>> -> memref<128xi32, #tpu.memory_space<vmem>>
          %dma_start3A_342 = arith.constant 0 : i32
          %dma_start3A_343 = arith.constant 0 : i32
          %dma_start3A_344 = tpu.memref_slice %arg2[%dma_start3A_342, %dma_start3A_343] : memref<10240x128xf32, #tpu.memory_space<hbm>> -> memref<10240x128xf32, #tpu.memory_space<hbm>>
          tpu.enqueue_indirect_dma source(%dma_start3A_344 : memref<10240x128xf32, #tpu.memory_space<hbm>>) target(%arg7 : memref<128x128xf32, #tpu.memory_space<vmem>>) offsets(%dma_start3A_341 : memref<128xi32, #tpu.memory_space<vmem>>) semaphore(%arg14 : memref<!tpu.dma_semaphore, #tpu.memory_space<semaphore_mem>>)
        } else {
        }
        %dma_wait3A_302 = arith.constant 1 : i32
        %dma_wait3A_303 = arith.constant 0 : i32
        %dma_wait3A_304 = arith.constant 0 : i32
        %dma_wait3A_305 = tpu.memref_slice %arg5[%dma_wait3A_302, %dma_wait3A_303, %dma_wait3A_304] : memref<6x2x128xi32, #tpu.memory_space<vmem>> -> memref<1x1x128xi32, #tpu.memory_space<vmem>>
        %dma_wait3A_306 = tpu.memref_squeeze %dma_wait3A_305 : memref<1x1x128xi32, #tpu.memory_space<vmem>> -> memref<128xi32, #tpu.memory_space<vmem>>
        %dma_wait3A_307 = arith.constant 0 : i32
        %dma_wait3A_308 = arith.constant 0 : i32
        %dma_wait3A_309 = tpu.memref_slice %arg2[%dma_wait3A_307, %dma_wait3A_308] : memref<10240x128xf32, #tpu.memory_space<hbm>> -> memref<10240x128xf32, #tpu.memory_space<hbm>>
        tpu.wait_indirect_dma semaphore(%arg15 : memref<!tpu.dma_semaphore, #tpu.memory_space<semaphore_mem>>) src(%dma_wait3A_309 : memref<10240x128xf32, #tpu.memory_space<hbm>>) dst(%arg8 : memref<128x128xf32, #tpu.memory_space<vmem>>)
        %dma_start3A_310 = arith.constant 1 : i32
        %dma_start3A_311 = arith.constant 1 : i32
        %dma_start3A_312 = arith.constant 0 : i32
        %dma_start3A_313 = tpu.memref_slice %arg5[%dma_start3A_310, %dma_start3A_311, %dma_start3A_312] : memref<6x2x128xi32, #tpu.memory_space<vmem>> -> memref<1x1x128xi32, #tpu.memory_space<vmem>>
        %dma_start3A_314 = tpu.memref_squeeze %dma_start3A_313 : memref<1x1x128xi32, #tpu.memory_space<vmem>> -> memref<128xi32, #tpu.memory_space<vmem>>
        %dma_start3A_315 = arith.constant 0 : i32
        %dma_start3A_316 = arith.constant 0 : i32
        %dma_start3A_317 = tpu.memref_slice %arg9[%dma_start3A_315, %dma_start3A_316] : memref<10000x128xf32, #tpu.memory_space<vmem_shared>> -> memref<10000x128xf32, #tpu.memory_space<vmem_shared>>
        tpu.enqueue_indirect_dma source(%arg8 : memref<128x128xf32, #tpu.memory_space<vmem>>) target(%dma_start3A_317 : memref<10000x128xf32, #tpu.memory_space<vmem_shared>>) offsets(%dma_start3A_314 : memref<128xi32, #tpu.memory_space<vmem>>) semaphore(%arg18 : memref<!tpu.dma_semaphore, #tpu.memory_space<semaphore_mem>>) {add = true}
        %add3A_318 = arith.constant 5 : i32
        %add3A_319 = arith.addi %add3A_255, %add3A_318 : i32
        %lt3A_320 = arith.cmpi slt, %add3A_319, %select_n3A : i32
        %convert_element_type3A_321 = arith.extui %lt3A_320 : i1 to i32
        %cond3A_322 = arith.constant 0 : i32
        %cond3A_323 = arith.cmpi ne, %convert_element_type3A_321, %cond3A_322 : i32
        scf.if %cond3A_323 {
          %add3A_324 = arith.constant 5 : i32
          %add3A_325 = arith.addi %add3A_255, %add3A_324 : i32
          %mul3A_326 = arith.constant 128 : i32
          %mul3A_327 = arith.muli %add3A_325, %mul3A_326 : i32
          %add3A_328 = arith.addi %mul3A_2, %mul3A_327 : i32
          %dma_start3A_329 = arith.constant 0 : i32
          %dma_start3A_330 = arith.constant 0 : i32
          %dma_start3A_331 = arith.constant 0 : i32
          %dma_start3A_332 = tpu.memref_slice %arg5[%dma_start3A_329, %dma_start3A_330, %dma_start3A_331] : memref<6x2x128xi32, #tpu.memory_space<vmem>> -> memref<1x2x128xi32, #tpu.memory_space<vmem>>
          %dma_start3A_333 = tpu.memref_squeeze %dma_start3A_332 : memref<1x2x128xi32, #tpu.memory_space<vmem>> -> memref<2x128xi32, #tpu.memory_space<vmem>>
          %dma_start3A_334 = arith.constant 0 : i32
          %dma_start3A_335 = tpu.memref_slice %arg3[%dma_start3A_334, %add3A_328] : memref<2x320000xi32, #tpu.memory_space<hbm>> -> memref<2x128xi32, #tpu.memory_space<hbm>>
          %dma_start3A_336 = arith.constant 0 : i32
          %dma_start3A_337 = arith.constant 0 : i32
          %dma_start3A_338 = tpu.memref_slice %arg5[%dma_start3A_329, %dma_start3A_336, %dma_start3A_337] : memref<6x2x128xi32, #tpu.memory_space<vmem>> -> memref<1x2x128xi32, #tpu.memory_space<vmem>>
          %dma_start3A_339 = tpu.memref_squeeze %dma_start3A_338 : memref<1x2x128xi32, #tpu.memory_space<vmem>> -> memref<2x128xi32, #tpu.memory_space<vmem>>
          %dma_start3A_340 = arith.constant 0 : i32
          %dma_start3A_341 = tpu.memref_slice %arg3[%dma_start3A_340, %add3A_328] : memref<2x320000xi32, #tpu.memory_space<hbm>> -> memref<2x128xi32, #tpu.memory_space<hbm>>
          tpu.enqueue_dma source(%dma_start3A_341 : memref<2x128xi32, #tpu.memory_space<hbm>>) target(%dma_start3A_339 : memref<2x128xi32, #tpu.memory_space<vmem>>) target_semaphore(%arg10 : memref<!tpu.dma_semaphore, #tpu.memory_space<semaphore_mem>>)
        } else {
        }
      } else {
      }
      %mul3A_260 = arith.constant 6 : i32
      %mul3A_261 = arith.muli %mul3A_260, %while3A_243 : i32
      %add3A_262 = arith.constant 2 : i32
      %add3A_263 = arith.addi %mul3A_261, %add3A_262 : i32
      %lt3A_264 = arith.cmpi slt, %add3A_263, %select_n3A : i32
      %convert_element_type3A_265 = arith.extui %lt3A_264 : i1 to i32
      %cond3A_266 = arith.constant 0 : i32
      %cond3A_267 = arith.cmpi ne, %convert_element_type3A_265, %cond3A_266 : i32
      scf.if %cond3A_267 {
        %ge3A = arith.constant 1 : i32
        %ge3A_292 = arith.cmpi sge, %add3A_263, %ge3A : i32
        %convert_element_type3A_293 = arith.extui %ge3A_292 : i1 to i32
        %cond3A_294 = arith.constant 0 : i32
        %cond3A_295 = arith.cmpi ne, %convert_element_type3A_293, %cond3A_294 : i32
        scf.if %cond3A_295 {
          %dma_wait3A_324 = arith.constant 0 : i32
          %dma_wait3A_325 = arith.constant 1 : i32
          %dma_wait3A_326 = arith.constant 0 : i32
          %dma_wait3A_327 = tpu.memref_slice %arg5[%dma_wait3A_324, %dma_wait3A_325, %dma_wait3A_326] : memref<6x2x128xi32, #tpu.memory_space<vmem>> -> memref<1x1x128xi32, #tpu.memory_space<vmem>>
          %dma_wait3A_328 = tpu.memref_squeeze %dma_wait3A_327 : memref<1x1x128xi32, #tpu.memory_space<vmem>> -> memref<128xi32, #tpu.memory_space<vmem>>
          %dma_wait3A_329 = arith.constant 0 : i32
          %dma_wait3A_330 = arith.constant 0 : i32
          %dma_wait3A_331 = tpu.memref_slice %arg9[%dma_wait3A_329, %dma_wait3A_330] : memref<10000x128xf32, #tpu.memory_space<vmem_shared>> -> memref<10000x128xf32, #tpu.memory_space<vmem_shared>>
          tpu.wait_indirect_dma semaphore(%arg18 : memref<!tpu.dma_semaphore, #tpu.memory_space<semaphore_mem>>) src(%arg8 : memref<128x128xf32, #tpu.memory_space<vmem>>) dst(%dma_wait3A_331 : memref<10000x128xf32, #tpu.memory_space<vmem_shared>>)
        } else {
        }
        %add3A_296 = arith.constant 2 : i32
        %add3A_297 = arith.addi %add3A_263, %add3A_296 : i32
        %lt3A_298 = arith.cmpi slt, %add3A_297, %select_n3A : i32
        %convert_element_type3A_299 = arith.extui %lt3A_298 : i1 to i32
        %cond3A_300 = arith.constant 0 : i32
        %cond3A_301 = arith.cmpi ne, %convert_element_type3A_299, %cond3A_300 : i32
        scf.if %cond3A_301 {
          %dma_wait3A_324 = arith.constant 4 : i32
          %dma_wait3A_325 = arith.constant 0 : i32
          %dma_wait3A_326 = arith.constant 0 : i32
          %dma_wait3A_327 = tpu.memref_slice %arg5[%dma_wait3A_324, %dma_wait3A_325, %dma_wait3A_326] : memref<6x2x128xi32, #tpu.memory_space<vmem>> -> memref<1x2x128xi32, #tpu.memory_space<vmem>>
          %dma_wait3A_328 = tpu.memref_squeeze %dma_wait3A_327 : memref<1x2x128xi32, #tpu.memory_space<vmem>> -> memref<2x128xi32, #tpu.memory_space<vmem>>
          %dma_wait3A_329 = arith.constant 0 : i32
          %dma_wait3A_330 = tpu.memref_slice %arg3[%dma_wait3A_329, %mul3A_2] : memref<2x320000xi32, #tpu.memory_space<hbm>> -> memref<2x128xi32, #tpu.memory_space<hbm>>
          %dma_wait3A_331 = arith.constant 0 : i32
          %dma_wait3A_332 = arith.constant 0 : i32
          %dma_wait3A_333 = tpu.memref_slice %arg5[%dma_wait3A_324, %dma_wait3A_331, %dma_wait3A_332] : memref<6x2x128xi32, #tpu.memory_space<vmem>> -> memref<1x2x128xi32, #tpu.memory_space<vmem>>
          %dma_wait3A_334 = tpu.memref_squeeze %dma_wait3A_333 : memref<1x2x128xi32, #tpu.memory_space<vmem>> -> memref<2x128xi32, #tpu.memory_space<vmem>>
          %dma_wait3A_335 = arith.constant 0 : i32
          %dma_wait3A_336 = tpu.memref_slice %arg3[%dma_wait3A_335, %mul3A_2] : memref<2x320000xi32, #tpu.memory_space<hbm>> -> memref<2x128xi32, #tpu.memory_space<hbm>>
          tpu.wait_dma2 semaphore(%arg11 : memref<!tpu.dma_semaphore, #tpu.memory_space<semaphore_mem>>) src(%dma_wait3A_336 : memref<2x128xi32, #tpu.memory_space<hbm>>) dst(%dma_wait3A_334 : memref<2x128xi32, #tpu.memory_space<vmem>>)
          %dma_start3A_337 = arith.constant 4 : i32
          %dma_start3A_338 = arith.constant 0 : i32
          %dma_start3A_339 = arith.constant 0 : i32
          %dma_start3A_340 = tpu.memref_slice %arg5[%dma_start3A_337, %dma_start3A_338, %dma_start3A_339] : memref<6x2x128xi32, #tpu.memory_space<vmem>> -> memref<1x1x128xi32, #tpu.memory_space<vmem>>
          %dma_start3A_341 = tpu.memref_squeeze %dma_start3A_340 : memref<1x1x128xi32, #tpu.memory_space<vmem>> -> memref<128xi32, #tpu.memory_space<vmem>>
          %dma_start3A_342 = arith.constant 0 : i32
          %dma_start3A_343 = arith.constant 0 : i32
          %dma_start3A_344 = tpu.memref_slice %arg2[%dma_start3A_342, %dma_start3A_343] : memref<10240x128xf32, #tpu.memory_space<hbm>> -> memref<10240x128xf32, #tpu.memory_space<hbm>>
          tpu.enqueue_indirect_dma source(%dma_start3A_344 : memref<10240x128xf32, #tpu.memory_space<hbm>>) target(%arg8 : memref<128x128xf32, #tpu.memory_space<vmem>>) offsets(%dma_start3A_341 : memref<128xi32, #tpu.memory_space<vmem>>) semaphore(%arg15 : memref<!tpu.dma_semaphore, #tpu.memory_space<semaphore_mem>>)
        } else {
        }
        %dma_wait3A_302 = arith.constant 2 : i32
        %dma_wait3A_303 = arith.constant 0 : i32
        %dma_wait3A_304 = arith.constant 0 : i32
        %dma_wait3A_305 = tpu.memref_slice %arg5[%dma_wait3A_302, %dma_wait3A_303, %dma_wait3A_304] : memref<6x2x128xi32, #tpu.memory_space<vmem>> -> memref<1x1x128xi32, #tpu.memory_space<vmem>>
        %dma_wait3A_306 = tpu.memref_squeeze %dma_wait3A_305 : memref<1x1x128xi32, #tpu.memory_space<vmem>> -> memref<128xi32, #tpu.memory_space<vmem>>
        %dma_wait3A_307 = arith.constant 0 : i32
        %dma_wait3A_308 = arith.constant 0 : i32
        %dma_wait3A_309 = tpu.memref_slice %arg2[%dma_wait3A_307, %dma_wait3A_308] : memref<10240x128xf32, #tpu.memory_space<hbm>> -> memref<10240x128xf32, #tpu.memory_space<hbm>>
        tpu.wait_indirect_dma semaphore(%arg13 : memref<!tpu.dma_semaphore, #tpu.memory_space<semaphore_mem>>) src(%dma_wait3A_309 : memref<10240x128xf32, #tpu.memory_space<hbm>>) dst(%arg6 : memref<128x128xf32, #tpu.memory_space<vmem>>)
        %dma_start3A_310 = arith.constant 2 : i32
        %dma_start3A_311 = arith.constant 1 : i32
        %dma_start3A_312 = arith.constant 0 : i32
        %dma_start3A_313 = tpu.memref_slice %arg5[%dma_start3A_310, %dma_start3A_311, %dma_start3A_312] : memref<6x2x128xi32, #tpu.memory_space<vmem>> -> memref<1x1x128xi32, #tpu.memory_space<vmem>>
        %dma_start3A_314 = tpu.memref_squeeze %dma_start3A_313 : memref<1x1x128xi32, #tpu.memory_space<vmem>> -> memref<128xi32, #tpu.memory_space<vmem>>
        %dma_start3A_315 = arith.constant 0 : i32
        %dma_start3A_316 = arith.constant 0 : i32
        %dma_start3A_317 = tpu.memref_slice %arg9[%dma_start3A_315, %dma_start3A_316] : memref<10000x128xf32, #tpu.memory_space<vmem_shared>> -> memref<10000x128xf32, #tpu.memory_space<vmem_shared>>
        tpu.enqueue_indirect_dma source(%arg6 : memref<128x128xf32, #tpu.memory_space<vmem>>) target(%dma_start3A_317 : memref<10000x128xf32, #tpu.memory_space<vmem_shared>>) offsets(%dma_start3A_314 : memref<128xi32, #tpu.memory_space<vmem>>) semaphore(%arg16 : memref<!tpu.dma_semaphore, #tpu.memory_space<semaphore_mem>>) {add = true}
        %add3A_318 = arith.constant 5 : i32
        %add3A_319 = arith.addi %add3A_263, %add3A_318 : i32
        %lt3A_320 = arith.cmpi slt, %add3A_319, %select_n3A : i32
        %convert_element_type3A_321 = arith.extui %lt3A_320 : i1 to i32
        %cond3A_322 = arith.constant 0 : i32
        %cond3A_323 = arith.cmpi ne, %convert_element_type3A_321, %cond3A_322 : i32
        scf.if %cond3A_323 {
          %add3A_324 = arith.constant 5 : i32
          %add3A_325 = arith.addi %add3A_263, %add3A_324 : i32
          %mul3A_326 = arith.constant 128 : i32
          %mul3A_327 = arith.muli %add3A_325, %mul3A_326 : i32
          %add3A_328 = arith.addi %mul3A_2, %mul3A_327 : i32
          %dma_start3A_329 = arith.constant 1 : i32
          %dma_start3A_330 = arith.constant 0 : i32
          %dma_start3A_331 = arith.constant 0 : i32
          %dma_start3A_332 = tpu.memref_slice %arg5[%dma_start3A_329, %dma_start3A_330, %dma_start3A_331] : memref<6x2x128xi32, #tpu.memory_space<vmem>> -> memref<1x2x128xi32, #tpu.memory_space<vmem>>
          %dma_start3A_333 = tpu.memref_squeeze %dma_start3A_332 : memref<1x2x128xi32, #tpu.memory_space<vmem>> -> memref<2x128xi32, #tpu.memory_space<vmem>>
          %dma_start3A_334 = arith.constant 0 : i32
          %dma_start3A_335 = tpu.memref_slice %arg3[%dma_start3A_334, %add3A_328] : memref<2x320000xi32, #tpu.memory_space<hbm>> -> memref<2x128xi32, #tpu.memory_space<hbm>>
          %dma_start3A_336 = arith.constant 0 : i32
          %dma_start3A_337 = arith.constant 0 : i32
          %dma_start3A_338 = tpu.memref_slice %arg5[%dma_start3A_329, %dma_start3A_336, %dma_start3A_337] : memref<6x2x128xi32, #tpu.memory_space<vmem>> -> memref<1x2x128xi32, #tpu.memory_space<vmem>>
          %dma_start3A_339 = tpu.memref_squeeze %dma_start3A_338 : memref<1x2x128xi32, #tpu.memory_space<vmem>> -> memref<2x128xi32, #tpu.memory_space<vmem>>
          %dma_start3A_340 = arith.constant 0 : i32
          %dma_start3A_341 = tpu.memref_slice %arg3[%dma_start3A_340, %add3A_328] : memref<2x320000xi32, #tpu.memory_space<hbm>> -> memref<2x128xi32, #tpu.memory_space<hbm>>
          tpu.enqueue_dma source(%dma_start3A_341 : memref<2x128xi32, #tpu.memory_space<hbm>>) target(%dma_start3A_339 : memref<2x128xi32, #tpu.memory_space<vmem>>) target_semaphore(%arg11 : memref<!tpu.dma_semaphore, #tpu.memory_space<semaphore_mem>>)
        } else {
        }
      } else {
      }
      %mul3A_268 = arith.constant 6 : i32
      %mul3A_269 = arith.muli %mul3A_268, %while3A_243 : i32
      %add3A_270 = arith.constant 3 : i32
      %add3A_271 = arith.addi %mul3A_269, %add3A_270 : i32
      %lt3A_272 = arith.cmpi slt, %add3A_271, %select_n3A : i32
      %convert_element_type3A_273 = arith.extui %lt3A_272 : i1 to i32
      %cond3A_274 = arith.constant 0 : i32
      %cond3A_275 = arith.cmpi ne, %convert_element_type3A_273, %cond3A_274 : i32
      scf.if %cond3A_275 {
        %ge3A = arith.constant 1 : i32
        %ge3A_292 = arith.cmpi sge, %add3A_271, %ge3A : i32
        %convert_element_type3A_293 = arith.extui %ge3A_292 : i1 to i32
        %cond3A_294 = arith.constant 0 : i32
        %cond3A_295 = arith.cmpi ne, %convert_element_type3A_293, %cond3A_294 : i32
        scf.if %cond3A_295 {
          %dma_wait3A_324 = arith.constant 0 : i32
          %dma_wait3A_325 = arith.constant 1 : i32
          %dma_wait3A_326 = arith.constant 0 : i32
          %dma_wait3A_327 = tpu.memref_slice %arg5[%dma_wait3A_324, %dma_wait3A_325, %dma_wait3A_326] : memref<6x2x128xi32, #tpu.memory_space<vmem>> -> memref<1x1x128xi32, #tpu.memory_space<vmem>>
          %dma_wait3A_328 = tpu.memref_squeeze %dma_wait3A_327 : memref<1x1x128xi32, #tpu.memory_space<vmem>> -> memref<128xi32, #tpu.memory_space<vmem>>
          %dma_wait3A_329 = arith.constant 0 : i32
          %dma_wait3A_330 = arith.constant 0 : i32
          %dma_wait3A_331 = tpu.memref_slice %arg9[%dma_wait3A_329, %dma_wait3A_330] : memref<10000x128xf32, #tpu.memory_space<vmem_shared>> -> memref<10000x128xf32, #tpu.memory_space<vmem_shared>>
          tpu.wait_indirect_dma semaphore(%arg16 : memref<!tpu.dma_semaphore, #tpu.memory_space<semaphore_mem>>) src(%arg6 : memref<128x128xf32, #tpu.memory_space<vmem>>) dst(%dma_wait3A_331 : memref<10000x128xf32, #tpu.memory_space<vmem_shared>>)
        } else {
        }
        %add3A_296 = arith.constant 2 : i32
        %add3A_297 = arith.addi %add3A_271, %add3A_296 : i32
        %lt3A_298 = arith.cmpi slt, %add3A_297, %select_n3A : i32
        %convert_element_type3A_299 = arith.extui %lt3A_298 : i1 to i32
        %cond3A_300 = arith.constant 0 : i32
        %cond3A_301 = arith.cmpi ne, %convert_element_type3A_299, %cond3A_300 : i32
        scf.if %cond3A_301 {
          %dma_wait3A_324 = arith.constant 5 : i32
          %dma_wait3A_325 = arith.constant 0 : i32
          %dma_wait3A_326 = arith.constant 0 : i32
          %dma_wait3A_327 = tpu.memref_slice %arg5[%dma_wait3A_324, %dma_wait3A_325, %dma_wait3A_326] : memref<6x2x128xi32, #tpu.memory_space<vmem>> -> memref<1x2x128xi32, #tpu.memory_space<vmem>>
          %dma_wait3A_328 = tpu.memref_squeeze %dma_wait3A_327 : memref<1x2x128xi32, #tpu.memory_space<vmem>> -> memref<2x128xi32, #tpu.memory_space<vmem>>
          %dma_wait3A_329 = arith.constant 0 : i32
          %dma_wait3A_330 = tpu.memref_slice %arg3[%dma_wait3A_329, %mul3A_2] : memref<2x320000xi32, #tpu.memory_space<hbm>> -> memref<2x128xi32, #tpu.memory_space<hbm>>
          %dma_wait3A_331 = arith.constant 0 : i32
          %dma_wait3A_332 = arith.constant 0 : i32
          %dma_wait3A_333 = tpu.memref_slice %arg5[%dma_wait3A_324, %dma_wait3A_331, %dma_wait3A_332] : memref<6x2x128xi32, #tpu.memory_space<vmem>> -> memref<1x2x128xi32, #tpu.memory_space<vmem>>
          %dma_wait3A_334 = tpu.memref_squeeze %dma_wait3A_333 : memref<1x2x128xi32, #tpu.memory_space<vmem>> -> memref<2x128xi32, #tpu.memory_space<vmem>>
          %dma_wait3A_335 = arith.constant 0 : i32
          %dma_wait3A_336 = tpu.memref_slice %arg3[%dma_wait3A_335, %mul3A_2] : memref<2x320000xi32, #tpu.memory_space<hbm>> -> memref<2x128xi32, #tpu.memory_space<hbm>>
          tpu.wait_dma2 semaphore(%arg12 : memref<!tpu.dma_semaphore, #tpu.memory_space<semaphore_mem>>) src(%dma_wait3A_336 : memref<2x128xi32, #tpu.memory_space<hbm>>) dst(%dma_wait3A_334 : memref<2x128xi32, #tpu.memory_space<vmem>>)
          %dma_start3A_337 = arith.constant 5 : i32
          %dma_start3A_338 = arith.constant 0 : i32
          %dma_start3A_339 = arith.constant 0 : i32
          %dma_start3A_340 = tpu.memref_slice %arg5[%dma_start3A_337, %dma_start3A_338, %dma_start3A_339] : memref<6x2x128xi32, #tpu.memory_space<vmem>> -> memref<1x1x128xi32, #tpu.memory_space<vmem>>
          %dma_start3A_341 = tpu.memref_squeeze %dma_start3A_340 : memref<1x1x128xi32, #tpu.memory_space<vmem>> -> memref<128xi32, #tpu.memory_space<vmem>>
          %dma_start3A_342 = arith.constant 0 : i32
          %dma_start3A_343 = arith.constant 0 : i32
          %dma_start3A_344 = tpu.memref_slice %arg2[%dma_start3A_342, %dma_start3A_343] : memref<10240x128xf32, #tpu.memory_space<hbm>> -> memref<10240x128xf32, #tpu.memory_space<hbm>>
          tpu.enqueue_indirect_dma source(%dma_start3A_344 : memref<10240x128xf32, #tpu.memory_space<hbm>>) target(%arg6 : memref<128x128xf32, #tpu.memory_space<vmem>>) offsets(%dma_start3A_341 : memref<128xi32, #tpu.memory_space<vmem>>) semaphore(%arg13 : memref<!tpu.dma_semaphore, #tpu.memory_space<semaphore_mem>>)
        } else {
        }
        %dma_wait3A_302 = arith.constant 3 : i32
        %dma_wait3A_303 = arith.constant 0 : i32
        %dma_wait3A_304 = arith.constant 0 : i32
        %dma_wait3A_305 = tpu.memref_slice %arg5[%dma_wait3A_302, %dma_wait3A_303, %dma_wait3A_304] : memref<6x2x128xi32, #tpu.memory_space<vmem>> -> memref<1x1x128xi32, #tpu.memory_space<vmem>>
        %dma_wait3A_306 = tpu.memref_squeeze %dma_wait3A_305 : memref<1x1x128xi32, #tpu.memory_space<vmem>> -> memref<128xi32, #tpu.memory_space<vmem>>
        %dma_wait3A_307 = arith.constant 0 : i32
        %dma_wait3A_308 = arith.constant 0 : i32
        %dma_wait3A_309 = tpu.memref_slice %arg2[%dma_wait3A_307, %dma_wait3A_308] : memref<10240x128xf32, #tpu.memory_space<hbm>> -> memref<10240x128xf32, #tpu.memory_space<hbm>>
        tpu.wait_indirect_dma semaphore(%arg14 : memref<!tpu.dma_semaphore, #tpu.memory_space<semaphore_mem>>) src(%dma_wait3A_309 : memref<10240x128xf32, #tpu.memory_space<hbm>>) dst(%arg7 : memref<128x128xf32, #tpu.memory_space<vmem>>)
        %dma_start3A_310 = arith.constant 3 : i32
        %dma_start3A_311 = arith.constant 1 : i32
        %dma_start3A_312 = arith.constant 0 : i32
        %dma_start3A_313 = tpu.memref_slice %arg5[%dma_start3A_310, %dma_start3A_311, %dma_start3A_312] : memref<6x2x128xi32, #tpu.memory_space<vmem>> -> memref<1x1x128xi32, #tpu.memory_space<vmem>>
        %dma_start3A_314 = tpu.memref_squeeze %dma_start3A_313 : memref<1x1x128xi32, #tpu.memory_space<vmem>> -> memref<128xi32, #tpu.memory_space<vmem>>
        %dma_start3A_315 = arith.constant 0 : i32
        %dma_start3A_316 = arith.constant 0 : i32
        %dma_start3A_317 = tpu.memref_slice %arg9[%dma_start3A_315, %dma_start3A_316] : memref<10000x128xf32, #tpu.memory_space<vmem_shared>> -> memref<10000x128xf32, #tpu.memory_space<vmem_shared>>
        tpu.enqueue_indirect_dma source(%arg7 : memref<128x128xf32, #tpu.memory_space<vmem>>) target(%dma_start3A_317 : memref<10000x128xf32, #tpu.memory_space<vmem_shared>>) offsets(%dma_start3A_314 : memref<128xi32, #tpu.memory_space<vmem>>) semaphore(%arg17 : memref<!tpu.dma_semaphore, #tpu.memory_space<semaphore_mem>>) {add = true}
        %add3A_318 = arith.constant 5 : i32
        %add3A_319 = arith.addi %add3A_271, %add3A_318 : i32
        %lt3A_320 = arith.cmpi slt, %add3A_319, %select_n3A : i32
        %convert_element_type3A_321 = arith.extui %lt3A_320 : i1 to i32
        %cond3A_322 = arith.constant 0 : i32
        %cond3A_323 = arith.cmpi ne, %convert_element_type3A_321, %cond3A_322 : i32
        scf.if %cond3A_323 {
          %add3A_324 = arith.constant 5 : i32
          %add3A_325 = arith.addi %add3A_271, %add3A_324 : i32
          %mul3A_326 = arith.constant 128 : i32
          %mul3A_327 = arith.muli %add3A_325, %mul3A_326 : i32
          %add3A_328 = arith.addi %mul3A_2, %mul3A_327 : i32
          %dma_start3A_329 = arith.constant 2 : i32
          %dma_start3A_330 = arith.constant 0 : i32
          %dma_start3A_331 = arith.constant 0 : i32
          %dma_start3A_332 = tpu.memref_slice %arg5[%dma_start3A_329, %dma_start3A_330, %dma_start3A_331] : memref<6x2x128xi32, #tpu.memory_space<vmem>> -> memref<1x2x128xi32, #tpu.memory_space<vmem>>
          %dma_start3A_333 = tpu.memref_squeeze %dma_start3A_332 : memref<1x2x128xi32, #tpu.memory_space<vmem>> -> memref<2x128xi32, #tpu.memory_space<vmem>>
          %dma_start3A_334 = arith.constant 0 : i32
          %dma_start3A_335 = tpu.memref_slice %arg3[%dma_start3A_334, %add3A_328] : memref<2x320000xi32, #tpu.memory_space<hbm>> -> memref<2x128xi32, #tpu.memory_space<hbm>>
          %dma_start3A_336 = arith.constant 0 : i32
          %dma_start3A_337 = arith.constant 0 : i32
          %dma_start3A_338 = tpu.memref_slice %arg5[%dma_start3A_329, %dma_start3A_336, %dma_start3A_337] : memref<6x2x128xi32, #tpu.memory_space<vmem>> -> memref<1x2x128xi32, #tpu.memory_space<vmem>>
          %dma_start3A_339 = tpu.memref_squeeze %dma_start3A_338 : memref<1x2x128xi32, #tpu.memory_space<vmem>> -> memref<2x128xi32, #tpu.memory_space<vmem>>
          %dma_start3A_340 = arith.constant 0 : i32
          %dma_start3A_341 = tpu.memref_slice %arg3[%dma_start3A_340, %add3A_328] : memref<2x320000xi32, #tpu.memory_space<hbm>> -> memref<2x128xi32, #tpu.memory_space<hbm>>
          tpu.enqueue_dma source(%dma_start3A_341 : memref<2x128xi32, #tpu.memory_space<hbm>>) target(%dma_start3A_339 : memref<2x128xi32, #tpu.memory_space<vmem>>) target_semaphore(%arg12 : memref<!tpu.dma_semaphore, #tpu.memory_space<semaphore_mem>>)
        } else {
        }
      } else {
      }
      %mul3A_276 = arith.constant 6 : i32
      %mul3A_277 = arith.muli %mul3A_276, %while3A_243 : i32
      %add3A_278 = arith.constant 4 : i32
      %add3A_279 = arith.addi %mul3A_277, %add3A_278 : i32
      %lt3A_280 = arith.cmpi slt, %add3A_279, %select_n3A : i32
      %convert_element_type3A_281 = arith.extui %lt3A_280 : i1 to i32
      %cond3A_282 = arith.constant 0 : i32
      %cond3A_283 = arith.cmpi ne, %convert_element_type3A_281, %cond3A_282 : i32
      scf.if %cond3A_283 {
        %ge3A = arith.constant 1 : i32
        %ge3A_292 = arith.cmpi sge, %add3A_279, %ge3A : i32
        %convert_element_type3A_293 = arith.extui %ge3A_292 : i1 to i32
        %cond3A_294 = arith.constant 0 : i32
        %cond3A_295 = arith.cmpi ne, %convert_element_type3A_293, %cond3A_294 : i32
        scf.if %cond3A_295 {
          %dma_wait3A_324 = arith.constant 0 : i32
          %dma_wait3A_325 = arith.constant 1 : i32
          %dma_wait3A_326 = arith.constant 0 : i32
          %dma_wait3A_327 = tpu.memref_slice %arg5[%dma_wait3A_324, %dma_wait3A_325, %dma_wait3A_326] : memref<6x2x128xi32, #tpu.memory_space<vmem>> -> memref<1x1x128xi32, #tpu.memory_space<vmem>>
          %dma_wait3A_328 = tpu.memref_squeeze %dma_wait3A_327 : memref<1x1x128xi32, #tpu.memory_space<vmem>> -> memref<128xi32, #tpu.memory_space<vmem>>
          %dma_wait3A_329 = arith.constant 0 : i32
          %dma_wait3A_330 = arith.constant 0 : i32
          %dma_wait3A_331 = tpu.memref_slice %arg9[%dma_wait3A_329, %dma_wait3A_330] : memref<10000x128xf32, #tpu.memory_space<vmem_shared>> -> memref<10000x128xf32, #tpu.memory_space<vmem_shared>>
          tpu.wait_indirect_dma semaphore(%arg17 : memref<!tpu.dma_semaphore, #tpu.memory_space<semaphore_mem>>) src(%arg7 : memref<128x128xf32, #tpu.memory_space<vmem>>) dst(%dma_wait3A_331 : memref<10000x128xf32, #tpu.memory_space<vmem_shared>>)
        } else {
        }
        %add3A_296 = arith.constant 2 : i32
        %add3A_297 = arith.addi %add3A_279, %add3A_296 : i32
        %lt3A_298 = arith.cmpi slt, %add3A_297, %select_n3A : i32
        %convert_element_type3A_299 = arith.extui %lt3A_298 : i1 to i32
        %cond3A_300 = arith.constant 0 : i32
        %cond3A_301 = arith.cmpi ne, %convert_element_type3A_299, %cond3A_300 : i32
        scf.if %cond3A_301 {
          %dma_wait3A_324 = arith.constant 0 : i32
          %dma_wait3A_325 = arith.constant 0 : i32
          %dma_wait3A_326 = arith.constant 0 : i32
          %dma_wait3A_327 = tpu.memref_slice %arg5[%dma_wait3A_324, %dma_wait3A_325, %dma_wait3A_326] : memref<6x2x128xi32, #tpu.memory_space<vmem>> -> memref<1x2x128xi32, #tpu.memory_space<vmem>>
          %dma_wait3A_328 = tpu.memref_squeeze %dma_wait3A_327 : memref<1x2x128xi32, #tpu.memory_space<vmem>> -> memref<2x128xi32, #tpu.memory_space<vmem>>
          %dma_wait3A_329 = arith.constant 0 : i32
          %dma_wait3A_330 = tpu.memref_slice %arg3[%dma_wait3A_329, %mul3A_2] : memref<2x320000xi32, #tpu.memory_space<hbm>> -> memref<2x128xi32, #tpu.memory_space<hbm>>
          %dma_wait3A_331 = arith.constant 0 : i32
          %dma_wait3A_332 = arith.constant 0 : i32
          %dma_wait3A_333 = tpu.memref_slice %arg5[%dma_wait3A_324, %dma_wait3A_331, %dma_wait3A_332] : memref<6x2x128xi32, #tpu.memory_space<vmem>> -> memref<1x2x128xi32, #tpu.memory_space<vmem>>
          %dma_wait3A_334 = tpu.memref_squeeze %dma_wait3A_333 : memref<1x2x128xi32, #tpu.memory_space<vmem>> -> memref<2x128xi32, #tpu.memory_space<vmem>>
          %dma_wait3A_335 = arith.constant 0 : i32
          %dma_wait3A_336 = tpu.memref_slice %arg3[%dma_wait3A_335, %mul3A_2] : memref<2x320000xi32, #tpu.memory_space<hbm>> -> memref<2x128xi32, #tpu.memory_space<hbm>>
          tpu.wait_dma2 semaphore(%arg10 : memref<!tpu.dma_semaphore, #tpu.memory_space<semaphore_mem>>) src(%dma_wait3A_336 : memref<2x128xi32, #tpu.memory_space<hbm>>) dst(%dma_wait3A_334 : memref<2x128xi32, #tpu.memory_space<vmem>>)
          %dma_start3A_337 = arith.constant 0 : i32
          %dma_start3A_338 = arith.constant 0 : i32
          %dma_start3A_339 = arith.constant 0 : i32
          %dma_start3A_340 = tpu.memref_slice %arg5[%dma_start3A_337, %dma_start3A_338, %dma_start3A_339] : memref<6x2x128xi32, #tpu.memory_space<vmem>> -> memref<1x1x128xi32, #tpu.memory_space<vmem>>
          %dma_start3A_341 = tpu.memref_squeeze %dma_start3A_340 : memref<1x1x128xi32, #tpu.memory_space<vmem>> -> memref<128xi32, #tpu.memory_space<vmem>>
          %dma_start3A_342 = arith.constant 0 : i32
          %dma_start3A_343 = arith.constant 0 : i32
          %dma_start3A_344 = tpu.memref_slice %arg2[%dma_start3A_342, %dma_start3A_343] : memref<10240x128xf32, #tpu.memory_space<hbm>> -> memref<10240x128xf32, #tpu.memory_space<hbm>>
          tpu.enqueue_indirect_dma source(%dma_start3A_344 : memref<10240x128xf32, #tpu.memory_space<hbm>>) target(%arg7 : memref<128x128xf32, #tpu.memory_space<vmem>>) offsets(%dma_start3A_341 : memref<128xi32, #tpu.memory_space<vmem>>) semaphore(%arg14 : memref<!tpu.dma_semaphore, #tpu.memory_space<semaphore_mem>>)
        } else {
        }
        %dma_wait3A_302 = arith.constant 4 : i32
        %dma_wait3A_303 = arith.constant 0 : i32
        %dma_wait3A_304 = arith.constant 0 : i32
        %dma_wait3A_305 = tpu.memref_slice %arg5[%dma_wait3A_302, %dma_wait3A_303, %dma_wait3A_304] : memref<6x2x128xi32, #tpu.memory_space<vmem>> -> memref<1x1x128xi32, #tpu.memory_space<vmem>>
        %dma_wait3A_306 = tpu.memref_squeeze %dma_wait3A_305 : memref<1x1x128xi32, #tpu.memory_space<vmem>> -> memref<128xi32, #tpu.memory_space<vmem>>
        %dma_wait3A_307 = arith.constant 0 : i32
        %dma_wait3A_308 = arith.constant 0 : i32
        %dma_wait3A_309 = tpu.memref_slice %arg2[%dma_wait3A_307, %dma_wait3A_308] : memref<10240x128xf32, #tpu.memory_space<hbm>> -> memref<10240x128xf32, #tpu.memory_space<hbm>>
        tpu.wait_indirect_dma semaphore(%arg15 : memref<!tpu.dma_semaphore, #tpu.memory_space<semaphore_mem>>) src(%dma_wait3A_309 : memref<10240x128xf32, #tpu.memory_space<hbm>>) dst(%arg8 : memref<128x128xf32, #tpu.memory_space<vmem>>)
        %dma_start3A_310 = arith.constant 4 : i32
        %dma_start3A_311 = arith.constant 1 : i32
        %dma_start3A_312 = arith.constant 0 : i32
        %dma_start3A_313 = tpu.memref_slice %arg5[%dma_start3A_310, %dma_start3A_311, %dma_start3A_312] : memref<6x2x128xi32, #tpu.memory_space<vmem>> -> memref<1x1x128xi32, #tpu.memory_space<vmem>>
        %dma_start3A_314 = tpu.memref_squeeze %dma_start3A_313 : memref<1x1x128xi32, #tpu.memory_space<vmem>> -> memref<128xi32, #tpu.memory_space<vmem>>
        %dma_start3A_315 = arith.constant 0 : i32
        %dma_start3A_316 = arith.constant 0 : i32
        %dma_start3A_317 = tpu.memref_slice %arg9[%dma_start3A_315, %dma_start3A_316] : memref<10000x128xf32, #tpu.memory_space<vmem_shared>> -> memref<10000x128xf32, #tpu.memory_space<vmem_shared>>
        tpu.enqueue_indirect_dma source(%arg8 : memref<128x128xf32, #tpu.memory_space<vmem>>) target(%dma_start3A_317 : memref<10000x128xf32, #tpu.memory_space<vmem_shared>>) offsets(%dma_start3A_314 : memref<128xi32, #tpu.memory_space<vmem>>) semaphore(%arg18 : memref<!tpu.dma_semaphore, #tpu.memory_space<semaphore_mem>>) {add = true}
        %add3A_318 = arith.constant 5 : i32
        %add3A_319 = arith.addi %add3A_279, %add3A_318 : i32
        %lt3A_320 = arith.cmpi slt, %add3A_319, %select_n3A : i32
        %convert_element_type3A_321 = arith.extui %lt3A_320 : i1 to i32
        %cond3A_322 = arith.constant 0 : i32
        %cond3A_323 = arith.cmpi ne, %convert_element_type3A_321, %cond3A_322 : i32
        scf.if %cond3A_323 {
          %add3A_324 = arith.constant 5 : i32
          %add3A_325 = arith.addi %add3A_279, %add3A_324 : i32
          %mul3A_326 = arith.constant 128 : i32
          %mul3A_327 = arith.muli %add3A_325, %mul3A_326 : i32
          %add3A_328 = arith.addi %mul3A_2, %mul3A_327 : i32
          %dma_start3A_329 = arith.constant 3 : i32
          %dma_start3A_330 = arith.constant 0 : i32
          %dma_start3A_331 = arith.constant 0 : i32
          %dma_start3A_332 = tpu.memref_slice %arg5[%dma_start3A_329, %dma_start3A_330, %dma_start3A_331] : memref<6x2x128xi32, #tpu.memory_space<vmem>> -> memref<1x2x128xi32, #tpu.memory_space<vmem>>
          %dma_start3A_333 = tpu.memref_squeeze %dma_start3A_332 : memref<1x2x128xi32, #tpu.memory_space<vmem>> -> memref<2x128xi32, #tpu.memory_space<vmem>>
          %dma_start3A_334 = arith.constant 0 : i32
          %dma_start3A_335 = tpu.memref_slice %arg3[%dma_start3A_334, %add3A_328] : memref<2x320000xi32, #tpu.memory_space<hbm>> -> memref<2x128xi32, #tpu.memory_space<hbm>>
          %dma_start3A_336 = arith.constant 0 : i32
          %dma_start3A_337 = arith.constant 0 : i32
          %dma_start3A_338 = tpu.memref_slice %arg5[%dma_start3A_329, %dma_start3A_336, %dma_start3A_337] : memref<6x2x128xi32, #tpu.memory_space<vmem>> -> memref<1x2x128xi32, #tpu.memory_space<vmem>>
          %dma_start3A_339 = tpu.memref_squeeze %dma_start3A_338 : memref<1x2x128xi32, #tpu.memory_space<vmem>> -> memref<2x128xi32, #tpu.memory_space<vmem>>
          %dma_start3A_340 = arith.constant 0 : i32
          %dma_start3A_341 = tpu.memref_slice %arg3[%dma_start3A_340, %add3A_328] : memref<2x320000xi32, #tpu.memory_space<hbm>> -> memref<2x128xi32, #tpu.memory_space<hbm>>
          tpu.enqueue_dma source(%dma_start3A_341 : memref<2x128xi32, #tpu.memory_space<hbm>>) target(%dma_start3A_339 : memref<2x128xi32, #tpu.memory_space<vmem>>) target_semaphore(%arg10 : memref<!tpu.dma_semaphore, #tpu.memory_space<semaphore_mem>>)
        } else {
        }
      } else {
      }
      %mul3A_284 = arith.constant 6 : i32
      %mul3A_285 = arith.muli %mul3A_284, %while3A_243 : i32
      %add3A_286 = arith.constant 5 : i32
      %add3A_287 = arith.addi %mul3A_285, %add3A_286 : i32
      %lt3A_288 = arith.cmpi slt, %add3A_287, %select_n3A : i32
      %convert_element_type3A_289 = arith.extui %lt3A_288 : i1 to i32
      %cond3A_290 = arith.constant 0 : i32
      %cond3A_291 = arith.cmpi ne, %convert_element_type3A_289, %cond3A_290 : i32
      scf.if %cond3A_291 {
        %ge3A = arith.constant 1 : i32
        %ge3A_292 = arith.cmpi sge, %add3A_287, %ge3A : i32
        %convert_element_type3A_293 = arith.extui %ge3A_292 : i1 to i32
        %cond3A_294 = arith.constant 0 : i32
        %cond3A_295 = arith.cmpi ne, %convert_element_type3A_293, %cond3A_294 : i32
        scf.if %cond3A_295 {
          %dma_wait3A_324 = arith.constant 0 : i32
          %dma_wait3A_325 = arith.constant 1 : i32
          %dma_wait3A_326 = arith.constant 0 : i32
          %dma_wait3A_327 = tpu.memref_slice %arg5[%dma_wait3A_324, %dma_wait3A_325, %dma_wait3A_326] : memref<6x2x128xi32, #tpu.memory_space<vmem>> -> memref<1x1x128xi32, #tpu.memory_space<vmem>>
          %dma_wait3A_328 = tpu.memref_squeeze %dma_wait3A_327 : memref<1x1x128xi32, #tpu.memory_space<vmem>> -> memref<128xi32, #tpu.memory_space<vmem>>
          %dma_wait3A_329 = arith.constant 0 : i32
          %dma_wait3A_330 = arith.constant 0 : i32
          %dma_wait3A_331 = tpu.memref_slice %arg9[%dma_wait3A_329, %dma_wait3A_330] : memref<10000x128xf32, #tpu.memory_space<vmem_shared>> -> memref<10000x128xf32, #tpu.memory_space<vmem_shared>>
          tpu.wait_indirect_dma semaphore(%arg18 : memref<!tpu.dma_semaphore, #tpu.memory_space<semaphore_mem>>) src(%arg8 : memref<128x128xf32, #tpu.memory_space<vmem>>) dst(%dma_wait3A_331 : memref<10000x128xf32, #tpu.memory_space<vmem_shared>>)
        } else {
        }
        %add3A_296 = arith.constant 2 : i32
        %add3A_297 = arith.addi %add3A_287, %add3A_296 : i32
        %lt3A_298 = arith.cmpi slt, %add3A_297, %select_n3A : i32
        %convert_element_type3A_299 = arith.extui %lt3A_298 : i1 to i32
        %cond3A_300 = arith.constant 0 : i32
        %cond3A_301 = arith.cmpi ne, %convert_element_type3A_299, %cond3A_300 : i32
        scf.if %cond3A_301 {
          %dma_wait3A_324 = arith.constant 1 : i32
          %dma_wait3A_325 = arith.constant 0 : i32
          %dma_wait3A_326 = arith.constant 0 : i32
          %dma_wait3A_327 = tpu.memref_slice %arg5[%dma_wait3A_324, %dma_wait3A_325, %dma_wait3A_326] : memref<6x2x128xi32, #tpu.memory_space<vmem>> -> memref<1x2x128xi32, #tpu.memory_space<vmem>>
          %dma_wait3A_328 = tpu.memref_squeeze %dma_wait3A_327 : memref<1x2x128xi32, #tpu.memory_space<vmem>> -> memref<2x128xi32, #tpu.memory_space<vmem>>
          %dma_wait3A_329 = arith.constant 0 : i32
          %dma_wait3A_330 = tpu.memref_slice %arg3[%dma_wait3A_329, %mul3A_2] : memref<2x320000xi32, #tpu.memory_space<hbm>> -> memref<2x128xi32, #tpu.memory_space<hbm>>
          %dma_wait3A_331 = arith.constant 0 : i32
          %dma_wait3A_332 = arith.constant 0 : i32
          %dma_wait3A_333 = tpu.memref_slice %arg5[%dma_wait3A_324, %dma_wait3A_331, %dma_wait3A_332] : memref<6x2x128xi32, #tpu.memory_space<vmem>> -> memref<1x2x128xi32, #tpu.memory_space<vmem>>
          %dma_wait3A_334 = tpu.memref_squeeze %dma_wait3A_333 : memref<1x2x128xi32, #tpu.memory_space<vmem>> -> memref<2x128xi32, #tpu.memory_space<vmem>>
          %dma_wait3A_335 = arith.constant 0 : i32
          %dma_wait3A_336 = tpu.memref_slice %arg3[%dma_wait3A_335, %mul3A_2] : memref<2x320000xi32, #tpu.memory_space<hbm>> -> memref<2x128xi32, #tpu.memory_space<hbm>>
          tpu.wait_dma2 semaphore(%arg11 : memref<!tpu.dma_semaphore, #tpu.memory_space<semaphore_mem>>) src(%dma_wait3A_336 : memref<2x128xi32, #tpu.memory_space<hbm>>) dst(%dma_wait3A_334 : memref<2x128xi32, #tpu.memory_space<vmem>>)
          %dma_start3A_337 = arith.constant 1 : i32
          %dma_start3A_338 = arith.constant 0 : i32
          %dma_start3A_339 = arith.constant 0 : i32
          %dma_start3A_340 = tpu.memref_slice %arg5[%dma_start3A_337, %dma_start3A_338, %dma_start3A_339] : memref<6x2x128xi32, #tpu.memory_space<vmem>> -> memref<1x1x128xi32, #tpu.memory_space<vmem>>
          %dma_start3A_341 = tpu.memref_squeeze %dma_start3A_340 : memref<1x1x128xi32, #tpu.memory_space<vmem>> -> memref<128xi32, #tpu.memory_space<vmem>>
          %dma_start3A_342 = arith.constant 0 : i32
          %dma_start3A_343 = arith.constant 0 : i32
          %dma_start3A_344 = tpu.memref_slice %arg2[%dma_start3A_342, %dma_start3A_343] : memref<10240x128xf32, #tpu.memory_space<hbm>> -> memref<10240x128xf32, #tpu.memory_space<hbm>>
          tpu.enqueue_indirect_dma source(%dma_start3A_344 : memref<10240x128xf32, #tpu.memory_space<hbm>>) target(%arg8 : memref<128x128xf32, #tpu.memory_space<vmem>>) offsets(%dma_start3A_341 : memref<128xi32, #tpu.memory_space<vmem>>) semaphore(%arg15 : memref<!tpu.dma_semaphore, #tpu.memory_space<semaphore_mem>>)
        } else {
        }
        %dma_wait3A_302 = arith.constant 5 : i32
        %dma_wait3A_303 = arith.constant 0 : i32
        %dma_wait3A_304 = arith.constant 0 : i32
        %dma_wait3A_305 = tpu.memref_slice %arg5[%dma_wait3A_302, %dma_wait3A_303, %dma_wait3A_304] : memref<6x2x128xi32, #tpu.memory_space<vmem>> -> memref<1x1x128xi32, #tpu.memory_space<vmem>>
        %dma_wait3A_306 = tpu.memref_squeeze %dma_wait3A_305 : memref<1x1x128xi32, #tpu.memory_space<vmem>> -> memref<128xi32, #tpu.memory_space<vmem>>
        %dma_wait3A_307 = arith.constant 0 : i32
        %dma_wait3A_308 = arith.constant 0 : i32
        %dma_wait3A_309 = tpu.memref_slice %arg2[%dma_wait3A_307, %dma_wait3A_308] : memref<10240x128xf32, #tpu.memory_space<hbm>> -> memref<10240x128xf32, #tpu.memory_space<hbm>>
        tpu.wait_indirect_dma semaphore(%arg13 : memref<!tpu.dma_semaphore, #tpu.memory_space<semaphore_mem>>) src(%dma_wait3A_309 : memref<10240x128xf32, #tpu.memory_space<hbm>>) dst(%arg6 : memref<128x128xf32, #tpu.memory_space<vmem>>)
        %dma_start3A_310 = arith.constant 5 : i32
        %dma_start3A_311 = arith.constant 1 : i32
        %dma_start3A_312 = arith.constant 0 : i32
        %dma_start3A_313 = tpu.memref_slice %arg5[%dma_start3A_310, %dma_start3A_311, %dma_start3A_312] : memref<6x2x128xi32, #tpu.memory_space<vmem>> -> memref<1x1x128xi32, #tpu.memory_space<vmem>>
        %dma_start3A_314 = tpu.memref_squeeze %dma_start3A_313 : memref<1x1x128xi32, #tpu.memory_space<vmem>> -> memref<128xi32, #tpu.memory_space<vmem>>
        %dma_start3A_315 = arith.constant 0 : i32
        %dma_start3A_316 = arith.constant 0 : i32
        %dma_start3A_317 = tpu.memref_slice %arg9[%dma_start3A_315, %dma_start3A_316] : memref<10000x128xf32, #tpu.memory_space<vmem_shared>> -> memref<10000x128xf32, #tpu.memory_space<vmem_shared>>
        tpu.enqueue_indirect_dma source(%arg6 : memref<128x128xf32, #tpu.memory_space<vmem>>) target(%dma_start3A_317 : memref<10000x128xf32, #tpu.memory_space<vmem_shared>>) offsets(%dma_start3A_314 : memref<128xi32, #tpu.memory_space<vmem>>) semaphore(%arg16 : memref<!tpu.dma_semaphore, #tpu.memory_space<semaphore_mem>>) {add = true}
        %add3A_318 = arith.constant 5 : i32
        %add3A_319 = arith.addi %add3A_287, %add3A_318 : i32
        %lt3A_320 = arith.cmpi slt, %add3A_319, %select_n3A : i32
        %convert_element_type3A_321 = arith.extui %lt3A_320 : i1 to i32
        %cond3A_322 = arith.constant 0 : i32
        %cond3A_323 = arith.cmpi ne, %convert_element_type3A_321, %cond3A_322 : i32
        scf.if %cond3A_323 {
          %add3A_324 = arith.constant 5 : i32
          %add3A_325 = arith.addi %add3A_287, %add3A_324 : i32
          %mul3A_326 = arith.constant 128 : i32
          %mul3A_327 = arith.muli %add3A_325, %mul3A_326 : i32
          %add3A_328 = arith.addi %mul3A_2, %mul3A_327 : i32
          %dma_start3A_329 = arith.constant 4 : i32
          %dma_start3A_330 = arith.constant 0 : i32
          %dma_start3A_331 = arith.constant 0 : i32
          %dma_start3A_332 = tpu.memref_slice %arg5[%dma_start3A_329, %dma_start3A_330, %dma_start3A_331] : memref<6x2x128xi32, #tpu.memory_space<vmem>> -> memref<1x2x128xi32, #tpu.memory_space<vmem>>
          %dma_start3A_333 = tpu.memref_squeeze %dma_start3A_332 : memref<1x2x128xi32, #tpu.memory_space<vmem>> -> memref<2x128xi32, #tpu.memory_space<vmem>>
          %dma_start3A_334 = arith.constant 0 : i32
          %dma_start3A_335 = tpu.memref_slice %arg3[%dma_start3A_334, %add3A_328] : memref<2x320000xi32, #tpu.memory_space<hbm>> -> memref<2x128xi32, #tpu.memory_space<hbm>>
          %dma_start3A_336 = arith.constant 0 : i32
          %dma_start3A_337 = arith.constant 0 : i32
          %dma_start3A_338 = tpu.memref_slice %arg5[%dma_start3A_329, %dma_start3A_336, %dma_start3A_337] : memref<6x2x128xi32, #tpu.memory_space<vmem>> -> memref<1x2x128xi32, #tpu.memory_space<vmem>>
          %dma_start3A_339 = tpu.memref_squeeze %dma_start3A_338 : memref<1x2x128xi32, #tpu.memory_space<vmem>> -> memref<2x128xi32, #tpu.memory_space<vmem>>
          %dma_start3A_340 = arith.constant 0 : i32
          %dma_start3A_341 = tpu.memref_slice %arg3[%dma_start3A_340, %add3A_328] : memref<2x320000xi32, #tpu.memory_space<hbm>> -> memref<2x128xi32, #tpu.memory_space<hbm>>
          tpu.enqueue_dma source(%dma_start3A_341 : memref<2x128xi32, #tpu.memory_space<hbm>>) target(%dma_start3A_339 : memref<2x128xi32, #tpu.memory_space<vmem>>) target_semaphore(%arg11 : memref<!tpu.dma_semaphore, #tpu.memory_space<semaphore_mem>>)
        } else {
        }
      } else {
      }
    }
    %while3A_168 = arith.constant 1 : i32
    scf.for %while3A_243 = %while3A_166 to %while3A_162 step %while3A_168  : i32 {
      %mul3A_244 = arith.constant 6 : i32
      %mul3A_245 = arith.muli %mul3A_244, %while3A_243 : i32
      %add3A_246 = arith.constant 0 : i32
      %add3A_247 = arith.addi %mul3A_245, %add3A_246 : i32
      %lt3A_248 = arith.cmpi slt, %add3A_247, %select_n3A : i32
      %convert_element_type3A_249 = arith.extui %lt3A_248 : i1 to i32
      %cond3A_250 = arith.constant 0 : i32
      %cond3A_251 = arith.cmpi ne, %convert_element_type3A_249, %cond3A_250 : i32
      scf.if %cond3A_251 {
        %ge3A = arith.constant 1 : i32
        %ge3A_292 = arith.cmpi sge, %add3A_247, %ge3A : i32
        %convert_element_type3A_293 = arith.extui %ge3A_292 : i1 to i32
        %cond3A_294 = arith.constant 0 : i32
        %cond3A_295 = arith.cmpi ne, %convert_element_type3A_293, %cond3A_294 : i32
        scf.if %cond3A_295 {
          %dma_wait3A_324 = arith.constant 0 : i32
          %dma_wait3A_325 = arith.constant 1 : i32
          %dma_wait3A_326 = arith.constant 0 : i32
          %dma_wait3A_327 = tpu.memref_slice %arg5[%dma_wait3A_324, %dma_wait3A_325, %dma_wait3A_326] : memref<6x2x128xi32, #tpu.memory_space<vmem>> -> memref<1x1x128xi32, #tpu.memory_space<vmem>>
          %dma_wait3A_328 = tpu.memref_squeeze %dma_wait3A_327 : memref<1x1x128xi32, #tpu.memory_space<vmem>> -> memref<128xi32, #tpu.memory_space<vmem>>
          %dma_wait3A_329 = arith.constant 0 : i32
          %dma_wait3A_330 = arith.constant 0 : i32
          %dma_wait3A_331 = tpu.memref_slice %arg9[%dma_wait3A_329, %dma_wait3A_330] : memref<10000x128xf32, #tpu.memory_space<vmem_shared>> -> memref<10000x128xf32, #tpu.memory_space<vmem_shared>>
          tpu.wait_indirect_dma semaphore(%arg16 : memref<!tpu.dma_semaphore, #tpu.memory_space<semaphore_mem>>) src(%arg6 : memref<128x128xf32, #tpu.memory_space<vmem>>) dst(%dma_wait3A_331 : memref<10000x128xf32, #tpu.memory_space<vmem_shared>>)
        } else {
        }
        %add3A_296 = arith.constant 2 : i32
        %add3A_297 = arith.addi %add3A_247, %add3A_296 : i32
        %lt3A_298 = arith.cmpi slt, %add3A_297, %select_n3A : i32
        %convert_element_type3A_299 = arith.extui %lt3A_298 : i1 to i32
        %cond3A_300 = arith.constant 0 : i32
        %cond3A_301 = arith.cmpi ne, %convert_element_type3A_299, %cond3A_300 : i32
        scf.if %cond3A_301 {
          %dma_wait3A_324 = arith.constant 2 : i32
          %dma_wait3A_325 = arith.constant 0 : i32
          %dma_wait3A_326 = arith.constant 0 : i32
          %dma_wait3A_327 = tpu.memref_slice %arg5[%dma_wait3A_324, %dma_wait3A_325, %dma_wait3A_326] : memref<6x2x128xi32, #tpu.memory_space<vmem>> -> memref<1x2x128xi32, #tpu.memory_space<vmem>>
          %dma_wait3A_328 = tpu.memref_squeeze %dma_wait3A_327 : memref<1x2x128xi32, #tpu.memory_space<vmem>> -> memref<2x128xi32, #tpu.memory_space<vmem>>
          %dma_wait3A_329 = arith.constant 0 : i32
          %dma_wait3A_330 = tpu.memref_slice %arg3[%dma_wait3A_329, %mul3A_2] : memref<2x320000xi32, #tpu.memory_space<hbm>> -> memref<2x128xi32, #tpu.memory_space<hbm>>
          %dma_wait3A_331 = arith.constant 0 : i32
          %dma_wait3A_332 = arith.constant 0 : i32
          %dma_wait3A_333 = tpu.memref_slice %arg5[%dma_wait3A_324, %dma_wait3A_331, %dma_wait3A_332] : memref<6x2x128xi32, #tpu.memory_space<vmem>> -> memref<1x2x128xi32, #tpu.memory_space<vmem>>
          %dma_wait3A_334 = tpu.memref_squeeze %dma_wait3A_333 : memref<1x2x128xi32, #tpu.memory_space<vmem>> -> memref<2x128xi32, #tpu.memory_space<vmem>>
          %dma_wait3A_335 = arith.constant 0 : i32
          %dma_wait3A_336 = tpu.memref_slice %arg3[%dma_wait3A_335, %mul3A_2] : memref<2x320000xi32, #tpu.memory_space<hbm>> -> memref<2x128xi32, #tpu.memory_space<hbm>>
          tpu.wait_dma2 semaphore(%arg12 : memref<!tpu.dma_semaphore, #tpu.memory_space<semaphore_mem>>) src(%dma_wait3A_336 : memref<2x128xi32, #tpu.memory_space<hbm>>) dst(%dma_wait3A_334 : memref<2x128xi32, #tpu.memory_space<vmem>>)
          %dma_start3A_337 = arith.constant 2 : i32
          %dma_start3A_338 = arith.constant 0 : i32
          %dma_start3A_339 = arith.constant 0 : i32
          %dma_start3A_340 = tpu.memref_slice %arg5[%dma_start3A_337, %dma_start3A_338, %dma_start3A_339] : memref<6x2x128xi32, #tpu.memory_space<vmem>> -> memref<1x1x128xi32, #tpu.memory_space<vmem>>
          %dma_start3A_341 = tpu.memref_squeeze %dma_start3A_340 : memref<1x1x128xi32, #tpu.memory_space<vmem>> -> memref<128xi32, #tpu.memory_space<vmem>>
          %dma_start3A_342 = arith.constant 0 : i32
          %dma_start3A_343 = arith.constant 0 : i32
          %dma_start3A_344 = tpu.memref_slice %arg2[%dma_start3A_342, %dma_start3A_343] : memref<10240x128xf32, #tpu.memory_space<hbm>> -> memref<10240x128xf32, #tpu.memory_space<hbm>>
          tpu.enqueue_indirect_dma source(%dma_start3A_344 : memref<10240x128xf32, #tpu.memory_space<hbm>>) target(%arg6 : memref<128x128xf32, #tpu.memory_space<vmem>>) offsets(%dma_start3A_341 : memref<128xi32, #tpu.memory_space<vmem>>) semaphore(%arg13 : memref<!tpu.dma_semaphore, #tpu.memory_space<semaphore_mem>>)
        } else {
        }
        %dma_wait3A_302 = arith.constant 0 : i32
        %dma_wait3A_303 = arith.constant 0 : i32
        %dma_wait3A_304 = arith.constant 0 : i32
        %dma_wait3A_305 = tpu.memref_slice %arg5[%dma_wait3A_302, %dma_wait3A_303, %dma_wait3A_304] : memref<6x2x128xi32, #tpu.memory_space<vmem>> -> memref<1x1x128xi32, #tpu.memory_space<vmem>>
        %dma_wait3A_306 = tpu.memref_squeeze %dma_wait3A_305 : memref<1x1x128xi32, #tpu.memory_space<vmem>> -> memref<128xi32, #tpu.memory_space<vmem>>
        %dma_wait3A_307 = arith.constant 0 : i32
        %dma_wait3A_308 = arith.constant 0 : i32
        %dma_wait3A_309 = tpu.memref_slice %arg2[%dma_wait3A_307, %dma_wait3A_308] : memref<10240x128xf32, #tpu.memory_space<hbm>> -> memref<10240x128xf32, #tpu.memory_space<hbm>>
        tpu.wait_indirect_dma semaphore(%arg14 : memref<!tpu.dma_semaphore, #tpu.memory_space<semaphore_mem>>) src(%dma_wait3A_309 : memref<10240x128xf32, #tpu.memory_space<hbm>>) dst(%arg7 : memref<128x128xf32, #tpu.memory_space<vmem>>)
        %dma_start3A_310 = arith.constant 0 : i32
        %dma_start3A_311 = arith.constant 1 : i32
        %dma_start3A_312 = arith.constant 0 : i32
        %dma_start3A_313 = tpu.memref_slice %arg5[%dma_start3A_310, %dma_start3A_311, %dma_start3A_312] : memref<6x2x128xi32, #tpu.memory_space<vmem>> -> memref<1x1x128xi32, #tpu.memory_space<vmem>>
        %dma_start3A_314 = tpu.memref_squeeze %dma_start3A_313 : memref<1x1x128xi32, #tpu.memory_space<vmem>> -> memref<128xi32, #tpu.memory_space<vmem>>
        %dma_start3A_315 = arith.constant 0 : i32
        %dma_start3A_316 = arith.constant 0 : i32
        %dma_start3A_317 = tpu.memref_slice %arg9[%dma_start3A_315, %dma_start3A_316] : memref<10000x128xf32, #tpu.memory_space<vmem_shared>> -> memref<10000x128xf32, #tpu.memory_space<vmem_shared>>
        tpu.enqueue_indirect_dma source(%arg7 : memref<128x128xf32, #tpu.memory_space<vmem>>) target(%dma_start3A_317 : memref<10000x128xf32, #tpu.memory_space<vmem_shared>>) offsets(%dma_start3A_314 : memref<128xi32, #tpu.memory_space<vmem>>) semaphore(%arg17 : memref<!tpu.dma_semaphore, #tpu.memory_space<semaphore_mem>>) {add = true}
        %add3A_318 = arith.constant 5 : i32
        %add3A_319 = arith.addi %add3A_247, %add3A_318 : i32
        %lt3A_320 = arith.cmpi slt, %add3A_319, %select_n3A : i32
        %convert_element_type3A_321 = arith.extui %lt3A_320 : i1 to i32
        %cond3A_322 = arith.constant 0 : i32
        %cond3A_323 = arith.cmpi ne, %convert_element_type3A_321, %cond3A_322 : i32
        scf.if %cond3A_323 {
          %add3A_324 = arith.constant 5 : i32
          %add3A_325 = arith.addi %add3A_247, %add3A_324 : i32
          %mul3A_326 = arith.constant 128 : i32
          %mul3A_327 = arith.muli %add3A_325, %mul3A_326 : i32
          %add3A_328 = arith.addi %mul3A_2, %mul3A_327 : i32
          %dma_start3A_329 = arith.constant 5 : i32
          %dma_start3A_330 = arith.constant 0 : i32
          %dma_start3A_331 = arith.constant 0 : i32
          %dma_start3A_332 = tpu.memref_slice %arg5[%dma_start3A_329, %dma_start3A_330, %dma_start3A_331] : memref<6x2x128xi32, #tpu.memory_space<vmem>> -> memref<1x2x128xi32, #tpu.memory_space<vmem>>
          %dma_start3A_333 = tpu.memref_squeeze %dma_start3A_332 : memref<1x2x128xi32, #tpu.memory_space<vmem>> -> memref<2x128xi32, #tpu.memory_space<vmem>>
          %dma_start3A_334 = arith.constant 0 : i32
          %dma_start3A_335 = tpu.memref_slice %arg3[%dma_start3A_334, %add3A_328] : memref<2x320000xi32, #tpu.memory_space<hbm>> -> memref<2x128xi32, #tpu.memory_space<hbm>>
          %dma_start3A_336 = arith.constant 0 : i32
          %dma_start3A_337 = arith.constant 0 : i32
          %dma_start3A_338 = tpu.memref_slice %arg5[%dma_start3A_329, %dma_start3A_336, %dma_start3A_337] : memref<6x2x128xi32, #tpu.memory_space<vmem>> -> memref<1x2x128xi32, #tpu.memory_space<vmem>>
          %dma_start3A_339 = tpu.memref_squeeze %dma_start3A_338 : memref<1x2x128xi32, #tpu.memory_space<vmem>> -> memref<2x128xi32, #tpu.memory_space<vmem>>
          %dma_start3A_340 = arith.constant 0 : i32
          %dma_start3A_341 = tpu.memref_slice %arg3[%dma_start3A_340, %add3A_328] : memref<2x320000xi32, #tpu.memory_space<hbm>> -> memref<2x128xi32, #tpu.memory_space<hbm>>
          tpu.enqueue_dma source(%dma_start3A_341 : memref<2x128xi32, #tpu.memory_space<hbm>>) target(%dma_start3A_339 : memref<2x128xi32, #tpu.memory_space<vmem>>) target_semaphore(%arg12 : memref<!tpu.dma_semaphore, #tpu.memory_space<semaphore_mem>>)
        } else {
        }
      } else {
      }
      %mul3A_252 = arith.constant 6 : i32
      %mul3A_253 = arith.muli %mul3A_252, %while3A_243 : i32
      %add3A_254 = arith.constant 1 : i32
      %add3A_255 = arith.addi %mul3A_253, %add3A_254 : i32
      %lt3A_256 = arith.cmpi slt, %add3A_255, %select_n3A : i32
      %convert_element_type3A_257 = arith.extui %lt3A_256 : i1 to i32
      %cond3A_258 = arith.constant 0 : i32
      %cond3A_259 = arith.cmpi ne, %convert_element_type3A_257, %cond3A_258 : i32
      scf.if %cond3A_259 {
        %ge3A = arith.constant 1 : i32
        %ge3A_292 = arith.cmpi sge, %add3A_255, %ge3A : i32
        %convert_element_type3A_293 = arith.extui %ge3A_292 : i1 to i32
        %cond3A_294 = arith.constant 0 : i32
        %cond3A_295 = arith.cmpi ne, %convert_element_type3A_293, %cond3A_294 : i32
        scf.if %cond3A_295 {
          %dma_wait3A_324 = arith.constant 0 : i32
          %dma_wait3A_325 = arith.constant 1 : i32
          %dma_wait3A_326 = arith.constant 0 : i32
          %dma_wait3A_327 = tpu.memref_slice %arg5[%dma_wait3A_324, %dma_wait3A_325, %dma_wait3A_326] : memref<6x2x128xi32, #tpu.memory_space<vmem>> -> memref<1x1x128xi32, #tpu.memory_space<vmem>>
          %dma_wait3A_328 = tpu.memref_squeeze %dma_wait3A_327 : memref<1x1x128xi32, #tpu.memory_space<vmem>> -> memref<128xi32, #tpu.memory_space<vmem>>
          %dma_wait3A_329 = arith.constant 0 : i32
          %dma_wait3A_330 = arith.constant 0 : i32
          %dma_wait3A_331 = tpu.memref_slice %arg9[%dma_wait3A_329, %dma_wait3A_330] : memref<10000x128xf32, #tpu.memory_space<vmem_shared>> -> memref<10000x128xf32, #tpu.memory_space<vmem_shared>>
          tpu.wait_indirect_dma semaphore(%arg17 : memref<!tpu.dma_semaphore, #tpu.memory_space<semaphore_mem>>) src(%arg7 : memref<128x128xf32, #tpu.memory_space<vmem>>) dst(%dma_wait3A_331 : memref<10000x128xf32, #tpu.memory_space<vmem_shared>>)
        } else {
        }
        %add3A_296 = arith.constant 2 : i32
        %add3A_297 = arith.addi %add3A_255, %add3A_296 : i32
        %lt3A_298 = arith.cmpi slt, %add3A_297, %select_n3A : i32
        %convert_element_type3A_299 = arith.extui %lt3A_298 : i1 to i32
        %cond3A_300 = arith.constant 0 : i32
        %cond3A_301 = arith.cmpi ne, %convert_element_type3A_299, %cond3A_300 : i32
        scf.if %cond3A_301 {
          %dma_wait3A_324 = arith.constant 3 : i32
          %dma_wait3A_325 = arith.constant 0 : i32
          %dma_wait3A_326 = arith.constant 0 : i32
          %dma_wait3A_327 = tpu.memref_slice %arg5[%dma_wait3A_324, %dma_wait3A_325, %dma_wait3A_326] : memref<6x2x128xi32, #tpu.memory_space<vmem>> -> memref<1x2x128xi32, #tpu.memory_space<vmem>>
          %dma_wait3A_328 = tpu.memref_squeeze %dma_wait3A_327 : memref<1x2x128xi32, #tpu.memory_space<vmem>> -> memref<2x128xi32, #tpu.memory_space<vmem>>
          %dma_wait3A_329 = arith.constant 0 : i32
          %dma_wait3A_330 = tpu.memref_slice %arg3[%dma_wait3A_329, %mul3A_2] : memref<2x320000xi32, #tpu.memory_space<hbm>> -> memref<2x128xi32, #tpu.memory_space<hbm>>
          %dma_wait3A_331 = arith.constant 0 : i32
          %dma_wait3A_332 = arith.constant 0 : i32
          %dma_wait3A_333 = tpu.memref_slice %arg5[%dma_wait3A_324, %dma_wait3A_331, %dma_wait3A_332] : memref<6x2x128xi32, #tpu.memory_space<vmem>> -> memref<1x2x128xi32, #tpu.memory_space<vmem>>
          %dma_wait3A_334 = tpu.memref_squeeze %dma_wait3A_333 : memref<1x2x128xi32, #tpu.memory_space<vmem>> -> memref<2x128xi32, #tpu.memory_space<vmem>>
          %dma_wait3A_335 = arith.constant 0 : i32
          %dma_wait3A_336 = tpu.memref_slice %arg3[%dma_wait3A_335, %mul3A_2] : memref<2x320000xi32, #tpu.memory_space<hbm>> -> memref<2x128xi32, #tpu.memory_space<hbm>>
          tpu.wait_dma2 semaphore(%arg10 : memref<!tpu.dma_semaphore, #tpu.memory_space<semaphore_mem>>) src(%dma_wait3A_336 : memref<2x128xi32, #tpu.memory_space<hbm>>) dst(%dma_wait3A_334 : memref<2x128xi32, #tpu.memory_space<vmem>>)
          %dma_start3A_337 = arith.constant 3 : i32
          %dma_start3A_338 = arith.constant 0 : i32
          %dma_start3A_339 = arith.constant 0 : i32
          %dma_start3A_340 = tpu.memref_slice %arg5[%dma_start3A_337, %dma_start3A_338, %dma_start3A_339] : memref<6x2x128xi32, #tpu.memory_space<vmem>> -> memref<1x1x128xi32, #tpu.memory_space<vmem>>
          %dma_start3A_341 = tpu.memref_squeeze %dma_start3A_340 : memref<1x1x128xi32, #tpu.memory_space<vmem>> -> memref<128xi32, #tpu.memory_space<vmem>>
          %dma_start3A_342 = arith.constant 0 : i32
          %dma_start3A_343 = arith.constant 0 : i32
          %dma_start3A_344 = tpu.memref_slice %arg2[%dma_start3A_342, %dma_start3A_343] : memref<10240x128xf32, #tpu.memory_space<hbm>> -> memref<10240x128xf32, #tpu.memory_space<hbm>>
          tpu.enqueue_indirect_dma source(%dma_start3A_344 : memref<10240x128xf32, #tpu.memory_space<hbm>>) target(%arg7 : memref<128x128xf32, #tpu.memory_space<vmem>>) offsets(%dma_start3A_341 : memref<128xi32, #tpu.memory_space<vmem>>) semaphore(%arg14 : memref<!tpu.dma_semaphore, #tpu.memory_space<semaphore_mem>>)
        } else {
        }
        %dma_wait3A_302 = arith.constant 1 : i32
        %dma_wait3A_303 = arith.constant 0 : i32
        %dma_wait3A_304 = arith.constant 0 : i32
        %dma_wait3A_305 = tpu.memref_slice %arg5[%dma_wait3A_302, %dma_wait3A_303, %dma_wait3A_304] : memref<6x2x128xi32, #tpu.memory_space<vmem>> -> memref<1x1x128xi32, #tpu.memory_space<vmem>>
        %dma_wait3A_306 = tpu.memref_squeeze %dma_wait3A_305 : memref<1x1x128xi32, #tpu.memory_space<vmem>> -> memref<128xi32, #tpu.memory_space<vmem>>
        %dma_wait3A_307 = arith.constant 0 : i32
        %dma_wait3A_308 = arith.constant 0 : i32
        %dma_wait3A_309 = tpu.memref_slice %arg2[%dma_wait3A_307, %dma_wait3A_308] : memref<10240x128xf32, #tpu.memory_space<hbm>> -> memref<10240x128xf32, #tpu.memory_space<hbm>>
        tpu.wait_indirect_dma semaphore(%arg15 : memref<!tpu.dma_semaphore, #tpu.memory_space<semaphore_mem>>) src(%dma_wait3A_309 : memref<10240x128xf32, #tpu.memory_space<hbm>>) dst(%arg8 : memref<128x128xf32, #tpu.memory_space<vmem>>)
        %dma_start3A_310 = arith.constant 1 : i32
        %dma_start3A_311 = arith.constant 1 : i32
        %dma_start3A_312 = arith.constant 0 : i32
        %dma_start3A_313 = tpu.memref_slice %arg5[%dma_start3A_310, %dma_start3A_311, %dma_start3A_312] : memref<6x2x128xi32, #tpu.memory_space<vmem>> -> memref<1x1x128xi32, #tpu.memory_space<vmem>>
        %dma_start3A_314 = tpu.memref_squeeze %dma_start3A_313 : memref<1x1x128xi32, #tpu.memory_space<vmem>> -> memref<128xi32, #tpu.memory_space<vmem>>
        %dma_start3A_315 = arith.constant 0 : i32
        %dma_start3A_316 = arith.constant 0 : i32
        %dma_start3A_317 = tpu.memref_slice %arg9[%dma_start3A_315, %dma_start3A_316] : memref<10000x128xf32, #tpu.memory_space<vmem_shared>> -> memref<10000x128xf32, #tpu.memory_space<vmem_shared>>
        tpu.enqueue_indirect_dma source(%arg8 : memref<128x128xf32, #tpu.memory_space<vmem>>) target(%dma_start3A_317 : memref<10000x128xf32, #tpu.memory_space<vmem_shared>>) offsets(%dma_start3A_314 : memref<128xi32, #tpu.memory_space<vmem>>) semaphore(%arg18 : memref<!tpu.dma_semaphore, #tpu.memory_space<semaphore_mem>>) {add = true}
        %add3A_318 = arith.constant 5 : i32
        %add3A_319 = arith.addi %add3A_255, %add3A_318 : i32
        %lt3A_320 = arith.cmpi slt, %add3A_319, %select_n3A : i32
        %convert_element_type3A_321 = arith.extui %lt3A_320 : i1 to i32
        %cond3A_322 = arith.constant 0 : i32
        %cond3A_323 = arith.cmpi ne, %convert_element_type3A_321, %cond3A_322 : i32
        scf.if %cond3A_323 {
          %add3A_324 = arith.constant 5 : i32
          %add3A_325 = arith.addi %add3A_255, %add3A_324 : i32
          %mul3A_326 = arith.constant 128 : i32
          %mul3A_327 = arith.muli %add3A_325, %mul3A_326 : i32
          %add3A_328 = arith.addi %mul3A_2, %mul3A_327 : i32
          %dma_start3A_329 = arith.constant 0 : i32
          %dma_start3A_330 = arith.constant 0 : i32
          %dma_start3A_331 = arith.constant 0 : i32
          %dma_start3A_332 = tpu.memref_slice %arg5[%dma_start3A_329, %dma_start3A_330, %dma_start3A_331] : memref<6x2x128xi32, #tpu.memory_space<vmem>> -> memref<1x2x128xi32, #tpu.memory_space<vmem>>
          %dma_start3A_333 = tpu.memref_squeeze %dma_start3A_332 : memref<1x2x128xi32, #tpu.memory_space<vmem>> -> memref<2x128xi32, #tpu.memory_space<vmem>>
          %dma_start3A_334 = arith.constant 0 : i32
          %dma_start3A_335 = tpu.memref_slice %arg3[%dma_start3A_334, %add3A_328] : memref<2x320000xi32, #tpu.memory_space<hbm>> -> memref<2x128xi32, #tpu.memory_space<hbm>>
          %dma_start3A_336 = arith.constant 0 : i32
          %dma_start3A_337 = arith.constant 0 : i32
          %dma_start3A_338 = tpu.memref_slice %arg5[%dma_start3A_329, %dma_start3A_336, %dma_start3A_337] : memref<6x2x128xi32, #tpu.memory_space<vmem>> -> memref<1x2x128xi32, #tpu.memory_space<vmem>>
          %dma_start3A_339 = tpu.memref_squeeze %dma_start3A_338 : memref<1x2x128xi32, #tpu.memory_space<vmem>> -> memref<2x128xi32, #tpu.memory_space<vmem>>
          %dma_start3A_340 = arith.constant 0 : i32
          %dma_start3A_341 = tpu.memref_slice %arg3[%dma_start3A_340, %add3A_328] : memref<2x320000xi32, #tpu.memory_space<hbm>> -> memref<2x128xi32, #tpu.memory_space<hbm>>
          tpu.enqueue_dma source(%dma_start3A_341 : memref<2x128xi32, #tpu.memory_space<hbm>>) target(%dma_start3A_339 : memref<2x128xi32, #tpu.memory_space<vmem>>) target_semaphore(%arg10 : memref<!tpu.dma_semaphore, #tpu.memory_space<semaphore_mem>>)
        } else {
        }
      } else {
      }
      %mul3A_260 = arith.constant 6 : i32
      %mul3A_261 = arith.muli %mul3A_260, %while3A_243 : i32
      %add3A_262 = arith.constant 2 : i32
      %add3A_263 = arith.addi %mul3A_261, %add3A_262 : i32
      %lt3A_264 = arith.cmpi slt, %add3A_263, %select_n3A : i32
      %convert_element_type3A_265 = arith.extui %lt3A_264 : i1 to i32
      %cond3A_266 = arith.constant 0 : i32
      %cond3A_267 = arith.cmpi ne, %convert_element_type3A_265, %cond3A_266 : i32
      scf.if %cond3A_267 {
        %ge3A = arith.constant 1 : i32
        %ge3A_292 = arith.cmpi sge, %add3A_263, %ge3A : i32
        %convert_element_type3A_293 = arith.extui %ge3A_292 : i1 to i32
        %cond3A_294 = arith.constant 0 : i32
        %cond3A_295 = arith.cmpi ne, %convert_element_type3A_293, %cond3A_294 : i32
        scf.if %cond3A_295 {
          %dma_wait3A_324 = arith.constant 0 : i32
          %dma_wait3A_325 = arith.constant 1 : i32
          %dma_wait3A_326 = arith.constant 0 : i32
          %dma_wait3A_327 = tpu.memref_slice %arg5[%dma_wait3A_324, %dma_wait3A_325, %dma_wait3A_326] : memref<6x2x128xi32, #tpu.memory_space<vmem>> -> memref<1x1x128xi32, #tpu.memory_space<vmem>>
          %dma_wait3A_328 = tpu.memref_squeeze %dma_wait3A_327 : memref<1x1x128xi32, #tpu.memory_space<vmem>> -> memref<128xi32, #tpu.memory_space<vmem>>
          %dma_wait3A_329 = arith.constant 0 : i32
          %dma_wait3A_330 = arith.constant 0 : i32
          %dma_wait3A_331 = tpu.memref_slice %arg9[%dma_wait3A_329, %dma_wait3A_330] : memref<10000x128xf32, #tpu.memory_space<vmem_shared>> -> memref<10000x128xf32, #tpu.memory_space<vmem_shared>>
          tpu.wait_indirect_dma semaphore(%arg18 : memref<!tpu.dma_semaphore, #tpu.memory_space<semaphore_mem>>) src(%arg8 : memref<128x128xf32, #tpu.memory_space<vmem>>) dst(%dma_wait3A_331 : memref<10000x128xf32, #tpu.memory_space<vmem_shared>>)
        } else {
        }
        %add3A_296 = arith.constant 2 : i32
        %add3A_297 = arith.addi %add3A_263, %add3A_296 : i32
        %lt3A_298 = arith.cmpi slt, %add3A_297, %select_n3A : i32
        %convert_element_type3A_299 = arith.extui %lt3A_298 : i1 to i32
        %cond3A_300 = arith.constant 0 : i32
        %cond3A_301 = arith.cmpi ne, %convert_element_type3A_299, %cond3A_300 : i32
        scf.if %cond3A_301 {
          %dma_wait3A_324 = arith.constant 4 : i32
          %dma_wait3A_325 = arith.constant 0 : i32
          %dma_wait3A_326 = arith.constant 0 : i32
          %dma_wait3A_327 = tpu.memref_slice %arg5[%dma_wait3A_324, %dma_wait3A_325, %dma_wait3A_326] : memref<6x2x128xi32, #tpu.memory_space<vmem>> -> memref<1x2x128xi32, #tpu.memory_space<vmem>>
          %dma_wait3A_328 = tpu.memref_squeeze %dma_wait3A_327 : memref<1x2x128xi32, #tpu.memory_space<vmem>> -> memref<2x128xi32, #tpu.memory_space<vmem>>
          %dma_wait3A_329 = arith.constant 0 : i32
          %dma_wait3A_330 = tpu.memref_slice %arg3[%dma_wait3A_329, %mul3A_2] : memref<2x320000xi32, #tpu.memory_space<hbm>> -> memref<2x128xi32, #tpu.memory_space<hbm>>
          %dma_wait3A_331 = arith.constant 0 : i32
          %dma_wait3A_332 = arith.constant 0 : i32
          %dma_wait3A_333 = tpu.memref_slice %arg5[%dma_wait3A_324, %dma_wait3A_331, %dma_wait3A_332] : memref<6x2x128xi32, #tpu.memory_space<vmem>> -> memref<1x2x128xi32, #tpu.memory_space<vmem>>
          %dma_wait3A_334 = tpu.memref_squeeze %dma_wait3A_333 : memref<1x2x128xi32, #tpu.memory_space<vmem>> -> memref<2x128xi32, #tpu.memory_space<vmem>>
          %dma_wait3A_335 = arith.constant 0 : i32
          %dma_wait3A_336 = tpu.memref_slice %arg3[%dma_wait3A_335, %mul3A_2] : memref<2x320000xi32, #tpu.memory_space<hbm>> -> memref<2x128xi32, #tpu.memory_space<hbm>>
          tpu.wait_dma2 semaphore(%arg11 : memref<!tpu.dma_semaphore, #tpu.memory_space<semaphore_mem>>) src(%dma_wait3A_336 : memref<2x128xi32, #tpu.memory_space<hbm>>) dst(%dma_wait3A_334 : memref<2x128xi32, #tpu.memory_space<vmem>>)
          %dma_start3A_337 = arith.constant 4 : i32
          %dma_start3A_338 = arith.constant 0 : i32
          %dma_start3A_339 = arith.constant 0 : i32
          %dma_start3A_340 = tpu.memref_slice %arg5[%dma_start3A_337, %dma_start3A_338, %dma_start3A_339] : memref<6x2x128xi32, #tpu.memory_space<vmem>> -> memref<1x1x128xi32, #tpu.memory_space<vmem>>
          %dma_start3A_341 = tpu.memref_squeeze %dma_start3A_340 : memref<1x1x128xi32, #tpu.memory_space<vmem>> -> memref<128xi32, #tpu.memory_space<vmem>>
          %dma_start3A_342 = arith.constant 0 : i32
          %dma_start3A_343 = arith.constant 0 : i32
          %dma_start3A_344 = tpu.memref_slice %arg2[%dma_start3A_342, %dma_start3A_343] : memref<10240x128xf32, #tpu.memory_space<hbm>> -> memref<10240x128xf32, #tpu.memory_space<hbm>>
          tpu.enqueue_indirect_dma source(%dma_start3A_344 : memref<10240x128xf32, #tpu.memory_space<hbm>>) target(%arg8 : memref<128x128xf32, #tpu.memory_space<vmem>>) offsets(%dma_start3A_341 : memref<128xi32, #tpu.memory_space<vmem>>) semaphore(%arg15 : memref<!tpu.dma_semaphore, #tpu.memory_space<semaphore_mem>>)
        } else {
        }
        %dma_wait3A_302 = arith.constant 2 : i32
        %dma_wait3A_303 = arith.constant 0 : i32
        %dma_wait3A_304 = arith.constant 0 : i32
        %dma_wait3A_305 = tpu.memref_slice %arg5[%dma_wait3A_302, %dma_wait3A_303, %dma_wait3A_304] : memref<6x2x128xi32, #tpu.memory_space<vmem>> -> memref<1x1x128xi32, #tpu.memory_space<vmem>>
        %dma_wait3A_306 = tpu.memref_squeeze %dma_wait3A_305 : memref<1x1x128xi32, #tpu.memory_space<vmem>> -> memref<128xi32, #tpu.memory_space<vmem>>
        %dma_wait3A_307 = arith.constant 0 : i32
        %dma_wait3A_308 = arith.constant 0 : i32
        %dma_wait3A_309 = tpu.memref_slice %arg2[%dma_wait3A_307, %dma_wait3A_308] : memref<10240x128xf32, #tpu.memory_space<hbm>> -> memref<10240x128xf32, #tpu.memory_space<hbm>>
        tpu.wait_indirect_dma semaphore(%arg13 : memref<!tpu.dma_semaphore, #tpu.memory_space<semaphore_mem>>) src(%dma_wait3A_309 : memref<10240x128xf32, #tpu.memory_space<hbm>>) dst(%arg6 : memref<128x128xf32, #tpu.memory_space<vmem>>)
        %dma_start3A_310 = arith.constant 2 : i32
        %dma_start3A_311 = arith.constant 1 : i32
        %dma_start3A_312 = arith.constant 0 : i32
        %dma_start3A_313 = tpu.memref_slice %arg5[%dma_start3A_310, %dma_start3A_311, %dma_start3A_312] : memref<6x2x128xi32, #tpu.memory_space<vmem>> -> memref<1x1x128xi32, #tpu.memory_space<vmem>>
        %dma_start3A_314 = tpu.memref_squeeze %dma_start3A_313 : memref<1x1x128xi32, #tpu.memory_space<vmem>> -> memref<128xi32, #tpu.memory_space<vmem>>
        %dma_start3A_315 = arith.constant 0 : i32
        %dma_start3A_316 = arith.constant 0 : i32
        %dma_start3A_317 = tpu.memref_slice %arg9[%dma_start3A_315, %dma_start3A_316] : memref<10000x128xf32, #tpu.memory_space<vmem_shared>> -> memref<10000x128xf32, #tpu.memory_space<vmem_shared>>
        tpu.enqueue_indirect_dma source(%arg6 : memref<128x128xf32, #tpu.memory_space<vmem>>) target(%dma_start3A_317 : memref<10000x128xf32, #tpu.memory_space<vmem_shared>>) offsets(%dma_start3A_314 : memref<128xi32, #tpu.memory_space<vmem>>) semaphore(%arg16 : memref<!tpu.dma_semaphore, #tpu.memory_space<semaphore_mem>>) {add = true}
        %add3A_318 = arith.constant 5 : i32
        %add3A_319 = arith.addi %add3A_263, %add3A_318 : i32
        %lt3A_320 = arith.cmpi slt, %add3A_319, %select_n3A : i32
        %convert_element_type3A_321 = arith.extui %lt3A_320 : i1 to i32
        %cond3A_322 = arith.constant 0 : i32
        %cond3A_323 = arith.cmpi ne, %convert_element_type3A_321, %cond3A_322 : i32
        scf.if %cond3A_323 {
          %add3A_324 = arith.constant 5 : i32
          %add3A_325 = arith.addi %add3A_263, %add3A_324 : i32
          %mul3A_326 = arith.constant 128 : i32
          %mul3A_327 = arith.muli %add3A_325, %mul3A_326 : i32
          %add3A_328 = arith.addi %mul3A_2, %mul3A_327 : i32
          %dma_start3A_329 = arith.constant 1 : i32
          %dma_start3A_330 = arith.constant 0 : i32
          %dma_start3A_331 = arith.constant 0 : i32
          %dma_start3A_332 = tpu.memref_slice %arg5[%dma_start3A_329, %dma_start3A_330, %dma_start3A_331] : memref<6x2x128xi32, #tpu.memory_space<vmem>> -> memref<1x2x128xi32, #tpu.memory_space<vmem>>
          %dma_start3A_333 = tpu.memref_squeeze %dma_start3A_332 : memref<1x2x128xi32, #tpu.memory_space<vmem>> -> memref<2x128xi32, #tpu.memory_space<vmem>>
          %dma_start3A_334 = arith.constant 0 : i32
          %dma_start3A_335 = tpu.memref_slice %arg3[%dma_start3A_334, %add3A_328] : memref<2x320000xi32, #tpu.memory_space<hbm>> -> memref<2x128xi32, #tpu.memory_space<hbm>>
          %dma_start3A_336 = arith.constant 0 : i32
          %dma_start3A_337 = arith.constant 0 : i32
          %dma_start3A_338 = tpu.memref_slice %arg5[%dma_start3A_329, %dma_start3A_336, %dma_start3A_337] : memref<6x2x128xi32, #tpu.memory_space<vmem>> -> memref<1x2x128xi32, #tpu.memory_space<vmem>>
          %dma_start3A_339 = tpu.memref_squeeze %dma_start3A_338 : memref<1x2x128xi32, #tpu.memory_space<vmem>> -> memref<2x128xi32, #tpu.memory_space<vmem>>
          %dma_start3A_340 = arith.constant 0 : i32
          %dma_start3A_341 = tpu.memref_slice %arg3[%dma_start3A_340, %add3A_328] : memref<2x320000xi32, #tpu.memory_space<hbm>> -> memref<2x128xi32, #tpu.memory_space<hbm>>
          tpu.enqueue_dma source(%dma_start3A_341 : memref<2x128xi32, #tpu.memory_space<hbm>>) target(%dma_start3A_339 : memref<2x128xi32, #tpu.memory_space<vmem>>) target_semaphore(%arg11 : memref<!tpu.dma_semaphore, #tpu.memory_space<semaphore_mem>>)
        } else {
        }
      } else {
      }
      %mul3A_268 = arith.constant 6 : i32
      %mul3A_269 = arith.muli %mul3A_268, %while3A_243 : i32
      %add3A_270 = arith.constant 3 : i32
      %add3A_271 = arith.addi %mul3A_269, %add3A_270 : i32
      %lt3A_272 = arith.cmpi slt, %add3A_271, %select_n3A : i32
      %convert_element_type3A_273 = arith.extui %lt3A_272 : i1 to i32
      %cond3A_274 = arith.constant 0 : i32
      %cond3A_275 = arith.cmpi ne, %convert_element_type3A_273, %cond3A_274 : i32
      scf.if %cond3A_275 {
        %ge3A = arith.constant 1 : i32
        %ge3A_292 = arith.cmpi sge, %add3A_271, %ge3A : i32
        %convert_element_type3A_293 = arith.extui %ge3A_292 : i1 to i32
        %cond3A_294 = arith.constant 0 : i32
        %cond3A_295 = arith.cmpi ne, %convert_element_type3A_293, %cond3A_294 : i32
        scf.if %cond3A_295 {
          %dma_wait3A_324 = arith.constant 0 : i32
          %dma_wait3A_325 = arith.constant 1 : i32
          %dma_wait3A_326 = arith.constant 0 : i32
          %dma_wait3A_327 = tpu.memref_slice %arg5[%dma_wait3A_324, %dma_wait3A_325, %dma_wait3A_326] : memref<6x2x128xi32, #tpu.memory_space<vmem>> -> memref<1x1x128xi32, #tpu.memory_space<vmem>>
          %dma_wait3A_328 = tpu.memref_squeeze %dma_wait3A_327 : memref<1x1x128xi32, #tpu.memory_space<vmem>> -> memref<128xi32, #tpu.memory_space<vmem>>
          %dma_wait3A_329 = arith.constant 0 : i32
          %dma_wait3A_330 = arith.constant 0 : i32
          %dma_wait3A_331 = tpu.memref_slice %arg9[%dma_wait3A_329, %dma_wait3A_330] : memref<10000x128xf32, #tpu.memory_space<vmem_shared>> -> memref<10000x128xf32, #tpu.memory_space<vmem_shared>>
          tpu.wait_indirect_dma semaphore(%arg16 : memref<!tpu.dma_semaphore, #tpu.memory_space<semaphore_mem>>) src(%arg6 : memref<128x128xf32, #tpu.memory_space<vmem>>) dst(%dma_wait3A_331 : memref<10000x128xf32, #tpu.memory_space<vmem_shared>>)
        } else {
        }
        %add3A_296 = arith.constant 2 : i32
        %add3A_297 = arith.addi %add3A_271, %add3A_296 : i32
        %lt3A_298 = arith.cmpi slt, %add3A_297, %select_n3A : i32
        %convert_element_type3A_299 = arith.extui %lt3A_298 : i1 to i32
        %cond3A_300 = arith.constant 0 : i32
        %cond3A_301 = arith.cmpi ne, %convert_element_type3A_299, %cond3A_300 : i32
        scf.if %cond3A_301 {
          %dma_wait3A_324 = arith.constant 5 : i32
          %dma_wait3A_325 = arith.constant 0 : i32
          %dma_wait3A_326 = arith.constant 0 : i32
          %dma_wait3A_327 = tpu.memref_slice %arg5[%dma_wait3A_324, %dma_wait3A_325, %dma_wait3A_326] : memref<6x2x128xi32, #tpu.memory_space<vmem>> -> memref<1x2x128xi32, #tpu.memory_space<vmem>>
          %dma_wait3A_328 = tpu.memref_squeeze %dma_wait3A_327 : memref<1x2x128xi32, #tpu.memory_space<vmem>> -> memref<2x128xi32, #tpu.memory_space<vmem>>
          %dma_wait3A_329 = arith.constant 0 : i32
          %dma_wait3A_330 = tpu.memref_slice %arg3[%dma_wait3A_329, %mul3A_2] : memref<2x320000xi32, #tpu.memory_space<hbm>> -> memref<2x128xi32, #tpu.memory_space<hbm>>
          %dma_wait3A_331 = arith.constant 0 : i32
          %dma_wait3A_332 = arith.constant 0 : i32
          %dma_wait3A_333 = tpu.memref_slice %arg5[%dma_wait3A_324, %dma_wait3A_331, %dma_wait3A_332] : memref<6x2x128xi32, #tpu.memory_space<vmem>> -> memref<1x2x128xi32, #tpu.memory_space<vmem>>
          %dma_wait3A_334 = tpu.memref_squeeze %dma_wait3A_333 : memref<1x2x128xi32, #tpu.memory_space<vmem>> -> memref<2x128xi32, #tpu.memory_space<vmem>>
          %dma_wait3A_335 = arith.constant 0 : i32
          %dma_wait3A_336 = tpu.memref_slice %arg3[%dma_wait3A_335, %mul3A_2] : memref<2x320000xi32, #tpu.memory_space<hbm>> -> memref<2x128xi32, #tpu.memory_space<hbm>>
          tpu.wait_dma2 semaphore(%arg12 : memref<!tpu.dma_semaphore, #tpu.memory_space<semaphore_mem>>) src(%dma_wait3A_336 : memref<2x128xi32, #tpu.memory_space<hbm>>) dst(%dma_wait3A_334 : memref<2x128xi32, #tpu.memory_space<vmem>>)
          %dma_start3A_337 = arith.constant 5 : i32
          %dma_start3A_338 = arith.constant 0 : i32
          %dma_start3A_339 = arith.constant 0 : i32
          %dma_start3A_340 = tpu.memref_slice %arg5[%dma_start3A_337, %dma_start3A_338, %dma_start3A_339] : memref<6x2x128xi32, #tpu.memory_space<vmem>> -> memref<1x1x128xi32, #tpu.memory_space<vmem>>
          %dma_start3A_341 = tpu.memref_squeeze %dma_start3A_340 : memref<1x1x128xi32, #tpu.memory_space<vmem>> -> memref<128xi32, #tpu.memory_space<vmem>>
          %dma_start3A_342 = arith.constant 0 : i32
          %dma_start3A_343 = arith.constant 0 : i32
          %dma_start3A_344 = tpu.memref_slice %arg2[%dma_start3A_342, %dma_start3A_343] : memref<10240x128xf32, #tpu.memory_space<hbm>> -> memref<10240x128xf32, #tpu.memory_space<hbm>>
          tpu.enqueue_indirect_dma source(%dma_start3A_344 : memref<10240x128xf32, #tpu.memory_space<hbm>>) target(%arg6 : memref<128x128xf32, #tpu.memory_space<vmem>>) offsets(%dma_start3A_341 : memref<128xi32, #tpu.memory_space<vmem>>) semaphore(%arg13 : memref<!tpu.dma_semaphore, #tpu.memory_space<semaphore_mem>>)
        } else {
        }
        %dma_wait3A_302 = arith.constant 3 : i32
        %dma_wait3A_303 = arith.constant 0 : i32
        %dma_wait3A_304 = arith.constant 0 : i32
        %dma_wait3A_305 = tpu.memref_slice %arg5[%dma_wait3A_302, %dma_wait3A_303, %dma_wait3A_304] : memref<6x2x128xi32, #tpu.memory_space<vmem>> -> memref<1x1x128xi32, #tpu.memory_space<vmem>>
        %dma_wait3A_306 = tpu.memref_squeeze %dma_wait3A_305 : memref<1x1x128xi32, #tpu.memory_space<vmem>> -> memref<128xi32, #tpu.memory_space<vmem>>
        %dma_wait3A_307 = arith.constant 0 : i32
        %dma_wait3A_308 = arith.constant 0 : i32
        %dma_wait3A_309 = tpu.memref_slice %arg2[%dma_wait3A_307, %dma_wait3A_308] : memref<10240x128xf32, #tpu.memory_space<hbm>> -> memref<10240x128xf32, #tpu.memory_space<hbm>>
        tpu.wait_indirect_dma semaphore(%arg14 : memref<!tpu.dma_semaphore, #tpu.memory_space<semaphore_mem>>) src(%dma_wait3A_309 : memref<10240x128xf32, #tpu.memory_space<hbm>>) dst(%arg7 : memref<128x128xf32, #tpu.memory_space<vmem>>)
        %dma_start3A_310 = arith.constant 3 : i32
        %dma_start3A_311 = arith.constant 1 : i32
        %dma_start3A_312 = arith.constant 0 : i32
        %dma_start3A_313 = tpu.memref_slice %arg5[%dma_start3A_310, %dma_start3A_311, %dma_start3A_312] : memref<6x2x128xi32, #tpu.memory_space<vmem>> -> memref<1x1x128xi32, #tpu.memory_space<vmem>>
        %dma_start3A_314 = tpu.memref_squeeze %dma_start3A_313 : memref<1x1x128xi32, #tpu.memory_space<vmem>> -> memref<128xi32, #tpu.memory_space<vmem>>
        %dma_start3A_315 = arith.constant 0 : i32
        %dma_start3A_316 = arith.constant 0 : i32
        %dma_start3A_317 = tpu.memref_slice %arg9[%dma_start3A_315, %dma_start3A_316] : memref<10000x128xf32, #tpu.memory_space<vmem_shared>> -> memref<10000x128xf32, #tpu.memory_space<vmem_shared>>
        tpu.enqueue_indirect_dma source(%arg7 : memref<128x128xf32, #tpu.memory_space<vmem>>) target(%dma_start3A_317 : memref<10000x128xf32, #tpu.memory_space<vmem_shared>>) offsets(%dma_start3A_314 : memref<128xi32, #tpu.memory_space<vmem>>) semaphore(%arg17 : memref<!tpu.dma_semaphore, #tpu.memory_space<semaphore_mem>>) {add = true}
        %add3A_318 = arith.constant 5 : i32
        %add3A_319 = arith.addi %add3A_271, %add3A_318 : i32
        %lt3A_320 = arith.cmpi slt, %add3A_319, %select_n3A : i32
        %convert_element_type3A_321 = arith.extui %lt3A_320 : i1 to i32
        %cond3A_322 = arith.constant 0 : i32
        %cond3A_323 = arith.cmpi ne, %convert_element_type3A_321, %cond3A_322 : i32
        scf.if %cond3A_323 {
          %add3A_324 = arith.constant 5 : i32
          %add3A_325 = arith.addi %add3A_271, %add3A_324 : i32
          %mul3A_326 = arith.constant 128 : i32
          %mul3A_327 = arith.muli %add3A_325, %mul3A_326 : i32
          %add3A_328 = arith.addi %mul3A_2, %mul3A_327 : i32
          %dma_start3A_329 = arith.constant 2 : i32
          %dma_start3A_330 = arith.constant 0 : i32
          %dma_start3A_331 = arith.constant 0 : i32
          %dma_start3A_332 = tpu.memref_slice %arg5[%dma_start3A_329, %dma_start3A_330, %dma_start3A_331] : memref<6x2x128xi32, #tpu.memory_space<vmem>> -> memref<1x2x128xi32, #tpu.memory_space<vmem>>
          %dma_start3A_333 = tpu.memref_squeeze %dma_start3A_332 : memref<1x2x128xi32, #tpu.memory_space<vmem>> -> memref<2x128xi32, #tpu.memory_space<vmem>>
          %dma_start3A_334 = arith.constant 0 : i32
          %dma_start3A_335 = tpu.memref_slice %arg3[%dma_start3A_334, %add3A_328] : memref<2x320000xi32, #tpu.memory_space<hbm>> -> memref<2x128xi32, #tpu.memory_space<hbm>>
          %dma_start3A_336 = arith.constant 0 : i32
          %dma_start3A_337 = arith.constant 0 : i32
          %dma_start3A_338 = tpu.memref_slice %arg5[%dma_start3A_329, %dma_start3A_336, %dma_start3A_337] : memref<6x2x128xi32, #tpu.memory_space<vmem>> -> memref<1x2x128xi32, #tpu.memory_space<vmem>>
          %dma_start3A_339 = tpu.memref_squeeze %dma_start3A_338 : memref<1x2x128xi32, #tpu.memory_space<vmem>> -> memref<2x128xi32, #tpu.memory_space<vmem>>
          %dma_start3A_340 = arith.constant 0 : i32
          %dma_start3A_341 = tpu.memref_slice %arg3[%dma_start3A_340, %add3A_328] : memref<2x320000xi32, #tpu.memory_space<hbm>> -> memref<2x128xi32, #tpu.memory_space<hbm>>
          tpu.enqueue_dma source(%dma_start3A_341 : memref<2x128xi32, #tpu.memory_space<hbm>>) target(%dma_start3A_339 : memref<2x128xi32, #tpu.memory_space<vmem>>) target_semaphore(%arg12 : memref<!tpu.dma_semaphore, #tpu.memory_space<semaphore_mem>>)
        } else {
        }
      } else {
      }
      %mul3A_276 = arith.constant 6 : i32
      %mul3A_277 = arith.muli %mul3A_276, %while3A_243 : i32
      %add3A_278 = arith.constant 4 : i32
      %add3A_279 = arith.addi %mul3A_277, %add3A_278 : i32
      %lt3A_280 = arith.cmpi slt, %add3A_279, %select_n3A : i32
      %convert_element_type3A_281 = arith.extui %lt3A_280 : i1 to i32
      %cond3A_282 = arith.constant 0 : i32
      %cond3A_283 = arith.cmpi ne, %convert_element_type3A_281, %cond3A_282 : i32
      scf.if %cond3A_283 {
        %ge3A = arith.constant 1 : i32
        %ge3A_292 = arith.cmpi sge, %add3A_279, %ge3A : i32
        %convert_element_type3A_293 = arith.extui %ge3A_292 : i1 to i32
        %cond3A_294 = arith.constant 0 : i32
        %cond3A_295 = arith.cmpi ne, %convert_element_type3A_293, %cond3A_294 : i32
        scf.if %cond3A_295 {
          %dma_wait3A_324 = arith.constant 0 : i32
          %dma_wait3A_325 = arith.constant 1 : i32
          %dma_wait3A_326 = arith.constant 0 : i32
          %dma_wait3A_327 = tpu.memref_slice %arg5[%dma_wait3A_324, %dma_wait3A_325, %dma_wait3A_326] : memref<6x2x128xi32, #tpu.memory_space<vmem>> -> memref<1x1x128xi32, #tpu.memory_space<vmem>>
          %dma_wait3A_328 = tpu.memref_squeeze %dma_wait3A_327 : memref<1x1x128xi32, #tpu.memory_space<vmem>> -> memref<128xi32, #tpu.memory_space<vmem>>
          %dma_wait3A_329 = arith.constant 0 : i32
          %dma_wait3A_330 = arith.constant 0 : i32
          %dma_wait3A_331 = tpu.memref_slice %arg9[%dma_wait3A_329, %dma_wait3A_330] : memref<10000x128xf32, #tpu.memory_space<vmem_shared>> -> memref<10000x128xf32, #tpu.memory_space<vmem_shared>>
          tpu.wait_indirect_dma semaphore(%arg17 : memref<!tpu.dma_semaphore, #tpu.memory_space<semaphore_mem>>) src(%arg7 : memref<128x128xf32, #tpu.memory_space<vmem>>) dst(%dma_wait3A_331 : memref<10000x128xf32, #tpu.memory_space<vmem_shared>>)
        } else {
        }
        %add3A_296 = arith.constant 2 : i32
        %add3A_297 = arith.addi %add3A_279, %add3A_296 : i32
        %lt3A_298 = arith.cmpi slt, %add3A_297, %select_n3A : i32
        %convert_element_type3A_299 = arith.extui %lt3A_298 : i1 to i32
        %cond3A_300 = arith.constant 0 : i32
        %cond3A_301 = arith.cmpi ne, %convert_element_type3A_299, %cond3A_300 : i32
        scf.if %cond3A_301 {
          %dma_wait3A_324 = arith.constant 0 : i32
          %dma_wait3A_325 = arith.constant 0 : i32
          %dma_wait3A_326 = arith.constant 0 : i32
          %dma_wait3A_327 = tpu.memref_slice %arg5[%dma_wait3A_324, %dma_wait3A_325, %dma_wait3A_326] : memref<6x2x128xi32, #tpu.memory_space<vmem>> -> memref<1x2x128xi32, #tpu.memory_space<vmem>>
          %dma_wait3A_328 = tpu.memref_squeeze %dma_wait3A_327 : memref<1x2x128xi32, #tpu.memory_space<vmem>> -> memref<2x128xi32, #tpu.memory_space<vmem>>
          %dma_wait3A_329 = arith.constant 0 : i32
          %dma_wait3A_330 = tpu.memref_slice %arg3[%dma_wait3A_329, %mul3A_2] : memref<2x320000xi32, #tpu.memory_space<hbm>> -> memref<2x128xi32, #tpu.memory_space<hbm>>
          %dma_wait3A_331 = arith.constant 0 : i32
          %dma_wait3A_332 = arith.constant 0 : i32
          %dma_wait3A_333 = tpu.memref_slice %arg5[%dma_wait3A_324, %dma_wait3A_331, %dma_wait3A_332] : memref<6x2x128xi32, #tpu.memory_space<vmem>> -> memref<1x2x128xi32, #tpu.memory_space<vmem>>
          %dma_wait3A_334 = tpu.memref_squeeze %dma_wait3A_333 : memref<1x2x128xi32, #tpu.memory_space<vmem>> -> memref<2x128xi32, #tpu.memory_space<vmem>>
          %dma_wait3A_335 = arith.constant 0 : i32
          %dma_wait3A_336 = tpu.memref_slice %arg3[%dma_wait3A_335, %mul3A_2] : memref<2x320000xi32, #tpu.memory_space<hbm>> -> memref<2x128xi32, #tpu.memory_space<hbm>>
          tpu.wait_dma2 semaphore(%arg10 : memref<!tpu.dma_semaphore, #tpu.memory_space<semaphore_mem>>) src(%dma_wait3A_336 : memref<2x128xi32, #tpu.memory_space<hbm>>) dst(%dma_wait3A_334 : memref<2x128xi32, #tpu.memory_space<vmem>>)
          %dma_start3A_337 = arith.constant 0 : i32
          %dma_start3A_338 = arith.constant 0 : i32
          %dma_start3A_339 = arith.constant 0 : i32
          %dma_start3A_340 = tpu.memref_slice %arg5[%dma_start3A_337, %dma_start3A_338, %dma_start3A_339] : memref<6x2x128xi32, #tpu.memory_space<vmem>> -> memref<1x1x128xi32, #tpu.memory_space<vmem>>
          %dma_start3A_341 = tpu.memref_squeeze %dma_start3A_340 : memref<1x1x128xi32, #tpu.memory_space<vmem>> -> memref<128xi32, #tpu.memory_space<vmem>>
          %dma_start3A_342 = arith.constant 0 : i32
          %dma_start3A_343 = arith.constant 0 : i32
          %dma_start3A_344 = tpu.memref_slice %arg2[%dma_start3A_342, %dma_start3A_343] : memref<10240x128xf32, #tpu.memory_space<hbm>> -> memref<10240x128xf32, #tpu.memory_space<hbm>>
          tpu.enqueue_indirect_dma source(%dma_start3A_344 : memref<10240x128xf32, #tpu.memory_space<hbm>>) target(%arg7 : memref<128x128xf32, #tpu.memory_space<vmem>>) offsets(%dma_start3A_341 : memref<128xi32, #tpu.memory_space<vmem>>) semaphore(%arg14 : memref<!tpu.dma_semaphore, #tpu.memory_space<semaphore_mem>>)
        } else {
        }
        %dma_wait3A_302 = arith.constant 4 : i32
        %dma_wait3A_303 = arith.constant 0 : i32
        %dma_wait3A_304 = arith.constant 0 : i32
        %dma_wait3A_305 = tpu.memref_slice %arg5[%dma_wait3A_302, %dma_wait3A_303, %dma_wait3A_304] : memref<6x2x128xi32, #tpu.memory_space<vmem>> -> memref<1x1x128xi32, #tpu.memory_space<vmem>>
        %dma_wait3A_306 = tpu.memref_squeeze %dma_wait3A_305 : memref<1x1x128xi32, #tpu.memory_space<vmem>> -> memref<128xi32, #tpu.memory_space<vmem>>
        %dma_wait3A_307 = arith.constant 0 : i32
        %dma_wait3A_308 = arith.constant 0 : i32
        %dma_wait3A_309 = tpu.memref_slice %arg2[%dma_wait3A_307, %dma_wait3A_308] : memref<10240x128xf32, #tpu.memory_space<hbm>> -> memref<10240x128xf32, #tpu.memory_space<hbm>>
        tpu.wait_indirect_dma semaphore(%arg15 : memref<!tpu.dma_semaphore, #tpu.memory_space<semaphore_mem>>) src(%dma_wait3A_309 : memref<10240x128xf32, #tpu.memory_space<hbm>>) dst(%arg8 : memref<128x128xf32, #tpu.memory_space<vmem>>)
        %dma_start3A_310 = arith.constant 4 : i32
        %dma_start3A_311 = arith.constant 1 : i32
        %dma_start3A_312 = arith.constant 0 : i32
        %dma_start3A_313 = tpu.memref_slice %arg5[%dma_start3A_310, %dma_start3A_311, %dma_start3A_312] : memref<6x2x128xi32, #tpu.memory_space<vmem>> -> memref<1x1x128xi32, #tpu.memory_space<vmem>>
        %dma_start3A_314 = tpu.memref_squeeze %dma_start3A_313 : memref<1x1x128xi32, #tpu.memory_space<vmem>> -> memref<128xi32, #tpu.memory_space<vmem>>
        %dma_start3A_315 = arith.constant 0 : i32
        %dma_start3A_316 = arith.constant 0 : i32
        %dma_start3A_317 = tpu.memref_slice %arg9[%dma_start3A_315, %dma_start3A_316] : memref<10000x128xf32, #tpu.memory_space<vmem_shared>> -> memref<10000x128xf32, #tpu.memory_space<vmem_shared>>
        tpu.enqueue_indirect_dma source(%arg8 : memref<128x128xf32, #tpu.memory_space<vmem>>) target(%dma_start3A_317 : memref<10000x128xf32, #tpu.memory_space<vmem_shared>>) offsets(%dma_start3A_314 : memref<128xi32, #tpu.memory_space<vmem>>) semaphore(%arg18 : memref<!tpu.dma_semaphore, #tpu.memory_space<semaphore_mem>>) {add = true}
        %add3A_318 = arith.constant 5 : i32
        %add3A_319 = arith.addi %add3A_279, %add3A_318 : i32
        %lt3A_320 = arith.cmpi slt, %add3A_319, %select_n3A : i32
        %convert_element_type3A_321 = arith.extui %lt3A_320 : i1 to i32
        %cond3A_322 = arith.constant 0 : i32
        %cond3A_323 = arith.cmpi ne, %convert_element_type3A_321, %cond3A_322 : i32
        scf.if %cond3A_323 {
          %add3A_324 = arith.constant 5 : i32
          %add3A_325 = arith.addi %add3A_279, %add3A_324 : i32
          %mul3A_326 = arith.constant 128 : i32
          %mul3A_327 = arith.muli %add3A_325, %mul3A_326 : i32
          %add3A_328 = arith.addi %mul3A_2, %mul3A_327 : i32
          %dma_start3A_329 = arith.constant 3 : i32
          %dma_start3A_330 = arith.constant 0 : i32
          %dma_start3A_331 = arith.constant 0 : i32
          %dma_start3A_332 = tpu.memref_slice %arg5[%dma_start3A_329, %dma_start3A_330, %dma_start3A_331] : memref<6x2x128xi32, #tpu.memory_space<vmem>> -> memref<1x2x128xi32, #tpu.memory_space<vmem>>
          %dma_start3A_333 = tpu.memref_squeeze %dma_start3A_332 : memref<1x2x128xi32, #tpu.memory_space<vmem>> -> memref<2x128xi32, #tpu.memory_space<vmem>>
          %dma_start3A_334 = arith.constant 0 : i32
          %dma_start3A_335 = tpu.memref_slice %arg3[%dma_start3A_334, %add3A_328] : memref<2x320000xi32, #tpu.memory_space<hbm>> -> memref<2x128xi32, #tpu.memory_space<hbm>>
          %dma_start3A_336 = arith.constant 0 : i32
          %dma_start3A_337 = arith.constant 0 : i32
          %dma_start3A_338 = tpu.memref_slice %arg5[%dma_start3A_329, %dma_start3A_336, %dma_start3A_337] : memref<6x2x128xi32, #tpu.memory_space<vmem>> -> memref<1x2x128xi32, #tpu.memory_space<vmem>>
          %dma_start3A_339 = tpu.memref_squeeze %dma_start3A_338 : memref<1x2x128xi32, #tpu.memory_space<vmem>> -> memref<2x128xi32, #tpu.memory_space<vmem>>
          %dma_start3A_340 = arith.constant 0 : i32
          %dma_start3A_341 = tpu.memref_slice %arg3[%dma_start3A_340, %add3A_328] : memref<2x320000xi32, #tpu.memory_space<hbm>> -> memref<2x128xi32, #tpu.memory_space<hbm>>
          tpu.enqueue_dma source(%dma_start3A_341 : memref<2x128xi32, #tpu.memory_space<hbm>>) target(%dma_start3A_339 : memref<2x128xi32, #tpu.memory_space<vmem>>) target_semaphore(%arg10 : memref<!tpu.dma_semaphore, #tpu.memory_space<semaphore_mem>>)
        } else {
        }
      } else {
      }
      %mul3A_284 = arith.constant 6 : i32
      %mul3A_285 = arith.muli %mul3A_284, %while3A_243 : i32
      %add3A_286 = arith.constant 5 : i32
      %add3A_287 = arith.addi %mul3A_285, %add3A_286 : i32
      %lt3A_288 = arith.cmpi slt, %add3A_287, %select_n3A : i32
      %convert_element_type3A_289 = arith.extui %lt3A_288 : i1 to i32
      %cond3A_290 = arith.constant 0 : i32
      %cond3A_291 = arith.cmpi ne, %convert_element_type3A_289, %cond3A_290 : i32
      scf.if %cond3A_291 {
        %ge3A = arith.constant 1 : i32
        %ge3A_292 = arith.cmpi sge, %add3A_287, %ge3A : i32
        %convert_element_type3A_293 = arith.extui %ge3A_292 : i1 to i32
        %cond3A_294 = arith.constant 0 : i32
        %cond3A_295 = arith.cmpi ne, %convert_element_type3A_293, %cond3A_294 : i32
        scf.if %cond3A_295 {
          %dma_wait3A_324 = arith.constant 0 : i32
          %dma_wait3A_325 = arith.constant 1 : i32
          %dma_wait3A_326 = arith.constant 0 : i32
          %dma_wait3A_327 = tpu.memref_slice %arg5[%dma_wait3A_324, %dma_wait3A_325, %dma_wait3A_326] : memref<6x2x128xi32, #tpu.memory_space<vmem>> -> memref<1x1x128xi32, #tpu.memory_space<vmem>>
          %dma_wait3A_328 = tpu.memref_squeeze %dma_wait3A_327 : memref<1x1x128xi32, #tpu.memory_space<vmem>> -> memref<128xi32, #tpu.memory_space<vmem>>
          %dma_wait3A_329 = arith.constant 0 : i32
          %dma_wait3A_330 = arith.constant 0 : i32
          %dma_wait3A_331 = tpu.memref_slice %arg9[%dma_wait3A_329, %dma_wait3A_330] : memref<10000x128xf32, #tpu.memory_space<vmem_shared>> -> memref<10000x128xf32, #tpu.memory_space<vmem_shared>>
          tpu.wait_indirect_dma semaphore(%arg18 : memref<!tpu.dma_semaphore, #tpu.memory_space<semaphore_mem>>) src(%arg8 : memref<128x128xf32, #tpu.memory_space<vmem>>) dst(%dma_wait3A_331 : memref<10000x128xf32, #tpu.memory_space<vmem_shared>>)
        } else {
        }
        %add3A_296 = arith.constant 2 : i32
        %add3A_297 = arith.addi %add3A_287, %add3A_296 : i32
        %lt3A_298 = arith.cmpi slt, %add3A_297, %select_n3A : i32
        %convert_element_type3A_299 = arith.extui %lt3A_298 : i1 to i32
        %cond3A_300 = arith.constant 0 : i32
        %cond3A_301 = arith.cmpi ne, %convert_element_type3A_299, %cond3A_300 : i32
        scf.if %cond3A_301 {
          %dma_wait3A_324 = arith.constant 1 : i32
          %dma_wait3A_325 = arith.constant 0 : i32
          %dma_wait3A_326 = arith.constant 0 : i32
          %dma_wait3A_327 = tpu.memref_slice %arg5[%dma_wait3A_324, %dma_wait3A_325, %dma_wait3A_326] : memref<6x2x128xi32, #tpu.memory_space<vmem>> -> memref<1x2x128xi32, #tpu.memory_space<vmem>>
          %dma_wait3A_328 = tpu.memref_squeeze %dma_wait3A_327 : memref<1x2x128xi32, #tpu.memory_space<vmem>> -> memref<2x128xi32, #tpu.memory_space<vmem>>
          %dma_wait3A_329 = arith.constant 0 : i32
          %dma_wait3A_330 = tpu.memref_slice %arg3[%dma_wait3A_329, %mul3A_2] : memref<2x320000xi32, #tpu.memory_space<hbm>> -> memref<2x128xi32, #tpu.memory_space<hbm>>
          %dma_wait3A_331 = arith.constant 0 : i32
          %dma_wait3A_332 = arith.constant 0 : i32
          %dma_wait3A_333 = tpu.memref_slice %arg5[%dma_wait3A_324, %dma_wait3A_331, %dma_wait3A_332] : memref<6x2x128xi32, #tpu.memory_space<vmem>> -> memref<1x2x128xi32, #tpu.memory_space<vmem>>
          %dma_wait3A_334 = tpu.memref_squeeze %dma_wait3A_333 : memref<1x2x128xi32, #tpu.memory_space<vmem>> -> memref<2x128xi32, #tpu.memory_space<vmem>>
          %dma_wait3A_335 = arith.constant 0 : i32
          %dma_wait3A_336 = tpu.memref_slice %arg3[%dma_wait3A_335, %mul3A_2] : memref<2x320000xi32, #tpu.memory_space<hbm>> -> memref<2x128xi32, #tpu.memory_space<hbm>>
          tpu.wait_dma2 semaphore(%arg11 : memref<!tpu.dma_semaphore, #tpu.memory_space<semaphore_mem>>) src(%dma_wait3A_336 : memref<2x128xi32, #tpu.memory_space<hbm>>) dst(%dma_wait3A_334 : memref<2x128xi32, #tpu.memory_space<vmem>>)
          %dma_start3A_337 = arith.constant 1 : i32
          %dma_start3A_338 = arith.constant 0 : i32
          %dma_start3A_339 = arith.constant 0 : i32
          %dma_start3A_340 = tpu.memref_slice %arg5[%dma_start3A_337, %dma_start3A_338, %dma_start3A_339] : memref<6x2x128xi32, #tpu.memory_space<vmem>> -> memref<1x1x128xi32, #tpu.memory_space<vmem>>
          %dma_start3A_341 = tpu.memref_squeeze %dma_start3A_340 : memref<1x1x128xi32, #tpu.memory_space<vmem>> -> memref<128xi32, #tpu.memory_space<vmem>>
          %dma_start3A_342 = arith.constant 0 : i32
          %dma_start3A_343 = arith.constant 0 : i32
          %dma_start3A_344 = tpu.memref_slice %arg2[%dma_start3A_342, %dma_start3A_343] : memref<10240x128xf32, #tpu.memory_space<hbm>> -> memref<10240x128xf32, #tpu.memory_space<hbm>>
          tpu.enqueue_indirect_dma source(%dma_start3A_344 : memref<10240x128xf32, #tpu.memory_space<hbm>>) target(%arg8 : memref<128x128xf32, #tpu.memory_space<vmem>>) offsets(%dma_start3A_341 : memref<128xi32, #tpu.memory_space<vmem>>) semaphore(%arg15 : memref<!tpu.dma_semaphore, #tpu.memory_space<semaphore_mem>>)
        } else {
        }
        %dma_wait3A_302 = arith.constant 5 : i32
        %dma_wait3A_303 = arith.constant 0 : i32
        %dma_wait3A_304 = arith.constant 0 : i32
        %dma_wait3A_305 = tpu.memref_slice %arg5[%dma_wait3A_302, %dma_wait3A_303, %dma_wait3A_304] : memref<6x2x128xi32, #tpu.memory_space<vmem>> -> memref<1x1x128xi32, #tpu.memory_space<vmem>>
        %dma_wait3A_306 = tpu.memref_squeeze %dma_wait3A_305 : memref<1x1x128xi32, #tpu.memory_space<vmem>> -> memref<128xi32, #tpu.memory_space<vmem>>
        %dma_wait3A_307 = arith.constant 0 : i32
        %dma_wait3A_308 = arith.constant 0 : i32
        %dma_wait3A_309 = tpu.memref_slice %arg2[%dma_wait3A_307, %dma_wait3A_308] : memref<10240x128xf32, #tpu.memory_space<hbm>> -> memref<10240x128xf32, #tpu.memory_space<hbm>>
        tpu.wait_indirect_dma semaphore(%arg13 : memref<!tpu.dma_semaphore, #tpu.memory_space<semaphore_mem>>) src(%dma_wait3A_309 : memref<10240x128xf32, #tpu.memory_space<hbm>>) dst(%arg6 : memref<128x128xf32, #tpu.memory_space<vmem>>)
        %dma_start3A_310 = arith.constant 5 : i32
        %dma_start3A_311 = arith.constant 1 : i32
        %dma_start3A_312 = arith.constant 0 : i32
        %dma_start3A_313 = tpu.memref_slice %arg5[%dma_start3A_310, %dma_start3A_311, %dma_start3A_312] : memref<6x2x128xi32, #tpu.memory_space<vmem>> -> memref<1x1x128xi32, #tpu.memory_space<vmem>>
        %dma_start3A_314 = tpu.memref_squeeze %dma_start3A_313 : memref<1x1x128xi32, #tpu.memory_space<vmem>> -> memref<128xi32, #tpu.memory_space<vmem>>
        %dma_start3A_315 = arith.constant 0 : i32
        %dma_start3A_316 = arith.constant 0 : i32
        %dma_start3A_317 = tpu.memref_slice %arg9[%dma_start3A_315, %dma_start3A_316] : memref<10000x128xf32, #tpu.memory_space<vmem_shared>> -> memref<10000x128xf32, #tpu.memory_space<vmem_shared>>
        tpu.enqueue_indirect_dma source(%arg6 : memref<128x128xf32, #tpu.memory_space<vmem>>) target(%dma_start3A_317 : memref<10000x128xf32, #tpu.memory_space<vmem_shared>>) offsets(%dma_start3A_314 : memref<128xi32, #tpu.memory_space<vmem>>) semaphore(%arg16 : memref<!tpu.dma_semaphore, #tpu.memory_space<semaphore_mem>>) {add = true}
        %add3A_318 = arith.constant 5 : i32
        %add3A_319 = arith.addi %add3A_287, %add3A_318 : i32
        %lt3A_320 = arith.cmpi slt, %add3A_319, %select_n3A : i32
        %convert_element_type3A_321 = arith.extui %lt3A_320 : i1 to i32
        %cond3A_322 = arith.constant 0 : i32
        %cond3A_323 = arith.cmpi ne, %convert_element_type3A_321, %cond3A_322 : i32
        scf.if %cond3A_323 {
          %add3A_324 = arith.constant 5 : i32
          %add3A_325 = arith.addi %add3A_287, %add3A_324 : i32
          %mul3A_326 = arith.constant 128 : i32
          %mul3A_327 = arith.muli %add3A_325, %mul3A_326 : i32
          %add3A_328 = arith.addi %mul3A_2, %mul3A_327 : i32
          %dma_start3A_329 = arith.constant 4 : i32
          %dma_start3A_330 = arith.constant 0 : i32
          %dma_start3A_331 = arith.constant 0 : i32
          %dma_start3A_332 = tpu.memref_slice %arg5[%dma_start3A_329, %dma_start3A_330, %dma_start3A_331] : memref<6x2x128xi32, #tpu.memory_space<vmem>> -> memref<1x2x128xi32, #tpu.memory_space<vmem>>
          %dma_start3A_333 = tpu.memref_squeeze %dma_start3A_332 : memref<1x2x128xi32, #tpu.memory_space<vmem>> -> memref<2x128xi32, #tpu.memory_space<vmem>>
          %dma_start3A_334 = arith.constant 0 : i32
          %dma_start3A_335 = tpu.memref_slice %arg3[%dma_start3A_334, %add3A_328] : memref<2x320000xi32, #tpu.memory_space<hbm>> -> memref<2x128xi32, #tpu.memory_space<hbm>>
          %dma_start3A_336 = arith.constant 0 : i32
          %dma_start3A_337 = arith.constant 0 : i32
          %dma_start3A_338 = tpu.memref_slice %arg5[%dma_start3A_329, %dma_start3A_336, %dma_start3A_337] : memref<6x2x128xi32, #tpu.memory_space<vmem>> -> memref<1x2x128xi32, #tpu.memory_space<vmem>>
          %dma_start3A_339 = tpu.memref_squeeze %dma_start3A_338 : memref<1x2x128xi32, #tpu.memory_space<vmem>> -> memref<2x128xi32, #tpu.memory_space<vmem>>
          %dma_start3A_340 = arith.constant 0 : i32
          %dma_start3A_341 = tpu.memref_slice %arg3[%dma_start3A_340, %add3A_328] : memref<2x320000xi32, #tpu.memory_space<hbm>> -> memref<2x128xi32, #tpu.memory_space<hbm>>
          tpu.enqueue_dma source(%dma_start3A_341 : memref<2x128xi32, #tpu.memory_space<hbm>>) target(%dma_start3A_339 : memref<2x128xi32, #tpu.memory_space<vmem>>) target_semaphore(%arg11 : memref<!tpu.dma_semaphore, #tpu.memory_space<semaphore_mem>>)
        } else {
        }
      } else {
      }
    }
    %jit3A_169 = arith.constant 3 : i32
    %eq3A_170 = arith.constant 0 : i32
    %eq3A_171 = arith.cmpi eq, %jit3A_169, %eq3A_170 : i32
    %jit3A_172 = arith.constant 1 : i32
    %select_n3A_173 = arith.select %eq3A_171, %jit3A_172, %jit3A_169 : i32
    %rem3A_174 = arith.remsi %select_n3A, %select_n3A_173 : i32
    %ne3A_175 = arith.constant 0 : i32
    %ne3A_176 = arith.cmpi ne, %rem3A_174, %ne3A_175 : i32
    %lt3A_177 = arith.constant 0 : i32
    %lt3A_178 = arith.cmpi slt, %rem3A_174, %lt3A_177 : i32
    %lt3A_179 = arith.constant 0 : i32
    %lt3A_180 = arith.cmpi slt, %select_n3A_173, %lt3A_179 : i32
    %ne3A_181 = arith.xori %lt3A_178, %lt3A_180 : i1
    %and3A_182 = arith.andi %ne3A_181, %ne3A_176 : i1
    %add3A_183 = arith.addi %rem3A_174, %select_n3A_173 : i32
    %select_n3A_184 = arith.select %and3A_182, %add3A_183, %rem3A_174 : i32
    %eq3A_185 = arith.constant 0 : i32
    %eq3A_186 = arith.cmpi eq, %select_n3A_184, %eq3A_185 : i32
    %convert_element_type3A_187 = arith.extui %eq3A_186 : i1 to i32
    %cond3A_188 = arith.constant 0 : i32
    %cond3A_189 = arith.cmpi ne, %convert_element_type3A_187, %cond3A_188 : i32
    scf.if %cond3A_189 {
      %dma_wait3A_243 = arith.constant 0 : i32
      %dma_wait3A_244 = arith.constant 1 : i32
      %dma_wait3A_245 = arith.constant 0 : i32
      %dma_wait3A_246 = tpu.memref_slice %arg5[%dma_wait3A_243, %dma_wait3A_244, %dma_wait3A_245] : memref<6x2x128xi32, #tpu.memory_space<vmem>> -> memref<1x1x128xi32, #tpu.memory_space<vmem>>
      %dma_wait3A_247 = tpu.memref_squeeze %dma_wait3A_246 : memref<1x1x128xi32, #tpu.memory_space<vmem>> -> memref<128xi32, #tpu.memory_space<vmem>>
      %dma_wait3A_248 = arith.constant 0 : i32
      %dma_wait3A_249 = arith.constant 0 : i32
      %dma_wait3A_250 = tpu.memref_slice %arg9[%dma_wait3A_248, %dma_wait3A_249] : memref<10000x128xf32, #tpu.memory_space<vmem_shared>> -> memref<10000x128xf32, #tpu.memory_space<vmem_shared>>
      tpu.wait_indirect_dma semaphore(%arg16 : memref<!tpu.dma_semaphore, #tpu.memory_space<semaphore_mem>>) src(%arg6 : memref<128x128xf32, #tpu.memory_space<vmem>>) dst(%dma_wait3A_250 : memref<10000x128xf32, #tpu.memory_space<vmem_shared>>)
    } else {
    }
    %jit3A_190 = arith.constant 3 : i32
    %eq3A_191 = arith.constant 0 : i32
    %eq3A_192 = arith.cmpi eq, %jit3A_190, %eq3A_191 : i32
    %jit3A_193 = arith.constant 1 : i32
    %select_n3A_194 = arith.select %eq3A_192, %jit3A_193, %jit3A_190 : i32
    %rem3A_195 = arith.remsi %select_n3A, %select_n3A_194 : i32
    %ne3A_196 = arith.constant 0 : i32
    %ne3A_197 = arith.cmpi ne, %rem3A_195, %ne3A_196 : i32
    %lt3A_198 = arith.constant 0 : i32
    %lt3A_199 = arith.cmpi slt, %rem3A_195, %lt3A_198 : i32
    %lt3A_200 = arith.constant 0 : i32
    %lt3A_201 = arith.cmpi slt, %select_n3A_194, %lt3A_200 : i32
    %ne3A_202 = arith.xori %lt3A_199, %lt3A_201 : i1
    %and3A_203 = arith.andi %ne3A_202, %ne3A_197 : i1
    %add3A_204 = arith.addi %rem3A_195, %select_n3A_194 : i32
    %select_n3A_205 = arith.select %and3A_203, %add3A_204, %rem3A_195 : i32
    %eq3A_206 = arith.constant 1 : i32
    %eq3A_207 = arith.cmpi eq, %select_n3A_205, %eq3A_206 : i32
    %convert_element_type3A_208 = arith.extui %eq3A_207 : i1 to i32
    %cond3A_209 = arith.constant 0 : i32
    %cond3A_210 = arith.cmpi ne, %convert_element_type3A_208, %cond3A_209 : i32
    scf.if %cond3A_210 {
      %dma_wait3A_243 = arith.constant 0 : i32
      %dma_wait3A_244 = arith.constant 1 : i32
      %dma_wait3A_245 = arith.constant 0 : i32
      %dma_wait3A_246 = tpu.memref_slice %arg5[%dma_wait3A_243, %dma_wait3A_244, %dma_wait3A_245] : memref<6x2x128xi32, #tpu.memory_space<vmem>> -> memref<1x1x128xi32, #tpu.memory_space<vmem>>
      %dma_wait3A_247 = tpu.memref_squeeze %dma_wait3A_246 : memref<1x1x128xi32, #tpu.memory_space<vmem>> -> memref<128xi32, #tpu.memory_space<vmem>>
      %dma_wait3A_248 = arith.constant 0 : i32
      %dma_wait3A_249 = arith.constant 0 : i32
      %dma_wait3A_250 = tpu.memref_slice %arg9[%dma_wait3A_248, %dma_wait3A_249] : memref<10000x128xf32, #tpu.memory_space<vmem_shared>> -> memref<10000x128xf32, #tpu.memory_space<vmem_shared>>
      tpu.wait_indirect_dma semaphore(%arg17 : memref<!tpu.dma_semaphore, #tpu.memory_space<semaphore_mem>>) src(%arg7 : memref<128x128xf32, #tpu.memory_space<vmem>>) dst(%dma_wait3A_250 : memref<10000x128xf32, #tpu.memory_space<vmem_shared>>)
    } else {
    }
    %jit3A_211 = arith.constant 3 : i32
    %eq3A_212 = arith.constant 0 : i32
    %eq3A_213 = arith.cmpi eq, %jit3A_211, %eq3A_212 : i32
    %jit3A_214 = arith.constant 1 : i32
    %select_n3A_215 = arith.select %eq3A_213, %jit3A_214, %jit3A_211 : i32
    %rem3A_216 = arith.remsi %select_n3A, %select_n3A_215 : i32
    %ne3A_217 = arith.constant 0 : i32
    %ne3A_218 = arith.cmpi ne, %rem3A_216, %ne3A_217 : i32
    %lt3A_219 = arith.constant 0 : i32
    %lt3A_220 = arith.cmpi slt, %rem3A_216, %lt3A_219 : i32
    %lt3A_221 = arith.constant 0 : i32
    %lt3A_222 = arith.cmpi slt, %select_n3A_215, %lt3A_221 : i32
    %ne3A_223 = arith.xori %lt3A_220, %lt3A_222 : i1
    %and3A_224 = arith.andi %ne3A_223, %ne3A_218 : i1
    %add3A_225 = arith.addi %rem3A_216, %select_n3A_215 : i32
    %select_n3A_226 = arith.select %and3A_224, %add3A_225, %rem3A_216 : i32
    %eq3A_227 = arith.constant 2 : i32
    %eq3A_228 = arith.cmpi eq, %select_n3A_226, %eq3A_227 : i32
    %convert_element_type3A_229 = arith.extui %eq3A_228 : i1 to i32
    %cond3A_230 = arith.constant 0 : i32
    %cond3A_231 = arith.cmpi ne, %convert_element_type3A_229, %cond3A_230 : i32
    scf.if %cond3A_231 {
      %dma_wait3A_243 = arith.constant 0 : i32
      %dma_wait3A_244 = arith.constant 1 : i32
      %dma_wait3A_245 = arith.constant 0 : i32
      %dma_wait3A_246 = tpu.memref_slice %arg5[%dma_wait3A_243, %dma_wait3A_244, %dma_wait3A_245] : memref<6x2x128xi32, #tpu.memory_space<vmem>> -> memref<1x1x128xi32, #tpu.memory_space<vmem>>
      %dma_wait3A_247 = tpu.memref_squeeze %dma_wait3A_246 : memref<1x1x128xi32, #tpu.memory_space<vmem>> -> memref<128xi32, #tpu.memory_space<vmem>>
      %dma_wait3A_248 = arith.constant 0 : i32
      %dma_wait3A_249 = arith.constant 0 : i32
      %dma_wait3A_250 = tpu.memref_slice %arg9[%dma_wait3A_248, %dma_wait3A_249] : memref<10000x128xf32, #tpu.memory_space<vmem_shared>> -> memref<10000x128xf32, #tpu.memory_space<vmem_shared>>
      tpu.wait_indirect_dma semaphore(%arg18 : memref<!tpu.dma_semaphore, #tpu.memory_space<semaphore_mem>>) src(%arg8 : memref<128x128xf32, #tpu.memory_space<vmem>>) dst(%dma_wait3A_250 : memref<10000x128xf32, #tpu.memory_space<vmem_shared>>)
    } else {
    }
    %barrier3A_232 = arith.constant 0 : index
    tpu.barrier barrier_id(%barrier3A_232)
    %lt3A_233 = arith.constant 15 : i32
    %lt3A_234 = arith.cmpi slt, %arg1, %lt3A_233 : i32
    %convert_element_type3A_235 = arith.extui %lt3A_234 : i1 to i32
    %cond3A_236 = arith.constant 0 : i32
    %cond3A_237 = arith.cmpi ne, %convert_element_type3A_235, %cond3A_236 : i32
    scf.if %cond3A_237 {
      %mul3A_243 = arith.constant 10240 : i32
      %mul3A_244 = arith.muli %arg0, %mul3A_243 : i32
      %add3A_245 = arith.addi %mul3A_244, %mul3A_7 : i32
      "tpu.region"() ({
        %run_scoped3A = tpu.sem_alloc : memref<!tpu.dma_semaphore, #tpu.memory_space<semaphore_mem>>
        %dma_start3A_246 = arith.constant 0 : i32
        %dma_start3A_247 = tpu.memref_slice %arg4[%add3A_245, %dma_start3A_246] : memref<20480x128xf32, #tpu.memory_space<hbm>> -> memref<624x128xf32, #tpu.memory_space<hbm>>
        %dma_start3A_248 = arith.constant 0 : i32
        %dma_start3A_249 = tpu.memref_slice %arg9[%mul3A_7, %dma_start3A_248] : memref<10000x128xf32, #tpu.memory_space<vmem_shared>> -> memref<624x128xf32, #tpu.memory_space<vmem_shared>>
        tpu.enqueue_dma source(%dma_start3A_249 : memref<624x128xf32, #tpu.memory_space<vmem_shared>>) target(%dma_start3A_247 : memref<624x128xf32, #tpu.memory_space<hbm>>) target_semaphore(%run_scoped3A : memref<!tpu.dma_semaphore, #tpu.memory_space<semaphore_mem>>)
        %dma_wait3A_250 = arith.constant 0 : i32
        %dma_wait3A_251 = tpu.memref_slice %arg4[%add3A_245, %dma_wait3A_250] : memref<20480x128xf32, #tpu.memory_space<hbm>> -> memref<624x128xf32, #tpu.memory_space<hbm>>
        %dma_wait3A_252 = arith.constant 0 : i32
        %dma_wait3A_253 = tpu.memref_slice %arg9[%mul3A_7, %dma_wait3A_252] : memref<10000x128xf32, #tpu.memory_space<vmem_shared>> -> memref<624x128xf32, #tpu.memory_space<vmem_shared>>
        tpu.wait_dma2 semaphore(%run_scoped3A : memref<!tpu.dma_semaphore, #tpu.memory_space<semaphore_mem>>) src(%dma_wait3A_253 : memref<624x128xf32, #tpu.memory_space<vmem_shared>>) dst(%dma_wait3A_251 : memref<624x128xf32, #tpu.memory_space<hbm>>)
        tpu.yield
      }) : () -> ()
    } else {
    }
    %eq3A_238 = arith.constant 15 : i32
    %eq3A_239 = arith.cmpi eq, %arg1, %eq3A_238 : i32
    %convert_element_type3A_240 = arith.extui %eq3A_239 : i1 to i32
    %cond3A_241 = arith.constant 0 : i32
    %cond3A_242 = arith.cmpi ne, %convert_element_type3A_240, %cond3A_241 : i32
    scf.if %cond3A_242 {
      %mul3A_243 = arith.constant 10240 : i32
      %mul3A_244 = arith.muli %arg0, %mul3A_243 : i32
      %add3A_245 = arith.addi %mul3A_244, %mul3A_7 : i32
      "tpu.region"() ({
        %run_scoped3A = tpu.sem_alloc : memref<!tpu.dma_semaphore, #tpu.memory_space<semaphore_mem>>
        %dma_start3A_246 = arith.constant 0 : i32
        %dma_start3A_247 = tpu.memref_slice %arg4[%add3A_245, %dma_start3A_246] : memref<20480x128xf32, #tpu.memory_space<hbm>> -> memref<640x128xf32, #tpu.memory_space<hbm>>
        %dma_start3A_248 = arith.constant 0 : i32
        %dma_start3A_249 = tpu.memref_slice %arg9[%mul3A_7, %dma_start3A_248] : memref<10000x128xf32, #tpu.memory_space<vmem_shared>> -> memref<640x128xf32, #tpu.memory_space<vmem_shared>>
        tpu.enqueue_dma source(%dma_start3A_249 : memref<640x128xf32, #tpu.memory_space<vmem_shared>>) target(%dma_start3A_247 : memref<640x128xf32, #tpu.memory_space<hbm>>) target_semaphore(%run_scoped3A : memref<!tpu.dma_semaphore, #tpu.memory_space<semaphore_mem>>)
        %dma_wait3A_250 = arith.constant 0 : i32
        %dma_wait3A_251 = tpu.memref_slice %arg4[%add3A_245, %dma_wait3A_250] : memref<20480x128xf32, #tpu.memory_space<hbm>> -> memref<640x128xf32, #tpu.memory_space<hbm>>
        %dma_wait3A_252 = arith.constant 0 : i32
        %dma_wait3A_253 = tpu.memref_slice %arg9[%mul3A_7, %dma_wait3A_252] : memref<10000x128xf32, #tpu.memory_space<vmem_shared>> -> memref<640x128xf32, #tpu.memory_space<vmem_shared>>
        tpu.wait_dma2 semaphore(%run_scoped3A : memref<!tpu.dma_semaphore, #tpu.memory_space<semaphore_mem>>) src(%dma_wait3A_253 : memref<640x128xf32, #tpu.memory_space<vmem_shared>>) dst(%dma_wait3A_251 : memref<640x128xf32, #tpu.memory_space<hbm>>)
        tpu.yield
      }) : () -> ()
    } else {
    }
    return
  }
}

#map = affine_map<(d0, d1) -> (0, 0)>
#map1 = affine_map<(d0, d1) -> (0, 0, 0)>
module attributes {stable_mosaic.version = 14 : i64} {
  func.func @sc_edge_counts(%arg0: i32, %arg1: i32, %arg2: memref<2x320000xi32, #tpu.memory_space<hbm>>, %arg3: memref<32x2x10240xf32, #tpu.memory_space<hbm>>, %arg4: memref<2x2048xi32, #tpu.memory_space<vmem>>, %arg5: memref<10240xf32, #tpu.memory_space<vmem>>, %arg6: memref<10240xf32, #tpu.memory_space<vmem>>) attributes {dimension_semantics = [#tpu.dimension_semantics<core_parallel>, #tpu.dimension_semantics<subcore_parallel>], iteration_bounds = array<i64: 2, 16>, scalar_prefetch = 0 : i64, scratch_operands = 3 : i64, tpu.core_type = #tpu.core_type<sc_vector_subcore>, window_params = [{transform_indices = #map}, {transform_indices = #map1}]} {
    %mul3A = arith.constant 2 : i32
    %mul3A_0 = arith.muli %arg1, %mul3A : i32
    %add3A = arith.addi %mul3A_0, %arg0 : i32
    %broadcast_in_dim3A = arith.constant 0.000000e+00 : f32
    %broadcast_in_dim3A_1 = vector.broadcast %broadcast_in_dim3A : f32 to vector<16xf32>
    %broadcast_in_dim3A_2 = arith.constant 1.000000e+00 : f32
    %broadcast_in_dim3A_3 = vector.broadcast %broadcast_in_dim3A_2 : f32 to vector<16xf32>
    %scan3A = arith.constant 0 : i32
    %scan3A_4 = arith.constant 640 : i32
    %scan3A_5 = arith.addi %scan3A, %scan3A_4 : i32
    %scan3A_6 = arith.constant 1 : i32
    scf.for %scan3A_20 = %scan3A to %scan3A_5 step %scan3A_6  : i32 {
      %mul3A_21 = arith.constant 16 : i32
      %mul3A_22 = arith.muli %scan3A_20, %mul3A_21 : i32
      %swap3A = arith.index_cast %mul3A_22 : i32 to index
      %swap3A_23 = tpu.vector_load %arg5[%swap3A] {strides = array<i32>} : memref<10240xf32, #tpu.memory_space<vmem>>, vector<16xf32>,
      tpu.vector_store %arg5[%swap3A], %broadcast_in_dim3A_1 {strides = array<i32>} : memref<10240xf32, #tpu.memory_space<vmem>>, vector<16xf32>,
      %mul3A_24 = arith.constant 16 : i32
      %mul3A_25 = arith.muli %scan3A_20, %mul3A_24 : i32
      %swap3A_26 = arith.index_cast %mul3A_25 : i32 to index
      %swap3A_27 = tpu.vector_load %arg6[%swap3A_26] {strides = array<i32>} : memref<10240xf32, #tpu.memory_space<vmem>>, vector<16xf32>,
      tpu.vector_store %arg6[%swap3A_26], %broadcast_in_dim3A_1 {strides = array<i32>} : memref<10240xf32, #tpu.memory_space<vmem>>, vector<16xf32>,
    }
    %scan3A_7 = arith.constant 640 : i32
    %scan3A_8 = arith.constant 0 : i32
    %scan3A_9 = arith.constant 4 : i32
    %scan3A_10 = arith.addi %scan3A_8, %scan3A_9 : i32
    %scan3A_11 = arith.constant 1 : i32
    scf.for %scan3A_20 = %scan3A_8 to %scan3A_10 step %scan3A_11  : i32 {
      %mul3A_21 = arith.constant 32 : i32
      %mul3A_22 = arith.muli %scan3A_20, %mul3A_21 : i32
      %add3A_23 = arith.addi %mul3A_22, %add3A : i32
      %mul3A_24 = arith.constant 2048 : i32
      %mul3A_25 = arith.muli %add3A_23, %mul3A_24 : i32
      "tpu.region"() ({
        %run_scoped3A_31 = tpu.sem_alloc : memref<!tpu.dma_semaphore, #tpu.memory_space<semaphore_mem>>
        %dma_start3A = arith.constant 0 : i32
        %dma_start3A_32 = tpu.memref_slice %arg2[%dma_start3A, %mul3A_25] : memref<2x320000xi32, #tpu.memory_space<hbm>> -> memref<2x2048xi32, #tpu.memory_space<hbm>>
        %dma_start3A_33 = arith.constant 0 : i32
        %dma_start3A_34 = tpu.memref_slice %arg2[%dma_start3A_33, %mul3A_25] : memref<2x320000xi32, #tpu.memory_space<hbm>> -> memref<2x2048xi32, #tpu.memory_space<hbm>>
        tpu.enqueue_dma source(%dma_start3A_34 : memref<2x2048xi32, #tpu.memory_space<hbm>>) target(%arg4 : memref<2x2048xi32, #tpu.memory_space<vmem>>) target_semaphore(%run_scoped3A_31 : memref<!tpu.dma_semaphore, #tpu.memory_space<semaphore_mem>>)
        %dma_wait3A = arith.constant 0 : i32
        %dma_wait3A_35 = tpu.memref_slice %arg2[%dma_wait3A, %mul3A_25] : memref<2x320000xi32, #tpu.memory_space<hbm>> -> memref<2x2048xi32, #tpu.memory_space<hbm>>
        %dma_wait3A_36 = arith.constant 0 : i32
        %dma_wait3A_37 = tpu.memref_slice %arg2[%dma_wait3A_36, %mul3A_25] : memref<2x320000xi32, #tpu.memory_space<hbm>> -> memref<2x2048xi32, #tpu.memory_space<hbm>>
        tpu.wait_dma2 semaphore(%run_scoped3A_31 : memref<!tpu.dma_semaphore, #tpu.memory_space<semaphore_mem>>) src(%dma_wait3A_37 : memref<2x2048xi32, #tpu.memory_space<hbm>>) dst(%arg4 : memref<2x2048xi32, #tpu.memory_space<vmem>>)
        tpu.yield
      }) : () -> ()
      %scan3A_26 = arith.constant 0 : i32
      %scan3A_27 = arith.constant 128 : i32
      %scan3A_28 = arith.addi %scan3A_26, %scan3A_27 : i32
      %scan3A_29 = arith.constant 1 : i32
      scf.for %scan3A_31 = %scan3A_26 to %scan3A_28 step %scan3A_29  : i32 {
        %mul3A_32 = arith.constant 16 : i32
        %mul3A_33 = arith.muli %scan3A_31, %mul3A_32 : i32
        %get3A = arith.constant 0 : i32
        %get3A_34 = arith.index_cast %get3A : i32 to index
        %get3A_35 = arith.index_cast %mul3A_33 : i32 to index
        %get3A_36 = tpu.vector_load %arg4[%get3A_34, %get3A_35] {strides = array<i32>} : memref<2x2048xi32, #tpu.memory_space<vmem>>, vector<16xi32>,
        %mul3A_37 = arith.constant 16 : i32
        %mul3A_38 = arith.muli %scan3A_31, %mul3A_37 : i32
        %get3A_39 = arith.constant 1 : i32
        %get3A_40 = arith.index_cast %get3A_39 : i32 to index
        %get3A_41 = arith.index_cast %mul3A_38 : i32 to index
        %get3A_42 = tpu.vector_load %arg4[%get3A_40, %get3A_41] {strides = array<i32>} : memref<2x2048xi32, #tpu.memory_space<vmem>>, vector<16xi32>,
        %ne3A = arith.cmpi ne, %get3A_36, %get3A_42 : vector<16xi32>
        tpu.vector_store_idx %arg5[%get3A_42], %broadcast_in_dim3A_3 masked %ne3A {add = true} : memref<10240xf32, #tpu.memory_space<vmem>>[vector<16xi32>], vector<16xf32>, vector<16xi1>
        %not3A = arith.constant dense<true> : vector<16xi1>
        %not3A_43 = arith.xori %ne3A, %not3A : vector<16xi1>
        tpu.vector_store_idx %arg6[%get3A_42], %broadcast_in_dim3A_3 masked %not3A_43 {add = true} : memref<10240xf32, #tpu.memory_space<vmem>>[vector<16xi32>], vector<16xf32>, vector<16xi1>
      }
      %scan3A_30 = arith.constant 128 : i32
    }
    %scan3A_12 = arith.constant 4 : i32
    %lt3A = arith.constant 28 : i32
    %lt3A_13 = arith.cmpi slt, %add3A, %lt3A : i32
    %convert_element_type3A = arith.extui %lt3A_13 : i1 to i32
    %cond3A = arith.constant 0 : i32
    %cond3A_14 = arith.cmpi ne, %convert_element_type3A, %cond3A : i32
    scf.if %cond3A_14 {
      %add3A_20 = arith.constant 128 : i32
      %add3A_21 = arith.addi %add3A_20, %add3A : i32
      %mul3A_22 = arith.constant 2048 : i32
      %mul3A_23 = arith.muli %add3A_21, %mul3A_22 : i32
      "tpu.region"() ({
        %run_scoped3A_29 = tpu.sem_alloc : memref<!tpu.dma_semaphore, #tpu.memory_space<semaphore_mem>>
        %dma_start3A = arith.constant 0 : i32
        %dma_start3A_30 = tpu.memref_slice %arg2[%dma_start3A, %mul3A_23] : memref<2x320000xi32, #tpu.memory_space<hbm>> -> memref<2x2048xi32, #tpu.memory_space<hbm>>
        %dma_start3A_31 = arith.constant 0 : i32
        %dma_start3A_32 = tpu.memref_slice %arg2[%dma_start3A_31, %mul3A_23] : memref<2x320000xi32, #tpu.memory_space<hbm>> -> memref<2x2048xi32, #tpu.memory_space<hbm>>
        tpu.enqueue_dma source(%dma_start3A_32 : memref<2x2048xi32, #tpu.memory_space<hbm>>) target(%arg4 : memref<2x2048xi32, #tpu.memory_space<vmem>>) target_semaphore(%run_scoped3A_29 : memref<!tpu.dma_semaphore, #tpu.memory_space<semaphore_mem>>)
        %dma_wait3A = arith.constant 0 : i32
        %dma_wait3A_33 = tpu.memref_slice %arg2[%dma_wait3A, %mul3A_23] : memref<2x320000xi32, #tpu.memory_space<hbm>> -> memref<2x2048xi32, #tpu.memory_space<hbm>>
        %dma_wait3A_34 = arith.constant 0 : i32
        %dma_wait3A_35 = tpu.memref_slice %arg2[%dma_wait3A_34, %mul3A_23] : memref<2x320000xi32, #tpu.memory_space<hbm>> -> memref<2x2048xi32, #tpu.memory_space<hbm>>
        tpu.wait_dma2 semaphore(%run_scoped3A_29 : memref<!tpu.dma_semaphore, #tpu.memory_space<semaphore_mem>>) src(%dma_wait3A_35 : memref<2x2048xi32, #tpu.memory_space<hbm>>) dst(%arg4 : memref<2x2048xi32, #tpu.memory_space<vmem>>)
        tpu.yield
      }) : () -> ()
      %scan3A_24 = arith.constant 0 : i32
      %scan3A_25 = arith.constant 128 : i32
      %scan3A_26 = arith.addi %scan3A_24, %scan3A_25 : i32
      %scan3A_27 = arith.constant 1 : i32
      scf.for %scan3A_29 = %scan3A_24 to %scan3A_26 step %scan3A_27  : i32 {
        %mul3A_30 = arith.constant 16 : i32
        %mul3A_31 = arith.muli %scan3A_29, %mul3A_30 : i32
        %get3A = arith.constant 0 : i32
        %get3A_32 = arith.index_cast %get3A : i32 to index
        %get3A_33 = arith.index_cast %mul3A_31 : i32 to index
        %get3A_34 = tpu.vector_load %arg4[%get3A_32, %get3A_33] {strides = array<i32>} : memref<2x2048xi32, #tpu.memory_space<vmem>>, vector<16xi32>,
        %mul3A_35 = arith.constant 16 : i32
        %mul3A_36 = arith.muli %scan3A_29, %mul3A_35 : i32
        %get3A_37 = arith.constant 1 : i32
        %get3A_38 = arith.index_cast %get3A_37 : i32 to index
        %get3A_39 = arith.index_cast %mul3A_36 : i32 to index
        %get3A_40 = tpu.vector_load %arg4[%get3A_38, %get3A_39] {strides = array<i32>} : memref<2x2048xi32, #tpu.memory_space<vmem>>, vector<16xi32>,
        %ne3A = arith.cmpi ne, %get3A_34, %get3A_40 : vector<16xi32>
        tpu.vector_store_idx %arg5[%get3A_40], %broadcast_in_dim3A_3 masked %ne3A {add = true} : memref<10240xf32, #tpu.memory_space<vmem>>[vector<16xi32>], vector<16xf32>, vector<16xi1>
        %not3A = arith.constant dense<true> : vector<16xi1>
        %not3A_41 = arith.xori %ne3A, %not3A : vector<16xi1>
        tpu.vector_store_idx %arg6[%get3A_40], %broadcast_in_dim3A_3 masked %not3A_41 {add = true} : memref<10240xf32, #tpu.memory_space<vmem>>[vector<16xi32>], vector<16xf32>, vector<16xi1>
      }
      %scan3A_28 = arith.constant 128 : i32
    } else {
    }
    %eq3A = arith.constant 28 : i32
    %eq3A_15 = arith.cmpi eq, %add3A, %eq3A : i32
    %convert_element_type3A_16 = arith.extui %eq3A_15 : i1 to i32
    %cond3A_17 = arith.constant 0 : i32
    %cond3A_18 = arith.cmpi ne, %convert_element_type3A_16, %cond3A_17 : i32
    scf.if %cond3A_18 {
      "tpu.region"() ({
        %run_scoped3A_25 = tpu.sem_alloc : memref<!tpu.dma_semaphore, #tpu.memory_space<semaphore_mem>>
        %dma_start3A = arith.constant 0 : i32
        %dma_start3A_26 = arith.constant 0 : i32
        %dma_start3A_27 = tpu.memref_slice %arg4[%dma_start3A, %dma_start3A_26] : memref<2x2048xi32, #tpu.memory_space<vmem>> -> memref<2x512xi32, #tpu.memory_space<vmem>>
        %dma_start3A_28 = arith.constant 0 : i32
        %dma_start3A_29 = arith.constant 319488 : i32
        %dma_start3A_30 = tpu.memref_slice %arg2[%dma_start3A_28, %dma_start3A_29] : memref<2x320000xi32, #tpu.memory_space<hbm>> -> memref<2x512xi32, #tpu.memory_space<hbm>>
        %dma_start3A_31 = arith.constant 0 : i32
        %dma_start3A_32 = arith.constant 0 : i32
        %dma_start3A_33 = tpu.memref_slice %arg4[%dma_start3A_31, %dma_start3A_32] : memref<2x2048xi32, #tpu.memory_space<vmem>> -> memref<2x512xi32, #tpu.memory_space<vmem>>
        %dma_start3A_34 = arith.constant 0 : i32
        %dma_start3A_35 = arith.constant 319488 : i32
        %dma_start3A_36 = tpu.memref_slice %arg2[%dma_start3A_34, %dma_start3A_35] : memref<2x320000xi32, #tpu.memory_space<hbm>> -> memref<2x512xi32, #tpu.memory_space<hbm>>
        tpu.enqueue_dma source(%dma_start3A_36 : memref<2x512xi32, #tpu.memory_space<hbm>>) target(%dma_start3A_33 : memref<2x512xi32, #tpu.memory_space<vmem>>) target_semaphore(%run_scoped3A_25 : memref<!tpu.dma_semaphore, #tpu.memory_space<semaphore_mem>>)
        %dma_wait3A = arith.constant 0 : i32
        %dma_wait3A_37 = arith.constant 0 : i32
        %dma_wait3A_38 = tpu.memref_slice %arg4[%dma_wait3A, %dma_wait3A_37] : memref<2x2048xi32, #tpu.memory_space<vmem>> -> memref<2x512xi32, #tpu.memory_space<vmem>>
        %dma_wait3A_39 = arith.constant 0 : i32
        %dma_wait3A_40 = arith.constant 319488 : i32
        %dma_wait3A_41 = tpu.memref_slice %arg2[%dma_wait3A_39, %dma_wait3A_40] : memref<2x320000xi32, #tpu.memory_space<hbm>> -> memref<2x512xi32, #tpu.memory_space<hbm>>
        %dma_wait3A_42 = arith.constant 0 : i32
        %dma_wait3A_43 = arith.constant 0 : i32
        %dma_wait3A_44 = tpu.memref_slice %arg4[%dma_wait3A_42, %dma_wait3A_43] : memref<2x2048xi32, #tpu.memory_space<vmem>> -> memref<2x512xi32, #tpu.memory_space<vmem>>
        %dma_wait3A_45 = arith.constant 0 : i32
        %dma_wait3A_46 = arith.constant 319488 : i32
        %dma_wait3A_47 = tpu.memref_slice %arg2[%dma_wait3A_45, %dma_wait3A_46] : memref<2x320000xi32, #tpu.memory_space<hbm>> -> memref<2x512xi32, #tpu.memory_space<hbm>>
        tpu.wait_dma2 semaphore(%run_scoped3A_25 : memref<!tpu.dma_semaphore, #tpu.memory_space<semaphore_mem>>) src(%dma_wait3A_47 : memref<2x512xi32, #tpu.memory_space<hbm>>) dst(%dma_wait3A_44 : memref<2x512xi32, #tpu.memory_space<vmem>>)
        tpu.yield
      }) : () -> ()
      %scan3A_20 = arith.constant 0 : i32
      %scan3A_21 = arith.constant 32 : i32
      %scan3A_22 = arith.addi %scan3A_20, %scan3A_21 : i32
      %scan3A_23 = arith.constant 1 : i32
      scf.for %scan3A_25 = %scan3A_20 to %scan3A_22 step %scan3A_23  : i32 {
        %mul3A_26 = arith.constant 16 : i32
        %mul3A_27 = arith.muli %scan3A_25, %mul3A_26 : i32
        %get3A = arith.constant 0 : i32
        %get3A_28 = arith.index_cast %get3A : i32 to index
        %get3A_29 = arith.index_cast %mul3A_27 : i32 to index
        %get3A_30 = tpu.vector_load %arg4[%get3A_28, %get3A_29] {strides = array<i32>} : memref<2x2048xi32, #tpu.memory_space<vmem>>, vector<16xi32>,
        %mul3A_31 = arith.constant 16 : i32
        %mul3A_32 = arith.muli %scan3A_25, %mul3A_31 : i32
        %get3A_33 = arith.constant 1 : i32
        %get3A_34 = arith.index_cast %get3A_33 : i32 to index
        %get3A_35 = arith.index_cast %mul3A_32 : i32 to index
        %get3A_36 = tpu.vector_load %arg4[%get3A_34, %get3A_35] {strides = array<i32>} : memref<2x2048xi32, #tpu.memory_space<vmem>>, vector<16xi32>,
        %ne3A = arith.cmpi ne, %get3A_30, %get3A_36 : vector<16xi32>
        tpu.vector_store_idx %arg5[%get3A_36], %broadcast_in_dim3A_3 masked %ne3A {add = true} : memref<10240xf32, #tpu.memory_space<vmem>>[vector<16xi32>], vector<16xf32>, vector<16xi1>
        %not3A = arith.constant dense<true> : vector<16xi1>
        %not3A_37 = arith.xori %ne3A, %not3A : vector<16xi1>
        tpu.vector_store_idx %arg6[%get3A_36], %broadcast_in_dim3A_3 masked %not3A_37 {add = true} : memref<10240xf32, #tpu.memory_space<vmem>>[vector<16xi32>], vector<16xf32>, vector<16xi1>
      }
      %scan3A_24 = arith.constant 32 : i32
    } else {
    }
    %run_scoped3A = arith.constant 0 : i32
    "tpu.region"() ({
      %run_scoped3A_20 = tpu.sem_alloc : memref<!tpu.dma_semaphore, #tpu.memory_space<semaphore_mem>>
      %dma_start3A = arith.constant 0 : i32
      %dma_start3A_21 = tpu.memref_slice %arg3[%add3A, %run_scoped3A, %dma_start3A] : memref<32x2x10240xf32, #tpu.memory_space<hbm>> -> memref<1x1x10240xf32, #tpu.memory_space<hbm>>
      %dma_start3A_22 = tpu.memref_squeeze %dma_start3A_21 : memref<1x1x10240xf32, #tpu.memory_space<hbm>> -> memref<10240xf32, #tpu.memory_space<hbm>>
      %dma_start3A_23 = arith.constant 0 : i32
      %dma_start3A_24 = tpu.memref_slice %arg3[%add3A, %run_scoped3A, %dma_start3A_23] : memref<32x2x10240xf32, #tpu.memory_space<hbm>> -> memref<1x1x10240xf32, #tpu.memory_space<hbm>>
      %dma_start3A_25 = tpu.memref_squeeze %dma_start3A_24 : memref<1x1x10240xf32, #tpu.memory_space<hbm>> -> memref<10240xf32, #tpu.memory_space<hbm>>
      tpu.enqueue_dma source(%arg5 : memref<10240xf32, #tpu.memory_space<vmem>>) target(%dma_start3A_25 : memref<10240xf32, #tpu.memory_space<hbm>>) target_semaphore(%run_scoped3A_20 : memref<!tpu.dma_semaphore, #tpu.memory_space<semaphore_mem>>)
      %dma_wait3A = arith.constant 0 : i32
      %dma_wait3A_26 = tpu.memref_slice %arg3[%add3A, %run_scoped3A, %dma_wait3A] : memref<32x2x10240xf32, #tpu.memory_space<hbm>> -> memref<1x1x10240xf32, #tpu.memory_space<hbm>>
      %dma_wait3A_27 = tpu.memref_squeeze %dma_wait3A_26 : memref<1x1x10240xf32, #tpu.memory_space<hbm>> -> memref<10240xf32, #tpu.memory_space<hbm>>
      %dma_wait3A_28 = arith.constant 0 : i32
      %dma_wait3A_29 = tpu.memref_slice %arg3[%add3A, %run_scoped3A, %dma_wait3A_28] : memref<32x2x10240xf32, #tpu.memory_space<hbm>> -> memref<1x1x10240xf32, #tpu.memory_space<hbm>>
      %dma_wait3A_30 = tpu.memref_squeeze %dma_wait3A_29 : memref<1x1x10240xf32, #tpu.memory_space<hbm>> -> memref<10240xf32, #tpu.memory_space<hbm>>
      tpu.wait_dma2 semaphore(%run_scoped3A_20 : memref<!tpu.dma_semaphore, #tpu.memory_space<semaphore_mem>>) src(%arg5 : memref<10240xf32, #tpu.memory_space<vmem>>) dst(%dma_wait3A_30 : memref<10240xf32, #tpu.memory_space<hbm>>)
      tpu.yield
    }) : () -> ()
    %run_scoped3A_19 = arith.constant 1 : i32
    "tpu.region"() ({
      %run_scoped3A_20 = tpu.sem_alloc : memref<!tpu.dma_semaphore, #tpu.memory_space<semaphore_mem>>
      %dma_start3A = arith.constant 0 : i32
      %dma_start3A_21 = tpu.memref_slice %arg3[%add3A, %run_scoped3A_19, %dma_start3A] : memref<32x2x10240xf32, #tpu.memory_space<hbm>> -> memref<1x1x10240xf32, #tpu.memory_space<hbm>>
      %dma_start3A_22 = tpu.memref_squeeze %dma_start3A_21 : memref<1x1x10240xf32, #tpu.memory_space<hbm>> -> memref<10240xf32, #tpu.memory_space<hbm>>
      %dma_start3A_23 = arith.constant 0 : i32
      %dma_start3A_24 = tpu.memref_slice %arg3[%add3A, %run_scoped3A_19, %dma_start3A_23] : memref<32x2x10240xf32, #tpu.memory_space<hbm>> -> memref<1x1x10240xf32, #tpu.memory_space<hbm>>
      %dma_start3A_25 = tpu.memref_squeeze %dma_start3A_24 : memref<1x1x10240xf32, #tpu.memory_space<hbm>> -> memref<10240xf32, #tpu.memory_space<hbm>>
      tpu.enqueue_dma source(%arg6 : memref<10240xf32, #tpu.memory_space<vmem>>) target(%dma_start3A_25 : memref<10240xf32, #tpu.memory_space<hbm>>) target_semaphore(%run_scoped3A_20 : memref<!tpu.dma_semaphore, #tpu.memory_space<semaphore_mem>>)
      %dma_wait3A = arith.constant 0 : i32
      %dma_wait3A_26 = tpu.memref_slice %arg3[%add3A, %run_scoped3A_19, %dma_wait3A] : memref<32x2x10240xf32, #tpu.memory_space<hbm>> -> memref<1x1x10240xf32, #tpu.memory_space<hbm>>
      %dma_wait3A_27 = tpu.memref_squeeze %dma_wait3A_26 : memref<1x1x10240xf32, #tpu.memory_space<hbm>> -> memref<10240xf32, #tpu.memory_space<hbm>>
      %dma_wait3A_28 = arith.constant 0 : i32
      %dma_wait3A_29 = tpu.memref_slice %arg3[%add3A, %run_scoped3A_19, %dma_wait3A_28] : memref<32x2x10240xf32, #tpu.memory_space<hbm>> -> memref<1x1x10240xf32, #tpu.memory_space<hbm>>
      %dma_wait3A_30 = tpu.memref_squeeze %dma_wait3A_29 : memref<1x1x10240xf32, #tpu.memory_space<hbm>> -> memref<10240xf32, #tpu.memory_space<hbm>>
      tpu.wait_dma2 semaphore(%run_scoped3A_20 : memref<!tpu.dma_semaphore, #tpu.memory_space<semaphore_mem>>) src(%arg6 : memref<10240xf32, #tpu.memory_space<vmem>>) dst(%dma_wait3A_30 : memref<10240xf32, #tpu.memory_space<hbm>>)
      tpu.yield
    }) : () -> ()
    return
  }
}

module attributes {stable_mosaic.version = 14 : i64} {
  func.func @_in_body(%arg0: i32, %arg1: memref<1024x128xf32, #tpu.memory_space<vmem>>, %arg2: memref<128x128xf32, #tpu.memory_space<vmem>>, %arg3: memref<1x128xf32, #tpu.memory_space<vmem>>, %arg4: memref<1x128xf32, #tpu.memory_space<vmem>>, %arg5: memref<1x128xf32, #tpu.memory_space<vmem>>, %arg6: memref<1024x128xf32, #tpu.memory_space<vmem>>) attributes {dimension_semantics = [#tpu.dimension_semantics<arbitrary>], iteration_bounds = array<i64: 10>, scalar_prefetch = 0 : i64, scratch_operands = 0 : i64, tpu.core_type = #tpu.core_type<tc>, window_params = [{transform_indices = @transform_0, window_bounds = array<i64: 1024, 128>}, {pipeline_mode = #tpu.pipeline_mode<synchronous>, transform_indices = @transform_1, window_bounds = array<i64: 128, 128>}, {pipeline_mode = #tpu.pipeline_mode<synchronous>, transform_indices = @transform_2, window_bounds = array<i64: 1, 128>}, {pipeline_mode = #tpu.pipeline_mode<synchronous>, transform_indices = @transform_3, window_bounds = array<i64: 1, 128>}, {pipeline_mode = #tpu.pipeline_mode<synchronous>, transform_indices = @transform_4, window_bounds = array<i64: 1, 128>}, {transform_indices = @transform_5, window_bounds = array<i64: 1024, 128>}]} {
    %get3A = arith.constant 0 : index
    %get3A_0 = arith.constant 0 : index
    %get3A_1 = vector.load %arg1[%get3A, %get3A_0] : memref<1024x128xf32, #tpu.memory_space<vmem>>, vector<1024x128xf32>
    %get3A_2 = arith.constant 0 : index
    %get3A_3 = arith.constant 0 : index
    %get3A_4 = vector.load %arg2[%get3A_2, %get3A_3] : memref<128x128xf32, #tpu.memory_space<vmem>>, vector<128x128xf32>
    %dot_general3A = arith.constant dense<0.000000e+00> : vector<1024x128xf32>
    %dot_general3A_5 = tpu.matmul %get3A_1, %get3A_4, %dot_general3A {dimension_numbers = #tpu.dot_dimension_numbers<[1], [0], [0], [1], [0, 0, 1, 1], [], []>, transpose_lhs_hint = false} : vector<1024x128xf32>, vector<128x128xf32>, vector<1024x128xf32> -> vector<1024x128xf32>
    %get3A_6 = arith.constant 0 : index
    %get3A_7 = arith.constant 0 : index
    %get3A_8 = vector.load %arg3[%get3A_6, %get3A_7] : memref<1x128xf32, #tpu.memory_space<vmem>>, vector<1x128xf32>
    %add3A = vector.broadcast %get3A_8 : vector<1x128xf32> to vector<1024x128xf32>
    %add3A_9 = arith.addf %dot_general3A_5, %add3A : vector<1024x128xf32>
    %max3A = arith.constant 0.000000e+00 : f32
    %max3A_10 = vector.broadcast %max3A : f32 to vector<1024x128xf32>
    %max3A_11 = arith.maximumf %add3A_9, %max3A_10 : vector<1024x128xf32>
    %get3A_12 = arith.constant 0 : index
    %get3A_13 = arith.constant 0 : index
    %get3A_14 = vector.load %arg4[%get3A_12, %get3A_13] : memref<1x128xf32, #tpu.memory_space<vmem>>, vector<1x128xf32>
    %get3A_15 = arith.constant 0 : index
    %get3A_16 = arith.constant 0 : index
    %get3A_17 = vector.load %arg5[%get3A_15, %get3A_16] : memref<1x128xf32, #tpu.memory_space<vmem>>, vector<1x128xf32>
    %reduce_sum3A = arith.constant dense<0.000000e+00> : vector<1024xf32>
    %reduce_sum3A_18 = vector.multi_reduction <add>, %max3A_11, %reduce_sum3A [1] : vector<1024x128xf32> to vector<1024xf32>
    %broadcast_in_dim3A = vector.shape_cast %reduce_sum3A_18 : vector<1024xf32> to vector<1024x1xf32>
    %div3A = arith.constant 1.280000e+02 : f32
    %div3A_19 = vector.broadcast %div3A : f32 to vector<1024x1xf32>
    %div3A_20 = arith.divf %broadcast_in_dim3A, %div3A_19 : vector<1024x1xf32>
    %sub3A = vector.broadcast %div3A_20 : vector<1024x1xf32> to vector<1024x128xf32>
    %sub3A_21 = arith.subf %max3A_11, %sub3A : vector<1024x128xf32>
    %integer_pow3A = arith.mulf %sub3A_21, %sub3A_21 : vector<1024x128xf32>
    %reduce_sum3A_22 = arith.constant dense<0.000000e+00> : vector<1024xf32>
    %reduce_sum3A_23 = vector.multi_reduction <add>, %integer_pow3A, %reduce_sum3A_22 [1] : vector<1024x128xf32> to vector<1024xf32>
    %broadcast_in_dim3A_24 = vector.shape_cast %reduce_sum3A_23 : vector<1024xf32> to vector<1024x1xf32>
    %div3A_25 = arith.constant 1.280000e+02 : f32
    %div3A_26 = vector.broadcast %div3A_25 : f32 to vector<1024x1xf32>
    %div3A_27 = arith.divf %broadcast_in_dim3A_24, %div3A_26 : vector<1024x1xf32>
    %sub3A_28 = vector.broadcast %div3A_20 : vector<1024x1xf32> to vector<1024x128xf32>
    %sub3A_29 = arith.subf %max3A_11, %sub3A_28 : vector<1024x128xf32>
    %add3A_30 = arith.constant 9.99999974E-6 : f32
    %add3A_31 = vector.broadcast %add3A_30 : f32 to vector<1024x1xf32>
    %add3A_32 = arith.addf %div3A_27, %add3A_31 : vector<1024x1xf32>
    %sqrt3A = math.sqrt %add3A_32 : vector<1024x1xf32>
    %div3A_33 = vector.broadcast %sqrt3A : vector<1024x1xf32> to vector<1024x128xf32>
    %div3A_34 = arith.divf %sub3A_29, %div3A_33 : vector<1024x128xf32>
    %mul3A = vector.broadcast %get3A_14 : vector<1x128xf32> to vector<1024x128xf32>
    %mul3A_35 = arith.mulf %div3A_34, %mul3A : vector<1024x128xf32>
    %add3A_36 = vector.broadcast %get3A_17 : vector<1x128xf32> to vector<1024x128xf32>
    %add3A_37 = arith.addf %mul3A_35, %add3A_36 : vector<1024x128xf32>
    %swap3A = arith.constant 0 : index
    %swap3A_38 = arith.constant 0 : index
    %swap3A_39 = vector.load %arg6[%swap3A, %swap3A_38] : memref<1024x128xf32, #tpu.memory_space<vmem>>, vector<1024x128xf32>
    tpu.vector_store %arg6[%swap3A, %swap3A_38], %add3A_37 {strides = array<i32>} : memref<1024x128xf32, #tpu.memory_space<vmem>>, vector<1024x128xf32>,
    return
  }
  func.func @transform_0(%arg0: i32) -> (i32, i32) {
    %c0_i32 = arith.constant 0 : i32
    %c0_i32_0 = arith.constant 0 : i32
    return %arg0, %c0_i32 : i32, i32
  }
  func.func @transform_1(%arg0: i32) -> (i32, i32) {
    %c0_i32 = arith.constant 0 : i32
    %c0_i32_0 = arith.constant 0 : i32
    %c0_i32_1 = arith.constant 0 : i32
    return %c0_i32, %c0_i32_0 : i32, i32
  }
  func.func @transform_2(%arg0: i32) -> (i32, i32) {
    %c0_i32 = arith.constant 0 : i32
    %c0_i32_0 = arith.constant 0 : i32
    %c0_i32_1 = arith.constant 0 : i32
    return %c0_i32, %c0_i32_0 : i32, i32
  }
  func.func @transform_3(%arg0: i32) -> (i32, i32) {
    %c0_i32 = arith.constant 0 : i32
    %c0_i32_0 = arith.constant 0 : i32
    %c0_i32_1 = arith.constant 0 : i32
    return %c0_i32, %c0_i32_0 : i32, i32
  }
  func.func @transform_4(%arg0: i32) -> (i32, i32) {
    %c0_i32 = arith.constant 0 : i32
    %c0_i32_0 = arith.constant 0 : i32
    %c0_i32_1 = arith.constant 0 : i32
    return %c0_i32, %c0_i32_0 : i32, i32
  }
  func.func @transform_5(%arg0: i32) -> (i32, i32) {
    %c0_i32 = arith.constant 0 : i32
    %c0_i32_0 = arith.constant 0 : i32
    return %arg0, %c0_i32 : i32, i32
  }
}

module attributes {stable_mosaic.version = 14 : i64} {
  func.func @_gate2_body(%arg0: i32, %arg1: memref<1024x128xf32, #tpu.memory_space<vmem>>, %arg2: memref<1024x128xf32, #tpu.memory_space<vmem>>, %arg3: memref<1024x128xf32, #tpu.memory_space<vmem>>, %arg4: memref<2x1024xf32, #tpu.memory_space<vmem>>, %arg5: memref<128x128xf32, #tpu.memory_space<vmem>>, %arg6: memref<128x128xf32, #tpu.memory_space<vmem>>, %arg7: memref<1x128xf32, #tpu.memory_space<vmem>>, %arg8: memref<1x128xf32, #tpu.memory_space<vmem>>, %arg9: memref<1x128xf32, #tpu.memory_space<vmem>>, %arg10: memref<128x128xf32, #tpu.memory_space<vmem>>, %arg11: memref<1x128xf32, #tpu.memory_space<vmem>>, %arg12: memref<1024x128xf32, #tpu.memory_space<vmem>>) attributes {dimension_semantics = [#tpu.dimension_semantics<arbitrary>], iteration_bounds = array<i64: 10>, scalar_prefetch = 0 : i64, scratch_operands = 0 : i64, tpu.core_type = #tpu.core_type<tc>, window_params = [{transform_indices = @transform_0, window_bounds = array<i64: 1024, 128>}, {transform_indices = @transform_1, window_bounds = array<i64: 1024, 128>}, {transform_indices = @transform_2, window_bounds = array<i64: 1024, 128>}, {transform_indices = @transform_3, window_bounds = array<i64: 2, 1024>}, {pipeline_mode = #tpu.pipeline_mode<synchronous>, transform_indices = @transform_4, window_bounds = array<i64: 128, 128>}, {pipeline_mode = #tpu.pipeline_mode<synchronous>, transform_indices = @transform_5, window_bounds = array<i64: 128, 128>}, {pipeline_mode = #tpu.pipeline_mode<synchronous>, transform_indices = @transform_6, window_bounds = array<i64: 1, 128>}, {pipeline_mode = #tpu.pipeline_mode<synchronous>, transform_indices = @transform_7, window_bounds = array<i64: 1, 128>}, {pipeline_mode = #tpu.pipeline_mode<synchronous>, transform_indices = @transform_8, window_bounds = array<i64: 1, 128>}, {pipeline_mode = #tpu.pipeline_mode<synchronous>, transform_indices = @transform_9, window_bounds = array<i64: 128, 128>}, {pipeline_mode = #tpu.pipeline_mode<synchronous>, transform_indices = @transform_10, window_bounds = array<i64: 1, 128>}, {transform_indices = @transform_11, window_bounds = array<i64: 1024, 128>}]} {
    %get3A = arith.constant 0 : index
    %get3A_0 = arith.constant 0 : index
    %get3A_1 = vector.load %arg1[%get3A, %get3A_0] : memref<1024x128xf32, #tpu.memory_space<vmem>>, vector<1024x128xf32>
    %get3A_2 = arith.constant 0 : index
    %get3A_3 = arith.constant 0 : index
    %get3A_4 = vector.load %arg2[%get3A_2, %get3A_3] : memref<1024x128xf32, #tpu.memory_space<vmem>>, vector<1024x128xf32>
    %get3A_5 = arith.constant 0 : index
    %get3A_6 = arith.constant 0 : index
    %get3A_7 = vector.load %arg3[%get3A_5, %get3A_6] : memref<1024x128xf32, #tpu.memory_space<vmem>>, vector<1024x128xf32>
    %get3A_8 = arith.constant 0 : index
    %get3A_9 = arith.constant 0 : index
    %get3A_10 = vector.load %arg4[%get3A_8, %get3A_9] : memref<2x1024xf32, #tpu.memory_space<vmem>>, vector<1x1024xf32>
    %get3A_11 = vector.shape_cast %get3A_10 : vector<1x1024xf32> to vector<1024xf32>
    %broadcast_in_dim3A = vector.shape_cast %get3A_11 : vector<1024xf32> to vector<1024x1xf32>
    %get3A_12 = arith.constant 1 : index
    %get3A_13 = arith.constant 0 : index
    %get3A_14 = vector.load %arg4[%get3A_12, %get3A_13] : memref<2x1024xf32, #tpu.memory_space<vmem>>, vector<1x1024xf32>
    %get3A_15 = vector.shape_cast %get3A_14 : vector<1x1024xf32> to vector<1024xf32>
    %broadcast_in_dim3A_16 = vector.shape_cast %get3A_15 : vector<1024xf32> to vector<1024x1xf32>
    %get3A_17 = arith.constant 0 : index
    %get3A_18 = arith.constant 0 : index
    %get3A_19 = vector.load %arg5[%get3A_17, %get3A_18] : memref<128x128xf32, #tpu.memory_space<vmem>>, vector<128x128xf32>
    %get3A_20 = arith.constant 0 : index
    %get3A_21 = arith.constant 0 : index
    %get3A_22 = vector.load %arg6[%get3A_20, %get3A_21] : memref<128x128xf32, #tpu.memory_space<vmem>>, vector<128x128xf32>
    %get3A_23 = arith.constant 0 : index
    %get3A_24 = arith.constant 0 : index
    %get3A_25 = vector.load %arg7[%get3A_23, %get3A_24] : memref<1x128xf32, #tpu.memory_space<vmem>>, vector<1x128xf32>
    %get3A_26 = arith.constant 0 : index
    %get3A_27 = arith.constant 0 : index
    %get3A_28 = vector.load %arg8[%get3A_26, %get3A_27] : memref<1x128xf32, #tpu.memory_space<vmem>>, vector<1x128xf32>
    %get3A_29 = arith.constant 0 : index
    %get3A_30 = arith.constant 0 : index
    %get3A_31 = vector.load %arg9[%get3A_29, %get3A_30] : memref<1x128xf32, #tpu.memory_space<vmem>>, vector<1x128xf32>
    %add3A = arith.addf %get3A_4, %get3A_7 : vector<1024x128xf32>
    %mul3A = vector.broadcast %broadcast_in_dim3A_16 : vector<1024x1xf32> to vector<1024x128xf32>
    %mul3A_32 = arith.mulf %mul3A, %get3A_1 : vector<1024x128xf32>
    %add3A_33 = arith.addf %add3A, %mul3A_32 : vector<1024x128xf32>
    %div3A = vector.broadcast %broadcast_in_dim3A : vector<1024x1xf32> to vector<1024x128xf32>
    %div3A_34 = arith.divf %add3A_33, %div3A : vector<1024x128xf32>
    %dot_general3A = arith.constant dense<0.000000e+00> : vector<1024x128xf32>
    %dot_general3A_35 = tpu.matmul %get3A_1, %get3A_19, %dot_general3A {dimension_numbers = #tpu.dot_dimension_numbers<[1], [0], [0], [1], [0, 0, 1, 1], [], []>, transpose_lhs_hint = false} : vector<1024x128xf32>, vector<128x128xf32>, vector<1024x128xf32> -> vector<1024x128xf32>
    %dot_general3A_36 = arith.constant dense<0.000000e+00> : vector<1024x128xf32>
    %dot_general3A_37 = tpu.matmul %div3A_34, %get3A_22, %dot_general3A_36 {dimension_numbers = #tpu.dot_dimension_numbers<[1], [0], [0], [1], [0, 0, 1, 1], [], []>, transpose_lhs_hint = false} : vector<1024x128xf32>, vector<128x128xf32>, vector<1024x128xf32> -> vector<1024x128xf32>
    %add3A_38 = arith.addf %dot_general3A_35, %dot_general3A_37 : vector<1024x128xf32>
    %add3A_39 = vector.broadcast %get3A_25 : vector<1x128xf32> to vector<1024x128xf32>
    %add3A_40 = arith.addf %add3A_38, %add3A_39 : vector<1024x128xf32>
    %logistic3A = arith.negf %add3A_40 : vector<1024x128xf32>
    %logistic3A_41 = math.exp %logistic3A : vector<1024x128xf32>
    %logistic3A_42 = arith.constant 1.000000e+00 : f32
    %logistic3A_43 = vector.broadcast %logistic3A_42 : f32 to vector<1024x128xf32>
    %logistic3A_44 = arith.addf %logistic3A_43, %logistic3A_41 : vector<1024x128xf32>
    %logistic3A_45 = arith.divf %logistic3A_43, %logistic3A_44 : vector<1024x128xf32>
    %mul3A_46 = arith.mulf %get3A_1, %logistic3A_45 : vector<1024x128xf32>
    %sub3A = arith.constant 1.000000e+00 : f32
    %sub3A_47 = vector.broadcast %sub3A : f32 to vector<1024x128xf32>
    %sub3A_48 = arith.subf %sub3A_47, %logistic3A_45 : vector<1024x128xf32>
    %mul3A_49 = arith.mulf %div3A_34, %sub3A_48 : vector<1024x128xf32>
    %add3A_50 = arith.addf %mul3A_46, %mul3A_49 : vector<1024x128xf32>
    %reduce_sum3A = arith.constant dense<0.000000e+00> : vector<1024xf32>
    %reduce_sum3A_51 = vector.multi_reduction <add>, %add3A_50, %reduce_sum3A [1] : vector<1024x128xf32> to vector<1024xf32>
    %broadcast_in_dim3A_52 = vector.shape_cast %reduce_sum3A_51 : vector<1024xf32> to vector<1024x1xf32>
    %div3A_53 = arith.constant 1.280000e+02 : f32
    %div3A_54 = vector.broadcast %div3A_53 : f32 to vector<1024x1xf32>
    %div3A_55 = arith.divf %broadcast_in_dim3A_52, %div3A_54 : vector<1024x1xf32>
    %sub3A_56 = vector.broadcast %div3A_55 : vector<1024x1xf32> to vector<1024x128xf32>
    %sub3A_57 = arith.subf %add3A_50, %sub3A_56 : vector<1024x128xf32>
    %integer_pow3A = arith.mulf %sub3A_57, %sub3A_57 : vector<1024x128xf32>
    %reduce_sum3A_58 = arith.constant dense<0.000000e+00> : vector<1024xf32>
    %reduce_sum3A_59 = vector.multi_reduction <add>, %integer_pow3A, %reduce_sum3A_58 [1] : vector<1024x128xf32> to vector<1024xf32>
    %broadcast_in_dim3A_60 = vector.shape_cast %reduce_sum3A_59 : vector<1024xf32> to vector<1024x1xf32>
    %div3A_61 = arith.constant 1.280000e+02 : f32
    %div3A_62 = vector.broadcast %div3A_61 : f32 to vector<1024x1xf32>
    %div3A_63 = arith.divf %broadcast_in_dim3A_60, %div3A_62 : vector<1024x1xf32>
    %sub3A_64 = vector.broadcast %div3A_55 : vector<1024x1xf32> to vector<1024x128xf32>
    %sub3A_65 = arith.subf %add3A_50, %sub3A_64 : vector<1024x128xf32>
    %add3A_66 = arith.constant 9.99999974E-6 : f32
    %add3A_67 = vector.broadcast %add3A_66 : f32 to vector<1024x1xf32>
    %add3A_68 = arith.addf %div3A_63, %add3A_67 : vector<1024x1xf32>
    %sqrt3A = math.sqrt %add3A_68 : vector<1024x1xf32>
    %div3A_69 = vector.broadcast %sqrt3A : vector<1024x1xf32> to vector<1024x128xf32>
    %div3A_70 = arith.divf %sub3A_65, %div3A_69 : vector<1024x128xf32>
    %mul3A_71 = vector.broadcast %get3A_28 : vector<1x128xf32> to vector<1024x128xf32>
    %mul3A_72 = arith.mulf %div3A_70, %mul3A_71 : vector<1024x128xf32>
    %add3A_73 = vector.broadcast %get3A_31 : vector<1x128xf32> to vector<1024x128xf32>
    %add3A_74 = arith.addf %mul3A_72, %add3A_73 : vector<1024x128xf32>
    %get3A_75 = arith.constant 0 : index
    %get3A_76 = arith.constant 0 : index
    %get3A_77 = vector.load %arg10[%get3A_75, %get3A_76] : memref<128x128xf32, #tpu.memory_space<vmem>>, vector<128x128xf32>
    %dot_general3A_78 = arith.constant dense<0.000000e+00> : vector<1024x128xf32>
    %dot_general3A_79 = tpu.matmul %add3A_74, %get3A_77, %dot_general3A_78 {dimension_numbers = #tpu.dot_dimension_numbers<[1], [0], [0], [1], [0, 0, 1, 1], [], []>, transpose_lhs_hint = false} : vector<1024x128xf32>, vector<128x128xf32>, vector<1024x128xf32> -> vector<1024x128xf32>
    %get3A_80 = arith.constant 0 : index
    %get3A_81 = arith.constant 0 : index
    %get3A_82 = vector.load %arg11[%get3A_80, %get3A_81] : memref<1x128xf32, #tpu.memory_space<vmem>>, vector<1x128xf32>
    %add3A_83 = vector.broadcast %get3A_82 : vector<1x128xf32> to vector<1024x128xf32>
    %add3A_84 = arith.addf %dot_general3A_79, %add3A_83 : vector<1024x128xf32>
    %swap3A = arith.constant 0 : index
    %swap3A_85 = arith.constant 0 : index
    %swap3A_86 = vector.load %arg12[%swap3A, %swap3A_85] : memref<1024x128xf32, #tpu.memory_space<vmem>>, vector<1024x128xf32>
    tpu.vector_store %arg12[%swap3A, %swap3A_85], %add3A_84 {strides = array<i32>} : memref<1024x128xf32, #tpu.memory_space<vmem>>, vector<1024x128xf32>,
    return
  }
  func.func @transform_0(%arg0: i32) -> (i32, i32) {
    %c0_i32 = arith.constant 0 : i32
    %c0_i32_0 = arith.constant 0 : i32
    return %arg0, %c0_i32 : i32, i32
  }
  func.func @transform_1(%arg0: i32) -> (i32, i32) {
    %c0_i32 = arith.constant 0 : i32
    %c0_i32_0 = arith.constant 0 : i32
    return %arg0, %c0_i32 : i32, i32
  }
  func.func @transform_2(%arg0: i32) -> (i32, i32) {
    %add3A = arith.constant 10 : i32
    %add3A_0 = arith.addi %add3A, %arg0 : i32
    %c0_i32 = arith.constant 0 : i32
    %c0_i32_1 = arith.constant 0 : i32
    return %add3A_0, %c0_i32 : i32, i32
  }
  func.func @transform_3(%arg0: i32) -> (i32, i32) {
    %c0_i32 = arith.constant 0 : i32
    %c0_i32_0 = arith.constant 0 : i32
    return %c0_i32, %arg0 : i32, i32
  }
  func.func @transform_4(%arg0: i32) -> (i32, i32) {
    %c0_i32 = arith.constant 0 : i32
    %c0_i32_0 = arith.constant 0 : i32
    %c0_i32_1 = arith.constant 0 : i32
    return %c0_i32, %c0_i32_0 : i32, i32
  }
  func.func @transform_5(%arg0: i32) -> (i32, i32) {
    %c0_i32 = arith.constant 0 : i32
    %c0_i32_0 = arith.constant 0 : i32
    %c0_i32_1 = arith.constant 0 : i32
    return %c0_i32, %c0_i32_0 : i32, i32
  }
  func.func @transform_6(%arg0: i32) -> (i32, i32) {
    %c0_i32 = arith.constant 0 : i32
    %c0_i32_0 = arith.constant 0 : i32
    %c0_i32_1 = arith.constant 0 : i32
    return %c0_i32, %c0_i32_0 : i32, i32
  }
  func.func @transform_7(%arg0: i32) -> (i32, i32) {
    %c0_i32 = arith.constant 0 : i32
    %c0_i32_0 = arith.constant 0 : i32
    %c0_i32_1 = arith.constant 0 : i32
    return %c0_i32, %c0_i32_0 : i32, i32
  }
  func.func @transform_8(%arg0: i32) -> (i32, i32) {
    %c0_i32 = arith.constant 0 : i32
    %c0_i32_0 = arith.constant 0 : i32
    %c0_i32_1 = arith.constant 0 : i32
    return %c0_i32, %c0_i32_0 : i32, i32
  }
  func.func @transform_9(%arg0: i32) -> (i32, i32) {
    %c0_i32 = arith.constant 0 : i32
    %c0_i32_0 = arith.constant 0 : i32
    %c0_i32_1 = arith.constant 0 : i32
    return %c0_i32, %c0_i32_0 : i32, i32
  }
  func.func @transform_10(%arg0: i32) -> (i32, i32) {
    %c0_i32 = arith.constant 0 : i32
    %c0_i32_0 = arith.constant 0 : i32
    %c0_i32_1 = arith.constant 0 : i32
    return %c0_i32, %c0_i32_0 : i32, i32
  }
  func.func @transform_11(%arg0: i32) -> (i32, i32) {
    %c0_i32 = arith.constant 0 : i32
    %c0_i32_0 = arith.constant 0 : i32
    return %arg0, %c0_i32 : i32, i32
  }
}

module attributes {stable_mosaic.version = 14 : i64} {
  func.func @_gate1_body(%arg0: i32, %arg1: memref<1024x128xf32, #tpu.memory_space<vmem>>, %arg2: memref<1024x128xf32, #tpu.memory_space<vmem>>, %arg3: memref<1024x128xf32, #tpu.memory_space<vmem>>, %arg4: memref<32x2x1024xf32, #tpu.memory_space<vmem>>, %arg5: memref<128x128xf32, #tpu.memory_space<vmem>>, %arg6: memref<128x128xf32, #tpu.memory_space<vmem>>, %arg7: memref<1x128xf32, #tpu.memory_space<vmem>>, %arg8: memref<1x128xf32, #tpu.memory_space<vmem>>, %arg9: memref<1x128xf32, #tpu.memory_space<vmem>>, %arg10: memref<1024x128xf32, #tpu.memory_space<vmem>>, %arg11: memref<2x1024xf32, #tpu.memory_space<vmem>>) attributes {dimension_semantics = [#tpu.dimension_semantics<arbitrary>], iteration_bounds = array<i64: 10>, scalar_prefetch = 0 : i64, scratch_operands = 0 : i64, tpu.core_type = #tpu.core_type<tc>, window_params = [{transform_indices = @transform_0, window_bounds = array<i64: 1024, 128>}, {transform_indices = @transform_1, window_bounds = array<i64: 1024, 128>}, {transform_indices = @transform_2, window_bounds = array<i64: 1024, 128>}, {transform_indices = @transform_3, window_bounds = array<i64: 32, 2, 1024>}, {pipeline_mode = #tpu.pipeline_mode<synchronous>, transform_indices = @transform_4, window_bounds = array<i64: 128, 128>}, {pipeline_mode = #tpu.pipeline_mode<synchronous>, transform_indices = @transform_5, window_bounds = array<i64: 128, 128>}, {pipeline_mode = #tpu.pipeline_mode<synchronous>, transform_indices = @transform_6, window_bounds = array<i64: 1, 128>}, {pipeline_mode = #tpu.pipeline_mode<synchronous>, transform_indices = @transform_7, window_bounds = array<i64: 1, 128>}, {pipeline_mode = #tpu.pipeline_mode<synchronous>, transform_indices = @transform_8, window_bounds = array<i64: 1, 128>}, {transform_indices = @transform_9, window_bounds = array<i64: 1024, 128>}, {transform_indices = @transform_10, window_bounds = array<i64: 2, 1024>}]} {
    %get3A = arith.constant 0 : index
    %get3A_0 = arith.constant 0 : index
    %get3A_1 = arith.constant 0 : index
    %get3A_2 = vector.load %arg4[%get3A, %get3A_0, %get3A_1] : memref<32x2x1024xf32, #tpu.memory_space<vmem>>, vector<32x2x1024xf32>
    %reduce_sum3A = arith.constant dense<0.000000e+00> : vector<2x1024xf32>
    %reduce_sum3A_3 = vector.multi_reduction <add>, %get3A_2, %reduce_sum3A [0] : vector<32x2x1024xf32> to vector<2x1024xf32>
    %slice3A = vector.extract_strided_slice %reduce_sum3A_3 {offsets = [0, 0], sizes = [1, 1024], strides = [1, 1]} : vector<2x1024xf32> to vector<1x1024xf32>
    %squeeze3A = vector.shape_cast %slice3A : vector<1x1024xf32> to vector<1024xf32>
    %add3A = arith.constant 1.000000e+00 : f32
    %add3A_4 = vector.broadcast %add3A : f32 to vector<1024xf32>
    %add3A_5 = arith.addf %squeeze3A, %add3A_4 : vector<1024xf32>
    %slice3A_6 = vector.extract_strided_slice %reduce_sum3A_3 {offsets = [1, 0], sizes = [1, 1024], strides = [1, 1]} : vector<2x1024xf32> to vector<1x1024xf32>
    %squeeze3A_7 = vector.shape_cast %slice3A_6 : vector<1x1024xf32> to vector<1024xf32>
    %sub3A = arith.constant 1.000000e+00 : f32
    %sub3A_8 = vector.broadcast %sub3A : f32 to vector<1024xf32>
    %sub3A_9 = arith.subf %sub3A_8, %squeeze3A_7 : vector<1024xf32>
    %stack3A = vector.shape_cast %add3A_5 : vector<1024xf32> to vector<1x1024xf32>
    %stack3A_10 = vector.shape_cast %sub3A_9 : vector<1024xf32> to vector<1x1024xf32>
    %stack3A_11 = tpu.concatenate %stack3A, %stack3A_10 in 0 : vector<1x1024xf32>, vector<1x1024xf32> -> vector<2x1024xf32>
    %swap3A = arith.constant 0 : index
    %swap3A_12 = arith.constant 0 : index
    %swap3A_13 = vector.load %arg11[%swap3A, %swap3A_12] : memref<2x1024xf32, #tpu.memory_space<vmem>>, vector<2x1024xf32>
    tpu.vector_store %arg11[%swap3A, %swap3A_12], %stack3A_11 {strides = array<i32>} : memref<2x1024xf32, #tpu.memory_space<vmem>>, vector<2x1024xf32>,
    %get3A_14 = arith.constant 0 : index
    %get3A_15 = arith.constant 0 : index
    %get3A_16 = vector.load %arg1[%get3A_14, %get3A_15] : memref<1024x128xf32, #tpu.memory_space<vmem>>, vector<1024x128xf32>
    %get3A_17 = arith.constant 0 : index
    %get3A_18 = arith.constant 0 : index
    %get3A_19 = vector.load %arg2[%get3A_17, %get3A_18] : memref<1024x128xf32, #tpu.memory_space<vmem>>, vector<1024x128xf32>
    %get3A_20 = arith.constant 0 : index
    %get3A_21 = arith.constant 0 : index
    %get3A_22 = vector.load %arg3[%get3A_20, %get3A_21] : memref<1024x128xf32, #tpu.memory_space<vmem>>, vector<1024x128xf32>
    %broadcast_in_dim3A = vector.shape_cast %add3A_5 : vector<1024xf32> to vector<1024x1xf32>
    %broadcast_in_dim3A_23 = vector.shape_cast %sub3A_9 : vector<1024xf32> to vector<1024x1xf32>
    %get3A_24 = arith.constant 0 : index
    %get3A_25 = arith.constant 0 : index
    %get3A_26 = vector.load %arg5[%get3A_24, %get3A_25] : memref<128x128xf32, #tpu.memory_space<vmem>>, vector<128x128xf32>
    %get3A_27 = arith.constant 0 : index
    %get3A_28 = arith.constant 0 : index
    %get3A_29 = vector.load %arg6[%get3A_27, %get3A_28] : memref<128x128xf32, #tpu.memory_space<vmem>>, vector<128x128xf32>
    %get3A_30 = arith.constant 0 : index
    %get3A_31 = arith.constant 0 : index
    %get3A_32 = vector.load %arg7[%get3A_30, %get3A_31] : memref<1x128xf32, #tpu.memory_space<vmem>>, vector<1x128xf32>
    %get3A_33 = arith.constant 0 : index
    %get3A_34 = arith.constant 0 : index
    %get3A_35 = vector.load %arg8[%get3A_33, %get3A_34] : memref<1x128xf32, #tpu.memory_space<vmem>>, vector<1x128xf32>
    %get3A_36 = arith.constant 0 : index
    %get3A_37 = arith.constant 0 : index
    %get3A_38 = vector.load %arg9[%get3A_36, %get3A_37] : memref<1x128xf32, #tpu.memory_space<vmem>>, vector<1x128xf32>
    %add3A_39 = arith.addf %get3A_19, %get3A_22 : vector<1024x128xf32>
    %mul3A = vector.broadcast %broadcast_in_dim3A_23 : vector<1024x1xf32> to vector<1024x128xf32>
    %mul3A_40 = arith.mulf %mul3A, %get3A_16 : vector<1024x128xf32>
    %add3A_41 = arith.addf %add3A_39, %mul3A_40 : vector<1024x128xf32>
    %div3A = vector.broadcast %broadcast_in_dim3A : vector<1024x1xf32> to vector<1024x128xf32>
    %div3A_42 = arith.divf %add3A_41, %div3A : vector<1024x128xf32>
    %dot_general3A = arith.constant dense<0.000000e+00> : vector<1024x128xf32>
    %dot_general3A_43 = tpu.matmul %get3A_16, %get3A_26, %dot_general3A {dimension_numbers = #tpu.dot_dimension_numbers<[1], [0], [0], [1], [0, 0, 1, 1], [], []>, transpose_lhs_hint = false} : vector<1024x128xf32>, vector<128x128xf32>, vector<1024x128xf32> -> vector<1024x128xf32>
    %dot_general3A_44 = arith.constant dense<0.000000e+00> : vector<1024x128xf32>
    %dot_general3A_45 = tpu.matmul %div3A_42, %get3A_29, %dot_general3A_44 {dimension_numbers = #tpu.dot_dimension_numbers<[1], [0], [0], [1], [0, 0, 1, 1], [], []>, transpose_lhs_hint = false} : vector<1024x128xf32>, vector<128x128xf32>, vector<1024x128xf32> -> vector<1024x128xf32>
    %add3A_46 = arith.addf %dot_general3A_43, %dot_general3A_45 : vector<1024x128xf32>
    %add3A_47 = vector.broadcast %get3A_32 : vector<1x128xf32> to vector<1024x128xf32>
    %add3A_48 = arith.addf %add3A_46, %add3A_47 : vector<1024x128xf32>
    %logistic3A = arith.negf %add3A_48 : vector<1024x128xf32>
    %logistic3A_49 = math.exp %logistic3A : vector<1024x128xf32>
    %logistic3A_50 = arith.constant 1.000000e+00 : f32
    %logistic3A_51 = vector.broadcast %logistic3A_50 : f32 to vector<1024x128xf32>
    %logistic3A_52 = arith.addf %logistic3A_51, %logistic3A_49 : vector<1024x128xf32>
    %logistic3A_53 = arith.divf %logistic3A_51, %logistic3A_52 : vector<1024x128xf32>
    %mul3A_54 = arith.mulf %get3A_16, %logistic3A_53 : vector<1024x128xf32>
    %sub3A_55 = arith.constant 1.000000e+00 : f32
    %sub3A_56 = vector.broadcast %sub3A_55 : f32 to vector<1024x128xf32>
    %sub3A_57 = arith.subf %sub3A_56, %logistic3A_53 : vector<1024x128xf32>
    %mul3A_58 = arith.mulf %div3A_42, %sub3A_57 : vector<1024x128xf32>
    %add3A_59 = arith.addf %mul3A_54, %mul3A_58 : vector<1024x128xf32>
    %reduce_sum3A_60 = arith.constant dense<0.000000e+00> : vector<1024xf32>
    %reduce_sum3A_61 = vector.multi_reduction <add>, %add3A_59, %reduce_sum3A_60 [1] : vector<1024x128xf32> to vector<1024xf32>
    %broadcast_in_dim3A_62 = vector.shape_cast %reduce_sum3A_61 : vector<1024xf32> to vector<1024x1xf32>
    %div3A_63 = arith.constant 1.280000e+02 : f32
    %div3A_64 = vector.broadcast %div3A_63 : f32 to vector<1024x1xf32>
    %div3A_65 = arith.divf %broadcast_in_dim3A_62, %div3A_64 : vector<1024x1xf32>
    %sub3A_66 = vector.broadcast %div3A_65 : vector<1024x1xf32> to vector<1024x128xf32>
    %sub3A_67 = arith.subf %add3A_59, %sub3A_66 : vector<1024x128xf32>
    %integer_pow3A = arith.mulf %sub3A_67, %sub3A_67 : vector<1024x128xf32>
    %reduce_sum3A_68 = arith.constant dense<0.000000e+00> : vector<1024xf32>
    %reduce_sum3A_69 = vector.multi_reduction <add>, %integer_pow3A, %reduce_sum3A_68 [1] : vector<1024x128xf32> to vector<1024xf32>
    %broadcast_in_dim3A_70 = vector.shape_cast %reduce_sum3A_69 : vector<1024xf32> to vector<1024x1xf32>
    %div3A_71 = arith.constant 1.280000e+02 : f32
    %div3A_72 = vector.broadcast %div3A_71 : f32 to vector<1024x1xf32>
    %div3A_73 = arith.divf %broadcast_in_dim3A_70, %div3A_72 : vector<1024x1xf32>
    %sub3A_74 = vector.broadcast %div3A_65 : vector<1024x1xf32> to vector<1024x128xf32>
    %sub3A_75 = arith.subf %add3A_59, %sub3A_74 : vector<1024x128xf32>
    %add3A_76 = arith.constant 9.99999974E-6 : f32
    %add3A_77 = vector.broadcast %add3A_76 : f32 to vector<1024x1xf32>
    %add3A_78 = arith.addf %div3A_73, %add3A_77 : vector<1024x1xf32>
    %sqrt3A = math.sqrt %add3A_78 : vector<1024x1xf32>
    %div3A_79 = vector.broadcast %sqrt3A : vector<1024x1xf32> to vector<1024x128xf32>
    %div3A_80 = arith.divf %sub3A_75, %div3A_79 : vector<1024x128xf32>
    %mul3A_81 = vector.broadcast %get3A_35 : vector<1x128xf32> to vector<1024x128xf32>
    %mul3A_82 = arith.mulf %div3A_80, %mul3A_81 : vector<1024x128xf32>
    %add3A_83 = vector.broadcast %get3A_38 : vector<1x128xf32> to vector<1024x128xf32>
    %add3A_84 = arith.addf %mul3A_82, %add3A_83 : vector<1024x128xf32>
    %swap3A_85 = arith.constant 0 : index
    %swap3A_86 = arith.constant 0 : index
    %swap3A_87 = vector.load %arg10[%swap3A_85, %swap3A_86] : memref<1024x128xf32, #tpu.memory_space<vmem>>, vector<1024x128xf32>
    tpu.vector_store %arg10[%swap3A_85, %swap3A_86], %add3A_84 {strides = array<i32>} : memref<1024x128xf32, #tpu.memory_space<vmem>>, vector<1024x128xf32>,
    return
  }
  func.func @transform_0(%arg0: i32) -> (i32, i32) {
    %c0_i32 = arith.constant 0 : i32
    %c0_i32_0 = arith.constant 0 : i32
    return %arg0, %c0_i32 : i32, i32
  }
  func.func @transform_1(%arg0: i32) -> (i32, i32) {
    %c0_i32 = arith.constant 0 : i32
    %c0_i32_0 = arith.constant 0 : i32
    return %arg0, %c0_i32 : i32, i32
  }
  func.func @transform_2(%arg0: i32) -> (i32, i32) {
    %add3A = arith.constant 10 : i32
    %add3A_0 = arith.addi %add3A, %arg0 : i32
    %c0_i32 = arith.constant 0 : i32
    %c0_i32_1 = arith.constant 0 : i32
    return %add3A_0, %c0_i32 : i32, i32
  }
  func.func @transform_3(%arg0: i32) -> (i32, i32, i32) {
    %c0_i32 = arith.constant 0 : i32
    %c0_i32_0 = arith.constant 0 : i32
    %c0_i32_1 = arith.constant 0 : i32
    return %c0_i32, %c0_i32_0, %arg0 : i32, i32, i32
  }
  func.func @transform_4(%arg0: i32) -> (i32, i32) {
    %c0_i32 = arith.constant 0 : i32
    %c0_i32_0 = arith.constant 0 : i32
    %c0_i32_1 = arith.constant 0 : i32
    return %c0_i32, %c0_i32_0 : i32, i32
  }
  func.func @transform_5(%arg0: i32) -> (i32, i32) {
    %c0_i32 = arith.constant 0 : i32
    %c0_i32_0 = arith.constant 0 : i32
    %c0_i32_1 = arith.constant 0 : i32
    return %c0_i32, %c0_i32_0 : i32, i32
  }
  func.func @transform_6(%arg0: i32) -> (i32, i32) {
    %c0_i32 = arith.constant 0 : i32
    %c0_i32_0 = arith.constant 0 : i32
    %c0_i32_1 = arith.constant 0 : i32
    return %c0_i32, %c0_i32_0 : i32, i32
  }
  func.func @transform_7(%arg0: i32) -> (i32, i32) {
    %c0_i32 = arith.constant 0 : i32
    %c0_i32_0 = arith.constant 0 : i32
    %c0_i32_1 = arith.constant 0 : i32
    return %c0_i32, %c0_i32_0 : i32, i32
  }
  func.func @transform_8(%arg0: i32) -> (i32, i32) {
    %c0_i32 = arith.constant 0 : i32
    %c0_i32_0 = arith.constant 0 : i32
    %c0_i32_1 = arith.constant 0 : i32
    return %c0_i32, %c0_i32_0 : i32, i32
  }
  func.func @transform_9(%arg0: i32) -> (i32, i32) {
    %c0_i32 = arith.constant 0 : i32
    %c0_i32_0 = arith.constant 0 : i32
    return %arg0, %c0_i32 : i32, i32
  }
  func.func @transform_10(%arg0: i32) -> (i32, i32) {
    %c0_i32 = arith.constant 0 : i32
    %c0_i32_0 = arith.constant 0 : i32
    return %c0_i32, %arg0 : i32, i32
  }
}

</mosaic_0001>

<sc_bundles>
// kernel: sc_edge_counts.3.cloned.1.call-start
scs
__scs_entry_jumppad:
0x0: {  	(pc) =	sbr.rel $0x88, $3  }
0x1: {  	(tag) =	ssettag $0x0;
	lr =	simm.s32 $0x1  }
0x2: {  	[smem:$0x3F93] =	sst lr;
	_ =	strace $0xD0000000  }
0x3: {  	_ = 	snop  }
0x4: {  	_ = 	snop  }
0x5: {  	_ = 	snop  }
0x6: {  	_ = 	snop  }
0x7: {  	_ = 	snop  }
__scs_overlays_trampoline_lowered:
0x8: {  	[smem:$0x3FA2] =	sst s0  }
0x9: {  	[smem:$0x3FA3] =	sst s1  }
0xa: {  	[smem:$0x3FA4] =	sst s2  }
0xb: {  	[smem:$0x3FA5] =	sst s3  }
0xc: {  	[smem:$0x3FA6] =	sst s4  }
0xd: {  	[smem:$0x3FA7] =	sst s5  }
0xe: {  	[smem:$0x3FA8] =	sst s6  }
0xf: {  	[smem:$0x3FA9] =	sst s7  }
0x10: {  	[smem:$0x3FAA] =	sst s8  }
0x11: {  	[smem:$0x3FAB] =	sst s9;
	s0 =	simm.s32 @!p0 $0x0  }
0x12: {  	s1 =	sld [smem:$0x3F91];
	s0 =	simm.s32 @p0 $0x1  }
0x13: {  	[smem:$0x3FAC] =	sst s0;
	s0 =	simm.s32 @!p1 $0x0  }
0x14: {  	s2 =	sld [smem:$0x3F90];
	s0 =	simm.s32 @p1 $0x1  }
0x15: {  	[smem:$0x3FAD] =	sst s0;
	s0 =	simm.s32 @!p2 $0x0  }
0x16: {  	s3 =	sld [smem:$0x3FDB];
	s0 =	simm.s32 @p2 $0x1  }
0x17: {  	s4 =	simm.s32 $0x1BF5;
	[smem:$0x3FAF] =	sst s0  }
0x18: {  	s0 =	sld [smem:$0x3F92];
	_ =	swait.ge [sflag:s4], $0x0  }
0x19: {  	s7 =	sld [smem:$0x3F93]  }
0x1a: {  	s8 =	sadd.s32 $0xFFFFE003, lr  }
0x1b: {  	s9 =	sadd.s32 $0xFFFFFEF7, lr;
	s5 =	simm.s32 $0xFFFFFFFF;
	p2 =	slt.u32 s8, $0xFFFFF086  }
0x1c: {  	p1 =	slt.u32 s9, $0xF7A;
	s5 =	simm.s32 @!p2 $0x0  }
0x1d: {  	s5 =	simm.s32 @p1 $0x1;
	p0 =	seq.s32 s7, s2  }
0x1e: {  	s7 =	smul.u32 @!p0 $0xF7A, s2;
	p2 =	seq.s32 @!p0 s5, $0x0  }
0x1f: {  	s9 =	smul.u32 $0xF7A, s1;
	s8 =	simm.s32 @!p0 $0x1BF5;
	p2 =	por !p2, p0  }
0x20: {  	[sflag:s8] =	ssyncset.s32 @!p0 $0xFFFFF086;
	s6 =	sadd.s32 @!p0 s3, s7;
	s7 =	simm.s32 @!p0 $0x108  }
0x21: {  	s3 =	sadd.s32 s3, s9;
	s6 =	sadd.s32 @!p0 $0x88, s6;
	s7 =	simm.s32 @p2 $0x1082  }
0x22: {  	[simem:s7], [sflag:s8] =	dma.local @!p0 [hbm:s6], $0xF7A  }
0x23: {  	s9 =	sor.u32 $0xD0000000, s2;
	s6 =	simm.s32 $0x108;
	_ =	swait.ge @!p0 [sflag:s8], $0x0  }
0x24: {  	s3 =	sadd.s32 $0x88, s3;
	s6 =	simm.s32 @!p1 $0x1082;
	[sflag:s4] =	ssyncset.s32 $0xFFFFF086  }
0x25: {  	[simem:s6], [sflag:s4] =	dma.local [hbm:s3], $0xF7A  }
0x26: {  	[smem:$0x3F93] =	sst s1;
	(tag) =	ssettag s2;
	_ =	strace s9  }
0x27: {  	s1 =	sld [smem:$0x3FA3]  }
0x28: {  	s2 =	sld [smem:$0x3FA4]  }
0x29: {  	s4 =	sld [smem:$0x3FA6]  }
0x2a: {  	p0 =	seq.s32 s5, $0x0;
	s5 =	sld [smem:$0x3FA7]  }
0x2b: {  	s6 =	sld [smem:$0x3FA8]  }
0x2c: {  	s7 =	sld [smem:$0x3FA9]  }
0x2d: {  	s3 =	simm.s32 $0x108;
	s8 =	sld [smem:$0x3FAA]  }
0x2e: {  	s3 =	simm.s32 @!p0 $0x1082;
	s9 =	sld [smem:$0x3FAB]  }
0x2f: {  	lr =	sadd.s32 s0, s3;
	s0 =	sld [smem:$0x3FA2]  }
0x30: {  	s3 =	sld [smem:$0x3FA5]  }
0x31: {  	[smem:$0x3FAE] =	sst s10  }
0x32: {  	s10 =	sld [smem:$0x3FAC];
	_ =	sdelay $0x3  }
0x33: {  	p0 =	seq.s32 s10, $0x1;
	s10 =	sld [smem:$0x3FAE];
	_ =	sdelay $0x3  }
0x34: {  	[smem:$0x3FAE] =	sst s10  }
0x35: {  	s10 =	sld [smem:$0x3FAD];
	_ =	sdelay $0x3  }
0x36: {  	p1 =	seq.s32 s10, $0x1;
	s10 =	sld [smem:$0x3FAE];
	_ =	sdelay $0x3  }
0x37: {  	[smem:$0x3FAE] =	sst s10  }
0x38: {  	s10 =	sld [smem:$0x3FAF]  }
0x39: {  	_ = 	snop;
	(pc) =	sbr.ind lr, $3  }
0x3a: {  	_ = 	snop  }
0x3b: {  	_ = 	snop  }
0x3c: {  	p2 =	seq.s32 s10, $0x1;
	s10 =	sld [smem:$0x3FAE]  }
0x3d: {  	_ =	shalt  }
0x3e: {  	_ =	shalt  }
0x3f: {  	_ =	shalt  }
0x40: {  	_ =	shalt  }
0x41: {  	_ =	shalt  }
0x42: {  	_ =	shalt  }
0x43: {  	_ =	shalt  }
0x44: {  	_ =	shalt  }
0x45: {  	_ =	shalt  }
0x46: {  	_ =	shalt  }
0x47: {  	_ =	shalt  }
0x48: {  	_ =	shalt  }
0x49: {  	_ =	shalt  }
0x4a: {  	_ =	shalt  }
0x4b: {  	_ =	shalt  }
0x4c: {  	_ =	shalt  }
0x4d: {  	_ =	shalt  }
0x4e: {  	_ =	shalt  }
0x4f: {  	_ =	shalt  }
0x50: {  	_ =	shalt  }
0x51: {  	_ =	shalt  }
0x52: {  	_ =	shalt  }
0x53: {  	_ =	shalt  }
0x54: {  	_ =	shalt  }
0x55: {  	_ =	shalt  }
0x56: {  	_ =	shalt  }
0x57: {  	_ =	shalt  }
0x58: {  	_ =	shalt  }
0x59: {  	_ =	shalt  }
0x5a: {  	_ =	shalt  }
0x5b: {  	_ =	shalt  }
0x5c: {  	_ =	shalt  }
0x5d: {  	_ =	shalt  }
0x5e: {  	_ =	shalt  }
0x5f: {  	_ =	shalt  }
0x60: {  	_ =	shalt  }
0x61: {  	_ =	shalt  }
0x62: {  	_ =	shalt  }
0x63: {  	_ =	shalt  }
0x64: {  	_ =	shalt  }
0x65: {  	_ =	shalt  }
0x66: {  	_ =	shalt  }
0x67: {  	_ =	shalt  }
0x68: {  	_ =	shalt  }
0x69: {  	_ =	shalt  }
0x6a: {  	_ =	shalt  }
0x6b: {  	_ =	shalt  }
0x6c: {  	_ =	shalt  }
0x6d: {  	_ =	shalt  }
0x6e: {  	_ =	shalt  }
0x6f: {  	_ =	shalt  }
0x70: {  	_ =	shalt  }
0x71: {  	_ =	shalt  }
0x72: {  	_ =	shalt  }
0x73: {  	_ =	shalt  }
0x74: {  	_ =	shalt  }
0x75: {  	_ =	shalt  }
0x76: {  	_ =	shalt  }
0x77: {  	_ =	shalt  }
0x78: {  	_ =	shalt  }
0x79: {  	_ =	shalt  }
0x7a: {  	_ =	shalt  }
0x7b: {  	_ =	shalt  }
0x7c: {  	_ =	shalt  }
0x7d: {  	_ =	shalt  }
0x7e: {  	_ =	shalt  }
0x7f: {  	_ =	shalt  }
0x80: {  	_ =	shalt  }
0x81: {  	_ =	shalt  }
0x82: {  	_ =	shalt  }
0x83: {  	_ =	shalt  }
0x84: {  	_ =	shalt  }
0x85: {  	_ =	shalt  }
0x86: {  	_ =	shalt  }
0x87: {  	_ =	shalt  }
.Lfunc_end0:
.L_simem_size_0:
called_computation_lowered:
.L_overlay_start_0:
0x88: {  	s2 =	sld [smem:$0x3FD9]  }
0x89: {  	s3 =	sld [smem:$0x3FFE];
	_ =	sdelay $0x1  }
0x8a: {  	s1 =	srdreg.scid  }
0x8b: {  	s0 =	sand.u32 $0x1, s1  }
0x8c: {  	s18 =	sshll.u32 s0, $0xA;
	s2 =	sadd.s32 s3, s2  }
0x8d: {  	s2 =	sadd.s32 s2, s18  }
0x8e: {  	[smem:$0x3FBA] =	sst s2  }
0x8f: {  	_ = 	snop  }
0x90: {  	s2 =	sld [smem:$0x3FC8]  }
0x91: {  	s19 =	sld [smem:$0x3FD0];
	(tm) =	ssettm $0x1  }
0x92: {  	s4 =	sld [smem:$0x3FFB];
	_ =	sdelay $0x3  }
0x93: {  	_ =	strace s4  }
0x94: {  	s4 =	sld [smem:$0x3FFC];
	_ =	sdelay $0x3  }
0x95: {  	_ =	strace s4  }
0x96: {  	s4 =	sld [smem:$0x3FFD];
	_ =	sdelay $0x3  }
0x97: {  	_ =	strace s4  }
0x98: {  	_ =	strace $0x8FFFFFFF  }
0x99: {  	s20 =	sld [smem:$0x3FDB];
	_ =	sdelay $0x1  }
0x9a: {  	s5 =	simm.s32 $_scs_section_size  }
0x9b: {  	s6 =	simm.s32 $_size__tile_overlayer_lowered;
	s7 =	simm.s32 $_tile_overlayer_lowered  }
0x9c: {  	s23 =	simm.s32 $0x1BFF;
	s22 =	sshll.u32 s7, $0x1;
	s4 =	sadd.s32 s5, s20  }
0x9d: {  	s8 =	simm.s32 $0x0;
	s21 =	sshll.u32 s6, $0x1;
	s6 =	sadd.s32 s22, s4  }
0x9e: {  	[timem:s8], [sflag:s23] =	dma.local [hbm:s6], s21  }
0x9f: {  	_ =	swait.ge [sflag:s23], s21  }
0xa0: {  	s5 =	ssub.s32 $0x0, s21;
	[sflag:s23] =	ssyncset.done $0x0  }
0xa1: {  	[sflag:s23] =	ssyncadd.s32 s5;
	_ =	sdelay $0x1  }
0xa2: {  	s24 =	simm.s32 $0x1B8B  }
0xa3: {  	_ =	swait.ge [sflag:s24], $0x1  }
0xa4: {  	[sflag:s24] =	ssyncset.done $0x0  }
0xa5: {  	s25 =	simm.s32 $0x1B8E;
	[sflag:s24] =	ssyncadd.s32 $0xFFFFFFFF  }
0xa6: {  	s26 =	simm.s32 $execute0_lowered;
	[smem:$0x3FD2] =	sst s25  }
0xa7: {  	s5 =	sshll.u32 s26, $0x1;
	_ =	strace $0x80000046;
	[dreg:$0x1] =	wrdreg $0xFFFFFFFF  }
0xa8: {  	s28 =	simm.s32 $_size_execute0_lowered;
	s4 =	sadd.s32 s4, s5;
	[dreg:$0x0] =	wrdreg $0x0  }
0xa9: {  	s5 =	sshll.u32 s28, $0x1;
	[dreg:$0x2] =	wrdreg s4  }
0xaa: {  	[dreg:$0x3] =	wrdreg s5  }
0xab: {  	[dreg:$0x4] =	wrdreg $0xC0  }
0xac: {  	_ =	task [dreg:s8], $0x5FFFF  }
0xad: {  	[dreg:$0x1] =	wrdreg $0xFFFFFFFF  }
0xae: {  	[dreg:$0x0] =	wrdreg $0x60  }
0xaf: {  	[dreg:$0x2] =	wrdreg s2  }
0xb0: {  	[dreg:$0x3] =	wrdreg s19  }
0xb1: {  	[dreg:$0x4] =	wrdreg $0x9  }
0xb2: {  	_ =	task.clear_ibuf [dreg:s8], $0x5FFFF;
	_ =	strace $0x90000046  }
0xb3: {  	s29 =	simm.s32 $0x9;
	_ =	strace $0x80000048  }
0xb4: {  	_ =	swait.ge [sflag:s29], $0x1  }
0xb5: {  	[sflag:s29] =	ssyncadd.s32 $0xFFFFFFFF  }
0xb6: {  	_ =	strace $0x90000048  }
0xb7: {  	_ =	sfence  }
0xb8: {  	s30 =	sld [smem:$0x0];
	_ =	sdelay $0x2  }
0xb9: {  	s31 =	sshll.u32 s1, $0xD;
	s1 =	sshrl.u32 s1, $0x2  }
0xba: {  	s3 =	sand.u32 $0x4000, s31;
	s1 =	sadd.s32 s1, s30  }
0xbb: {  	s0 =	sor.u32 s3, s0;
	s1 =	sshll.u32 s1, $0x11  }
0xbc: {  	s0 =	sor.u32 s1, s0  }
0xbd: {  	s0 =	sadd.s32 $0x8F2B, s0  }
0xbe: {  	[sflag:s0] =	ssyncadd.remote.s32 $0x1  }
0xbf: {  	_ =	sfence.sel $0xFFFF  }
0xc0: {  	[dreg:$0x0] =	wrdreg $0xFFFFFFFF;
	(pc) =	sbr.abs _section_cstart, $3  }
0xc1: {  	[dreg:$0x1] =	wrdreg $0xFFFFFFFF  }
0xc2: {  	_ =	task.clear_ibuf [dreg:s8], $0x2FFFF;
	_ =	strace $0x9FFFFFFF  }
0xc3: {  	(tm) =	ssettm $0x7FFFFFFF  }
tec
execute0_lowered:
.L_overlay_start_1:
0x0: {  	(tag) =	ssettag $0x1  }
0x1: {  	s5 =	rddreg [dreg:$0x0]  }
0x2: {  	s6 =	rddreg [dreg:$0x1]  }
0x3: {  	s0 =	rddreg [dreg:$0x2]  }
0x4: {  	s3 =	srdreg.scid;
	s1 =	stileid.u32;
	s2 =	simm.s32 $0x0  }
0x5: {  	s12 =	simm.s32 $0x1;
	s13 =	simm.s32 $0x1000;
	s14 =	simm.s32 $0x3800  }
0x6: {  	s16 =	simm.s32 $0x100;
	s3 =	sand.u32 $0x1, s3;
	s4 =	sshll.u32 s1, $0x1  }
0x7: {  	[smem:$0x7FF] =	sst s2;
	p0 =	sgt.u32 s1, $0xD;
	s15 =	sor.u32 s3, s4  }
0x8: {  	s7 =	ssub.s32 $0x2, s3;
	_ =	strace $0x80000047;
	s8 =	smul.u32 $0xA00, s15  }
.Ltmp0:
0x9: {  	s31 =	sshrl.u32 s7, $0x1;
	s4 =	sshll.u32 s15, $0x9;
	(pc) =	sbr.rel .LBB2_1-.Ltmp0, $4  }
0xa: {  	p1 =	sne.s32 s15, $0x1C;
	s15 =	simm.s32 $0x80;
	s3 =	sadd.s32 s5, s4  }
0xb: {  	s9 =	ssub.s32 s7, s31;
	s5 =	sadd.s32 $0x13800, s5;
	s4 =	sadd.s32 $0x10000, s3  }
0xc: {  	s6 =	sadd.s32 s6, s8;
	s8 =	smax.u32 s9, $0x1;
	s9 =	sadd.s32 $0x4000, s3  }
0xd: {  	v0 =	vimm.f32 $0.0e+00;
	v1 =	vimm.f32 $1.000000000e+00;
	s10 =	sadd.s32 $0x8000, s3;
	s11 =	sadd.s32 $0xC000, s3;
	s7 =	sadd.s32 $0x10, s6  }
.LBB2_18:
0xe: {  	v3 =	vld [tilespmem:s19+$0x0];
	_ =	sdelay $0x4  }
0xf: {  	vm0 =	vne.s32 v3, v2  }
0x10: {  	vm1 =	veq.s32 v3, v2;
	_ =	sdelay $0x4  }
0x11: {  	[tilespmem:v2+s13+$0x0] =	vst.idx.add.f32.msk vm0, v1  }
0x12: {  	[tilespmem:v2+s14+$0x0] =	vst.idx.add.f32.msk vm1, v1  }
.LBB2_19:
0x13: {  	[hbm4b:s6+s15] =	stream.strided.scatter [tilespmem:s13], [sflag:$0x1], $0x2800, s16, s15, $0x38;
	[tilespmem:$0x6000] =	vst v63  }
0x14: {  	s2 =	sadd.s32 $0x1, s2;
	_ =	swait.ge [sflag:s12], $0x2800  }
0x15: {  	p2 =	sne.s32 s2, s8;
	[sflag:s12] =	ssyncset.done $0x0  }
.Ltmp1:
0x16: {  	[sflag:s12] =	ssyncadd.s32 $0xFFFFD800;
	(pc) =	sbr.rel @!p2 .LBB2_20-.Ltmp1, $4  }
0x17: {  	[hbm4b:s7+s15] =	stream.strided.scatter [tilespmem:s14], [sflag:$0x1], $0x2800, s16, s15, $0x38;
	[tilespmem:$0x6000] =	vst v63  }
0x18: {  	_ =	swait.ge [sflag:s12], $0x2800  }
0x19: {  	[sflag:s12] =	ssyncset.done $0x0  }
0x1a: {  	[sflag:s12] =	ssyncadd.s32 $0xFFFFD800  }
.LBB2_1:
0x1b: {  	s17 =	simm.s32 $0x40;
	s18 =	simm.s32 $0x0  }
.LBB2_2:
0x1c: {  	p2 =	sne.s32 s17, $0x9FC0;
	[tilespmem:s18+$0x1000] =	vst v0;
	s19 =	smov.u32 s17;
	s17 =	sadd.s32 $0x40, s17  }
.Ltmp2:
0x1d: {  	[tilespmem:s18+$0x3800] =	vst v0;
	(pc) =	sbr.rel @p2 .LBB2_2-.Ltmp2, $2  }
0x1e: {  	_ =	sdelay $0x2  }
0x1f: {  	s18 =	sshra.s32 s19, $0x2  }
0x20: {  	[tilespmem:s18+$0x1000] =	vst v0  }
0x21: {  	[tilespmem:s18+$0x3800] =	vst v0;
	s17 =	simm.s32 $0x0  }
0x22: {  	[tilespmem:s17], [sflag:$0x1] =	stream.linear.gather [hbm4b:s3+s17], $0x1000, $0x38;
	[tilespmem:$0x6000] =	vst v63  }
0x23: {  	_ =	swait.ge [sflag:s12], $0x1000  }
0x24: {  	s31 =	sand.u32 $0x70, s17;
	s19 =	sand.u32 $0xF00, s17;
	[sflag:s12] =	ssyncset.done $0x0  }
0x25: {  	s19 =	sor.u32 s31, s19;
	[sflag:s12] =	ssyncadd.s32 $0xFFFFF000  }
0x26: {  	s18 =	simm.s32 $0x10;
	v2 =	vld [tilespmem:s19+$0x80]  }
.LBB2_4:
0x27: {  	p2 =	sne.s32 s18, $0x7F0;
	v3 =	vld [tilespmem:s19+$0x0];
	_ =	sdelay $0x4  }
0x28: {  	vm0 =	veq.s32 v3, v2;
	vm1 =	vne.s32 v3, v2;
	_ =	sdelay $0x3  }
.Ltmp3:
0x29: {  	(pc) =	sbr.rel @p2 .LBB2_4-.Ltmp3, $4  }
0x2a: {  	s17 =	sadd.s32 $0x20, s17  }
0x2b: {  	s19 =	sand.u32 $0x70, s18;
	s20 =	sand.u32 $0xF00, s17;
	[tilespmem:v2+s13+$0x0] =	vst.idx.add.f32.msk vm1, v1  }
0x2c: {  	s19 =	sor.u32 s19, s20;
	[tilespmem:v2+s14+$0x0] =	vst.idx.add.f32.msk vm0, v1  }
0x2d: {  	s18 =	sadd.s32 $0x10, s18;
	v2 =	vld [tilespmem:s19+$0x80]  }
0x2e: {  	v3 =	vld [tilespmem:s19+$0x0];
	_ =	sdelay $0x4  }
0x2f: {  	vm0 =	vne.s32 v3, v2  }
0x30: {  	vm1 =	veq.s32 v3, v2;
	_ =	sdelay $0x4  }
0x31: {  	[tilespmem:v2+s13+$0x0] =	vst.idx.add.f32.msk vm0, v1  }
0x32: {  	s17 =	simm.s32 $0x0;
	[tilespmem:v2+s14+$0x0] =	vst.idx.add.f32.msk vm1, v1  }
0x33: {  	[tilespmem:s17], [sflag:$0x1] =	stream.linear.gather [hbm4b:s9+s17], $0x1000, $0x38;
	[tilespmem:$0x6000] =	vst v63  }
0x34: {  	_ =	swait.ge [sflag:s12], $0x1000  }
0x35: {  	s18 =	sand.u32 $0x70, s17;
	s31 =	sand.u32 $0xF00, s17;
	[sflag:s12] =	ssyncset.done $0x0  }
0x36: {  	s19 =	sor.u32 s18, s31;
	[sflag:s12] =	ssyncadd.s32 $0xFFFFF000  }
0x37: {  	s18 =	simm.s32 $0x10;
	v2 =	vld [tilespmem:s19+$0x80]  }
.LBB2_6:
0x38: {  	p2 =	sne.s32 s18, $0x7F0;
	v3 =	vld [tilespmem:s19+$0x0];
	_ =	sdelay $0x4  }
0x39: {  	vm0 =	veq.s32 v3, v2;
	vm1 =	vne.s32 v3, v2;
	_ =	sdelay $0x3  }
.Ltmp4:
0x3a: {  	(pc) =	sbr.rel @p2 .LBB2_6-.Ltmp4, $4  }
0x3b: {  	s17 =	sadd.s32 $0x20, s17  }
0x3c: {  	s19 =	sand.u32 $0x70, s18;
	s20 =	sand.u32 $0xF00, s17;
	[tilespmem:v2+s13+$0x0] =	vst.idx.add.f32.msk vm1, v1  }
0x3d: {  	s19 =	sor.u32 s19, s20;
	[tilespmem:v2+s14+$0x0] =	vst.idx.add.f32.msk vm0, v1  }
0x3e: {  	s18 =	sadd.s32 $0x10, s18;
	v2 =	vld [tilespmem:s19+$0x80]  }
0x3f: {  	v3 =	vld [tilespmem:s19+$0x0];
	_ =	sdelay $0x4  }
0x40: {  	vm0 =	vne.s32 v3, v2  }
0x41: {  	vm1 =	veq.s32 v3, v2;
	_ =	sdelay $0x4  }
0x42: {  	[tilespmem:v2+s13+$0x0] =	vst.idx.add.f32.msk vm0, v1  }
0x43: {  	s17 =	simm.s32 $0x0;
	[tilespmem:v2+s14+$0x0] =	vst.idx.add.f32.msk vm1, v1  }
0x44: {  	[tilespmem:s17], [sflag:$0x1] =	stream.linear.gather [hbm4b:s10+s17], $0x1000, $0x38;
	[tilespmem:$0x6000] =	vst v63  }
0x45: {  	_ =	swait.ge [sflag:s12], $0x1000  }
0x46: {  	s18 =	sand.u32 $0x70, s17;
	s31 =	sand.u32 $0xF00, s17;
	[sflag:s12] =	ssyncset.done $0x0  }
0x47: {  	s19 =	sor.u32 s18, s31;
	[sflag:s12] =	ssyncadd.s32 $0xFFFFF000  }
0x48: {  	s18 =	simm.s32 $0x10;
	v2 =	vld [tilespmem:s19+$0x80]  }
.LBB2_8:
0x49: {  	p2 =	sne.s32 s18, $0x7F0;
	v3 =	vld [tilespmem:s19+$0x0];
	_ =	sdelay $0x4  }
0x4a: {  	vm0 =	veq.s32 v3, v2;
	vm1 =	vne.s32 v3, v2;
	_ =	sdelay $0x3  }
.Ltmp5:
0x4b: {  	(pc) =	sbr.rel @p2 .LBB2_8-.Ltmp5, $4  }
0x4c: {  	s17 =	sadd.s32 $0x20, s17  }
0x4d: {  	s19 =	sand.u32 $0x70, s18;
	s20 =	sand.u32 $0xF00, s17;
	[tilespmem:v2+s13+$0x0] =	vst.idx.add.f32.msk vm1, v1  }
0x4e: {  	s19 =	sor.u32 s19, s20;
	[tilespmem:v2+s14+$0x0] =	vst.idx.add.f32.msk vm0, v1  }
0x4f: {  	s18 =	sadd.s32 $0x10, s18;
	v2 =	vld [tilespmem:s19+$0x80]  }
0x50: {  	v3 =	vld [tilespmem:s19+$0x0];
	_ =	sdelay $0x4  }
0x51: {  	vm0 =	vne.s32 v3, v2  }
0x52: {  	vm1 =	veq.s32 v3, v2;
	_ =	sdelay $0x4  }
0x53: {  	[tilespmem:v2+s13+$0x0] =	vst.idx.add.f32.msk vm0, v1  }
0x54: {  	s17 =	simm.s32 $0x0;
	[tilespmem:v2+s14+$0x0] =	vst.idx.add.f32.msk vm1, v1  }
0x55: {  	[tilespmem:s17], [sflag:$0x1] =	stream.linear.gather [hbm4b:s11+s17], $0x1000, $0x38;
	[tilespmem:$0x6000] =	vst v63  }
0x56: {  	_ =	swait.ge [sflag:s12], $0x1000  }
0x57: {  	s18 =	sand.u32 $0x70, s17;
	s31 =	sand.u32 $0xF00, s17;
	[sflag:s12] =	ssyncset.done $0x0  }
0x58: {  	s19 =	sor.u32 s18, s31;
	[sflag:s12] =	ssyncadd.s32 $0xFFFFF000  }
0x59: {  	s18 =	simm.s32 $0x10;
	v2 =	vld [tilespmem:s19+$0x80]  }
.LBB2_10:
0x5a: {  	p2 =	sne.s32 s18, $0x7F0;
	v3 =	vld [tilespmem:s19+$0x0];
	_ =	sdelay $0x4  }
0x5b: {  	vm0 =	veq.s32 v3, v2;
	vm1 =	vne.s32 v3, v2;
	_ =	sdelay $0x3  }
.Ltmp6:
0x5c: {  	(pc) =	sbr.rel @p2 .LBB2_10-.Ltmp6, $4  }
0x5d: {  	s17 =	sadd.s32 $0x20, s17  }
0x5e: {  	s19 =	sand.u32 $0x70, s18;
	s20 =	sand.u32 $0xF00, s17;
	[tilespmem:v2+s13+$0x0] =	vst.idx.add.f32.msk vm1, v1  }
0x5f: {  	s19 =	sor.u32 s19, s20;
	[tilespmem:v2+s14+$0x0] =	vst.idx.add.f32.msk vm0, v1  }
0x60: {  	s18 =	sadd.s32 $0x10, s18;
	v2 =	vld [tilespmem:s19+$0x80]  }
0x61: {  	v3 =	vld [tilespmem:s19+$0x0];
	_ =	sdelay $0x4  }
0x62: {  	vm0 =	vne.s32 v3, v2  }
0x63: {  	vm1 =	veq.s32 v3, v2;
	_ =	sdelay $0x1  }
.Ltmp7:
0x64: {  	_ = 	snop;
	(pc) =	sbr.rel @p0 .LBB2_15-.Ltmp7, $3  }
0x65: {  	_ =	sdelay $0x1  }
0x66: {  	[tilespmem:v2+s13+$0x0] =	vst.idx.add.f32.msk vm0, v1  }
0x67: {  	[tilespmem:v2+s14+$0x0] =	vst.idx.add.f32.msk vm1, v1  }
0x68: {  	s17 =	simm.s32 $0x0  }
0x69: {  	[tilespmem:s17], [sflag:$0x1] =	stream.linear.gather [hbm4b:s4+s17], $0x1000, $0x38;
	[tilespmem:$0x6000] =	vst v63  }
0x6a: {  	_ =	swait.ge [sflag:s12], $0x1000  }
0x6b: {  	s18 =	sand.u32 $0x70, s17;
	s19 =	sand.u32 $0xF00, s17;
	[sflag:s12] =	ssyncset.done $0x0  }
0x6c: {  	s19 =	sor.u32 s18, s19;
	[sflag:s12] =	ssyncadd.s32 $0xFFFFF000  }
0x6d: {  	s18 =	simm.s32 $0x10;
	v2 =	vld [tilespmem:s19+$0x80]  }
.LBB2_13:
0x6e: {  	p2 =	sne.s32 s18, $0x7F0;
	v3 =	vld [tilespmem:s19+$0x0];
	_ =	sdelay $0x4  }
0x6f: {  	vm0 =	veq.s32 v3, v2;
	vm1 =	vne.s32 v3, v2;
	_ =	sdelay $0x3  }
.Ltmp8:
0x70: {  	(pc) =	sbr.rel @p2 .LBB2_13-.Ltmp8, $4  }
0x71: {  	s17 =	sadd.s32 $0x20, s17  }
0x72: {  	s19 =	sand.u32 $0x70, s18;
	s20 =	sand.u32 $0xF00, s17;
	[tilespmem:v2+s13+$0x0] =	vst.idx.add.f32.msk vm1, v1  }
0x73: {  	s19 =	sor.u32 s19, s20;
	[tilespmem:v2+s14+$0x0] =	vst.idx.add.f32.msk vm0, v1  }
0x74: {  	s18 =	sadd.s32 $0x10, s18;
	v2 =	vld [tilespmem:s19+$0x80]  }
0x75: {  	v3 =	vld [tilespmem:s19+$0x0];
	_ =	sdelay $0x4  }
0x76: {  	vm0 =	vne.s32 v3, v2  }
0x77: {  	vm1 =	veq.s32 v3, v2;
	_ =	sdelay $0x4  }
0x78: {  	[tilespmem:v2+s13+$0x0] =	vst.idx.add.f32.msk vm0, v1  }
0x79: {  	[tilespmem:v2+s14+$0x0] =	vst.idx.add.f32.msk vm1, v1  }
.LBB2_15:
.Ltmp9:
0x7a: {  	(pc) =	sbr.rel @p1 .LBB2_19-.Ltmp9, $1  }
0x7b: {  	_ =	sdelay $0x3  }
0x7c: {  	s17 =	simm.s32 $0x0  }
0x7d: {  	[tilespmem:s17], [sflag:$0x1] =	stream.linear.gather [hbm4b:s5+s17], $0x400, $0x38;
	[tilespmem:$0x6000] =	vst v63  }
0x7e: {  	_ =	swait.ge [sflag:s12], $0x400  }
0x7f: {  	s18 =	sand.u32 $0x70, s17;
	s19 =	sand.u32 $0x300, s17;
	[sflag:s12] =	ssyncset.done $0x0  }
0x80: {  	s19 =	sor.u32 s18, s19;
	[sflag:s12] =	ssyncadd.s32 $0xFFFFFC00  }
0x81: {  	s18 =	simm.s32 $0x10;
	v2 =	vld [tilespmem:s19+$0x80]  }
.LBB2_17:
0x82: {  	p2 =	sne.s32 s18, $0x1F0;
	v3 =	vld [tilespmem:s19+$0x0];
	_ =	sdelay $0x4  }
0x83: {  	vm0 =	veq.s32 v3, v2;
	vm1 =	vne.s32 v3, v2;
	_ =	sdelay $0x3  }
.Ltmp10:
0x84: {  	(pc) =	sbr.rel @p2 .LBB2_17-.Ltmp10, $4  }
0x85: {  	s17 =	sadd.s32 $0x20, s17  }
0x86: {  	s19 =	sand.u32 $0x70, s18;
	s20 =	sand.u32 $0x300, s17;
	[tilespmem:v2+s13+$0x0] =	vst.idx.add.f32.msk vm1, v1  }
0x87: {  	s19 =	sor.u32 s19, s20;
	[tilespmem:v2+s14+$0x0] =	vst.idx.add.f32.msk vm0, v1  }
0x88: {  	s18 =	sadd.s32 $0x10, s18;
	v2 =	vld [tilespmem:s19+$0x80]  }
.Ltmp11:
0x89: {  	_ = 	snop;
	(pc) =	sbr.rel .LBB2_18-.Ltmp11, $1  }
0x8a: {  	_ =	sdelay $0x3  }
.LBB2_20:
0x8b: {  	_ =	sfence.sel $0x180000  }
0x8c: {  	[bflag:$0x0] =	sbarrier.arrive $0xFFFF  }
0x8d: {  	p0 =	sne.s32 s1, $0x0;
	_ =	strace $0x90000047  }
0x8e: {  	s0 =	sadd.s32 @!p0 $0x100000, s0;
	[bflag:$0x2] =	sbarrier.arrive $0xFFFF  }
0x8f: {  	[sflag:s0] =	ssyncadd.tile.s32 @!p0 $0x1;
	_ =	shalt  }
.Lfunc_end2:
_tile_overlayer_lowered:
.L_overlay_start_2:
0x90: {  	(tag) =	ssettag $0x2  }
0x91: {  	s0 =	rddreg [dreg:$0x0];
	s2 =	stileid.u32  }
0x92: {  	s1 =	rddreg [dreg:$0x1];
	p0 =	sne.s32 s2, $0x0  }
0x93: {  	s3 =	rddreg [dreg:$0x2];
	[bflag:$0x3] =	sbarrier.arrive $0xFFFF;
	s2 =	simm.s32 @!p0 $0x1C01  }
0x94: {  	[timem:s3], [sflag:s2] =	dma.local @!p0 [hbm:s0], s1  }
0x95: {  	s0 =	simm.s32 @!p0 $0x1  }
0x96: {  	_ =	swait.ge @!p0 [sflag:s0], s1  }
0x97: {  	s1 =	ssub.s32 @!p0 $0x0, s1;
	[sflag:s0] =	ssyncset.done @!p0 $0x0  }
0x98: {  	[sflag:s0] =	ssyncadd.s32 @!p0 s1  }
0x99: {  	[bflag:$0x3] =	sbarrier.arrive $0xFFFF  }
0x9a: {  	_ =	shalt  }

// kernel: sc_segment_sum.4.cloned.1.call-start
scs
__scs_entry_jumppad:
0x0: {  	(pc) =	sbr.rel $0x88, $3  }
0x1: {  	(tag) =	ssettag $0x0;
	lr =	simm.s32 $0x1  }
0x2: {  	[smem:$0x3F93] =	sst lr;
	_ =	strace $0xD0000000  }
0x3: {  	_ = 	snop  }
0x4: {  	_ = 	snop  }
0x5: {  	_ = 	snop  }
0x6: {  	_ = 	snop  }
0x7: {  	_ = 	snop  }
__scs_overlays_trampoline_lowered:
0x8: {  	[smem:$0x3FA2] =	sst s0  }
0x9: {  	[smem:$0x3FA3] =	sst s1  }
0xa: {  	[smem:$0x3FA4] =	sst s2  }
0xb: {  	[smem:$0x3FA5] =	sst s3  }
0xc: {  	[smem:$0x3FA6] =	sst s4  }
0xd: {  	[smem:$0x3FA7] =	sst s5  }
0xe: {  	[smem:$0x3FA8] =	sst s6  }
0xf: {  	[smem:$0x3FA9] =	sst s7  }
0x10: {  	[smem:$0x3FAA] =	sst s8  }
0x11: {  	[smem:$0x3FAB] =	sst s9;
	s0 =	simm.s32 @!p0 $0x0  }
0x12: {  	s1 =	sld [smem:$0x3F91];
	s0 =	simm.s32 @p0 $0x1  }
0x13: {  	[smem:$0x3FAC] =	sst s0;
	s0 =	simm.s32 @!p1 $0x0  }
0x14: {  	s2 =	sld [smem:$0x3F90];
	s0 =	simm.s32 @p1 $0x1  }
0x15: {  	[smem:$0x3FAD] =	sst s0;
	s0 =	simm.s32 @!p2 $0x0  }
0x16: {  	s3 =	sld [smem:$0x3FDB];
	s0 =	simm.s32 @p2 $0x1  }
0x17: {  	s4 =	simm.s32 $0x1BF5;
	[smem:$0x3FAF] =	sst s0  }
0x18: {  	s0 =	sld [smem:$0x3F92];
	_ =	swait.ge [sflag:s4], $0x0  }
0x19: {  	s7 =	sld [smem:$0x3F93]  }
0x1a: {  	s8 =	sadd.s32 $0xFFFFE003, lr  }
0x1b: {  	s9 =	sadd.s32 $0xFFFFFEF7, lr;
	s5 =	simm.s32 $0xFFFFFFFF;
	p2 =	slt.u32 s8, $0xFFFFF086  }
0x1c: {  	p1 =	slt.u32 s9, $0xF7A;
	s5 =	simm.s32 @!p2 $0x0  }
0x1d: {  	s5 =	simm.s32 @p1 $0x1;
	p0 =	seq.s32 s7, s2  }
0x1e: {  	s7 =	smul.u32 @!p0 $0xF7A, s2;
	p2 =	seq.s32 @!p0 s5, $0x0  }
0x1f: {  	s9 =	smul.u32 $0xF7A, s1;
	s8 =	simm.s32 @!p0 $0x1BF5;
	p2 =	por !p2, p0  }
0x20: {  	[sflag:s8] =	ssyncset.s32 @!p0 $0xFFFFF086;
	s6 =	sadd.s32 @!p0 s3, s7;
	s7 =	simm.s32 @!p0 $0x108  }
0x21: {  	s3 =	sadd.s32 s3, s9;
	s6 =	sadd.s32 @!p0 $0x88, s6;
	s7 =	simm.s32 @p2 $0x1082  }
0x22: {  	[simem:s7], [sflag:s8] =	dma.local @!p0 [hbm:s6], $0xF7A  }
0x23: {  	s9 =	sor.u32 $0xD0000000, s2;
	s6 =	simm.s32 $0x108;
	_ =	swait.ge @!p0 [sflag:s8], $0x0  }
0x24: {  	s3 =	sadd.s32 $0x88, s3;
	s6 =	simm.s32 @!p1 $0x1082;
	[sflag:s4] =	ssyncset.s32 $0xFFFFF086  }
0x25: {  	[simem:s6], [sflag:s4] =	dma.local [hbm:s3], $0xF7A  }
0x26: {  	[smem:$0x3F93] =	sst s1;
	(tag) =	ssettag s2;
	_ =	strace s9  }
0x27: {  	s1 =	sld [smem:$0x3FA3]  }
0x28: {  	s2 =	sld [smem:$0x3FA4]  }
0x29: {  	s4 =	sld [smem:$0x3FA6]  }
0x2a: {  	p0 =	seq.s32 s5, $0x0;
	s5 =	sld [smem:$0x3FA7]  }
0x2b: {  	s6 =	sld [smem:$0x3FA8]  }
0x2c: {  	s7 =	sld [smem:$0x3FA9]  }
0x2d: {  	s3 =	simm.s32 $0x108;
	s8 =	sld [smem:$0x3FAA]  }
0x2e: {  	s3 =	simm.s32 @!p0 $0x1082;
	s9 =	sld [smem:$0x3FAB]  }
0x2f: {  	lr =	sadd.s32 s0, s3;
	s0 =	sld [smem:$0x3FA2]  }
0x30: {  	s3 =	sld [smem:$0x3FA5]  }
0x31: {  	[smem:$0x3FAE] =	sst s10  }
0x32: {  	s10 =	sld [smem:$0x3FAC];
	_ =	sdelay $0x3  }
0x33: {  	p0 =	seq.s32 s10, $0x1;
	s10 =	sld [smem:$0x3FAE];
	_ =	sdelay $0x3  }
0x34: {  	[smem:$0x3FAE] =	sst s10  }
0x35: {  	s10 =	sld [smem:$0x3FAD];
	_ =	sdelay $0x3  }
0x36: {  	p1 =	seq.s32 s10, $0x1;
	s10 =	sld [smem:$0x3FAE];
	_ =	sdelay $0x3  }
0x37: {  	[smem:$0x3FAE] =	sst s10  }
0x38: {  	s10 =	sld [smem:$0x3FAF]  }
0x39: {  	_ = 	snop;
	(pc) =	sbr.ind lr, $3  }
0x3a: {  	_ = 	snop  }
0x3b: {  	_ = 	snop  }
0x3c: {  	p2 =	seq.s32 s10, $0x1;
	s10 =	sld [smem:$0x3FAE]  }
0x3d: {  	_ =	shalt  }
0x3e: {  	_ =	shalt  }
0x3f: {  	_ =	shalt  }
0x40: {  	_ =	shalt  }
0x41: {  	_ =	shalt  }
0x42: {  	_ =	shalt  }
0x43: {  	_ =	shalt  }
0x44: {  	_ =	shalt  }
0x45: {  	_ =	shalt  }
0x46: {  	_ =	shalt  }
0x47: {  	_ =	shalt  }
0x48: {  	_ =	shalt  }
0x49: {  	_ =	shalt  }
0x4a: {  	_ =	shalt  }
0x4b: {  	_ =	shalt  }
0x4c: {  	_ =	shalt  }
0x4d: {  	_ =	shalt  }
0x4e: {  	_ =	shalt  }
0x4f: {  	_ =	shalt  }
0x50: {  	_ =	shalt  }
0x51: {  	_ =	shalt  }
0x52: {  	_ =	shalt  }
0x53: {  	_ =	shalt  }
0x54: {  	_ =	shalt  }
0x55: {  	_ =	shalt  }
0x56: {  	_ =	shalt  }
0x57: {  	_ =	shalt  }
0x58: {  	_ =	shalt  }
0x59: {  	_ =	shalt  }
0x5a: {  	_ =	shalt  }
0x5b: {  	_ =	shalt  }
0x5c: {  	_ =	shalt  }
0x5d: {  	_ =	shalt  }
0x5e: {  	_ =	shalt  }
0x5f: {  	_ =	shalt  }
0x60: {  	_ =	shalt  }
0x61: {  	_ =	shalt  }
0x62: {  	_ =	shalt  }
0x63: {  	_ =	shalt  }
0x64: {  	_ =	shalt  }
0x65: {  	_ =	shalt  }
0x66: {  	_ =	shalt  }
0x67: {  	_ =	shalt  }
0x68: {  	_ =	shalt  }
0x69: {  	_ =	shalt  }
0x6a: {  	_ =	shalt  }
0x6b: {  	_ =	shalt  }
0x6c: {  	_ =	shalt  }
0x6d: {  	_ =	shalt  }
0x6e: {  	_ =	shalt  }
0x6f: {  	_ =	shalt  }
0x70: {  	_ =	shalt  }
0x71: {  	_ =	shalt  }
0x72: {  	_ =	shalt  }
0x73: {  	_ =	shalt  }
0x74: {  	_ =	shalt  }
0x75: {  	_ =	shalt  }
0x76: {  	_ =	shalt  }
0x77: {  	_ =	shalt  }
0x78: {  	_ =	shalt  }
0x79: {  	_ =	shalt  }
0x7a: {  	_ =	shalt  }
0x7b: {  	_ =	shalt  }
0x7c: {  	_ =	shalt  }
0x7d: {  	_ =	shalt  }
0x7e: {  	_ =	shalt  }
0x7f: {  	_ =	shalt  }
0x80: {  	_ =	shalt  }
0x81: {  	_ =	shalt  }
0x82: {  	_ =	shalt  }
0x83: {  	_ =	shalt  }
0x84: {  	_ =	shalt  }
0x85: {  	_ =	shalt  }
0x86: {  	_ =	shalt  }
0x87: {  	_ =	shalt  }
.Lfunc_end0:
.L_simem_size_0:
called_computation.1_lowered:
.L_overlay_start_0:
0x88: {  	s2 =	sld [smem:$0x3FD9]  }
0x89: {  	s3 =	sld [smem:$0x3FFE];
	_ =	sdelay $0x1  }
0x8a: {  	s1 =	srdreg.scid  }
0x8b: {  	s0 =	sand.u32 $0x1, s1  }
0x8c: {  	s17 =	sshll.u32 s0, $0xA;
	s2 =	sadd.s32 s3, s2  }
0x8d: {  	s2 =	sadd.s32 s2, s17  }
0x8e: {  	[smem:$0x3FBA] =	sst s2  }
0x8f: {  	_ = 	snop  }
0x90: {  	s2 =	sld [smem:$0x3FC8];
	(tm) =	ssettm $0x1  }
0x91: {  	s18 =	sld [smem:$0x3FFB];
	_ =	sdelay $0x3  }
0x92: {  	_ =	strace s18  }
0x93: {  	s3 =	sld [smem:$0x3FFC];
	_ =	sdelay $0x3  }
0x94: {  	_ =	strace s3  }
0x95: {  	s3 =	sld [smem:$0x3FFD];
	_ =	sdelay $0x3  }
0x96: {  	_ =	strace s3  }
0x97: {  	_ =	strace $0x8FFFFFFF  }
0x98: {  	s19 =	sld [smem:$0x3FDB];
	_ =	sdelay $0x1  }
0x99: {  	s4 =	simm.s32 $_scs_section_size  }
0x9a: {  	s5 =	simm.s32 $_size__tile_overlayer_lowered;
	s6 =	simm.s32 $_tile_overlayer_lowered  }
0x9b: {  	s22 =	simm.s32 $0x1BFF;
	s21 =	sshll.u32 s6, $0x1;
	s3 =	sadd.s32 s4, s19  }
0x9c: {  	s7 =	simm.s32 $0x0;
	s20 =	sshll.u32 s5, $0x1;
	s5 =	sadd.s32 s21, s3  }
0x9d: {  	[timem:s7], [sflag:s22] =	dma.local [hbm:s5], s20  }
0x9e: {  	_ =	swait.ge [sflag:s22], s20  }
0x9f: {  	s4 =	ssub.s32 $0x0, s20;
	[sflag:s22] =	ssyncset.done $0x0  }
0xa0: {  	[sflag:s22] =	ssyncadd.s32 s4;
	_ =	sdelay $0x1  }
0xa1: {  	s23 =	simm.s32 $0x1B8B  }
0xa2: {  	_ =	swait.ge [sflag:s23], $0x1  }
0xa3: {  	[sflag:s23] =	ssyncset.done $0x0  }
0xa4: {  	s25 =	simm.s32 $0x1B8E;
	s24 =	sld [smem:$0x3FFE];
	[sflag:s23] =	ssyncadd.s32 $0xFFFFFFFF  }
0xa5: {  	s26 =	simm.s32 $execute0_lowered;
	[smem:$0x3FD2] =	sst s25  }
0xa6: {  	s5 =	sshll.u32 s26, $0x1;
	_ =	strace $0x80000049;
	[dreg:$0x1] =	wrdreg $0xFFFFFFFF  }
0xa7: {  	s28 =	simm.s32 $_size_execute0_lowered;
	s3 =	sadd.s32 s3, s5;
	[dreg:$0x0] =	wrdreg $0x0  }
0xa8: {  	s5 =	sshll.u32 s28, $0x1;
	[dreg:$0x2] =	wrdreg s3  }
0xa9: {  	[dreg:$0x3] =	wrdreg s5  }
0xaa: {  	[dreg:$0x4] =	wrdreg $0xC0  }
0xab: {  	_ =	task [dreg:s7], $0x5FFFF  }
0xac: {  	[dreg:$0x1] =	wrdreg $0xFFFFFFFF  }
0xad: {  	[dreg:$0x0] =	wrdreg $0x60  }
0xae: {  	[dreg:$0x2] =	wrdreg s24  }
0xaf: {  	[dreg:$0x3] =	wrdreg s2  }
0xb0: {  	[dreg:$0x4] =	wrdreg $0xC6000  }
0xb1: {  	[dreg:$0x5] =	wrdreg $0x9  }
0xb2: {  	_ =	task.clear_ibuf [dreg:s7], $0x6FFFF;
	_ =	strace $0x90000049  }
0xb3: {  	s29 =	simm.s32 $0x9;
	_ =	strace $0x8000004B  }
0xb4: {  	_ =	swait.ge [sflag:s29], $0x1  }
0xb5: {  	[sflag:s29] =	ssyncadd.s32 $0xFFFFFFFF  }
0xb6: {  	_ =	strace $0x9000004B  }
0xb7: {  	_ =	sfence  }
0xb8: {  	s30 =	sld [smem:$0x0];
	_ =	sdelay $0x2  }
0xb9: {  	s31 =	sshll.u32 s1, $0xD;
	s1 =	sshrl.u32 s1, $0x2  }
0xba: {  	s3 =	sand.u32 $0x4000, s31;
	s1 =	sadd.s32 s1, s30  }
0xbb: {  	s0 =	sor.u32 s3, s0;
	s1 =	sshll.u32 s1, $0x11  }
0xbc: {  	s0 =	sor.u32 s1, s0  }
0xbd: {  	s0 =	sadd.s32 $0x8F2B, s0  }
0xbe: {  	[sflag:s0] =	ssyncadd.remote.s32 $0x1  }
0xbf: {  	_ =	sfence.sel $0xFFFF  }
0xc0: {  	[dreg:$0x0] =	wrdreg $0xFFFFFFFF;
	(pc) =	sbr.abs _section_cstart, $3  }
0xc1: {  	[dreg:$0x1] =	wrdreg $0xFFFFFFFF  }
0xc2: {  	_ =	task.clear_ibuf [dreg:s7], $0x2FFFF;
	_ =	strace $0x9FFFFFFF  }
0xc3: {  	(tm) =	ssettm $0x7FFFFFFF  }
tec
execute0_lowered:
.L_overlay_start_1:
0x0: {  	(tag) =	ssettag $0x1  }
0x1: {  	s2 =	rddreg [dreg:$0x0]  }
0x2: {  	s0 =	rddreg [dreg:$0x1]  }
0x3: {  	s1 =	rddreg [dreg:$0x2];
	s3 =	simm.s32 $0x0;
	s4 =	srdreg.scid  }
0x4: {  	s16 =	stileid.u32;
	[smem:$0x7FF] =	sst s3;
	s6 =	sand.u32 $0x1, s4  }
0x5: {  	s5 =	sshll.u32 s16, $0x1;
	s4 =	sadd.s32 $0x3800, s2;
	s11 =	smul.u32 $0x2700, s16  }
0x6: {  	s2 =	sadd.s32 $0x2B800, s2;
	s10 =	smul.u32 $0x4E000, s16;
	s24 =	sadd.s32 $0x134800, s1  }
0x7: {  	p1 =	seq.s32 s16, $0xF;
	_ =	strace $0x8000004A;
	s26 =	smul.u32 $0x28000, s6  }
0x8: {  	s7 =	ssub.s32 $0x2, s6;
	s8 =	sor.u32 s6, s5;
	s15 =	smul.u32 $0x140000, s6  }
0x9: {  	s5 =	simm.s32 $0x33;
	[dreg:$0xe] =	wrdreg s24;
	s6 =	smul.u32 $0x4F, s6  }
0xa: {  	s18 =	sshrl.u32 s7, $0x1;
	s9 =	smul.u32 $0x4F00, s8;
	p0 =	seq.s32 s8, $0x1F  }
0xb: {  	s8 =	smul.u32 $0x9E0, s8;
	s10 =	sshrl.u32 s10, $0x2;
	s7 =	ssub.s32 s7, s18  }
0xc: {  	s5 =	simm.s32 @!p0 $0x4F;
	s10 =	sadd.s32 s10, s1;
	s18 =	smul.u32 $0x9E, s16  }
0xd: {  	s11 =	sadd.s32 s11, s26;
	s17 =	sshrl.u32 s15, $0x3;
	s20 =	smul.u32 $0x56, s5  }
0xe: {  	s9 =	sshrl.u32 s9, $0x3;
	s8 =	sadd.s32 s0, s8;
	s22 =	smul.u32 $0xAB, s5  }
0xf: {  	s23 =	sadd.s32 $0x10000, s10;
	s13 =	sadd.s32 $0xFFFFFFFF, s5;
	s14 =	sadd.s32 $0xFFFFFFFE, s5  }
0x10: {  	s11 =	sadd.s32 s2, s11;
	s2 =	sadd.s32 s2, s17;
	[dreg:$0x8] =	wrdreg s8  }
0x11: {  	s7 =	smax.u32 s7, $0x1;
	s28 =	sadd.s32 $0xC000, s10;
	[dreg:$0xd] =	wrdreg s23  }
0x12: {  	s29 =	sadd.s32 $0xFFFFFFFD, s5;
	s30 =	sadd.s32 $0xFFFFFFFC, s5;
	[dreg:$0x4] =	wrdreg s13  }
0x13: {  	s31 =	sadd.s32 $0xFFFFFFFB, s5;
	s9 =	sadd.s32 s0, s9;
	[dreg:$0xf] =	wrdreg s11  }
0x14: {  	s11 =	sadd.s32 $0x124800, s1;
	s2 =	sadd.s32 $0x24900, s2;
	[dreg:$0x11] =	wrdreg s7  }
0x15: {  	s23 =	sadd.s32 $0x4000, s10;
	s7 =	simm.s32 $0x2;
	[dreg:$0x10] =	wrdreg s2  }
0x16: {  	s19 =	sadd.s32 $0x20, s9;
	s12 =	sadd.s32 $0x40, s9;
	[dreg:$0x12] =	wrdreg s23  }
0x17: {  	s21 =	sadd.s32 $0x60, s9;
	s8 =	sshrl.u32 s20, $0x8;
	[dreg:$0x9] =	wrdreg s19  }
0x18: {  	s9 =	sadd.s32 $0x80, s9;
	s25 =	sadd.s32 $0x357, s22;
	[dreg:$0xa] =	wrdreg s12  }
0x19: {  	s20 =	sadd.s32 s6, s18;
	s6 =	simm.s32 $0x80;
	[dreg:$0xb] =	wrdreg s21  }
0x1a: {  	[dreg:$0xc] =	wrdreg s9;
	s8 =	smul.u32 $0x3, s8;
	s19 =	sadd.s32 $0xFFFFFFFA, s5  }
0x1b: {  	s9 =	sshrl.u32 s25, $0xA;
	s21 =	sadd.s32 $0xFFFFFFF9, s5;
	[dreg:$0x5] =	wrdreg s19  }
0x1c: {  	s2 =	sshll.u32 s20, $0x5;
	s22 =	smul.u32 $0x6, s9;
	[dreg:$0x6] =	wrdreg s21  }
0x1d: {  	s0 =	sadd.s32 s2, s0;
	s9 =	simm.s32 $0xA;
	s8 =	ssub.s32 s5, s8  }
0x1e: {  	s2 =	sadd.s32 $0xC0, s0;
	s24 =	sadd.s32 $0xA0, s0;
	[dreg:$0x7] =	wrdreg s22  }
0x1f: {  	s25 =	sadd.s32 $0x140, s0;
	s26 =	sadd.s32 $0x120, s0;
	[dreg:$0x13] =	wrdreg s2  }
0x20: {  	s15 =	sadd.s32 $0x100, s0;
	s13 =	sadd.s32 $0xE0, s0;
	[dreg:$0x14] =	wrdreg s24  }
0x21: {  	s0 =	simm.s32 $0x100;
	s2 =	sand.u32 $0xFF, s8;
	[dreg:$0x15] =	wrdreg s25  }
0x22: {  	[dreg:$0x16] =	wrdreg s26;
	s25 =	sshrl.u32 @p1 s11, $0x3;
	p0 =	seq.s32 s2, $0x0  }
0x23: {  	s26 =	sadd.s32 $0x8000, s10;
	s8 =	simm.s32 $0x600;
	p2 =	seq.s32 @!p0 s2, $0x2  }
0x24: {  	v0 =	vimm.f32 $0.0e+00;
	s11 =	simm.s32 $0x0;
	s2 =	simm.s32 $0x1;
	p2 =	por !p2, p0  }
.LBB2_1:
0x25: {  	s12 =	rddreg [dreg:$0x8]  }
0x26: {  	[tilespmem:s3], [sflag:$0x1] =	stream.linear.gather [hbm4b:s12+s3], $0x100, $0x38;
	[tilespmem:$0x1FE80] =	vst v63  }
0x27: {  	s16 =	rddreg [dreg:$0x9]  }
0x28: {  	[tilespmem:s0], [sflag:$0x2] =	stream.linear.gather [hbm4b:s16+s3], $0x100, $0x38;
	[tilespmem:$0x1FE80] =	vst v63  }
0x29: {  	s17 =	rddreg [dreg:$0xa];
	s16 =	simm.s32 $0x200  }
0x2a: {  	[tilespmem:s16], [sflag:$0x3] =	stream.linear.gather [hbm4b:s17+s3], $0x100, $0x38;
	[tilespmem:$0x1FE80] =	vst v63  }
0x2b: {  	_ =	swait.ge [sflag:s2], $0x100  }
0x2c: {  	[sflag:s2] =	ssyncset.done $0x0  }
0x2d: {  	s18 =	simm.s32 $0x4600;
	[sflag:s2] =	ssyncadd.s32 $0xFFFFFF00  }
0x2e: {  	[tilespmem:s18], [sflag:$0x5] =	stream.indirect.gather [hbm4b:s4+s6], $0x80, s3, s6, $0xb8;
	[tilespmem:$0x1FE80] =	vst v63  }
0x2f: {  	_ =	swait.ge [sflag:s7], $0x100  }
0x30: {  	[sflag:s7] =	ssyncset.done $0x0  }
0x31: {  	s19 =	simm.s32 $0x8600;
	s21 =	simm.s32 $0x300;
	[sflag:s7] =	ssyncadd.s32 $0xFFFFFF00  }
0x32: {  	[tilespmem:s19], [sflag:$0x6] =	stream.indirect.gather [hbm4b:s4+s6], $0x80, s0, s6, $0xb8;
	[tilespmem:$0x1FE80] =	vst v63  }
0x33: {  	s23 =	simm.s32 $0x400;
	s24 =	sand.u32 $0xFE00, s3;
	s20 =	rddreg [dreg:$0xb]  }
0x34: {  	[tilespmem:s21], [sflag:$0x1] =	stream.linear.gather [hbm4b:s20+s3], $0x100, $0x38;
	[tilespmem:$0x1FE80] =	vst v63  }
0x35: {  	s12 =	simm.s32 $0x40;
	s19 =	sand.u32 $0x70, s3;
	s20 =	sshrl.u32 s24, $0x2  }
0x36: {  	s22 =	rddreg [dreg:$0xc];
	s20 =	sor.u32 s19, s20;
	s19 =	simm.s32 $0x0  }
0x37: {  	[tilespmem:s23], [sflag:$0x2] =	stream.linear.gather [hbm4b:s22+s3], $0x100, $0x38;
	[tilespmem:$0x1FE80] =	vst v63  }
.LBB2_2:
0x38: {  	p3 =	seq.s32 s12, $0xFFC0  }
0x39: {  	[tilespmem:s20+$0x600] =	vst v0;
	s19 =	sadd.s32 $0x10, s19;
	s20 =	smov.u32 s12;
	s12 =	sadd.s32 $0x40, s12  }
.Ltmp0:
0x3a: {  	(pc) =	sbr.rel @!p3 .LBB2_2-.Ltmp0, $4  }
0x3b: {  	_ = 	snop  }
0x3c: {  	s20 =	sand.u32 $0xFE00, s20  }
0x3d: {  	s21 =	sand.u32 $0x70, s19;
	s20 =	sshrl.u32 s20, $0x2  }
0x3e: {  	s20 =	sor.u32 s21, s20  }
0x3f: {  	[tilespmem:s20+$0x600] =	vst v0  }
0x40: {  	[spmem:s10] =	stream.linear.scatter [tilespmem:s8], [sflag:$0xA], $0x4000, $0x38;
	[tilespmem:$0x1FE80] =	vst v63  }
0x41: {  	_ =	swait.ge [sflag:s9], $0x4000  }
0x42: {  	[sflag:s9] =	ssyncset.done $0x0  }
0x43: {  	s12 =	rddreg [dreg:$0x12];
	[sflag:s9] =	ssyncadd.s32 $0xFFFFC000  }
0x44: {  	[spmem:s12] =	stream.linear.scatter [tilespmem:s8], [sflag:$0xA], $0x4000, $0x38;
	[tilespmem:$0x1FE80] =	vst v63  }
0x45: {  	_ =	swait.ge [sflag:s9], $0x4000  }
0x46: {  	[sflag:s9] =	ssyncset.done $0x0  }
0x47: {  	[sflag:s9] =	ssyncadd.s32 $0xFFFFC000  }
0x48: {  	[spmem:s26] =	stream.linear.scatter [tilespmem:s8], [sflag:$0xA], $0x4000, $0x38;
	[tilespmem:$0x1FE80] =	vst v63  }
0x49: {  	_ =	swait.ge [sflag:s9], $0x4000  }
0x4a: {  	[sflag:s9] =	ssyncset.done $0x0  }
0x4b: {  	[sflag:s9] =	ssyncadd.s32 $0xFFFFC000  }
0x4c: {  	[spmem:s28] =	stream.linear.scatter [tilespmem:s8], [sflag:$0xA], $0x4000, $0x38;
	[tilespmem:$0x1FE80] =	vst v63  }
0x4d: {  	_ =	swait.ge [sflag:s9], $0x4000  }
0x4e: {  	[sflag:s9] =	ssyncset.done $0x0  }
0x4f: {  	s12 =	simm.s32 @p1 $0x600;
	s16 =	rddreg [dreg:$0xe];
	[sflag:s9] =	ssyncadd.s32 $0xFFFFC000  }
0x50: {  	[spmem:s16] =	stream.linear.scatter @p1 [tilespmem:s12], [sflag:$0xA], $0x4000, $0x38;
	[tilespmem:$0x1FE80] =	vst v63  }
0x51: {  	s12 =	simm.s32 @p1 $0xA  }
0x52: {  	_ =	swait.ge @p1 [sflag:s12], $0x4000  }
0x53: {  	[sflag:s12] =	ssyncset.done @p1 $0x0  }
0x54: {  	s16 =	rddreg [dreg:$0xd];
	[sflag:s12] =	ssyncadd.s32 @p1 $0xFFFFC000;
	s12 =	simm.s32 @!p1 $0x600  }
0x55: {  	[spmem:s16] =	stream.linear.scatter @!p1 [tilespmem:s12], [sflag:$0xA], $0x3800, $0x38;
	[tilespmem:$0x1FE80] =	vst v63  }
0x56: {  	s12 =	simm.s32 @!p1 $0xA  }
0x57: {  	_ =	swait.ge @!p1 [sflag:s12], $0x3800  }
0x58: {  	[sflag:s12] =	ssyncset.done @!p1 $0x0  }
0x59: {  	[sflag:s12] =	ssyncadd.s32 @!p1 $0xFFFFC800  }
0x5a: {  	[bflag:$0x0] =	sbarrier.arrive $0xFFFF  }
0x5b: {  	s22 =	rddreg [dreg:$0x16]  }
0x5c: {  	s21 =	rddreg [dreg:$0x15]  }
0x5d: {  	s24 =	smov.u32 s13;
	s20 =	rddreg [dreg:$0x14]  }
0x5e: {  	s23 =	smov.u32 s15;
	s12 =	simm.s32 $0x0;
	s19 =	rddreg [dreg:$0x13]  }
.LBB2_4:
0x5f: {  	p3 =	sge.u32 s12, s5  }
0x60: {  	p4 =	seq.s32 @!p3 s12, $0x0  }
0x61: {  	p4 =	por p4, p3  }
0x62: {  	s18 =	simm.s32 @!p4 $0x7  }
0x63: {  	p5 =	sge.u32 @!p3 s12, s14;
	_ =	swait.ge @!p4 [sflag:s18], $0x4000  }
0x64: {  	p5 =	por p5, p3;
	[sflag:s18] =	ssyncset.done @!p4 $0x0  }
0x65: {  	[sflag:s18] =	ssyncadd.s32 @!p4 $0xFFFFC000;
	s18 =	simm.s32 @!p5 $0x3  }
0x66: {  	_ =	swait.ge @!p5 [sflag:s18], $0x100  }
0x67: {  	s17 =	simm.s32 @!p5 $0x200;
	[sflag:s18] =	ssyncset.done @!p5 $0x0  }
0x68: {  	s16 =	simm.s32 @!p5 $0x600;
	[sflag:s18] =	ssyncadd.s32 @!p5 $0xFFFFFF00;
	s18 =	simm.s32 @!p5 $0x80  }
0x69: {  	[tilespmem:s16], [sflag:$0x4] =	stream.indirect.gather @!p5 [hbm4b:s4+s18], $0x80, s17, s18, $0xb8;
	[tilespmem:$0x1FE80] =	vst v63  }
0x6a: {  	s16 =	simm.s32 @!p3 $0x5  }
0x6b: {  	_ =	swait.ge @!p3 [sflag:s16], $0x4000  }
0x6c: {  	[sflag:s16] =	ssyncset.done @!p3 $0x0  }
0x6d: {  	s17 =	simm.s32 @!p3 $0x4600;
	[sflag:s16] =	ssyncadd.s32 @!p3 $0xFFFFC000;
	s16 =	simm.s32 @!p3 $0x80  }
0x6e: {  	[spmem:s1] =	stream.indirect.scatter.add.f32 @!p3 [tilespmem:s17], [sflag:$0x8], $0x80, s16, s16, $0xb8;
	[tilespmem:$0x1FE80] =	vst v63  }
0x6f: {  	s16 =	sadd.s32 @!p3 $0x5, s12  }
0x70: {  	p4 =	sge.u32 @!p3 s16, s5  }
0x71: {  	p3 =	por p4, p3  }
0x72: {  	s16 =	rddreg [dreg:$0x4];
	s17 =	simm.s32 @!p3 $0x0;
	s18 =	simm.s32 @!p3 $0x500  }
0x73: {  	[tilespmem:s18], [sflag:$0x3] =	stream.linear.gather @!p3 [hbm4b:s20+s17], $0x100, $0x38;
	[tilespmem:$0x1FE80] =	vst v63  }
0x74: {  	p3 =	sge.u32 s12, s16  }
0x75: {  	s16 =	simm.s32 @!p3 $0x8  }
0x76: {  	p4 =	sge.u32 @!p3 s12, s29;
	_ =	swait.ge @!p3 [sflag:s16], $0x4000  }
0x77: {  	p4 =	por p4, p3;
	[sflag:s16] =	ssyncset.done @!p3 $0x0  }
0x78: {  	[sflag:s16] =	ssyncadd.s32 @!p3 $0xFFFFC000;
	s16 =	simm.s32 @!p4 $0x1  }
0x79: {  	_ =	swait.ge @!p4 [sflag:s16], $0x100  }
0x7a: {  	s17 =	simm.s32 @!p4 $0x300;
	[sflag:s16] =	ssyncset.done @!p4 $0x0  }
0x7b: {  	s18 =	simm.s32 @!p4 $0x4600;
	[sflag:s16] =	ssyncadd.s32 @!p4 $0xFFFFFF00;
	s16 =	simm.s32 @!p4 $0x80  }
0x7c: {  	[tilespmem:s18], [sflag:$0x5] =	stream.indirect.gather @!p4 [hbm4b:s4+s16], $0x80, s17, s16, $0xb8;
	[tilespmem:$0x1FE80] =	vst v63  }
0x7d: {  	s16 =	simm.s32 @!p3 $0x6  }
0x7e: {  	_ =	swait.ge @!p3 [sflag:s16], $0x4000  }
0x7f: {  	s17 =	simm.s32 @!p3 $0x180;
	[sflag:s16] =	ssyncset.done @!p3 $0x0  }
0x80: {  	s18 =	simm.s32 @!p3 $0x8600;
	[sflag:s16] =	ssyncadd.s32 @!p3 $0xFFFFC000;
	s16 =	simm.s32 @!p3 $0x80  }
0x81: {  	[spmem:s1] =	stream.indirect.scatter.add.f32 @!p3 [tilespmem:s18], [sflag:$0x9], $0x80, s17, s16, $0xb8;
	[tilespmem:$0x1FE80] =	vst v63  }
0x82: {  	s16 =	sadd.s32 @!p3 $0x6, s12  }
0x83: {  	p4 =	sge.u32 @!p3 s16, s5  }
0x84: {  	p3 =	por p4, p3  }
0x85: {  	s16 =	simm.s32 @!p3 $0x0  }
0x86: {  	[tilespmem:s16], [sflag:$0x1] =	stream.linear.gather @!p3 [hbm4b:s19+s16], $0x100, $0x38;
	[tilespmem:$0x1FE80] =	vst v63  }
0x87: {  	p3 =	sge.u32 s12, s14  }
0x88: {  	s16 =	simm.s32 @!p3 $0x9  }
0x89: {  	p4 =	sge.u32 @!p3 s12, s30;
	_ =	swait.ge @!p3 [sflag:s16], $0x4000  }
0x8a: {  	p4 =	por p4, p3;
	[sflag:s16] =	ssyncset.done @!p3 $0x0  }
0x8b: {  	[sflag:s16] =	ssyncadd.s32 @!p3 $0xFFFFC000;
	s16 =	simm.s32 @!p4 $0x2  }
0x8c: {  	_ =	swait.ge @!p4 [sflag:s16], $0x100  }
0x8d: {  	s17 =	simm.s32 @!p4 $0x400;
	[sflag:s16] =	ssyncset.done @!p4 $0x0  }
0x8e: {  	s18 =	simm.s32 @!p4 $0x8600;
	[sflag:s16] =	ssyncadd.s32 @!p4 $0xFFFFFF00;
	s16 =	simm.s32 @!p4 $0x80  }
0x8f: {  	[tilespmem:s18], [sflag:$0x6] =	stream.indirect.gather @!p4 [hbm4b:s4+s16], $0x80, s17, s16, $0xb8;
	[tilespmem:$0x1FE80] =	vst v63  }
0x90: {  	s16 =	simm.s32 @!p3 $0x4  }
0x91: {  	_ =	swait.ge @!p3 [sflag:s16], $0x4000  }
0x92: {  	s17 =	simm.s32 @!p3 $0x280;
	[sflag:s16] =	ssyncset.done @!p3 $0x0  }
0x93: {  	s18 =	simm.s32 @!p3 $0x600;
	[sflag:s16] =	ssyncadd.s32 @!p3 $0xFFFFC000;
	s16 =	simm.s32 @!p3 $0x80  }
0x94: {  	[spmem:s1] =	stream.indirect.scatter.add.f32 @!p3 [tilespmem:s18], [sflag:$0x7], $0x80, s17, s16, $0xb8;
	[tilespmem:$0x1FE80] =	vst v63  }
0x95: {  	s16 =	sadd.s32 @!p3 $0x7, s12  }
0x96: {  	p4 =	sge.u32 @!p3 s16, s5  }
0x97: {  	p3 =	por p4, p3  }
0x98: {  	s16 =	simm.s32 @!p3 $0x0;
	s17 =	simm.s32 @!p3 $0x100  }
0x99: {  	[tilespmem:s17], [sflag:$0x2] =	stream.linear.gather @!p3 [hbm4b:s24+s16], $0x100, $0x38;
	[tilespmem:$0x1FE80] =	vst v63  }
0x9a: {  	p3 =	sge.u32 s12, s29  }
0x9b: {  	s16 =	simm.s32 @!p3 $0x7  }
0x9c: {  	p4 =	sge.u32 @!p3 s12, s31;
	_ =	swait.ge @!p3 [sflag:s16], $0x4000  }
0x9d: {  	p4 =	por p4, p3;
	[sflag:s16] =	ssyncset.done @!p3 $0x0  }
0x9e: {  	[sflag:s16] =	ssyncadd.s32 @!p3 $0xFFFFC000;
	s16 =	simm.s32 @!p4 $0x3  }
0x9f: {  	_ =	swait.ge @!p4 [sflag:s16], $0x100  }
0xa0: {  	s17 =	simm.s32 @!p4 $0x500;
	[sflag:s16] =	ssyncset.done @!p4 $0x0  }
0xa1: {  	s18 =	simm.s32 @!p4 $0x600;
	[sflag:s16] =	ssyncadd.s32 @!p4 $0xFFFFFF00;
	s16 =	simm.s32 @!p4 $0x80  }
0xa2: {  	[tilespmem:s18], [sflag:$0x4] =	stream.indirect.gather @!p4 [hbm4b:s4+s16], $0x80, s17, s16, $0xb8;
	[tilespmem:$0x1FE80] =	vst v63  }
0xa3: {  	s16 =	simm.s32 @!p3 $0x5  }
0xa4: {  	_ =	swait.ge @!p3 [sflag:s16], $0x4000  }
0xa5: {  	s17 =	simm.s32 @!p3 $0x380;
	[sflag:s16] =	ssyncset.done @!p3 $0x0  }
0xa6: {  	s18 =	simm.s32 @!p3 $0x4600;
	[sflag:s16] =	ssyncadd.s32 @!p3 $0xFFFFC000;
	s16 =	simm.s32 @!p3 $0x80  }
0xa7: {  	[spmem:s1] =	stream.indirect.scatter.add.f32 @!p3 [tilespmem:s18], [sflag:$0x8], $0x80, s17, s16, $0xb8;
	[tilespmem:$0x1FE80] =	vst v63  }
0xa8: {  	s16 =	sadd.s32 @!p3 $0x8, s12  }
0xa9: {  	p4 =	sge.u32 @!p3 s16, s5  }
0xaa: {  	p3 =	por p4, p3  }
0xab: {  	s16 =	simm.s32 @!p3 $0x0;
	s17 =	simm.s32 @!p3 $0x200  }
0xac: {  	[tilespmem:s17], [sflag:$0x3] =	stream.linear.gather @!p3 [hbm4b:s23+s16], $0x100, $0x38;
	[tilespmem:$0x1FE80] =	vst v63  }
0xad: {  	p3 =	sge.u32 s12, s30  }
0xae: {  	s16 =	simm.s32 @!p3 $0x8  }
0xaf: {  	_ =	swait.ge @!p3 [sflag:s16], $0x4000  }
0xb0: {  	s17 =	rddreg [dreg:$0x5]  }
0xb1: {  	p4 =	sge.u32 @!p3 s12, s17  }
0xb2: {  	[sflag:s16] =	ssyncset.done @!p3 $0x0;
	p4 =	por p4, p3  }
0xb3: {  	[sflag:s16] =	ssyncadd.s32 @!p3 $0xFFFFC000;
	s16 =	simm.s32 @!p4 $0x1  }
0xb4: {  	_ =	swait.ge @!p4 [sflag:s16], $0x100  }
0xb5: {  	s17 =	simm.s32 @!p4 $0x0;
	[sflag:s16] =	ssyncset.done @!p4 $0x0  }
0xb6: {  	s18 =	simm.s32 @!p4 $0x4600;
	[sflag:s16] =	ssyncadd.s32 @!p4 $0xFFFFFF00;
	s16 =	simm.s32 @!p4 $0x80  }
0xb7: {  	[tilespmem:s18], [sflag:$0x5] =	stream.indirect.gather @!p4 [hbm4b:s4+s16], $0x80, s17, s16, $0xb8;
	[tilespmem:$0x1FE80] =	vst v63  }
0xb8: {  	s16 =	simm.s32 @!p3 $0x6  }
0xb9: {  	_ =	swait.ge @!p3 [sflag:s16], $0x4000  }
0xba: {  	s17 =	simm.s32 @!p3 $0x480;
	[sflag:s16] =	ssyncset.done @!p3 $0x0  }
0xbb: {  	s18 =	simm.s32 @!p3 $0x8600;
	[sflag:s16] =	ssyncadd.s32 @!p3 $0xFFFFC000;
	s16 =	simm.s32 @!p3 $0x80  }
0xbc: {  	[spmem:s1] =	stream.indirect.scatter.add.f32 @!p3 [tilespmem:s18], [sflag:$0x9], $0x80, s17, s16, $0xb8;
	[tilespmem:$0x1FE80] =	vst v63  }
0xbd: {  	s16 =	sadd.s32 @!p3 $0x9, s12  }
0xbe: {  	p4 =	sge.u32 @!p3 s16, s5  }
0xbf: {  	p3 =	por p4, p3  }
0xc0: {  	s16 =	simm.s32 @!p3 $0x0;
	s17 =	simm.s32 @!p3 $0x300  }
0xc1: {  	[tilespmem:s17], [sflag:$0x1] =	stream.linear.gather @!p3 [hbm4b:s22+s16], $0x100, $0x38;
	[tilespmem:$0x1FE80] =	vst v63  }
0xc2: {  	p3 =	sge.u32 s12, s31  }
0xc3: {  	s16 =	simm.s32 @!p3 $0x9  }
0xc4: {  	_ =	swait.ge @!p3 [sflag:s16], $0x4000  }
0xc5: {  	s17 =	rddreg [dreg:$0x6]  }
0xc6: {  	p4 =	sge.u32 @!p3 s12, s17  }
0xc7: {  	[sflag:s16] =	ssyncset.done @!p3 $0x0;
	p4 =	por p4, p3  }
0xc8: {  	[sflag:s16] =	ssyncadd.s32 @!p3 $0xFFFFC000;
	s16 =	simm.s32 @!p4 $0x2  }
0xc9: {  	_ =	swait.ge @!p4 [sflag:s16], $0x100  }
0xca: {  	s17 =	simm.s32 @!p4 $0x100;
	[sflag:s16] =	ssyncset.done @!p4 $0x0  }
0xcb: {  	s18 =	simm.s32 @!p4 $0x8600;
	[sflag:s16] =	ssyncadd.s32 @!p4 $0xFFFFFF00;
	s16 =	simm.s32 @!p4 $0x80  }
0xcc: {  	[tilespmem:s18], [sflag:$0x6] =	stream.indirect.gather @!p4 [hbm4b:s4+s16], $0x80, s17, s16, $0xb8;
	[tilespmem:$0x1FE80] =	vst v63  }
0xcd: {  	s16 =	simm.s32 @!p3 $0x4  }
0xce: {  	_ =	swait.ge @!p3 [sflag:s16], $0x4000  }
0xcf: {  	s17 =	simm.s32 @!p3 $0x580;
	[sflag:s16] =	ssyncset.done @!p3 $0x0  }
0xd0: {  	s18 =	simm.s32 @!p3 $0x600;
	[sflag:s16] =	ssyncadd.s32 @!p3 $0xFFFFC000;
	s16 =	simm.s32 @!p3 $0x80  }
0xd1: {  	[spmem:s1] =	stream.indirect.scatter.add.f32 @!p3 [tilespmem:s18], [sflag:$0x7], $0x80, s17, s16, $0xb8;
	[tilespmem:$0x1FE80] =	vst v63  }
0xd2: {  	s16 =	sadd.s32 @!p3 $0xA, s12  }
0xd3: {  	p4 =	sge.u32 @!p3 s16, s5  }
0xd4: {  	s18 =	rddreg [dreg:$0x7];
	p3 =	por p4, p3  }
0xd5: {  	s12 =	sadd.s32 $0x6, s12;
	s16 =	simm.s32 @!p3 $0x0;
	s17 =	simm.s32 @!p3 $0x400  }
0xd6: {  	[tilespmem:s17], [sflag:$0x2] =	stream.linear.gather @!p3 [hbm4b:s21+s16], $0x100, $0x38;
	[tilespmem:$0x1FE80] =	vst v63  }
0xd7: {  	p3 =	sne.s32 s18, s12  }
.Ltmp1:
0xd8: {  	_ = 	snop;
	(pc) =	sbr.rel @p3 .LBB2_4-.Ltmp1, $3  }
0xd9: {  	_ =	sdelay $0x1  }
0xda: {  	s20 =	sadd.s32 $0xC0, s20;
	s19 =	sadd.s32 $0xC0, s19;
	s24 =	sadd.s32 $0xC0, s24  }
0xdb: {  	s23 =	sadd.s32 $0xC0, s23;
	s22 =	sadd.s32 $0xC0, s22;
	s21 =	sadd.s32 $0xC0, s21  }
0xdc: {  	s12 =	simm.s32 @!p2 $0x9  }
0xdd: {  	s12 =	simm.s32 @p2 $0x8  }
0xde: {  	s12 =	simm.s32 @p0 $0x7  }
0xdf: {  	_ =	swait.ge [sflag:s12], $0x4000  }
0xe0: {  	[sflag:s12] =	ssyncset.done $0x0  }
0xe1: {  	[sflag:s12] =	ssyncadd.s32 $0xFFFFC000  }
0xe2: {  	[bflag:$0x0] =	sbarrier.arrive $0xFFFF  }
0xe3: {  	s12 =	simm.s32 @p1 $0x1FCA;
	s16 =	rddreg [dreg:$0x10]  }
0xe4: {  	[hbm:s16], [sflag:s12] =	dma.local @p1 [spmem:s25], $0x2800  }
0xe5: {  	s12 =	simm.s32 @p1 $0xA  }
0xe6: {  	s16 =	stileid.u32;
	_ =	swait.ge @p1 [sflag:s12], $0x2800  }
0xe7: {  	s16 =	sshll.u32 @!p1 s16, $0x6;
	[sflag:s12] =	ssyncset.done @p1 $0x0;
	s17 =	rddreg [dreg:$0xf]  }
0xe8: {  	[sflag:s12] =	ssyncadd.s32 @p1 $0xFFFFD800;
	s12 =	sor.u32 @!p1 $0x1C0A, s16;
	s16 =	sshrl.u32 @!p1 s10, $0x3  }
0xe9: {  	[hbm:s17], [sflag:s12] =	dma.local @!p1 [spmem:s16], $0x2700  }
0xea: {  	s12 =	simm.s32 @!p1 $0xA  }
0xeb: {  	_ =	swait.ge @!p1 [sflag:s12], $0x2700  }
0xec: {  	s11 =	sadd.s32 $0x1, s11;
	s24 =	rddreg [dreg:$0x11]  }
0xed: {  	p3 =	sne.s32 s11, s24  }
.Ltmp2:
0xee: {  	_ = 	snop;
	(pc) =	sbr.rel @p3 .LBB2_1-.Ltmp2, $3  }
0xef: {  	_ =	sdelay $0x1  }
0xf0: {  	[sflag:s12] =	ssyncset.done @!p1 $0x0  }
0xf1: {  	[sflag:s12] =	ssyncadd.s32 @!p1 $0xFFFFD900  }
0xf2: {  	_ =	sfence.sel $0x180000  }
0xf3: {  	[bflag:$0x0] =	sbarrier.arrive $0xFFFF  }
0xf4: {  	_ =	strace $0x9000004A  }
0xf5: {  	s0 =	stileid.u32;
	[bflag:$0x2] =	sbarrier.arrive $0xFFFF  }
0xf6: {  	p0 =	sne.s32 s0, $0x0;
	s0 =	rddreg [dreg:$0x3]  }
0xf7: {  	s0 =	sadd.s32 @!p0 $0x100000, s0  }
0xf8: {  	[sflag:s0] =	ssyncadd.tile.s32 @!p0 $0x1;
	_ =	shalt  }
.Lfunc_end2:
_tile_overlayer_lowered:
.L_overlay_start_2:
0xf9: {  	(tag) =	ssettag $0x2  }
0xfa: {  	s0 =	rddreg [dreg:$0x0];
	s2 =	stileid.u32  }
0xfb: {  	s1 =	rddreg [dreg:$0x1];
	p0 =	sne.s32 s2, $0x0  }
0xfc: {  	s3 =	rddreg [dreg:$0x2];
	[bflag:$0x3] =	sbarrier.arrive $0xFFFF;
	s2 =	simm.s32 @!p0 $0x1C0A  }
0xfd: {  	[timem:s3], [sflag:s2] =	dma.local @!p0 [hbm:s0], s1  }
0xfe: {  	s0 =	simm.s32 @!p0 $0xA  }
0xff: {  	_ =	swait.ge @!p0 [sflag:s0], s1  }
0x100: {  	s1 =	ssub.s32 @!p0 $0x0, s1;
	[sflag:s0] =	ssyncset.done @!p0 $0x0  }
0x101: {  	[sflag:s0] =	ssyncadd.s32 @!p0 s1  }
0x102: {  	[bflag:$0x3] =	sbarrier.arrive $0xFFFF  }
0x103: {  	_ =	shalt  }

// kernel: sc_segment_sum.7.cloned.1.call-start
scs
__scs_entry_jumppad:
0x0: {  	(pc) =	sbr.rel $0x88, $3  }
0x1: {  	(tag) =	ssettag $0x0;
	lr =	simm.s32 $0x1  }
0x2: {  	[smem:$0x3F93] =	sst lr;
	_ =	strace $0xD0000000  }
0x3: {  	_ = 	snop  }
0x4: {  	_ = 	snop  }
0x5: {  	_ = 	snop  }
0x6: {  	_ = 	snop  }
0x7: {  	_ = 	snop  }
__scs_overlays_trampoline_lowered:
0x8: {  	[smem:$0x3FA2] =	sst s0  }
0x9: {  	[smem:$0x3FA3] =	sst s1  }
0xa: {  	[smem:$0x3FA4] =	sst s2  }
0xb: {  	[smem:$0x3FA5] =	sst s3  }
0xc: {  	[smem:$0x3FA6] =	sst s4  }
0xd: {  	[smem:$0x3FA7] =	sst s5  }
0xe: {  	[smem:$0x3FA8] =	sst s6  }
0xf: {  	[smem:$0x3FA9] =	sst s7  }
0x10: {  	[smem:$0x3FAA] =	sst s8  }
0x11: {  	[smem:$0x3FAB] =	sst s9;
	s0 =	simm.s32 @!p0 $0x0  }
0x12: {  	s1 =	sld [smem:$0x3F91];
	s0 =	simm.s32 @p0 $0x1  }
0x13: {  	[smem:$0x3FAC] =	sst s0;
	s0 =	simm.s32 @!p1 $0x0  }
0x14: {  	s2 =	sld [smem:$0x3F90];
	s0 =	simm.s32 @p1 $0x1  }
0x15: {  	[smem:$0x3FAD] =	sst s0;
	s0 =	simm.s32 @!p2 $0x0  }
0x16: {  	s3 =	sld [smem:$0x3FDB];
	s0 =	simm.s32 @p2 $0x1  }
0x17: {  	s4 =	simm.s32 $0x1BF5;
	[smem:$0x3FAF] =	sst s0  }
0x18: {  	s0 =	sld [smem:$0x3F92];
	_ =	swait.ge [sflag:s4], $0x0  }
0x19: {  	s7 =	sld [smem:$0x3F93]  }
0x1a: {  	s8 =	sadd.s32 $0xFFFFE003, lr  }
0x1b: {  	s9 =	sadd.s32 $0xFFFFFEF7, lr;
	s5 =	simm.s32 $0xFFFFFFFF;
	p2 =	slt.u32 s8, $0xFFFFF086  }
0x1c: {  	p1 =	slt.u32 s9, $0xF7A;
	s5 =	simm.s32 @!p2 $0x0  }
0x1d: {  	s5 =	simm.s32 @p1 $0x1;
	p0 =	seq.s32 s7, s2  }
0x1e: {  	s7 =	smul.u32 @!p0 $0xF7A, s2;
	p2 =	seq.s32 @!p0 s5, $0x0  }
0x1f: {  	s9 =	smul.u32 $0xF7A, s1;
	s8 =	simm.s32 @!p0 $0x1BF5;
	p2 =	por !p2, p0  }
0x20: {  	[sflag:s8] =	ssyncset.s32 @!p0 $0xFFFFF086;
	s6 =	sadd.s32 @!p0 s3, s7;
	s7 =	simm.s32 @!p0 $0x108  }
0x21: {  	s3 =	sadd.s32 s3, s9;
	s6 =	sadd.s32 @!p0 $0x88, s6;
	s7 =	simm.s32 @p2 $0x1082  }
0x22: {  	[simem:s7], [sflag:s8] =	dma.local @!p0 [hbm:s6], $0xF7A  }
0x23: {  	s9 =	sor.u32 $0xD0000000, s2;
	s6 =	simm.s32 $0x108;
	_ =	swait.ge @!p0 [sflag:s8], $0x0  }
0x24: {  	s3 =	sadd.s32 $0x88, s3;
	s6 =	simm.s32 @!p1 $0x1082;
	[sflag:s4] =	ssyncset.s32 $0xFFFFF086  }
0x25: {  	[simem:s6], [sflag:s4] =	dma.local [hbm:s3], $0xF7A  }
0x26: {  	[smem:$0x3F93] =	sst s1;
	(tag) =	ssettag s2;
	_ =	strace s9  }
0x27: {  	s1 =	sld [smem:$0x3FA3]  }
0x28: {  	s2 =	sld [smem:$0x3FA4]  }
0x29: {  	s4 =	sld [smem:$0x3FA6]  }
0x2a: {  	p0 =	seq.s32 s5, $0x0;
	s5 =	sld [smem:$0x3FA7]  }
0x2b: {  	s6 =	sld [smem:$0x3FA8]  }
0x2c: {  	s7 =	sld [smem:$0x3FA9]  }
0x2d: {  	s3 =	simm.s32 $0x108;
	s8 =	sld [smem:$0x3FAA]  }
0x2e: {  	s3 =	simm.s32 @!p0 $0x1082;
	s9 =	sld [smem:$0x3FAB]  }
0x2f: {  	lr =	sadd.s32 s0, s3;
	s0 =	sld [smem:$0x3FA2]  }
0x30: {  	s3 =	sld [smem:$0x3FA5]  }
0x31: {  	[smem:$0x3FAE] =	sst s10  }
0x32: {  	s10 =	sld [smem:$0x3FAC];
	_ =	sdelay $0x3  }
0x33: {  	p0 =	seq.s32 s10, $0x1;
	s10 =	sld [smem:$0x3FAE];
	_ =	sdelay $0x3  }
0x34: {  	[smem:$0x3FAE] =	sst s10  }
0x35: {  	s10 =	sld [smem:$0x3FAD];
	_ =	sdelay $0x3  }
0x36: {  	p1 =	seq.s32 s10, $0x1;
	s10 =	sld [smem:$0x3FAE];
	_ =	sdelay $0x3  }
0x37: {  	[smem:$0x3FAE] =	sst s10  }
0x38: {  	s10 =	sld [smem:$0x3FAF]  }
0x39: {  	_ = 	snop;
	(pc) =	sbr.ind lr, $3  }
0x3a: {  	_ = 	snop  }
0x3b: {  	_ = 	snop  }
0x3c: {  	p2 =	seq.s32 s10, $0x1;
	s10 =	sld [smem:$0x3FAE]  }
0x3d: {  	_ =	shalt  }
0x3e: {  	_ =	shalt  }
0x3f: {  	_ =	shalt  }
0x40: {  	_ =	shalt  }
0x41: {  	_ =	shalt  }
0x42: {  	_ =	shalt  }
0x43: {  	_ =	shalt  }
0x44: {  	_ =	shalt  }
0x45: {  	_ =	shalt  }
0x46: {  	_ =	shalt  }
0x47: {  	_ =	shalt  }
0x48: {  	_ =	shalt  }
0x49: {  	_ =	shalt  }
0x4a: {  	_ =	shalt  }
0x4b: {  	_ =	shalt  }
0x4c: {  	_ =	shalt  }
0x4d: {  	_ =	shalt  }
0x4e: {  	_ =	shalt  }
0x4f: {  	_ =	shalt  }
0x50: {  	_ =	shalt  }
0x51: {  	_ =	shalt  }
0x52: {  	_ =	shalt  }
0x53: {  	_ =	shalt  }
0x54: {  	_ =	shalt  }
0x55: {  	_ =	shalt  }
0x56: {  	_ =	shalt  }
0x57: {  	_ =	shalt  }
0x58: {  	_ =	shalt  }
0x59: {  	_ =	shalt  }
0x5a: {  	_ =	shalt  }
0x5b: {  	_ =	shalt  }
0x5c: {  	_ =	shalt  }
0x5d: {  	_ =	shalt  }
0x5e: {  	_ =	shalt  }
0x5f: {  	_ =	shalt  }
0x60: {  	_ =	shalt  }
0x61: {  	_ =	shalt  }
0x62: {  	_ =	shalt  }
0x63: {  	_ =	shalt  }
0x64: {  	_ =	shalt  }
0x65: {  	_ =	shalt  }
0x66: {  	_ =	shalt  }
0x67: {  	_ =	shalt  }
0x68: {  	_ =	shalt  }
0x69: {  	_ =	shalt  }
0x6a: {  	_ =	shalt  }
0x6b: {  	_ =	shalt  }
0x6c: {  	_ =	shalt  }
0x6d: {  	_ =	shalt  }
0x6e: {  	_ =	shalt  }
0x6f: {  	_ =	shalt  }
0x70: {  	_ =	shalt  }
0x71: {  	_ =	shalt  }
0x72: {  	_ =	shalt  }
0x73: {  	_ =	shalt  }
0x74: {  	_ =	shalt  }
0x75: {  	_ =	shalt  }
0x76: {  	_ =	shalt  }
0x77: {  	_ =	shalt  }
0x78: {  	_ =	shalt  }
0x79: {  	_ =	shalt  }
0x7a: {  	_ =	shalt  }
0x7b: {  	_ =	shalt  }
0x7c: {  	_ =	shalt  }
0x7d: {  	_ =	shalt  }
0x7e: {  	_ =	shalt  }
0x7f: {  	_ =	shalt  }
0x80: {  	_ =	shalt  }
0x81: {  	_ =	shalt  }
0x82: {  	_ =	shalt  }
0x83: {  	_ =	shalt  }
0x84: {  	_ =	shalt  }
0x85: {  	_ =	shalt  }
0x86: {  	_ =	shalt  }
0x87: {  	_ =	shalt  }
.Lfunc_end0:
.L_simem_size_0:
called_computation.2_lowered:
.L_overlay_start_0:
0x88: {  	s2 =	sld [smem:$0x3FD9]  }
0x89: {  	s3 =	sld [smem:$0x3FFE];
	_ =	sdelay $0x1  }
0x8a: {  	s1 =	srdreg.scid  }
0x8b: {  	s0 =	sand.u32 $0x1, s1  }
0x8c: {  	s17 =	sshll.u32 s0, $0xA;
	s2 =	sadd.s32 s3, s2  }
0x8d: {  	s2 =	sadd.s32 s2, s17  }
0x8e: {  	[smem:$0x3FBA] =	sst s2  }
0x8f: {  	_ = 	snop  }
0x90: {  	s2 =	sld [smem:$0x3FC8];
	(tm) =	ssettm $0x1  }
0x91: {  	s18 =	sld [smem:$0x3FFB];
	_ =	sdelay $0x3  }
0x92: {  	_ =	strace s18  }
0x93: {  	s3 =	sld [smem:$0x3FFC];
	_ =	sdelay $0x3  }
0x94: {  	_ =	strace s3  }
0x95: {  	s3 =	sld [smem:$0x3FFD];
	_ =	sdelay $0x3  }
0x96: {  	_ =	strace s3  }
0x97: {  	_ =	strace $0x8FFFFFFF  }
0x98: {  	s19 =	sld [smem:$0x3FDB];
	_ =	sdelay $0x1  }
0x99: {  	s4 =	simm.s32 $_scs_section_size  }
0x9a: {  	s5 =	simm.s32 $_size__tile_overlayer_lowered;
	s6 =	simm.s32 $_tile_overlayer_lowered  }
0x9b: {  	s22 =	simm.s32 $0x1BFF;
	s21 =	sshll.u32 s6, $0x1;
	s3 =	sadd.s32 s4, s19  }
0x9c: {  	s7 =	simm.s32 $0x0;
	s20 =	sshll.u32 s5, $0x1;
	s5 =	sadd.s32 s21, s3  }
0x9d: {  	[timem:s7], [sflag:s22] =	dma.local [hbm:s5], s20  }
0x9e: {  	_ =	swait.ge [sflag:s22], s20  }
0x9f: {  	s4 =	ssub.s32 $0x0, s20;
	[sflag:s22] =	ssyncset.done $0x0  }
0xa0: {  	[sflag:s22] =	ssyncadd.s32 s4;
	_ =	sdelay $0x1  }
0xa1: {  	s23 =	simm.s32 $0x1B8B  }
0xa2: {  	_ =	swait.ge [sflag:s23], $0x1  }
0xa3: {  	[sflag:s23] =	ssyncset.done $0x0  }
0xa4: {  	s25 =	simm.s32 $0x1B8E;
	s24 =	sld [smem:$0x3FFE];
	[sflag:s23] =	ssyncadd.s32 $0xFFFFFFFF  }
0xa5: {  	s26 =	simm.s32 $execute0_lowered;
	[smem:$0x3FD2] =	sst s25  }
0xa6: {  	s5 =	sshll.u32 s26, $0x1;
	_ =	strace $0x8000004C;
	[dreg:$0x1] =	wrdreg $0xFFFFFFFF  }
0xa7: {  	s28 =	simm.s32 $_size_execute0_lowered;
	s3 =	sadd.s32 s3, s5;
	[dreg:$0x0] =	wrdreg $0x0  }
0xa8: {  	s5 =	sshll.u32 s28, $0x1;
	[dreg:$0x2] =	wrdreg s3  }
0xa9: {  	[dreg:$0x3] =	wrdreg s5  }
0xaa: {  	[dreg:$0x4] =	wrdreg $0xC0  }
0xab: {  	_ =	task [dreg:s7], $0x5FFFF  }
0xac: {  	[dreg:$0x1] =	wrdreg $0xFFFFFFFF  }
0xad: {  	[dreg:$0x0] =	wrdreg $0x60  }
0xae: {  	[dreg:$0x2] =	wrdreg s24  }
0xaf: {  	[dreg:$0x3] =	wrdreg s2  }
0xb0: {  	[dreg:$0x4] =	wrdreg $0xC6000  }
0xb1: {  	[dreg:$0x5] =	wrdreg $0x9  }
0xb2: {  	_ =	task.clear_ibuf [dreg:s7], $0x6FFFF;
	_ =	strace $0x9000004C  }
0xb3: {  	s29 =	simm.s32 $0x9;
	_ =	strace $0x8000004E  }
0xb4: {  	_ =	swait.ge [sflag:s29], $0x1  }
0xb5: {  	[sflag:s29] =	ssyncadd.s32 $0xFFFFFFFF  }
0xb6: {  	_ =	strace $0x9000004E  }
0xb7: {  	_ =	sfence  }
0xb8: {  	s30 =	sld [smem:$0x0];
	_ =	sdelay $0x2  }
0xb9: {  	s31 =	sshll.u32 s1, $0xD;
	s1 =	sshrl.u32 s1, $0x2  }
0xba: {  	s3 =	sand.u32 $0x4000, s31;
	s1 =	sadd.s32 s1, s30  }
0xbb: {  	s0 =	sor.u32 s3, s0;
	s1 =	sshll.u32 s1, $0x11  }
0xbc: {  	s0 =	sor.u32 s1, s0  }
0xbd: {  	s0 =	sadd.s32 $0x8F2B, s0  }
0xbe: {  	[sflag:s0] =	ssyncadd.remote.s32 $0x1  }
0xbf: {  	_ =	sfence.sel $0xFFFF  }
0xc0: {  	[dreg:$0x0] =	wrdreg $0xFFFFFFFF;
	(pc) =	sbr.abs _section_cstart, $3  }
0xc1: {  	[dreg:$0x1] =	wrdreg $0xFFFFFFFF  }
0xc2: {  	_ =	task.clear_ibuf [dreg:s7], $0x2FFFF;
	_ =	strace $0x9FFFFFFF  }
0xc3: {  	(tm) =	ssettm $0x7FFFFFFF  }
tec
execute0_lowered:
.L_overlay_start_1:
0x0: {  	(tag) =	ssettag $0x1  }
0x1: {  	s2 =	rddreg [dreg:$0x0]  }
0x2: {  	s0 =	rddreg [dreg:$0x1]  }
0x3: {  	s1 =	rddreg [dreg:$0x2];
	s3 =	simm.s32 $0x0;
	s4 =	srdreg.scid  }
0x4: {  	s16 =	stileid.u32;
	[smem:$0x7FF] =	sst s3;
	s6 =	sand.u32 $0x1, s4  }
0x5: {  	s5 =	sshll.u32 s16, $0x1;
	s4 =	sadd.s32 $0x3800, s2;
	s11 =	smul.u32 $0x2700, s16  }
0x6: {  	s2 =	sadd.s32 $0x2B800, s2;
	s10 =	smul.u32 $0x4E000, s16;
	s24 =	sadd.s32 $0x134800, s1  }
0x7: {  	p1 =	seq.s32 s16, $0xF;
	_ =	strace $0x8000004D;
	s26 =	smul.u32 $0x28000, s6  }
0x8: {  	s7 =	ssub.s32 $0x2, s6;
	s8 =	sor.u32 s6, s5;
	s15 =	smul.u32 $0x140000, s6  }
0x9: {  	s5 =	simm.s32 $0x33;
	[dreg:$0xe] =	wrdreg s24;
	s6 =	smul.u32 $0x4F, s6  }
0xa: {  	s18 =	sshrl.u32 s7, $0x1;
	s9 =	smul.u32 $0x4F00, s8;
	p0 =	seq.s32 s8, $0x1F  }
0xb: {  	s8 =	smul.u32 $0x9E0, s8;
	s10 =	sshrl.u32 s10, $0x2;
	s7 =	ssub.s32 s7, s18  }
0xc: {  	s5 =	simm.s32 @!p0 $0x4F;
	s10 =	sadd.s32 s10, s1;
	s18 =	smul.u32 $0x9E, s16  }
0xd: {  	s11 =	sadd.s32 s11, s26;
	s17 =	sshrl.u32 s15, $0x3;
	s20 =	smul.u32 $0x56, s5  }
0xe: {  	s9 =	sshrl.u32 s9, $0x3;
	s8 =	sadd.s32 s0, s8;
	s22 =	smul.u32 $0xAB, s5  }
0xf: {  	s23 =	sadd.s32 $0x10000, s10;
	s13 =	sadd.s32 $0xFFFFFFFF, s5;
	s14 =	sadd.s32 $0xFFFFFFFE, s5  }
0x10: {  	s11 =	sadd.s32 s2, s11;
	s2 =	sadd.s32 s2, s17;
	[dreg:$0x8] =	wrdreg s8  }
0x11: {  	s7 =	smax.u32 s7, $0x1;
	s28 =	sadd.s32 $0xC000, s10;
	[dreg:$0xd] =	wrdreg s23  }
0x12: {  	s29 =	sadd.s32 $0xFFFFFFFD, s5;
	s30 =	sadd.s32 $0xFFFFFFFC, s5;
	[dreg:$0x4] =	wrdreg s13  }
0x13: {  	s31 =	sadd.s32 $0xFFFFFFFB, s5;
	s9 =	sadd.s32 s0, s9;
	[dreg:$0xf] =	wrdreg s11  }
0x14: {  	s11 =	sadd.s32 $0x124800, s1;
	s2 =	sadd.s32 $0x24900, s2;
	[dreg:$0x11] =	wrdreg s7  }
0x15: {  	s23 =	sadd.s32 $0x4000, s10;
	s7 =	simm.s32 $0x2;
	[dreg:$0x10] =	wrdreg s2  }
0x16: {  	s19 =	sadd.s32 $0x20, s9;
	s12 =	sadd.s32 $0x40, s9;
	[dreg:$0x12] =	wrdreg s23  }
0x17: {  	s21 =	sadd.s32 $0x60, s9;
	s8 =	sshrl.u32 s20, $0x8;
	[dreg:$0x9] =	wrdreg s19  }
0x18: {  	s9 =	sadd.s32 $0x80, s9;
	s25 =	sadd.s32 $0x357, s22;
	[dreg:$0xa] =	wrdreg s12  }
0x19: {  	s20 =	sadd.s32 s6, s18;
	s6 =	simm.s32 $0x80;
	[dreg:$0xb] =	wrdreg s21  }
0x1a: {  	[dreg:$0xc] =	wrdreg s9;
	s8 =	smul.u32 $0x3, s8;
	s19 =	sadd.s32 $0xFFFFFFFA, s5  }
0x1b: {  	s9 =	sshrl.u32 s25, $0xA;
	s21 =	sadd.s32 $0xFFFFFFF9, s5;
	[dreg:$0x5] =	wrdreg s19  }
0x1c: {  	s2 =	sshll.u32 s20, $0x5;
	s22 =	smul.u32 $0x6, s9;
	[dreg:$0x6] =	wrdreg s21  }
0x1d: {  	s0 =	sadd.s32 s2, s0;
	s9 =	simm.s32 $0xA;
	s8 =	ssub.s32 s5, s8  }
0x1e: {  	s2 =	sadd.s32 $0xC0, s0;
	s24 =	sadd.s32 $0xA0, s0;
	[dreg:$0x7] =	wrdreg s22  }
0x1f: {  	s25 =	sadd.s32 $0x140, s0;
	s26 =	sadd.s32 $0x120, s0;
	[dreg:$0x13] =	wrdreg s2  }
0x20: {  	s15 =	sadd.s32 $0x100, s0;
	s13 =	sadd.s32 $0xE0, s0;
	[dreg:$0x14] =	wrdreg s24  }
0x21: {  	s0 =	simm.s32 $0x100;
	s2 =	sand.u32 $0xFF, s8;
	[dreg:$0x15] =	wrdreg s25  }
0x22: {  	[dreg:$0x16] =	wrdreg s26;
	s25 =	sshrl.u32 @p1 s11, $0x3;
	p0 =	seq.s32 s2, $0x0  }
0x23: {  	s26 =	sadd.s32 $0x8000, s10;
	s8 =	simm.s32 $0x600;
	p2 =	seq.s32 @!p0 s2, $0x2  }
0x24: {  	v0 =	vimm.f32 $0.0e+00;
	s11 =	simm.s32 $0x0;
	s2 =	simm.s32 $0x1;
	p2 =	por !p2, p0  }
.LBB2_1:
0x25: {  	s12 =	rddreg [dreg:$0x8]  }
0x26: {  	[tilespmem:s3], [sflag:$0x1] =	stream.linear.gather [hbm4b:s12+s3], $0x100, $0x38;
	[tilespmem:$0x1FE80] =	vst v63  }
0x27: {  	s16 =	rddreg [dreg:$0x9]  }
0x28: {  	[tilespmem:s0], [sflag:$0x2] =	stream.linear.gather [hbm4b:s16+s3], $0x100, $0x38;
	[tilespmem:$0x1FE80] =	vst v63  }
0x29: {  	s17 =	rddreg [dreg:$0xa];
	s16 =	simm.s32 $0x200  }
0x2a: {  	[tilespmem:s16], [sflag:$0x3] =	stream.linear.gather [hbm4b:s17+s3], $0x100, $0x38;
	[tilespmem:$0x1FE80] =	vst v63  }
0x2b: {  	_ =	swait.ge [sflag:s2], $0x100  }
0x2c: {  	[sflag:s2] =	ssyncset.done $0x0  }
0x2d: {  	s18 =	simm.s32 $0x4600;
	[sflag:s2] =	ssyncadd.s32 $0xFFFFFF00  }
0x2e: {  	[tilespmem:s18], [sflag:$0x5] =	stream.indirect.gather [hbm4b:s4+s6], $0x80, s3, s6, $0xb8;
	[tilespmem:$0x1FE80] =	vst v63  }
0x2f: {  	_ =	swait.ge [sflag:s7], $0x100  }
0x30: {  	[sflag:s7] =	ssyncset.done $0x0  }
0x31: {  	s19 =	simm.s32 $0x8600;
	s21 =	simm.s32 $0x300;
	[sflag:s7] =	ssyncadd.s32 $0xFFFFFF00  }
0x32: {  	[tilespmem:s19], [sflag:$0x6] =	stream.indirect.gather [hbm4b:s4+s6], $0x80, s0, s6, $0xb8;
	[tilespmem:$0x1FE80] =	vst v63  }
0x33: {  	s23 =	simm.s32 $0x400;
	s24 =	sand.u32 $0xFE00, s3;
	s20 =	rddreg [dreg:$0xb]  }
0x34: {  	[tilespmem:s21], [sflag:$0x1] =	stream.linear.gather [hbm4b:s20+s3], $0x100, $0x38;
	[tilespmem:$0x1FE80] =	vst v63  }
0x35: {  	s12 =	simm.s32 $0x40;
	s19 =	sand.u32 $0x70, s3;
	s20 =	sshrl.u32 s24, $0x2  }
0x36: {  	s22 =	rddreg [dreg:$0xc];
	s20 =	sor.u32 s19, s20;
	s19 =	simm.s32 $0x0  }
0x37: {  	[tilespmem:s23], [sflag:$0x2] =	stream.linear.gather [hbm4b:s22+s3], $0x100, $0x38;
	[tilespmem:$0x1FE80] =	vst v63  }
.LBB2_2:
0x38: {  	p3 =	seq.s32 s12, $0xFFC0  }
0x39: {  	[tilespmem:s20+$0x600] =	vst v0;
	s19 =	sadd.s32 $0x10, s19;
	s20 =	smov.u32 s12;
	s12 =	sadd.s32 $0x40, s12  }
.Ltmp0:
0x3a: {  	(pc) =	sbr.rel @!p3 .LBB2_2-.Ltmp0, $4  }
0x3b: {  	_ = 	snop  }
0x3c: {  	s20 =	sand.u32 $0xFE00, s20  }
0x3d: {  	s21 =	sand.u32 $0x70, s19;
	s20 =	sshrl.u32 s20, $0x2  }
0x3e: {  	s20 =	sor.u32 s21, s20  }
0x3f: {  	[tilespmem:s20+$0x600] =	vst v0  }
0x40: {  	[spmem:s10] =	stream.linear.scatter [tilespmem:s8], [sflag:$0xA], $0x4000, $0x38;
	[tilespmem:$0x1FE80] =	vst v63  }
0x41: {  	_ =	swait.ge [sflag:s9], $0x4000  }
0x42: {  	[sflag:s9] =	ssyncset.done $0x0  }
0x43: {  	s12 =	rddreg [dreg:$0x12];
	[sflag:s9] =	ssyncadd.s32 $0xFFFFC000  }
0x44: {  	[spmem:s12] =	stream.linear.scatter [tilespmem:s8], [sflag:$0xA], $0x4000, $0x38;
	[tilespmem:$0x1FE80] =	vst v63  }
0x45: {  	_ =	swait.ge [sflag:s9], $0x4000  }
0x46: {  	[sflag:s9] =	ssyncset.done $0x0  }
0x47: {  	[sflag:s9] =	ssyncadd.s32 $0xFFFFC000  }
0x48: {  	[spmem:s26] =	stream.linear.scatter [tilespmem:s8], [sflag:$0xA], $0x4000, $0x38;
	[tilespmem:$0x1FE80] =	vst v63  }
0x49: {  	_ =	swait.ge [sflag:s9], $0x4000  }
0x4a: {  	[sflag:s9] =	ssyncset.done $0x0  }
0x4b: {  	[sflag:s9] =	ssyncadd.s32 $0xFFFFC000  }
0x4c: {  	[spmem:s28] =	stream.linear.scatter [tilespmem:s8], [sflag:$0xA], $0x4000, $0x38;
	[tilespmem:$0x1FE80] =	vst v63  }
0x4d: {  	_ =	swait.ge [sflag:s9], $0x4000  }
0x4e: {  	[sflag:s9] =	ssyncset.done $0x0  }
0x4f: {  	s12 =	simm.s32 @p1 $0x600;
	s16 =	rddreg [dreg:$0xe];
	[sflag:s9] =	ssyncadd.s32 $0xFFFFC000  }
0x50: {  	[spmem:s16] =	stream.linear.scatter @p1 [tilespmem:s12], [sflag:$0xA], $0x4000, $0x38;
	[tilespmem:$0x1FE80] =	vst v63  }
0x51: {  	s12 =	simm.s32 @p1 $0xA  }
0x52: {  	_ =	swait.ge @p1 [sflag:s12], $0x4000  }
0x53: {  	[sflag:s12] =	ssyncset.done @p1 $0x0  }
0x54: {  	s16 =	rddreg [dreg:$0xd];
	[sflag:s12] =	ssyncadd.s32 @p1 $0xFFFFC000;
	s12 =	simm.s32 @!p1 $0x600  }
0x55: {  	[spmem:s16] =	stream.linear.scatter @!p1 [tilespmem:s12], [sflag:$0xA], $0x3800, $0x38;
	[tilespmem:$0x1FE80] =	vst v63  }
0x56: {  	s12 =	simm.s32 @!p1 $0xA  }
0x57: {  	_ =	swait.ge @!p1 [sflag:s12], $0x3800  }
0x58: {  	[sflag:s12] =	ssyncset.done @!p1 $0x0  }
0x59: {  	[sflag:s12] =	ssyncadd.s32 @!p1 $0xFFFFC800  }
0x5a: {  	[bflag:$0x0] =	sbarrier.arrive $0xFFFF  }
0x5b: {  	s22 =	rddreg [dreg:$0x16]  }
0x5c: {  	s21 =	rddreg [dreg:$0x15]  }
0x5d: {  	s24 =	smov.u32 s13;
	s20 =	rddreg [dreg:$0x14]  }
0x5e: {  	s23 =	smov.u32 s15;
	s12 =	simm.s32 $0x0;
	s19 =	rddreg [dreg:$0x13]  }
.LBB2_4:
0x5f: {  	p3 =	sge.u32 s12, s5  }
0x60: {  	p4 =	seq.s32 @!p3 s12, $0x0  }
0x61: {  	p4 =	por p4, p3  }
0x62: {  	s18 =	simm.s32 @!p4 $0x7  }
0x63: {  	p5 =	sge.u32 @!p3 s12, s14;
	_ =	swait.ge @!p4 [sflag:s18], $0x4000  }
0x64: {  	p5 =	por p5, p3;
	[sflag:s18] =	ssyncset.done @!p4 $0x0  }
0x65: {  	[sflag:s18] =	ssyncadd.s32 @!p4 $0xFFFFC000;
	s18 =	simm.s32 @!p5 $0x3  }
0x66: {  	_ =	swait.ge @!p5 [sflag:s18], $0x100  }
0x67: {  	s17 =	simm.s32 @!p5 $0x200;
	[sflag:s18] =	ssyncset.done @!p5 $0x0  }
0x68: {  	s16 =	simm.s32 @!p5 $0x600;
	[sflag:s18] =	ssyncadd.s32 @!p5 $0xFFFFFF00;
	s18 =	simm.s32 @!p5 $0x80  }
0x69: {  	[tilespmem:s16], [sflag:$0x4] =	stream.indirect.gather @!p5 [hbm4b:s4+s18], $0x80, s17, s18, $0xb8;
	[tilespmem:$0x1FE80] =	vst v63  }
0x6a: {  	s16 =	simm.s32 @!p3 $0x5  }
0x6b: {  	_ =	swait.ge @!p3 [sflag:s16], $0x4000  }
0x6c: {  	[sflag:s16] =	ssyncset.done @!p3 $0x0  }
0x6d: {  	s17 =	simm.s32 @!p3 $0x4600;
	[sflag:s16] =	ssyncadd.s32 @!p3 $0xFFFFC000;
	s16 =	simm.s32 @!p3 $0x80  }
0x6e: {  	[spmem:s1] =	stream.indirect.scatter.add.f32 @!p3 [tilespmem:s17], [sflag:$0x8], $0x80, s16, s16, $0xb8;
	[tilespmem:$0x1FE80] =	vst v63  }
0x6f: {  	s16 =	sadd.s32 @!p3 $0x5, s12  }
0x70: {  	p4 =	sge.u32 @!p3 s16, s5  }
0x71: {  	p3 =	por p4, p3  }
0x72: {  	s16 =	rddreg [dreg:$0x4];
	s17 =	simm.s32 @!p3 $0x0;
	s18 =	simm.s32 @!p3 $0x500  }
0x73: {  	[tilespmem:s18], [sflag:$0x3] =	stream.linear.gather @!p3 [hbm4b:s20+s17], $0x100, $0x38;
	[tilespmem:$0x1FE80] =	vst v63  }
0x74: {  	p3 =	sge.u32 s12, s16  }
0x75: {  	s16 =	simm.s32 @!p3 $0x8  }
0x76: {  	p4 =	sge.u32 @!p3 s12, s29;
	_ =	swait.ge @!p3 [sflag:s16], $0x4000  }
0x77: {  	p4 =	por p4, p3;
	[sflag:s16] =	ssyncset.done @!p3 $0x0  }
0x78: {  	[sflag:s16] =	ssyncadd.s32 @!p3 $0xFFFFC000;
	s16 =	simm.s32 @!p4 $0x1  }
0x79: {  	_ =	swait.ge @!p4 [sflag:s16], $0x100  }
0x7a: {  	s17 =	simm.s32 @!p4 $0x300;
	[sflag:s16] =	ssyncset.done @!p4 $0x0  }
0x7b: {  	s18 =	simm.s32 @!p4 $0x4600;
	[sflag:s16] =	ssyncadd.s32 @!p4 $0xFFFFFF00;
	s16 =	simm.s32 @!p4 $0x80  }
0x7c: {  	[tilespmem:s18], [sflag:$0x5] =	stream.indirect.gather @!p4 [hbm4b:s4+s16], $0x80, s17, s16, $0xb8;
	[tilespmem:$0x1FE80] =	vst v63  }
0x7d: {  	s16 =	simm.s32 @!p3 $0x6  }
0x7e: {  	_ =	swait.ge @!p3 [sflag:s16], $0x4000  }
0x7f: {  	s17 =	simm.s32 @!p3 $0x180;
	[sflag:s16] =	ssyncset.done @!p3 $0x0  }
0x80: {  	s18 =	simm.s32 @!p3 $0x8600;
	[sflag:s16] =	ssyncadd.s32 @!p3 $0xFFFFC000;
	s16 =	simm.s32 @!p3 $0x80  }
0x81: {  	[spmem:s1] =	stream.indirect.scatter.add.f32 @!p3 [tilespmem:s18], [sflag:$0x9], $0x80, s17, s16, $0xb8;
	[tilespmem:$0x1FE80] =	vst v63  }
0x82: {  	s16 =	sadd.s32 @!p3 $0x6, s12  }
0x83: {  	p4 =	sge.u32 @!p3 s16, s5  }
0x84: {  	p3 =	por p4, p3  }
0x85: {  	s16 =	simm.s32 @!p3 $0x0  }
0x86: {  	[tilespmem:s16], [sflag:$0x1] =	stream.linear.gather @!p3 [hbm4b:s19+s16], $0x100, $0x38;
	[tilespmem:$0x1FE80] =	vst v63  }
0x87: {  	p3 =	sge.u32 s12, s14  }
0x88: {  	s16 =	simm.s32 @!p3 $0x9  }
0x89: {  	p4 =	sge.u32 @!p3 s12, s30;
	_ =	swait.ge @!p3 [sflag:s16], $0x4000  }
0x8a: {  	p4 =	por p4, p3;
	[sflag:s16] =	ssyncset.done @!p3 $0x0  }
0x8b: {  	[sflag:s16] =	ssyncadd.s32 @!p3 $0xFFFFC000;
	s16 =	simm.s32 @!p4 $0x2  }
0x8c: {  	_ =	swait.ge @!p4 [sflag:s16], $0x100  }
0x8d: {  	s17 =	simm.s32 @!p4 $0x400;
	[sflag:s16] =	ssyncset.done @!p4 $0x0  }
0x8e: {  	s18 =	simm.s32 @!p4 $0x8600;
	[sflag:s16] =	ssyncadd.s32 @!p4 $0xFFFFFF00;
	s16 =	simm.s32 @!p4 $0x80  }
0x8f: {  	[tilespmem:s18], [sflag:$0x6] =	stream.indirect.gather @!p4 [hbm4b:s4+s16], $0x80, s17, s16, $0xb8;
	[tilespmem:$0x1FE80] =	vst v63  }
0x90: {  	s16 =	simm.s32 @!p3 $0x4  }
0x91: {  	_ =	swait.ge @!p3 [sflag:s16], $0x4000  }
0x92: {  	s17 =	simm.s32 @!p3 $0x280;
	[sflag:s16] =	ssyncset.done @!p3 $0x0  }
0x93: {  	s18 =	simm.s32 @!p3 $0x600;
	[sflag:s16] =	ssyncadd.s32 @!p3 $0xFFFFC000;
	s16 =	simm.s32 @!p3 $0x80  }
0x94: {  	[spmem:s1] =	stream.indirect.scatter.add.f32 @!p3 [tilespmem:s18], [sflag:$0x7], $0x80, s17, s16, $0xb8;
	[tilespmem:$0x1FE80] =	vst v63  }
0x95: {  	s16 =	sadd.s32 @!p3 $0x7, s12  }
0x96: {  	p4 =	sge.u32 @!p3 s16, s5  }
0x97: {  	p3 =	por p4, p3  }
0x98: {  	s16 =	simm.s32 @!p3 $0x0;
	s17 =	simm.s32 @!p3 $0x100  }
0x99: {  	[tilespmem:s17], [sflag:$0x2] =	stream.linear.gather @!p3 [hbm4b:s24+s16], $0x100, $0x38;
	[tilespmem:$0x1FE80] =	vst v63  }
0x9a: {  	p3 =	sge.u32 s12, s29  }
0x9b: {  	s16 =	simm.s32 @!p3 $0x7  }
0x9c: {  	p4 =	sge.u32 @!p3 s12, s31;
	_ =	swait.ge @!p3 [sflag:s16], $0x4000  }
0x9d: {  	p4 =	por p4, p3;
	[sflag:s16] =	ssyncset.done @!p3 $0x0  }
0x9e: {  	[sflag:s16] =	ssyncadd.s32 @!p3 $0xFFFFC000;
	s16 =	simm.s32 @!p4 $0x3  }
0x9f: {  	_ =	swait.ge @!p4 [sflag:s16], $0x100  }
0xa0: {  	s17 =	simm.s32 @!p4 $0x500;
	[sflag:s16] =	ssyncset.done @!p4 $0x0  }
0xa1: {  	s18 =	simm.s32 @!p4 $0x600;
	[sflag:s16] =	ssyncadd.s32 @!p4 $0xFFFFFF00;
	s16 =	simm.s32 @!p4 $0x80  }
0xa2: {  	[tilespmem:s18], [sflag:$0x4] =	stream.indirect.gather @!p4 [hbm4b:s4+s16], $0x80, s17, s16, $0xb8;
	[tilespmem:$0x1FE80] =	vst v63  }
0xa3: {  	s16 =	simm.s32 @!p3 $0x5  }
0xa4: {  	_ =	swait.ge @!p3 [sflag:s16], $0x4000  }
0xa5: {  	s17 =	simm.s32 @!p3 $0x380;
	[sflag:s16] =	ssyncset.done @!p3 $0x0  }
0xa6: {  	s18 =	simm.s32 @!p3 $0x4600;
	[sflag:s16] =	ssyncadd.s32 @!p3 $0xFFFFC000;
	s16 =	simm.s32 @!p3 $0x80  }
0xa7: {  	[spmem:s1] =	stream.indirect.scatter.add.f32 @!p3 [tilespmem:s18], [sflag:$0x8], $0x80, s17, s16, $0xb8;
	[tilespmem:$0x1FE80] =	vst v63  }
0xa8: {  	s16 =	sadd.s32 @!p3 $0x8, s12  }
0xa9: {  	p4 =	sge.u32 @!p3 s16, s5  }
0xaa: {  	p3 =	por p4, p3  }
0xab: {  	s16 =	simm.s32 @!p3 $0x0;
	s17 =	simm.s32 @!p3 $0x200  }
0xac: {  	[tilespmem:s17], [sflag:$0x3] =	stream.linear.gather @!p3 [hbm4b:s23+s16], $0x100, $0x38;
	[tilespmem:$0x1FE80] =	vst v63  }
0xad: {  	p3 =	sge.u32 s12, s30  }
0xae: {  	s16 =	simm.s32 @!p3 $0x8  }
0xaf: {  	_ =	swait.ge @!p3 [sflag:s16], $0x4000  }
0xb0: {  	s17 =	rddreg [dreg:$0x5]  }
0xb1: {  	p4 =	sge.u32 @!p3 s12, s17  }
0xb2: {  	[sflag:s16] =	ssyncset.done @!p3 $0x0;
	p4 =	por p4, p3  }
0xb3: {  	[sflag:s16] =	ssyncadd.s32 @!p3 $0xFFFFC000;
	s16 =	simm.s32 @!p4 $0x1  }
0xb4: {  	_ =	swait.ge @!p4 [sflag:s16], $0x100  }
0xb5: {  	s17 =	simm.s32 @!p4 $0x0;
	[sflag:s16] =	ssyncset.done @!p4 $0x0  }
0xb6: {  	s18 =	simm.s32 @!p4 $0x4600;
	[sflag:s16] =	ssyncadd.s32 @!p4 $0xFFFFFF00;
	s16 =	simm.s32 @!p4 $0x80  }
0xb7: {  	[tilespmem:s18], [sflag:$0x5] =	stream.indirect.gather @!p4 [hbm4b:s4+s16], $0x80, s17, s16, $0xb8;
	[tilespmem:$0x1FE80] =	vst v63  }
0xb8: {  	s16 =	simm.s32 @!p3 $0x6  }
0xb9: {  	_ =	swait.ge @!p3 [sflag:s16], $0x4000  }
0xba: {  	s17 =	simm.s32 @!p3 $0x480;
	[sflag:s16] =	ssyncset.done @!p3 $0x0  }
0xbb: {  	s18 =	simm.s32 @!p3 $0x8600;
	[sflag:s16] =	ssyncadd.s32 @!p3 $0xFFFFC000;
	s16 =	simm.s32 @!p3 $0x80  }
0xbc: {  	[spmem:s1] =	stream.indirect.scatter.add.f32 @!p3 [tilespmem:s18], [sflag:$0x9], $0x80, s17, s16, $0xb8;
	[tilespmem:$0x1FE80] =	vst v63  }
0xbd: {  	s16 =	sadd.s32 @!p3 $0x9, s12  }
0xbe: {  	p4 =	sge.u32 @!p3 s16, s5  }
0xbf: {  	p3 =	por p4, p3  }
0xc0: {  	s16 =	simm.s32 @!p3 $0x0;
	s17 =	simm.s32 @!p3 $0x300  }
0xc1: {  	[tilespmem:s17], [sflag:$0x1] =	stream.linear.gather @!p3 [hbm4b:s22+s16], $0x100, $0x38;
	[tilespmem:$0x1FE80] =	vst v63  }
0xc2: {  	p3 =	sge.u32 s12, s31  }
0xc3: {  	s16 =	simm.s32 @!p3 $0x9  }
0xc4: {  	_ =	swait.ge @!p3 [sflag:s16], $0x4000  }
0xc5: {  	s17 =	rddreg [dreg:$0x6]  }
0xc6: {  	p4 =	sge.u32 @!p3 s12, s17  }
0xc7: {  	[sflag:s16] =	ssyncset.done @!p3 $0x0;
	p4 =	por p4, p3  }
0xc8: {  	[sflag:s16] =	ssyncadd.s32 @!p3 $0xFFFFC000;
	s16 =	simm.s32 @!p4 $0x2  }
0xc9: {  	_ =	swait.ge @!p4 [sflag:s16], $0x100  }
0xca: {  	s17 =	simm.s32 @!p4 $0x100;
	[sflag:s16] =	ssyncset.done @!p4 $0x0  }
0xcb: {  	s18 =	simm.s32 @!p4 $0x8600;
	[sflag:s16] =	ssyncadd.s32 @!p4 $0xFFFFFF00;
	s16 =	simm.s32 @!p4 $0x80  }
0xcc: {  	[tilespmem:s18], [sflag:$0x6] =	stream.indirect.gather @!p4 [hbm4b:s4+s16], $0x80, s17, s16, $0xb8;
	[tilespmem:$0x1FE80] =	vst v63  }
0xcd: {  	s16 =	simm.s32 @!p3 $0x4  }
0xce: {  	_ =	swait.ge @!p3 [sflag:s16], $0x4000  }
0xcf: {  	s17 =	simm.s32 @!p3 $0x580;
	[sflag:s16] =	ssyncset.done @!p3 $0x0  }
0xd0: {  	s18 =	simm.s32 @!p3 $0x600;
	[sflag:s16] =	ssyncadd.s32 @!p3 $0xFFFFC000;
	s16 =	simm.s32 @!p3 $0x80  }
0xd1: {  	[spmem:s1] =	stream.indirect.scatter.add.f32 @!p3 [tilespmem:s18], [sflag:$0x7], $0x80, s17, s16, $0xb8;
	[tilespmem:$0x1FE80] =	vst v63  }
0xd2: {  	s16 =	sadd.s32 @!p3 $0xA, s12  }
0xd3: {  	p4 =	sge.u32 @!p3 s16, s5  }
0xd4: {  	s18 =	rddreg [dreg:$0x7];
	p3 =	por p4, p3  }
0xd5: {  	s12 =	sadd.s32 $0x6, s12;
	s16 =	simm.s32 @!p3 $0x0;
	s17 =	simm.s32 @!p3 $0x400  }
0xd6: {  	[tilespmem:s17], [sflag:$0x2] =	stream.linear.gather @!p3 [hbm4b:s21+s16], $0x100, $0x38;
	[tilespmem:$0x1FE80] =	vst v63  }
0xd7: {  	p3 =	sne.s32 s18, s12  }
.Ltmp1:
0xd8: {  	_ = 	snop;
	(pc) =	sbr.rel @p3 .LBB2_4-.Ltmp1, $3  }
0xd9: {  	_ =	sdelay $0x1  }
0xda: {  	s20 =	sadd.s32 $0xC0, s20;
	s19 =	sadd.s32 $0xC0, s19;
	s24 =	sadd.s32 $0xC0, s24  }
0xdb: {  	s23 =	sadd.s32 $0xC0, s23;
	s22 =	sadd.s32 $0xC0, s22;
	s21 =	sadd.s32 $0xC0, s21  }
0xdc: {  	s12 =	simm.s32 @!p2 $0x9  }
0xdd: {  	s12 =	simm.s32 @p2 $0x8  }
0xde: {  	s12 =	simm.s32 @p0 $0x7  }
0xdf: {  	_ =	swait.ge [sflag:s12], $0x4000  }
0xe0: {  	[sflag:s12] =	ssyncset.done $0x0  }
0xe1: {  	[sflag:s12] =	ssyncadd.s32 $0xFFFFC000  }
0xe2: {  	[bflag:$0x0] =	sbarrier.arrive $0xFFFF  }
0xe3: {  	s12 =	simm.s32 @p1 $0x1FCA;
	s16 =	rddreg [dreg:$0x10]  }
0xe4: {  	[hbm:s16], [sflag:s12] =	dma.local @p1 [spmem:s25], $0x2800  }
0xe5: {  	s12 =	simm.s32 @p1 $0xA  }
0xe6: {  	s16 =	stileid.u32;
	_ =	swait.ge @p1 [sflag:s12], $0x2800  }
0xe7: {  	s16 =	sshll.u32 @!p1 s16, $0x6;
	[sflag:s12] =	ssyncset.done @p1 $0x0;
	s17 =	rddreg [dreg:$0xf]  }
0xe8: {  	[sflag:s12] =	ssyncadd.s32 @p1 $0xFFFFD800;
	s12 =	sor.u32 @!p1 $0x1C0A, s16;
	s16 =	sshrl.u32 @!p1 s10, $0x3  }
0xe9: {  	[hbm:s17], [sflag:s12] =	dma.local @!p1 [spmem:s16], $0x2700  }
0xea: {  	s12 =	simm.s32 @!p1 $0xA  }
0xeb: {  	_ =	swait.ge @!p1 [sflag:s12], $0x2700  }
0xec: {  	s11 =	sadd.s32 $0x1, s11;
	s24 =	rddreg [dreg:$0x11]  }
0xed: {  	p3 =	sne.s32 s11, s24  }
.Ltmp2:
0xee: {  	_ = 	snop;
	(pc) =	sbr.rel @p3 .LBB2_1-.Ltmp2, $3  }
0xef: {  	_ =	sdelay $0x1  }
0xf0: {  	[sflag:s12] =	ssyncset.done @!p1 $0x0  }
0xf1: {  	[sflag:s12] =	ssyncadd.s32 @!p1 $0xFFFFD900  }
0xf2: {  	_ =	sfence.sel $0x180000  }
0xf3: {  	[bflag:$0x0] =	sbarrier.arrive $0xFFFF  }
0xf4: {  	_ =	strace $0x9000004D  }
0xf5: {  	s0 =	stileid.u32;
	[bflag:$0x2] =	sbarrier.arrive $0xFFFF  }
0xf6: {  	p0 =	sne.s32 s0, $0x0;
	s0 =	rddreg [dreg:$0x3]  }
0xf7: {  	s0 =	sadd.s32 @!p0 $0x100000, s0  }
0xf8: {  	[sflag:s0] =	ssyncadd.tile.s32 @!p0 $0x1;
	_ =	shalt  }
.Lfunc_end2:
_tile_overlayer_lowered:
.L_overlay_start_2:
0xf9: {  	(tag) =	ssettag $0x2  }
0xfa: {  	s0 =	rddreg [dreg:$0x0];
	s2 =	stileid.u32  }
0xfb: {  	s1 =	rddreg [dreg:$0x1];
	p0 =	sne.s32 s2, $0x0  }
0xfc: {  	s3 =	rddreg [dreg:$0x2];
	[bflag:$0x3] =	sbarrier.arrive $0xFFFF;
	s2 =	simm.s32 @!p0 $0x1C0A  }
0xfd: {  	[timem:s3], [sflag:s2] =	dma.local @!p0 [hbm:s0], s1  }
0xfe: {  	s0 =	simm.s32 @!p0 $0xA  }
0xff: {  	_ =	swait.ge @!p0 [sflag:s0], s1  }
0x100: {  	s1 =	ssub.s32 @!p0 $0x0, s1;
	[sflag:s0] =	ssyncset.done @!p0 $0x0  }
0x101: {  	[sflag:s0] =	ssyncadd.s32 @!p0 s1  }
0x102: {  	[bflag:$0x3] =	sbarrier.arrive $0xFFFF  }
0x103: {  	_ =	shalt  }

</sc_bundles>
